<compile_context>
chip_gen: v7x
topology: tpu7x:2x2x1
jax: 0.10.2.dev20260603
libtpu: 0.0.44.dev20260713+nightly
codegen_flags: <defaults>
</compile_context>

<pallas_src>
import jax
import jax.numpy as jnp
from jax import lax
from jax.experimental import pallas as pl
from jax.experimental.pallas import tpu as pltpu
from jax.experimental.pallas import tpu_sc as plsc

B = 1024
M = 16384
L = 16
NC = 2
NS = 16
NW = NC * NS
RPW = B // NW
CH = 2048
NCH = M // CH
T = RPW * NCH
S = 4
AHEAD = S - 1


def _sc_body(ww_hbm, fgx_hbm, rw_hbm, pu_hbm, out_hbm,
             fgw_v, ww_v, rw_v, pu_v, out_v,
             si0, si1, si2, si3, so0, so1, so2, so3):
    wid = lax.axis_index("s") * NC + lax.axis_index("c")
    base = wid * RPW
    sems_in = (si0, si1, si2, si3)
    sems_out = (so0, so1, so2, so3)

    pltpu.sync_copy(fgx_hbm.at[pl.ds(base, RPW)], fgw_v)

    def task_coords(t):
        i = t // NCH
        c = t - i * NCH
        return base + i, i, c * CH

    def start_in(t, s):
        b, _, off = task_coords(t)
        pltpu.async_copy(ww_hbm.at[b, :, pl.ds(off, CH)], ww_v.at[s],
                         sems_in[s])
        pltpu.async_copy(rw_hbm.at[b, :, pl.ds(off, CH)], rw_v.at[s],
                         sems_in[s])
        pltpu.async_copy(pu_hbm.at[b, pl.ds(off, CH)], pu_v.at[s],
                         sems_in[s])

    def wait_in(s):
        pltpu.make_async_copy(ww_hbm.at[0, :, pl.ds(0, CH)], ww_v.at[s],
                              sems_in[s]).wait()
        pltpu.make_async_copy(rw_hbm.at[0, :, pl.ds(0, CH)], rw_v.at[s],
                              sems_in[s]).wait()
        pltpu.make_async_copy(pu_hbm.at[0, pl.ds(0, CH)], pu_v.at[s],
                              sems_in[s]).wait()

    def wait_out(s):
        pltpu.make_async_copy(out_v.at[s], out_hbm.at[0, pl.ds(0, CH)],
                              sems_out[s]).wait()

    def compute(t, s):
        _, i, _ = task_coords(t)
        fg0 = fgw_v[i, 0, :]
        fg1 = fgw_v[i, 1, :]
        fg2 = fgw_v[i, 2, :]
        fg3 = fgw_v[i, 3, :]

        @plsc.parallel_loop(0, CH, step=L, unroll=16)
        def vec_body(k):
            sl = pl.ds(k, L)
            w0 = ww_v[s, 0, sl]
            w1 = ww_v[s, 1, sl]
            ww = 1.0 - (1.0 - w0) * (1.0 - w1)
            p = pu_v[s, sl]
            usage = p + (1.0 - p) * ww
            phi = (1.0 - fg0 * rw_v[s, 0, sl]) * (1.0 - fg1 * rw_v[s, 1, sl])
            phi = phi * (1.0 - fg2 * rw_v[s, 2, sl]) * (1.0 - fg3 * rw_v[s, 3, sl])
            res = usage * phi
            out_v[s, sl] = jnp.minimum(jnp.maximum(res, 0.0), 1.0)

    def start_out(t, s):
        b, _, off = task_coords(t)
        pltpu.async_copy(out_v.at[s], out_hbm.at[b, pl.ds(off, CH)],
                         sems_out[s])

    for t in range(AHEAD):
        start_in(t, t)

    def group_body(g, carry):
        t0 = g * S
        for d in range(S):
            t = t0 + d

            @pl.when(t + AHEAD < T)
            def _():
                start_in(t + AHEAD, (d + AHEAD) % S)

            @pl.when(t >= S)
            def _():
                wait_out(d)

            wait_in(d)
            compute(t, d)
            start_out(t, d)
        return carry

    lax.fori_loop(0, T // S, group_body, 0)
    for s in range(S):
        wait_out(s)


def kernel(write_weights, free_gate, read_weights, prev_usage):
    fgx = jnp.broadcast_to(free_gate[:, :, None], (B, 4, L))
    mesh = plsc.VectorSubcoreMesh(core_axis_name="c", subcore_axis_name="s")
    return pl.kernel(
        _sc_body,
        out_type=jax.ShapeDtypeStruct((B, M), jnp.float32),
        mesh=mesh,
        scratch_types=[
            pltpu.VMEM((RPW, 4, L), jnp.float32),
            pltpu.VMEM((S, 2, CH), jnp.float32),
            pltpu.VMEM((S, 4, CH), jnp.float32),
            pltpu.VMEM((S, CH), jnp.float32),
            pltpu.VMEM((S, CH), jnp.float32),
            pltpu.SemaphoreType.DMA,
            pltpu.SemaphoreType.DMA,
            pltpu.SemaphoreType.DMA,
            pltpu.SemaphoreType.DMA,
            pltpu.SemaphoreType.DMA,
            pltpu.SemaphoreType.DMA,
            pltpu.SemaphoreType.DMA,
            pltpu.SemaphoreType.DMA,
        ],
    )(write_weights, fgx, read_weights, prev_usage)

# --- scband reference (transcript-rebuilt; emitter-appended) ---
"""Pipeline reference for scband-freeness-1365799600263 (READ-ONLY COPY).

The authoritative reference and input builder live on the scoring server;
editing this copy changes nothing except your own understanding.
"""

import jax, jax.numpy as jnp
import numpy as np

B = 1024
M = 16384
NUM_WRITES = 2
NUM_READS = 4


def setup_inputs(seed: int = 0) -> dict:
    key = jax.random.key(seed)
    k1, k2, k3, k4 = jax.random.split(key, 4)
    write_weights = jax.random.uniform(k1, (B, NUM_WRITES, M), dtype=jnp.float32)
    free_gate = jax.random.uniform(k2, (B, NUM_READS), dtype=jnp.float32)
    read_weights = jax.random.uniform(k3, (B, NUM_READS, M), dtype=jnp.float32)
    prev_usage = jax.random.uniform(k4, (B, M), dtype=jnp.float32)
    return {
        "write_weights": write_weights,
        "free_gate": free_gate,
        "read_weights": read_weights,
        "prev_usage": prev_usage,
    }


def reference(write_weights, free_gate, read_weights, prev_usage):
    # _usage_after_write:
    # write_weights = 1 - prod(1 - write_weights, axis=1)
    ww = 1.0 - jnp.prod(1.0 - write_weights, axis=1)
    usage = prev_usage + (1.0 - prev_usage) * ww
    # _usage_after_read:
    # free_gate expanded to [B, num_reads, 1]; phi = prod(1 - fg * rw, axis=1)
    fg = jnp.expand_dims(free_gate, -1)
    free_read_weights = fg * read_weights
    phi = jnp.prod(1.0 - free_read_weights, axis=1)
    usage = usage * phi
    return jnp.clip(usage, 0.0, 1.0)

if __name__ == "__main__":
    import jax
    _d = setup_inputs()
    print(jax.jit(kernel)(*tuple(_d.values())))

</pallas_src>

<mosaic_0001>
#map = affine_map<(d0, d1) -> (0, 0, 0)>
#map1 = affine_map<(d0, d1) -> (0, 0)>
module attributes {stable_mosaic.version = 14 : i64} {
  func.func @_sc_body(%arg0: i32, %arg1: i32, %arg2: memref<1024x2x16384xf32, #tpu.memory_space<hbm>>, %arg3: memref<1024x4x16xf32, #tpu.memory_space<hbm>>, %arg4: memref<1024x4x16384xf32, #tpu.memory_space<hbm>>, %arg5: memref<1024x16384xf32, #tpu.memory_space<hbm>>, %arg6: memref<1024x16384xf32, #tpu.memory_space<hbm>>, %arg7: memref<32x4x16xf32, #tpu.memory_space<vmem>>, %arg8: memref<4x2x2048xf32, #tpu.memory_space<vmem>>, %arg9: memref<4x4x2048xf32, #tpu.memory_space<vmem>>, %arg10: memref<4x2048xf32, #tpu.memory_space<vmem>>, %arg11: memref<4x2048xf32, #tpu.memory_space<vmem>>, %arg12: memref<!tpu.dma_semaphore, #tpu.memory_space<semaphore_mem>>, %arg13: memref<!tpu.dma_semaphore, #tpu.memory_space<semaphore_mem>>, %arg14: memref<!tpu.dma_semaphore, #tpu.memory_space<semaphore_mem>>, %arg15: memref<!tpu.dma_semaphore, #tpu.memory_space<semaphore_mem>>, %arg16: memref<!tpu.dma_semaphore, #tpu.memory_space<semaphore_mem>>, %arg17: memref<!tpu.dma_semaphore, #tpu.memory_space<semaphore_mem>>, %arg18: memref<!tpu.dma_semaphore, #tpu.memory_space<semaphore_mem>>, %arg19: memref<!tpu.dma_semaphore, #tpu.memory_space<semaphore_mem>>) attributes {dimension_semantics = [#tpu.dimension_semantics<core_parallel>, #tpu.dimension_semantics<subcore_parallel>], iteration_bounds = array<i64: 2, 16>, scalar_prefetch = 0 : i64, scratch_operands = 13 : i64, tpu.core_type = #tpu.core_type<sc_vector_subcore>, window_params = [{transform_indices = #map}, {transform_indices = #map}, {transform_indices = #map}, {transform_indices = #map1}, {transform_indices = #map1}]} {
    %mul3A = arith.constant 2 : i32
    %mul3A_0 = arith.muli %arg1, %mul3A : i32
    %add3A = arith.addi %mul3A_0, %arg0 : i32
    %mul3A_1 = arith.constant 32 : i32
    %mul3A_2 = arith.muli %add3A, %mul3A_1 : i32
    "tpu.region"() ({
      %run_scoped3A = tpu.sem_alloc : memref<!tpu.dma_semaphore, #tpu.memory_space<semaphore_mem>>
      %dma_start3A_209 = arith.constant 0 : i32
      %dma_start3A_210 = arith.constant 0 : i32
      %dma_start3A_211 = tpu.memref_slice %arg3[%mul3A_2, %dma_start3A_209, %dma_start3A_210] : memref<1024x4x16xf32, #tpu.memory_space<hbm>> -> memref<32x4x16xf32, #tpu.memory_space<hbm>>
      %dma_start3A_212 = arith.constant 0 : i32
      %dma_start3A_213 = arith.constant 0 : i32
      %dma_start3A_214 = tpu.memref_slice %arg3[%mul3A_2, %dma_start3A_212, %dma_start3A_213] : memref<1024x4x16xf32, #tpu.memory_space<hbm>> -> memref<32x4x16xf32, #tpu.memory_space<hbm>>
      tpu.enqueue_dma source(%dma_start3A_214 : memref<32x4x16xf32, #tpu.memory_space<hbm>>) target(%arg7 : memref<32x4x16xf32, #tpu.memory_space<vmem>>) target_semaphore(%run_scoped3A : memref<!tpu.dma_semaphore, #tpu.memory_space<semaphore_mem>>)
      %dma_wait3A_215 = arith.constant 0 : i32
      %dma_wait3A_216 = arith.constant 0 : i32
      %dma_wait3A_217 = tpu.memref_slice %arg3[%mul3A_2, %dma_wait3A_215, %dma_wait3A_216] : memref<1024x4x16xf32, #tpu.memory_space<hbm>> -> memref<32x4x16xf32, #tpu.memory_space<hbm>>
      %dma_wait3A_218 = arith.constant 0 : i32
      %dma_wait3A_219 = arith.constant 0 : i32
      %dma_wait3A_220 = tpu.memref_slice %arg3[%mul3A_2, %dma_wait3A_218, %dma_wait3A_219] : memref<1024x4x16xf32, #tpu.memory_space<hbm>> -> memref<32x4x16xf32, #tpu.memory_space<hbm>>
      tpu.wait_dma2 semaphore(%run_scoped3A : memref<!tpu.dma_semaphore, #tpu.memory_space<semaphore_mem>>) src(%dma_wait3A_220 : memref<32x4x16xf32, #tpu.memory_space<hbm>>) dst(%arg7 : memref<32x4x16xf32, #tpu.memory_space<vmem>>)
      tpu.yield
    }) : () -> ()
    %add3A_3 = arith.constant 0 : i32
    %add3A_4 = arith.addi %mul3A_2, %add3A_3 : i32
    %dma_start3A = arith.constant 0 : i32
    %dma_start3A_5 = arith.constant 0 : i32
    %dma_start3A_6 = arith.constant 0 : i32
    %dma_start3A_7 = tpu.memref_slice %arg8[%dma_start3A, %dma_start3A_5, %dma_start3A_6] : memref<4x2x2048xf32, #tpu.memory_space<vmem>> -> memref<1x2x2048xf32, #tpu.memory_space<vmem>>
    %dma_start3A_8 = tpu.memref_squeeze %dma_start3A_7 : memref<1x2x2048xf32, #tpu.memory_space<vmem>> -> memref<2x2048xf32, #tpu.memory_space<vmem>>
    %dma_start3A_9 = arith.constant 0 : i32
    %dma_start3A_10 = arith.constant 0 : i32
    %dma_start3A_11 = tpu.memref_slice %arg2[%add3A_4, %dma_start3A_9, %dma_start3A_10] : memref<1024x2x16384xf32, #tpu.memory_space<hbm>> -> memref<1x2x2048xf32, #tpu.memory_space<hbm>>
    %dma_start3A_12 = tpu.memref_squeeze %dma_start3A_11 : memref<1x2x2048xf32, #tpu.memory_space<hbm>> -> memref<2x2048xf32, #tpu.memory_space<hbm>>
    %dma_start3A_13 = arith.constant 0 : i32
    %dma_start3A_14 = arith.constant 0 : i32
    %dma_start3A_15 = tpu.memref_slice %arg8[%dma_start3A, %dma_start3A_13, %dma_start3A_14] : memref<4x2x2048xf32, #tpu.memory_space<vmem>> -> memref<1x2x2048xf32, #tpu.memory_space<vmem>>
    %dma_start3A_16 = tpu.memref_squeeze %dma_start3A_15 : memref<1x2x2048xf32, #tpu.memory_space<vmem>> -> memref<2x2048xf32, #tpu.memory_space<vmem>>
    %dma_start3A_17 = arith.constant 0 : i32
    %dma_start3A_18 = arith.constant 0 : i32
    %dma_start3A_19 = tpu.memref_slice %arg2[%add3A_4, %dma_start3A_17, %dma_start3A_18] : memref<1024x2x16384xf32, #tpu.memory_space<hbm>> -> memref<1x2x2048xf32, #tpu.memory_space<hbm>>
    %dma_start3A_20 = tpu.memref_squeeze %dma_start3A_19 : memref<1x2x2048xf32, #tpu.memory_space<hbm>> -> memref<2x2048xf32, #tpu.memory_space<hbm>>
    tpu.enqueue_dma source(%dma_start3A_20 : memref<2x2048xf32, #tpu.memory_space<hbm>>) target(%dma_start3A_16 : memref<2x2048xf32, #tpu.memory_space<vmem>>) target_semaphore(%arg12 : memref<!tpu.dma_semaphore, #tpu.memory_space<semaphore_mem>>)
    %dma_start3A_21 = arith.constant 0 : i32
    %dma_start3A_22 = arith.constant 0 : i32
    %dma_start3A_23 = arith.constant 0 : i32
    %dma_start3A_24 = tpu.memref_slice %arg9[%dma_start3A_21, %dma_start3A_22, %dma_start3A_23] : memref<4x4x2048xf32, #tpu.memory_space<vmem>> -> memref<1x4x2048xf32, #tpu.memory_space<vmem>>
    %dma_start3A_25 = tpu.memref_squeeze %dma_start3A_24 : memref<1x4x2048xf32, #tpu.memory_space<vmem>> -> memref<4x2048xf32, #tpu.memory_space<vmem>>
    %dma_start3A_26 = arith.constant 0 : i32
    %dma_start3A_27 = arith.constant 0 : i32
    %dma_start3A_28 = tpu.memref_slice %arg4[%add3A_4, %dma_start3A_26, %dma_start3A_27] : memref<1024x4x16384xf32, #tpu.memory_space<hbm>> -> memref<1x4x2048xf32, #tpu.memory_space<hbm>>
    %dma_start3A_29 = tpu.memref_squeeze %dma_start3A_28 : memref<1x4x2048xf32, #tpu.memory_space<hbm>> -> memref<4x2048xf32, #tpu.memory_space<hbm>>
    %dma_start3A_30 = arith.constant 0 : i32
    %dma_start3A_31 = arith.constant 0 : i32
    %dma_start3A_32 = tpu.memref_slice %arg9[%dma_start3A_21, %dma_start3A_30, %dma_start3A_31] : memref<4x4x2048xf32, #tpu.memory_space<vmem>> -> memref<1x4x2048xf32, #tpu.memory_space<vmem>>
    %dma_start3A_33 = tpu.memref_squeeze %dma_start3A_32 : memref<1x4x2048xf32, #tpu.memory_space<vmem>> -> memref<4x2048xf32, #tpu.memory_space<vmem>>
    %dma_start3A_34 = arith.constant 0 : i32
    %dma_start3A_35 = arith.constant 0 : i32
    %dma_start3A_36 = tpu.memref_slice %arg4[%add3A_4, %dma_start3A_34, %dma_start3A_35] : memref<1024x4x16384xf32, #tpu.memory_space<hbm>> -> memref<1x4x2048xf32, #tpu.memory_space<hbm>>
    %dma_start3A_37 = tpu.memref_squeeze %dma_start3A_36 : memref<1x4x2048xf32, #tpu.memory_space<hbm>> -> memref<4x2048xf32, #tpu.memory_space<hbm>>
    tpu.enqueue_dma source(%dma_start3A_37 : memref<4x2048xf32, #tpu.memory_space<hbm>>) target(%dma_start3A_33 : memref<4x2048xf32, #tpu.memory_space<vmem>>) target_semaphore(%arg12 : memref<!tpu.dma_semaphore, #tpu.memory_space<semaphore_mem>>)
    %dma_start3A_38 = arith.constant 0 : i32
    %dma_start3A_39 = arith.constant 0 : i32
    %dma_start3A_40 = tpu.memref_slice %arg10[%dma_start3A_38, %dma_start3A_39] : memref<4x2048xf32, #tpu.memory_space<vmem>> -> memref<1x2048xf32, #tpu.memory_space<vmem>>
    %dma_start3A_41 = tpu.memref_squeeze %dma_start3A_40 : memref<1x2048xf32, #tpu.memory_space<vmem>> -> memref<2048xf32, #tpu.memory_space<vmem>>
    %dma_start3A_42 = arith.constant 0 : i32
    %dma_start3A_43 = tpu.memref_slice %arg5[%add3A_4, %dma_start3A_42] : memref<1024x16384xf32, #tpu.memory_space<hbm>> -> memref<1x2048xf32, #tpu.memory_space<hbm>>
    %dma_start3A_44 = tpu.memref_squeeze %dma_start3A_43 : memref<1x2048xf32, #tpu.memory_space<hbm>> -> memref<2048xf32, #tpu.memory_space<hbm>>
    %dma_start3A_45 = arith.constant 0 : i32
    %dma_start3A_46 = tpu.memref_slice %arg10[%dma_start3A_38, %dma_start3A_45] : memref<4x2048xf32, #tpu.memory_space<vmem>> -> memref<1x2048xf32, #tpu.memory_space<vmem>>
    %dma_start3A_47 = tpu.memref_squeeze %dma_start3A_46 : memref<1x2048xf32, #tpu.memory_space<vmem>> -> memref<2048xf32, #tpu.memory_space<vmem>>
    %dma_start3A_48 = arith.constant 0 : i32
    %dma_start3A_49 = tpu.memref_slice %arg5[%add3A_4, %dma_start3A_48] : memref<1024x16384xf32, #tpu.memory_space<hbm>> -> memref<1x2048xf32, #tpu.memory_space<hbm>>
    %dma_start3A_50 = tpu.memref_squeeze %dma_start3A_49 : memref<1x2048xf32, #tpu.memory_space<hbm>> -> memref<2048xf32, #tpu.memory_space<hbm>>
    tpu.enqueue_dma source(%dma_start3A_50 : memref<2048xf32, #tpu.memory_space<hbm>>) target(%dma_start3A_47 : memref<2048xf32, #tpu.memory_space<vmem>>) target_semaphore(%arg12 : memref<!tpu.dma_semaphore, #tpu.memory_space<semaphore_mem>>)
    %add3A_51 = arith.constant 0 : i32
    %add3A_52 = arith.addi %mul3A_2, %add3A_51 : i32
    %dma_start3A_53 = arith.constant 1 : i32
    %dma_start3A_54 = arith.constant 0 : i32
    %dma_start3A_55 = arith.constant 0 : i32
    %dma_start3A_56 = tpu.memref_slice %arg8[%dma_start3A_53, %dma_start3A_54, %dma_start3A_55] : memref<4x2x2048xf32, #tpu.memory_space<vmem>> -> memref<1x2x2048xf32, #tpu.memory_space<vmem>>
    %dma_start3A_57 = tpu.memref_squeeze %dma_start3A_56 : memref<1x2x2048xf32, #tpu.memory_space<vmem>> -> memref<2x2048xf32, #tpu.memory_space<vmem>>
    %dma_start3A_58 = arith.constant 0 : i32
    %dma_start3A_59 = arith.constant 2048 : i32
    %dma_start3A_60 = tpu.memref_slice %arg2[%add3A_52, %dma_start3A_58, %dma_start3A_59] : memref<1024x2x16384xf32, #tpu.memory_space<hbm>> -> memref<1x2x2048xf32, #tpu.memory_space<hbm>>
    %dma_start3A_61 = tpu.memref_squeeze %dma_start3A_60 : memref<1x2x2048xf32, #tpu.memory_space<hbm>> -> memref<2x2048xf32, #tpu.memory_space<hbm>>
    %dma_start3A_62 = arith.constant 0 : i32
    %dma_start3A_63 = arith.constant 0 : i32
    %dma_start3A_64 = tpu.memref_slice %arg8[%dma_start3A_53, %dma_start3A_62, %dma_start3A_63] : memref<4x2x2048xf32, #tpu.memory_space<vmem>> -> memref<1x2x2048xf32, #tpu.memory_space<vmem>>
    %dma_start3A_65 = tpu.memref_squeeze %dma_start3A_64 : memref<1x2x2048xf32, #tpu.memory_space<vmem>> -> memref<2x2048xf32, #tpu.memory_space<vmem>>
    %dma_start3A_66 = arith.constant 0 : i32
    %dma_start3A_67 = arith.constant 2048 : i32
    %dma_start3A_68 = tpu.memref_slice %arg2[%add3A_52, %dma_start3A_66, %dma_start3A_67] : memref<1024x2x16384xf32, #tpu.memory_space<hbm>> -> memref<1x2x2048xf32, #tpu.memory_space<hbm>>
    %dma_start3A_69 = tpu.memref_squeeze %dma_start3A_68 : memref<1x2x2048xf32, #tpu.memory_space<hbm>> -> memref<2x2048xf32, #tpu.memory_space<hbm>>
    tpu.enqueue_dma source(%dma_start3A_69 : memref<2x2048xf32, #tpu.memory_space<hbm>>) target(%dma_start3A_65 : memref<2x2048xf32, #tpu.memory_space<vmem>>) target_semaphore(%arg13 : memref<!tpu.dma_semaphore, #tpu.memory_space<semaphore_mem>>)
    %dma_start3A_70 = arith.constant 1 : i32
    %dma_start3A_71 = arith.constant 0 : i32
    %dma_start3A_72 = arith.constant 0 : i32
    %dma_start3A_73 = tpu.memref_slice %arg9[%dma_start3A_70, %dma_start3A_71, %dma_start3A_72] : memref<4x4x2048xf32, #tpu.memory_space<vmem>> -> memref<1x4x2048xf32, #tpu.memory_space<vmem>>
    %dma_start3A_74 = tpu.memref_squeeze %dma_start3A_73 : memref<1x4x2048xf32, #tpu.memory_space<vmem>> -> memref<4x2048xf32, #tpu.memory_space<vmem>>
    %dma_start3A_75 = arith.constant 0 : i32
    %dma_start3A_76 = arith.constant 2048 : i32
    %dma_start3A_77 = tpu.memref_slice %arg4[%add3A_52, %dma_start3A_75, %dma_start3A_76] : memref<1024x4x16384xf32, #tpu.memory_space<hbm>> -> memref<1x4x2048xf32, #tpu.memory_space<hbm>>
    %dma_start3A_78 = tpu.memref_squeeze %dma_start3A_77 : memref<1x4x2048xf32, #tpu.memory_space<hbm>> -> memref<4x2048xf32, #tpu.memory_space<hbm>>
    %dma_start3A_79 = arith.constant 0 : i32
    %dma_start3A_80 = arith.constant 0 : i32
    %dma_start3A_81 = tpu.memref_slice %arg9[%dma_start3A_70, %dma_start3A_79, %dma_start3A_80] : memref<4x4x2048xf32, #tpu.memory_space<vmem>> -> memref<1x4x2048xf32, #tpu.memory_space<vmem>>
    %dma_start3A_82 = tpu.memref_squeeze %dma_start3A_81 : memref<1x4x2048xf32, #tpu.memory_space<vmem>> -> memref<4x2048xf32, #tpu.memory_space<vmem>>
    %dma_start3A_83 = arith.constant 0 : i32
    %dma_start3A_84 = arith.constant 2048 : i32
    %dma_start3A_85 = tpu.memref_slice %arg4[%add3A_52, %dma_start3A_83, %dma_start3A_84] : memref<1024x4x16384xf32, #tpu.memory_space<hbm>> -> memref<1x4x2048xf32, #tpu.memory_space<hbm>>
    %dma_start3A_86 = tpu.memref_squeeze %dma_start3A_85 : memref<1x4x2048xf32, #tpu.memory_space<hbm>> -> memref<4x2048xf32, #tpu.memory_space<hbm>>
    tpu.enqueue_dma source(%dma_start3A_86 : memref<4x2048xf32, #tpu.memory_space<hbm>>) target(%dma_start3A_82 : memref<4x2048xf32, #tpu.memory_space<vmem>>) target_semaphore(%arg13 : memref<!tpu.dma_semaphore, #tpu.memory_space<semaphore_mem>>)
    %dma_start3A_87 = arith.constant 1 : i32
    %dma_start3A_88 = arith.constant 0 : i32
    %dma_start3A_89 = tpu.memref_slice %arg10[%dma_start3A_87, %dma_start3A_88] : memref<4x2048xf32, #tpu.memory_space<vmem>> -> memref<1x2048xf32, #tpu.memory_space<vmem>>
    %dma_start3A_90 = tpu.memref_squeeze %dma_start3A_89 : memref<1x2048xf32, #tpu.memory_space<vmem>> -> memref<2048xf32, #tpu.memory_space<vmem>>
    %dma_start3A_91 = arith.constant 2048 : i32
    %dma_start3A_92 = tpu.memref_slice %arg5[%add3A_52, %dma_start3A_91] : memref<1024x16384xf32, #tpu.memory_space<hbm>> -> memref<1x2048xf32, #tpu.memory_space<hbm>>
    %dma_start3A_93 = tpu.memref_squeeze %dma_start3A_92 : memref<1x2048xf32, #tpu.memory_space<hbm>> -> memref<2048xf32, #tpu.memory_space<hbm>>
    %dma_start3A_94 = arith.constant 0 : i32
    %dma_start3A_95 = tpu.memref_slice %arg10[%dma_start3A_87, %dma_start3A_94] : memref<4x2048xf32, #tpu.memory_space<vmem>> -> memref<1x2048xf32, #tpu.memory_space<vmem>>
    %dma_start3A_96 = tpu.memref_squeeze %dma_start3A_95 : memref<1x2048xf32, #tpu.memory_space<vmem>> -> memref<2048xf32, #tpu.memory_space<vmem>>
    %dma_start3A_97 = arith.constant 2048 : i32
    %dma_start3A_98 = tpu.memref_slice %arg5[%add3A_52, %dma_start3A_97] : memref<1024x16384xf32, #tpu.memory_space<hbm>> -> memref<1x2048xf32, #tpu.memory_space<hbm>>
    %dma_start3A_99 = tpu.memref_squeeze %dma_start3A_98 : memref<1x2048xf32, #tpu.memory_space<hbm>> -> memref<2048xf32, #tpu.memory_space<hbm>>
    tpu.enqueue_dma source(%dma_start3A_99 : memref<2048xf32, #tpu.memory_space<hbm>>) target(%dma_start3A_96 : memref<2048xf32, #tpu.memory_space<vmem>>) target_semaphore(%arg13 : memref<!tpu.dma_semaphore, #tpu.memory_space<semaphore_mem>>)
    %add3A_100 = arith.constant 0 : i32
    %add3A_101 = arith.addi %mul3A_2, %add3A_100 : i32
    %dma_start3A_102 = arith.constant 2 : i32
    %dma_start3A_103 = arith.constant 0 : i32
    %dma_start3A_104 = arith.constant 0 : i32
    %dma_start3A_105 = tpu.memref_slice %arg8[%dma_start3A_102, %dma_start3A_103, %dma_start3A_104] : memref<4x2x2048xf32, #tpu.memory_space<vmem>> -> memref<1x2x2048xf32, #tpu.memory_space<vmem>>
    %dma_start3A_106 = tpu.memref_squeeze %dma_start3A_105 : memref<1x2x2048xf32, #tpu.memory_space<vmem>> -> memref<2x2048xf32, #tpu.memory_space<vmem>>
    %dma_start3A_107 = arith.constant 0 : i32
    %dma_start3A_108 = arith.constant 4096 : i32
    %dma_start3A_109 = tpu.memref_slice %arg2[%add3A_101, %dma_start3A_107, %dma_start3A_108] : memref<1024x2x16384xf32, #tpu.memory_space<hbm>> -> memref<1x2x2048xf32, #tpu.memory_space<hbm>>
    %dma_start3A_110 = tpu.memref_squeeze %dma_start3A_109 : memref<1x2x2048xf32, #tpu.memory_space<hbm>> -> memref<2x2048xf32, #tpu.memory_space<hbm>>
    %dma_start3A_111 = arith.constant 0 : i32
    %dma_start3A_112 = arith.constant 0 : i32
    %dma_start3A_113 = tpu.memref_slice %arg8[%dma_start3A_102, %dma_start3A_111, %dma_start3A_112] : memref<4x2x2048xf32, #tpu.memory_space<vmem>> -> memref<1x2x2048xf32, #tpu.memory_space<vmem>>
    %dma_start3A_114 = tpu.memref_squeeze %dma_start3A_113 : memref<1x2x2048xf32, #tpu.memory_space<vmem>> -> memref<2x2048xf32, #tpu.memory_space<vmem>>
    %dma_start3A_115 = arith.constant 0 : i32
    %dma_start3A_116 = arith.constant 4096 : i32
    %dma_start3A_117 = tpu.memref_slice %arg2[%add3A_101, %dma_start3A_115, %dma_start3A_116] : memref<1024x2x16384xf32, #tpu.memory_space<hbm>> -> memref<1x2x2048xf32, #tpu.memory_space<hbm>>
    %dma_start3A_118 = tpu.memref_squeeze %dma_start3A_117 : memref<1x2x2048xf32, #tpu.memory_space<hbm>> -> memref<2x2048xf32, #tpu.memory_space<hbm>>
    tpu.enqueue_dma source(%dma_start3A_118 : memref<2x2048xf32, #tpu.memory_space<hbm>>) target(%dma_start3A_114 : memref<2x2048xf32, #tpu.memory_space<vmem>>) target_semaphore(%arg14 : memref<!tpu.dma_semaphore, #tpu.memory_space<semaphore_mem>>)
    %dma_start3A_119 = arith.constant 2 : i32
    %dma_start3A_120 = arith.constant 0 : i32
    %dma_start3A_121 = arith.constant 0 : i32
    %dma_start3A_122 = tpu.memref_slice %arg9[%dma_start3A_119, %dma_start3A_120, %dma_start3A_121] : memref<4x4x2048xf32, #tpu.memory_space<vmem>> -> memref<1x4x2048xf32, #tpu.memory_space<vmem>>
    %dma_start3A_123 = tpu.memref_squeeze %dma_start3A_122 : memref<1x4x2048xf32, #tpu.memory_space<vmem>> -> memref<4x2048xf32, #tpu.memory_space<vmem>>
    %dma_start3A_124 = arith.constant 0 : i32
    %dma_start3A_125 = arith.constant 4096 : i32
    %dma_start3A_126 = tpu.memref_slice %arg4[%add3A_101, %dma_start3A_124, %dma_start3A_125] : memref<1024x4x16384xf32, #tpu.memory_space<hbm>> -> memref<1x4x2048xf32, #tpu.memory_space<hbm>>
    %dma_start3A_127 = tpu.memref_squeeze %dma_start3A_126 : memref<1x4x2048xf32, #tpu.memory_space<hbm>> -> memref<4x2048xf32, #tpu.memory_space<hbm>>
    %dma_start3A_128 = arith.constant 0 : i32
    %dma_start3A_129 = arith.constant 0 : i32
    %dma_start3A_130 = tpu.memref_slice %arg9[%dma_start3A_119, %dma_start3A_128, %dma_start3A_129] : memref<4x4x2048xf32, #tpu.memory_space<vmem>> -> memref<1x4x2048xf32, #tpu.memory_space<vmem>>
    %dma_start3A_131 = tpu.memref_squeeze %dma_start3A_130 : memref<1x4x2048xf32, #tpu.memory_space<vmem>> -> memref<4x2048xf32, #tpu.memory_space<vmem>>
    %dma_start3A_132 = arith.constant 0 : i32
    %dma_start3A_133 = arith.constant 4096 : i32
    %dma_start3A_134 = tpu.memref_slice %arg4[%add3A_101, %dma_start3A_132, %dma_start3A_133] : memref<1024x4x16384xf32, #tpu.memory_space<hbm>> -> memref<1x4x2048xf32, #tpu.memory_space<hbm>>
    %dma_start3A_135 = tpu.memref_squeeze %dma_start3A_134 : memref<1x4x2048xf32, #tpu.memory_space<hbm>> -> memref<4x2048xf32, #tpu.memory_space<hbm>>
    tpu.enqueue_dma source(%dma_start3A_135 : memref<4x2048xf32, #tpu.memory_space<hbm>>) target(%dma_start3A_131 : memref<4x2048xf32, #tpu.memory_space<vmem>>) target_semaphore(%arg14 : memref<!tpu.dma_semaphore, #tpu.memory_space<semaphore_mem>>)
    %dma_start3A_136 = arith.constant 2 : i32
    %dma_start3A_137 = arith.constant 0 : i32
    %dma_start3A_138 = tpu.memref_slice %arg10[%dma_start3A_136, %dma_start3A_137] : memref<4x2048xf32, #tpu.memory_space<vmem>> -> memref<1x2048xf32, #tpu.memory_space<vmem>>
    %dma_start3A_139 = tpu.memref_squeeze %dma_start3A_138 : memref<1x2048xf32, #tpu.memory_space<vmem>> -> memref<2048xf32, #tpu.memory_space<vmem>>
    %dma_start3A_140 = arith.constant 4096 : i32
    %dma_start3A_141 = tpu.memref_slice %arg5[%add3A_101, %dma_start3A_140] : memref<1024x16384xf32, #tpu.memory_space<hbm>> -> memref<1x2048xf32, #tpu.memory_space<hbm>>
    %dma_start3A_142 = tpu.memref_squeeze %dma_start3A_141 : memref<1x2048xf32, #tpu.memory_space<hbm>> -> memref<2048xf32, #tpu.memory_space<hbm>>
    %dma_start3A_143 = arith.constant 0 : i32
    %dma_start3A_144 = tpu.memref_slice %arg10[%dma_start3A_136, %dma_start3A_143] : memref<4x2048xf32, #tpu.memory_space<vmem>> -> memref<1x2048xf32, #tpu.memory_space<vmem>>
    %dma_start3A_145 = tpu.memref_squeeze %dma_start3A_144 : memref<1x2048xf32, #tpu.memory_space<vmem>> -> memref<2048xf32, #tpu.memory_space<vmem>>
    %dma_start3A_146 = arith.constant 4096 : i32
    %dma_start3A_147 = tpu.memref_slice %arg5[%add3A_101, %dma_start3A_146] : memref<1024x16384xf32, #tpu.memory_space<hbm>> -> memref<1x2048xf32, #tpu.memory_space<hbm>>
    %dma_start3A_148 = tpu.memref_squeeze %dma_start3A_147 : memref<1x2048xf32, #tpu.memory_space<hbm>> -> memref<2048xf32, #tpu.memory_space<hbm>>
    tpu.enqueue_dma source(%dma_start3A_148 : memref<2048xf32, #tpu.memory_space<hbm>>) target(%dma_start3A_145 : memref<2048xf32, #tpu.memory_space<vmem>>) target_semaphore(%arg14 : memref<!tpu.dma_semaphore, #tpu.memory_space<semaphore_mem>>)
    %scan3A = arith.constant 0 : i32
    %scan3A_149 = arith.constant 0 : i32
    %scan3A_150 = arith.constant 64 : i32
    %scan3A_151 = arith.addi %scan3A_149, %scan3A_150 : i32
    %scan3A_152 = arith.constant 1 : i32
    scf.for %scan3A_209 = %scan3A_149 to %scan3A_151 step %scan3A_152  : i32 {
      %mul3A_210 = arith.constant 4 : i32
      %mul3A_211 = arith.muli %scan3A_209, %mul3A_210 : i32
      %add3A_212 = arith.constant 0 : i32
      %add3A_213 = arith.addi %mul3A_211, %add3A_212 : i32
      %add3A_214 = arith.constant 3 : i32
      %add3A_215 = arith.addi %add3A_213, %add3A_214 : i32
      %lt3A = arith.constant 256 : i32
      %lt3A_216 = arith.cmpi slt, %add3A_215, %lt3A : i32
      %convert_element_type3A = arith.extui %lt3A_216 : i1 to i32
      %cond3A = arith.constant 0 : i32
      %cond3A_217 = arith.cmpi ne, %convert_element_type3A, %cond3A : i32
      scf.if %cond3A_217 {
        %add3A_846 = arith.constant 3 : i32
        %add3A_847 = arith.addi %add3A_213, %add3A_846 : i32
        %jit3A_848 = arith.constant 8 : i32
        %div3A_849 = arith.divsi %add3A_847, %jit3A_848 : i32
        %sign3A_850 = arith.constant 0 : i32
        %sign3A_851 = arith.cmpi sgt, %add3A_847, %sign3A_850 : i32
        %sign3A_852 = arith.extui %sign3A_851 : i1 to i32
        %sign3A_853 = arith.constant 0 : i32
        %sign3A_854 = arith.cmpi slt, %add3A_847, %sign3A_853 : i32
        %sign3A_855 = arith.extui %sign3A_854 : i1 to i32
        %sign3A_856 = arith.subi %sign3A_852, %sign3A_855 : i32
        %sign3A_857 = arith.constant 0 : i32
        %sign3A_858 = arith.cmpi sgt, %jit3A_848, %sign3A_857 : i32
        %sign3A_859 = arith.extui %sign3A_858 : i1 to i32
        %sign3A_860 = arith.constant 0 : i32
        %sign3A_861 = arith.cmpi slt, %jit3A_848, %sign3A_860 : i32
        %sign3A_862 = arith.extui %sign3A_861 : i1 to i32
        %sign3A_863 = arith.subi %sign3A_859, %sign3A_862 : i32
        %ne3A_864 = arith.cmpi ne, %sign3A_856, %sign3A_863 : i32
        %rem3A_865 = arith.remsi %add3A_847, %jit3A_848 : i32
        %ne3A_866 = arith.constant 0 : i32
        %ne3A_867 = arith.cmpi ne, %rem3A_865, %ne3A_866 : i32
        %and3A_868 = arith.andi %ne3A_864, %ne3A_867 : i1
        %sub3A_869 = arith.constant 1 : i32
        %sub3A_870 = arith.subi %div3A_849, %sub3A_869 : i32
        %select_n3A_871 = arith.select %and3A_868, %sub3A_870, %div3A_849 : i32
        %mul3A_872 = arith.constant 8 : i32
        %mul3A_873 = arith.muli %select_n3A_871, %mul3A_872 : i32
        %sub3A_874 = arith.subi %add3A_847, %mul3A_873 : i32
        %add3A_875 = arith.addi %mul3A_2, %select_n3A_871 : i32
        %mul3A_876 = arith.constant 2048 : i32
        %mul3A_877 = arith.muli %sub3A_874, %mul3A_876 : i32
        %dma_start3A_878 = arith.constant 3 : i32
        %dma_start3A_879 = arith.constant 0 : i32
        %dma_start3A_880 = arith.constant 0 : i32
        %dma_start3A_881 = tpu.memref_slice %arg8[%dma_start3A_878, %dma_start3A_879, %dma_start3A_880] : memref<4x2x2048xf32, #tpu.memory_space<vmem>> -> memref<1x2x2048xf32, #tpu.memory_space<vmem>>
        %dma_start3A_882 = tpu.memref_squeeze %dma_start3A_881 : memref<1x2x2048xf32, #tpu.memory_space<vmem>> -> memref<2x2048xf32, #tpu.memory_space<vmem>>
        %dma_start3A_883 = arith.constant 0 : i32
        %dma_start3A_884 = tpu.memref_slice %arg2[%add3A_875, %dma_start3A_883, %mul3A_877] : memref<1024x2x16384xf32, #tpu.memory_space<hbm>> -> memref<1x2x2048xf32, #tpu.memory_space<hbm>>
        %dma_start3A_885 = tpu.memref_squeeze %dma_start3A_884 : memref<1x2x2048xf32, #tpu.memory_space<hbm>> -> memref<2x2048xf32, #tpu.memory_space<hbm>>
        %dma_start3A_886 = arith.constant 0 : i32
        %dma_start3A_887 = arith.constant 0 : i32
        %dma_start3A_888 = tpu.memref_slice %arg8[%dma_start3A_878, %dma_start3A_886, %dma_start3A_887] : memref<4x2x2048xf32, #tpu.memory_space<vmem>> -> memref<1x2x2048xf32, #tpu.memory_space<vmem>>
        %dma_start3A_889 = tpu.memref_squeeze %dma_start3A_888 : memref<1x2x2048xf32, #tpu.memory_space<vmem>> -> memref<2x2048xf32, #tpu.memory_space<vmem>>
        %dma_start3A_890 = arith.constant 0 : i32
        %dma_start3A_891 = tpu.memref_slice %arg2[%add3A_875, %dma_start3A_890, %mul3A_877] : memref<1024x2x16384xf32, #tpu.memory_space<hbm>> -> memref<1x2x2048xf32, #tpu.memory_space<hbm>>
        %dma_start3A_892 = tpu.memref_squeeze %dma_start3A_891 : memref<1x2x2048xf32, #tpu.memory_space<hbm>> -> memref<2x2048xf32, #tpu.memory_space<hbm>>
        tpu.enqueue_dma source(%dma_start3A_892 : memref<2x2048xf32, #tpu.memory_space<hbm>>) target(%dma_start3A_889 : memref<2x2048xf32, #tpu.memory_space<vmem>>) target_semaphore(%arg15 : memref<!tpu.dma_semaphore, #tpu.memory_space<semaphore_mem>>)
        %dma_start3A_893 = arith.constant 3 : i32
        %dma_start3A_894 = arith.constant 0 : i32
        %dma_start3A_895 = arith.constant 0 : i32
        %dma_start3A_896 = tpu.memref_slice %arg9[%dma_start3A_893, %dma_start3A_894, %dma_start3A_895] : memref<4x4x2048xf32, #tpu.memory_space<vmem>> -> memref<1x4x2048xf32, #tpu.memory_space<vmem>>
        %dma_start3A_897 = tpu.memref_squeeze %dma_start3A_896 : memref<1x4x2048xf32, #tpu.memory_space<vmem>> -> memref<4x2048xf32, #tpu.memory_space<vmem>>
        %dma_start3A_898 = arith.constant 0 : i32
        %dma_start3A_899 = tpu.memref_slice %arg4[%add3A_875, %dma_start3A_898, %mul3A_877] : memref<1024x4x16384xf32, #tpu.memory_space<hbm>> -> memref<1x4x2048xf32, #tpu.memory_space<hbm>>
        %dma_start3A_900 = tpu.memref_squeeze %dma_start3A_899 : memref<1x4x2048xf32, #tpu.memory_space<hbm>> -> memref<4x2048xf32, #tpu.memory_space<hbm>>
        %dma_start3A_901 = arith.constant 0 : i32
        %dma_start3A_902 = arith.constant 0 : i32
        %dma_start3A_903 = tpu.memref_slice %arg9[%dma_start3A_893, %dma_start3A_901, %dma_start3A_902] : memref<4x4x2048xf32, #tpu.memory_space<vmem>> -> memref<1x4x2048xf32, #tpu.memory_space<vmem>>
        %dma_start3A_904 = tpu.memref_squeeze %dma_start3A_903 : memref<1x4x2048xf32, #tpu.memory_space<vmem>> -> memref<4x2048xf32, #tpu.memory_space<vmem>>
        %dma_start3A_905 = arith.constant 0 : i32
        %dma_start3A_906 = tpu.memref_slice %arg4[%add3A_875, %dma_start3A_905, %mul3A_877] : memref<1024x4x16384xf32, #tpu.memory_space<hbm>> -> memref<1x4x2048xf32, #tpu.memory_space<hbm>>
        %dma_start3A_907 = tpu.memref_squeeze %dma_start3A_906 : memref<1x4x2048xf32, #tpu.memory_space<hbm>> -> memref<4x2048xf32, #tpu.memory_space<hbm>>
        tpu.enqueue_dma source(%dma_start3A_907 : memref<4x2048xf32, #tpu.memory_space<hbm>>) target(%dma_start3A_904 : memref<4x2048xf32, #tpu.memory_space<vmem>>) target_semaphore(%arg15 : memref<!tpu.dma_semaphore, #tpu.memory_space<semaphore_mem>>)
        %dma_start3A_908 = arith.constant 3 : i32
        %dma_start3A_909 = arith.constant 0 : i32
        %dma_start3A_910 = tpu.memref_slice %arg10[%dma_start3A_908, %dma_start3A_909] : memref<4x2048xf32, #tpu.memory_space<vmem>> -> memref<1x2048xf32, #tpu.memory_space<vmem>>
        %dma_start3A_911 = tpu.memref_squeeze %dma_start3A_910 : memref<1x2048xf32, #tpu.memory_space<vmem>> -> memref<2048xf32, #tpu.memory_space<vmem>>
        %dma_start3A_912 = tpu.memref_slice %arg5[%add3A_875, %mul3A_877] : memref<1024x16384xf32, #tpu.memory_space<hbm>> -> memref<1x2048xf32, #tpu.memory_space<hbm>>
        %dma_start3A_913 = tpu.memref_squeeze %dma_start3A_912 : memref<1x2048xf32, #tpu.memory_space<hbm>> -> memref<2048xf32, #tpu.memory_space<hbm>>
        %dma_start3A_914 = arith.constant 0 : i32
        %dma_start3A_915 = tpu.memref_slice %arg10[%dma_start3A_908, %dma_start3A_914] : memref<4x2048xf32, #tpu.memory_space<vmem>> -> memref<1x2048xf32, #tpu.memory_space<vmem>>
        %dma_start3A_916 = tpu.memref_squeeze %dma_start3A_915 : memref<1x2048xf32, #tpu.memory_space<vmem>> -> memref<2048xf32, #tpu.memory_space<vmem>>
        %dma_start3A_917 = tpu.memref_slice %arg5[%add3A_875, %mul3A_877] : memref<1024x16384xf32, #tpu.memory_space<hbm>> -> memref<1x2048xf32, #tpu.memory_space<hbm>>
        %dma_start3A_918 = tpu.memref_squeeze %dma_start3A_917 : memref<1x2048xf32, #tpu.memory_space<hbm>> -> memref<2048xf32, #tpu.memory_space<hbm>>
        tpu.enqueue_dma source(%dma_start3A_918 : memref<2048xf32, #tpu.memory_space<hbm>>) target(%dma_start3A_916 : memref<2048xf32, #tpu.memory_space<vmem>>) target_semaphore(%arg15 : memref<!tpu.dma_semaphore, #tpu.memory_space<semaphore_mem>>)
      } else {
      }
      %ge3A = arith.constant 4 : i32
      %ge3A_218 = arith.cmpi sge, %add3A_213, %ge3A : i32
      %convert_element_type3A_219 = arith.extui %ge3A_218 : i1 to i32
      %cond3A_220 = arith.constant 0 : i32
      %cond3A_221 = arith.cmpi ne, %convert_element_type3A_219, %cond3A_220 : i32
      scf.if %cond3A_221 {
        %dma_wait3A_846 = arith.constant 0 : i32
        %dma_wait3A_847 = arith.constant 0 : i32
        %dma_wait3A_848 = arith.constant 0 : i32
        %dma_wait3A_849 = tpu.memref_slice %arg11[%dma_wait3A_846, %dma_wait3A_848] : memref<4x2048xf32, #tpu.memory_space<vmem>> -> memref<1x2048xf32, #tpu.memory_space<vmem>>
        %dma_wait3A_850 = tpu.memref_squeeze %dma_wait3A_849 : memref<1x2048xf32, #tpu.memory_space<vmem>> -> memref<2048xf32, #tpu.memory_space<vmem>>
        %dma_wait3A_851 = arith.constant 0 : i32
        %dma_wait3A_852 = tpu.memref_slice %arg6[%dma_wait3A_847, %dma_wait3A_851] : memref<1024x16384xf32, #tpu.memory_space<hbm>> -> memref<1x2048xf32, #tpu.memory_space<hbm>>
        %dma_wait3A_853 = tpu.memref_squeeze %dma_wait3A_852 : memref<1x2048xf32, #tpu.memory_space<hbm>> -> memref<2048xf32, #tpu.memory_space<hbm>>
        %dma_wait3A_854 = arith.constant 0 : i32
        %dma_wait3A_855 = tpu.memref_slice %arg6[%dma_wait3A_847, %dma_wait3A_854] : memref<1024x16384xf32, #tpu.memory_space<hbm>> -> memref<1x2048xf32, #tpu.memory_space<hbm>>
        %dma_wait3A_856 = tpu.memref_squeeze %dma_wait3A_855 : memref<1x2048xf32, #tpu.memory_space<hbm>> -> memref<2048xf32, #tpu.memory_space<hbm>>
        %dma_wait3A_857 = arith.constant 0 : i32
        %dma_wait3A_858 = tpu.memref_slice %arg11[%dma_wait3A_846, %dma_wait3A_857] : memref<4x2048xf32, #tpu.memory_space<vmem>> -> memref<1x2048xf32, #tpu.memory_space<vmem>>
        %dma_wait3A_859 = tpu.memref_squeeze %dma_wait3A_858 : memref<1x2048xf32, #tpu.memory_space<vmem>> -> memref<2048xf32, #tpu.memory_space<vmem>>
        tpu.wait_dma2 semaphore(%arg16 : memref<!tpu.dma_semaphore, #tpu.memory_space<semaphore_mem>>) src(%dma_wait3A_859 : memref<2048xf32, #tpu.memory_space<vmem>>) dst(%dma_wait3A_856 : memref<2048xf32, #tpu.memory_space<hbm>>)
      } else {
      }
      %dma_wait3A_222 = arith.constant 0 : i32
      %dma_wait3A_223 = arith.constant 0 : i32
      %dma_wait3A_224 = arith.constant 0 : i32
      %dma_wait3A_225 = arith.constant 0 : i32
      %dma_wait3A_226 = tpu.memref_slice %arg8[%dma_wait3A_223, %dma_wait3A_224, %dma_wait3A_225] : memref<4x2x2048xf32, #tpu.memory_space<vmem>> -> memref<1x2x2048xf32, #tpu.memory_space<vmem>>
      %dma_wait3A_227 = tpu.memref_squeeze %dma_wait3A_226 : memref<1x2x2048xf32, #tpu.memory_space<vmem>> -> memref<2x2048xf32, #tpu.memory_space<vmem>>
      %dma_wait3A_228 = arith.constant 0 : i32
      %dma_wait3A_229 = arith.constant 0 : i32
      %dma_wait3A_230 = tpu.memref_slice %arg2[%dma_wait3A_222, %dma_wait3A_228, %dma_wait3A_229] : memref<1024x2x16384xf32, #tpu.memory_space<hbm>> -> memref<1x2x2048xf32, #tpu.memory_space<hbm>>
      %dma_wait3A_231 = tpu.memref_squeeze %dma_wait3A_230 : memref<1x2x2048xf32, #tpu.memory_space<hbm>> -> memref<2x2048xf32, #tpu.memory_space<hbm>>
      %dma_wait3A_232 = arith.constant 0 : i32
      %dma_wait3A_233 = arith.constant 0 : i32
      %dma_wait3A_234 = tpu.memref_slice %arg8[%dma_wait3A_223, %dma_wait3A_232, %dma_wait3A_233] : memref<4x2x2048xf32, #tpu.memory_space<vmem>> -> memref<1x2x2048xf32, #tpu.memory_space<vmem>>
      %dma_wait3A_235 = tpu.memref_squeeze %dma_wait3A_234 : memref<1x2x2048xf32, #tpu.memory_space<vmem>> -> memref<2x2048xf32, #tpu.memory_space<vmem>>
      %dma_wait3A_236 = arith.constant 0 : i32
      %dma_wait3A_237 = arith.constant 0 : i32
      %dma_wait3A_238 = tpu.memref_slice %arg2[%dma_wait3A_222, %dma_wait3A_236, %dma_wait3A_237] : memref<1024x2x16384xf32, #tpu.memory_space<hbm>> -> memref<1x2x2048xf32, #tpu.memory_space<hbm>>
      %dma_wait3A_239 = tpu.memref_squeeze %dma_wait3A_238 : memref<1x2x2048xf32, #tpu.memory_space<hbm>> -> memref<2x2048xf32, #tpu.memory_space<hbm>>
      tpu.wait_dma2 semaphore(%arg12 : memref<!tpu.dma_semaphore, #tpu.memory_space<semaphore_mem>>) src(%dma_wait3A_239 : memref<2x2048xf32, #tpu.memory_space<hbm>>) dst(%dma_wait3A_235 : memref<2x2048xf32, #tpu.memory_space<vmem>>)
      %dma_wait3A_240 = arith.constant 0 : i32
      %dma_wait3A_241 = arith.constant 0 : i32
      %dma_wait3A_242 = arith.constant 0 : i32
      %dma_wait3A_243 = arith.constant 0 : i32
      %dma_wait3A_244 = tpu.memref_slice %arg9[%dma_wait3A_241, %dma_wait3A_242, %dma_wait3A_243] : memref<4x4x2048xf32, #tpu.memory_space<vmem>> -> memref<1x4x2048xf32, #tpu.memory_space<vmem>>
      %dma_wait3A_245 = tpu.memref_squeeze %dma_wait3A_244 : memref<1x4x2048xf32, #tpu.memory_space<vmem>> -> memref<4x2048xf32, #tpu.memory_space<vmem>>
      %dma_wait3A_246 = arith.constant 0 : i32
      %dma_wait3A_247 = arith.constant 0 : i32
      %dma_wait3A_248 = tpu.memref_slice %arg4[%dma_wait3A_240, %dma_wait3A_246, %dma_wait3A_247] : memref<1024x4x16384xf32, #tpu.memory_space<hbm>> -> memref<1x4x2048xf32, #tpu.memory_space<hbm>>
      %dma_wait3A_249 = tpu.memref_squeeze %dma_wait3A_248 : memref<1x4x2048xf32, #tpu.memory_space<hbm>> -> memref<4x2048xf32, #tpu.memory_space<hbm>>
      %dma_wait3A_250 = arith.constant 0 : i32
      %dma_wait3A_251 = arith.constant 0 : i32
      %dma_wait3A_252 = tpu.memref_slice %arg9[%dma_wait3A_241, %dma_wait3A_250, %dma_wait3A_251] : memref<4x4x2048xf32, #tpu.memory_space<vmem>> -> memref<1x4x2048xf32, #tpu.memory_space<vmem>>
      %dma_wait3A_253 = tpu.memref_squeeze %dma_wait3A_252 : memref<1x4x2048xf32, #tpu.memory_space<vmem>> -> memref<4x2048xf32, #tpu.memory_space<vmem>>
      %dma_wait3A_254 = arith.constant 0 : i32
      %dma_wait3A_255 = arith.constant 0 : i32
      %dma_wait3A_256 = tpu.memref_slice %arg4[%dma_wait3A_240, %dma_wait3A_254, %dma_wait3A_255] : memref<1024x4x16384xf32, #tpu.memory_space<hbm>> -> memref<1x4x2048xf32, #tpu.memory_space<hbm>>
      %dma_wait3A_257 = tpu.memref_squeeze %dma_wait3A_256 : memref<1x4x2048xf32, #tpu.memory_space<hbm>> -> memref<4x2048xf32, #tpu.memory_space<hbm>>
      tpu.wait_dma2 semaphore(%arg12 : memref<!tpu.dma_semaphore, #tpu.memory_space<semaphore_mem>>) src(%dma_wait3A_257 : memref<4x2048xf32, #tpu.memory_space<hbm>>) dst(%dma_wait3A_253 : memref<4x2048xf32, #tpu.memory_space<vmem>>)
      %dma_wait3A_258 = arith.constant 0 : i32
      %dma_wait3A_259 = arith.constant 0 : i32
      %dma_wait3A_260 = arith.constant 0 : i32
      %dma_wait3A_261 = tpu.memref_slice %arg10[%dma_wait3A_259, %dma_wait3A_260] : memref<4x2048xf32, #tpu.memory_space<vmem>> -> memref<1x2048xf32, #tpu.memory_space<vmem>>
      %dma_wait3A_262 = tpu.memref_squeeze %dma_wait3A_261 : memref<1x2048xf32, #tpu.memory_space<vmem>> -> memref<2048xf32, #tpu.memory_space<vmem>>
      %dma_wait3A_263 = arith.constant 0 : i32
      %dma_wait3A_264 = tpu.memref_slice %arg5[%dma_wait3A_258, %dma_wait3A_263] : memref<1024x16384xf32, #tpu.memory_space<hbm>> -> memref<1x2048xf32, #tpu.memory_space<hbm>>
      %dma_wait3A_265 = tpu.memref_squeeze %dma_wait3A_264 : memref<1x2048xf32, #tpu.memory_space<hbm>> -> memref<2048xf32, #tpu.memory_space<hbm>>
      %dma_wait3A_266 = arith.constant 0 : i32
      %dma_wait3A_267 = tpu.memref_slice %arg10[%dma_wait3A_259, %dma_wait3A_266] : memref<4x2048xf32, #tpu.memory_space<vmem>> -> memref<1x2048xf32, #tpu.memory_space<vmem>>
      %dma_wait3A_268 = tpu.memref_squeeze %dma_wait3A_267 : memref<1x2048xf32, #tpu.memory_space<vmem>> -> memref<2048xf32, #tpu.memory_space<vmem>>
      %dma_wait3A_269 = arith.constant 0 : i32
      %dma_wait3A_270 = tpu.memref_slice %arg5[%dma_wait3A_258, %dma_wait3A_269] : memref<1024x16384xf32, #tpu.memory_space<hbm>> -> memref<1x2048xf32, #tpu.memory_space<hbm>>
      %dma_wait3A_271 = tpu.memref_squeeze %dma_wait3A_270 : memref<1x2048xf32, #tpu.memory_space<hbm>> -> memref<2048xf32, #tpu.memory_space<hbm>>
      tpu.wait_dma2 semaphore(%arg12 : memref<!tpu.dma_semaphore, #tpu.memory_space<semaphore_mem>>) src(%dma_wait3A_271 : memref<2048xf32, #tpu.memory_space<hbm>>) dst(%dma_wait3A_268 : memref<2048xf32, #tpu.memory_space<vmem>>)
      %jit3A = arith.constant 8 : i32
      %div3A = arith.divsi %add3A_213, %jit3A : i32
      %sign3A = arith.constant 0 : i32
      %sign3A_272 = arith.cmpi sgt, %add3A_213, %sign3A : i32
      %sign3A_273 = arith.extui %sign3A_272 : i1 to i32
      %sign3A_274 = arith.constant 0 : i32
      %sign3A_275 = arith.cmpi slt, %add3A_213, %sign3A_274 : i32
      %sign3A_276 = arith.extui %sign3A_275 : i1 to i32
      %sign3A_277 = arith.subi %sign3A_273, %sign3A_276 : i32
      %sign3A_278 = arith.constant 0 : i32
      %sign3A_279 = arith.cmpi sgt, %jit3A, %sign3A_278 : i32
      %sign3A_280 = arith.extui %sign3A_279 : i1 to i32
      %sign3A_281 = arith.constant 0 : i32
      %sign3A_282 = arith.cmpi slt, %jit3A, %sign3A_281 : i32
      %sign3A_283 = arith.extui %sign3A_282 : i1 to i32
      %sign3A_284 = arith.subi %sign3A_280, %sign3A_283 : i32
      %ne3A = arith.cmpi ne, %sign3A_277, %sign3A_284 : i32
      %rem3A = arith.remsi %add3A_213, %jit3A : i32
      %ne3A_285 = arith.constant 0 : i32
      %ne3A_286 = arith.cmpi ne, %rem3A, %ne3A_285 : i32
      %and3A = arith.andi %ne3A, %ne3A_286 : i1
      %sub3A = arith.constant 1 : i32
      %sub3A_287 = arith.subi %div3A, %sub3A : i32
      %select_n3A = arith.select %and3A, %sub3A_287, %div3A : i32
      %mul3A_288 = arith.constant 8 : i32
      %mul3A_289 = arith.muli %select_n3A, %mul3A_288 : i32
      %sub3A_290 = arith.subi %add3A_213, %mul3A_289 : i32
      %add3A_291 = arith.addi %mul3A_2, %select_n3A : i32
      %mul3A_292 = arith.constant 2048 : i32
      %mul3A_293 = arith.muli %sub3A_290, %mul3A_292 : i32
      %get3A = arith.constant 0 : i32
      %get3A_294 = arith.index_cast %select_n3A : i32 to index
      %get3A_295 = arith.index_cast %get3A : i32 to index
      %get3A_296 = arith.constant 0 : index
      %get3A_297 = tpu.vector_load %arg7[%get3A_294, %get3A_295, %get3A_296] {strides = array<i32>} : memref<32x4x16xf32, #tpu.memory_space<vmem>>, vector<1x1x16xf32>,
      %get3A_298 = vector.shape_cast %get3A_297 : vector<1x1x16xf32> to vector<16xf32>
      %get3A_299 = arith.constant 1 : i32
      %get3A_300 = arith.index_cast %select_n3A : i32 to index
      %get3A_301 = arith.index_cast %get3A_299 : i32 to index
      %get3A_302 = arith.constant 0 : index
      %get3A_303 = tpu.vector_load %arg7[%get3A_300, %get3A_301, %get3A_302] {strides = array<i32>} : memref<32x4x16xf32, #tpu.memory_space<vmem>>, vector<1x1x16xf32>,
      %get3A_304 = vector.shape_cast %get3A_303 : vector<1x1x16xf32> to vector<16xf32>
      %get3A_305 = arith.constant 2 : i32
      %get3A_306 = arith.index_cast %select_n3A : i32 to index
      %get3A_307 = arith.index_cast %get3A_305 : i32 to index
      %get3A_308 = arith.constant 0 : index
      %get3A_309 = tpu.vector_load %arg7[%get3A_306, %get3A_307, %get3A_308] {strides = array<i32>} : memref<32x4x16xf32, #tpu.memory_space<vmem>>, vector<1x1x16xf32>,
      %get3A_310 = vector.shape_cast %get3A_309 : vector<1x1x16xf32> to vector<16xf32>
      %get3A_311 = arith.constant 3 : i32
      %get3A_312 = arith.index_cast %select_n3A : i32 to index
      %get3A_313 = arith.index_cast %get3A_311 : i32 to index
      %get3A_314 = arith.constant 0 : index
      %get3A_315 = tpu.vector_load %arg7[%get3A_312, %get3A_313, %get3A_314] {strides = array<i32>} : memref<32x4x16xf32, #tpu.memory_space<vmem>>, vector<1x1x16xf32>,
      %get3A_316 = vector.shape_cast %get3A_315 : vector<1x1x16xf32> to vector<16xf32>
      %parallel_loop3A = arith.constant 0 : i32
      %parallel_loop3A_317 = arith.constant 2048 : i32
      %parallel_loop3A_318 = arith.constant 16 : i32
      scf.for %parallel_loop3A_846 = %parallel_loop3A to %parallel_loop3A_317 step %parallel_loop3A_318  : i32 {
        %parallel_loop3A_847 = arith.constant 0 : i32
        %parallel_loop3A_848 = arith.constant 0 : i32
        %parallel_loop3A_849 = arith.index_cast %parallel_loop3A_847 : i32 to index
        %parallel_loop3A_850 = arith.index_cast %parallel_loop3A_848 : i32 to index
        %parallel_loop3A_851 = arith.index_cast %parallel_loop3A_846 : i32 to index
        %parallel_loop3A_852 = tpu.vector_load %arg8[%parallel_loop3A_849, %parallel_loop3A_850, %parallel_loop3A_851] {strides = array<i32>} : memref<4x2x2048xf32, #tpu.memory_space<vmem>>, vector<1x1x16xf32>,
        %parallel_loop3A_853 = vector.shape_cast %parallel_loop3A_852 : vector<1x1x16xf32> to vector<16xf32>
        %parallel_loop3A_854 = arith.constant 0 : i32
        %parallel_loop3A_855 = arith.constant 1 : i32
        %parallel_loop3A_856 = arith.index_cast %parallel_loop3A_854 : i32 to index
        %parallel_loop3A_857 = arith.index_cast %parallel_loop3A_855 : i32 to index
        %parallel_loop3A_858 = arith.index_cast %parallel_loop3A_846 : i32 to index
        %parallel_loop3A_859 = tpu.vector_load %arg8[%parallel_loop3A_856, %parallel_loop3A_857, %parallel_loop3A_858] {strides = array<i32>} : memref<4x2x2048xf32, #tpu.memory_space<vmem>>, vector<1x1x16xf32>,
        %parallel_loop3A_860 = vector.shape_cast %parallel_loop3A_859 : vector<1x1x16xf32> to vector<16xf32>
        %parallel_loop3A_861 = arith.constant 1.000000e+00 : f32
        %parallel_loop3A_862 = vector.broadcast %parallel_loop3A_861 : f32 to vector<16xf32>
        %parallel_loop3A_863 = arith.subf %parallel_loop3A_862, %parallel_loop3A_853 : vector<16xf32>
        %parallel_loop3A_864 = arith.constant 1.000000e+00 : f32
        %parallel_loop3A_865 = vector.broadcast %parallel_loop3A_864 : f32 to vector<16xf32>
        %parallel_loop3A_866 = arith.subf %parallel_loop3A_865, %parallel_loop3A_860 : vector<16xf32>
        %parallel_loop3A_867 = arith.mulf %parallel_loop3A_863, %parallel_loop3A_866 : vector<16xf32>
        %parallel_loop3A_868 = arith.constant 1.000000e+00 : f32
        %parallel_loop3A_869 = vector.broadcast %parallel_loop3A_868 : f32 to vector<16xf32>
        %parallel_loop3A_870 = arith.subf %parallel_loop3A_869, %parallel_loop3A_867 : vector<16xf32>
        %parallel_loop3A_871 = arith.constant 0 : i32
        %parallel_loop3A_872 = arith.index_cast %parallel_loop3A_871 : i32 to index
        %parallel_loop3A_873 = arith.index_cast %parallel_loop3A_846 : i32 to index
        %parallel_loop3A_874 = tpu.vector_load %arg10[%parallel_loop3A_872, %parallel_loop3A_873] {strides = array<i32>} : memref<4x2048xf32, #tpu.memory_space<vmem>>, vector<1x16xf32>,
        %parallel_loop3A_875 = vector.shape_cast %parallel_loop3A_874 : vector<1x16xf32> to vector<16xf32>
        %parallel_loop3A_876 = arith.constant 1.000000e+00 : f32
        %parallel_loop3A_877 = vector.broadcast %parallel_loop3A_876 : f32 to vector<16xf32>
        %parallel_loop3A_878 = arith.subf %parallel_loop3A_877, %parallel_loop3A_875 : vector<16xf32>
        %parallel_loop3A_879 = arith.mulf %parallel_loop3A_878, %parallel_loop3A_870 : vector<16xf32>
        %parallel_loop3A_880 = arith.addf %parallel_loop3A_875, %parallel_loop3A_879 : vector<16xf32>
        %parallel_loop3A_881 = arith.constant 0 : i32
        %parallel_loop3A_882 = arith.constant 0 : i32
        %parallel_loop3A_883 = arith.index_cast %parallel_loop3A_881 : i32 to index
        %parallel_loop3A_884 = arith.index_cast %parallel_loop3A_882 : i32 to index
        %parallel_loop3A_885 = arith.index_cast %parallel_loop3A_846 : i32 to index
        %parallel_loop3A_886 = tpu.vector_load %arg9[%parallel_loop3A_883, %parallel_loop3A_884, %parallel_loop3A_885] {strides = array<i32>} : memref<4x4x2048xf32, #tpu.memory_space<vmem>>, vector<1x1x16xf32>,
        %parallel_loop3A_887 = vector.shape_cast %parallel_loop3A_886 : vector<1x1x16xf32> to vector<16xf32>
        %parallel_loop3A_888 = arith.mulf %get3A_298, %parallel_loop3A_887 : vector<16xf32>
        %parallel_loop3A_889 = arith.constant 1.000000e+00 : f32
        %parallel_loop3A_890 = vector.broadcast %parallel_loop3A_889 : f32 to vector<16xf32>
        %parallel_loop3A_891 = arith.subf %parallel_loop3A_890, %parallel_loop3A_888 : vector<16xf32>
        %parallel_loop3A_892 = arith.constant 0 : i32
        %parallel_loop3A_893 = arith.constant 1 : i32
        %parallel_loop3A_894 = arith.index_cast %parallel_loop3A_892 : i32 to index
        %parallel_loop3A_895 = arith.index_cast %parallel_loop3A_893 : i32 to index
        %parallel_loop3A_896 = arith.index_cast %parallel_loop3A_846 : i32 to index
        %parallel_loop3A_897 = tpu.vector_load %arg9[%parallel_loop3A_894, %parallel_loop3A_895, %parallel_loop3A_896] {strides = array<i32>} : memref<4x4x2048xf32, #tpu.memory_space<vmem>>, vector<1x1x16xf32>,
        %parallel_loop3A_898 = vector.shape_cast %parallel_loop3A_897 : vector<1x1x16xf32> to vector<16xf32>
        %parallel_loop3A_899 = arith.mulf %get3A_304, %parallel_loop3A_898 : vector<16xf32>
        %parallel_loop3A_900 = arith.constant 1.000000e+00 : f32
        %parallel_loop3A_901 = vector.broadcast %parallel_loop3A_900 : f32 to vector<16xf32>
        %parallel_loop3A_902 = arith.subf %parallel_loop3A_901, %parallel_loop3A_899 : vector<16xf32>
        %parallel_loop3A_903 = arith.mulf %parallel_loop3A_891, %parallel_loop3A_902 : vector<16xf32>
        %parallel_loop3A_904 = arith.constant 0 : i32
        %parallel_loop3A_905 = arith.constant 2 : i32
        %parallel_loop3A_906 = arith.index_cast %parallel_loop3A_904 : i32 to index
        %parallel_loop3A_907 = arith.index_cast %parallel_loop3A_905 : i32 to index
        %parallel_loop3A_908 = arith.index_cast %parallel_loop3A_846 : i32 to index
        %parallel_loop3A_909 = tpu.vector_load %arg9[%parallel_loop3A_906, %parallel_loop3A_907, %parallel_loop3A_908] {strides = array<i32>} : memref<4x4x2048xf32, #tpu.memory_space<vmem>>, vector<1x1x16xf32>,
        %parallel_loop3A_910 = vector.shape_cast %parallel_loop3A_909 : vector<1x1x16xf32> to vector<16xf32>
        %parallel_loop3A_911 = arith.mulf %get3A_310, %parallel_loop3A_910 : vector<16xf32>
        %parallel_loop3A_912 = arith.constant 1.000000e+00 : f32
        %parallel_loop3A_913 = vector.broadcast %parallel_loop3A_912 : f32 to vector<16xf32>
        %parallel_loop3A_914 = arith.subf %parallel_loop3A_913, %parallel_loop3A_911 : vector<16xf32>
        %parallel_loop3A_915 = arith.mulf %parallel_loop3A_903, %parallel_loop3A_914 : vector<16xf32>
        %parallel_loop3A_916 = arith.constant 0 : i32
        %parallel_loop3A_917 = arith.constant 3 : i32
        %parallel_loop3A_918 = arith.index_cast %parallel_loop3A_916 : i32 to index
        %parallel_loop3A_919 = arith.index_cast %parallel_loop3A_917 : i32 to index
        %parallel_loop3A_920 = arith.index_cast %parallel_loop3A_846 : i32 to index
        %parallel_loop3A_921 = tpu.vector_load %arg9[%parallel_loop3A_918, %parallel_loop3A_919, %parallel_loop3A_920] {strides = array<i32>} : memref<4x4x2048xf32, #tpu.memory_space<vmem>>, vector<1x1x16xf32>,
        %parallel_loop3A_922 = vector.shape_cast %parallel_loop3A_921 : vector<1x1x16xf32> to vector<16xf32>
        %parallel_loop3A_923 = arith.mulf %get3A_316, %parallel_loop3A_922 : vector<16xf32>
        %parallel_loop3A_924 = arith.constant 1.000000e+00 : f32
        %parallel_loop3A_925 = vector.broadcast %parallel_loop3A_924 : f32 to vector<16xf32>
        %parallel_loop3A_926 = arith.subf %parallel_loop3A_925, %parallel_loop3A_923 : vector<16xf32>
        %parallel_loop3A_927 = arith.mulf %parallel_loop3A_915, %parallel_loop3A_926 : vector<16xf32>
        %parallel_loop3A_928 = arith.mulf %parallel_loop3A_880, %parallel_loop3A_927 : vector<16xf32>
        %parallel_loop3A_929 = arith.constant 0.000000e+00 : f32
        %parallel_loop3A_930 = vector.broadcast %parallel_loop3A_929 : f32 to vector<16xf32>
        %parallel_loop3A_931 = arith.maximumf %parallel_loop3A_928, %parallel_loop3A_930 : vector<16xf32>
        %parallel_loop3A_932 = arith.constant 1.000000e+00 : f32
        %parallel_loop3A_933 = vector.broadcast %parallel_loop3A_932 : f32 to vector<16xf32>
        %parallel_loop3A_934 = arith.minimumf %parallel_loop3A_931, %parallel_loop3A_933 : vector<16xf32>
        %parallel_loop3A_935 = arith.constant 0 : i32
        %parallel_loop3A_936 = arith.index_cast %parallel_loop3A_935 : i32 to index
        %parallel_loop3A_937 = arith.index_cast %parallel_loop3A_846 : i32 to index
        %parallel_loop3A_938 = tpu.vector_load %arg11[%parallel_loop3A_936, %parallel_loop3A_937] {strides = array<i32>} : memref<4x2048xf32, #tpu.memory_space<vmem>>, vector<1x16xf32>,
        %parallel_loop3A_939 = vector.shape_cast %parallel_loop3A_938 : vector<1x16xf32> to vector<16xf32>
        %parallel_loop3A_940 = vector.shape_cast %parallel_loop3A_934 : vector<16xf32> to vector<1x16xf32>
        tpu.vector_store %arg11[%parallel_loop3A_936, %parallel_loop3A_937], %parallel_loop3A_940 {strides = array<i32>} : memref<4x2048xf32, #tpu.memory_space<vmem>>, vector<1x16xf32>,
      } {sc.loop_unroll_factor = 16 : i64, sc.parallel_access}
      %jit3A_319 = arith.constant 8 : i32
      %div3A_320 = arith.divsi %add3A_213, %jit3A_319 : i32
      %sign3A_321 = arith.constant 0 : i32
      %sign3A_322 = arith.cmpi sgt, %add3A_213, %sign3A_321 : i32
      %sign3A_323 = arith.extui %sign3A_322 : i1 to i32
      %sign3A_324 = arith.constant 0 : i32
      %sign3A_325 = arith.cmpi slt, %add3A_213, %sign3A_324 : i32
      %sign3A_326 = arith.extui %sign3A_325 : i1 to i32
      %sign3A_327 = arith.subi %sign3A_323, %sign3A_326 : i32
      %sign3A_328 = arith.constant 0 : i32
      %sign3A_329 = arith.cmpi sgt, %jit3A_319, %sign3A_328 : i32
      %sign3A_330 = arith.extui %sign3A_329 : i1 to i32
      %sign3A_331 = arith.constant 0 : i32
      %sign3A_332 = arith.cmpi slt, %jit3A_319, %sign3A_331 : i32
      %sign3A_333 = arith.extui %sign3A_332 : i1 to i32
      %sign3A_334 = arith.subi %sign3A_330, %sign3A_333 : i32
      %ne3A_335 = arith.cmpi ne, %sign3A_327, %sign3A_334 : i32
      %rem3A_336 = arith.remsi %add3A_213, %jit3A_319 : i32
      %ne3A_337 = arith.constant 0 : i32
      %ne3A_338 = arith.cmpi ne, %rem3A_336, %ne3A_337 : i32
      %and3A_339 = arith.andi %ne3A_335, %ne3A_338 : i1
      %sub3A_340 = arith.constant 1 : i32
      %sub3A_341 = arith.subi %div3A_320, %sub3A_340 : i32
      %select_n3A_342 = arith.select %and3A_339, %sub3A_341, %div3A_320 : i32
      %mul3A_343 = arith.constant 8 : i32
      %mul3A_344 = arith.muli %select_n3A_342, %mul3A_343 : i32
      %sub3A_345 = arith.subi %add3A_213, %mul3A_344 : i32
      %add3A_346 = arith.addi %mul3A_2, %select_n3A_342 : i32
      %mul3A_347 = arith.constant 2048 : i32
      %mul3A_348 = arith.muli %sub3A_345, %mul3A_347 : i32
      %dma_start3A_349 = arith.constant 0 : i32
      %dma_start3A_350 = arith.constant 0 : i32
      %dma_start3A_351 = tpu.memref_slice %arg11[%dma_start3A_349, %dma_start3A_350] : memref<4x2048xf32, #tpu.memory_space<vmem>> -> memref<1x2048xf32, #tpu.memory_space<vmem>>
      %dma_start3A_352 = tpu.memref_squeeze %dma_start3A_351 : memref<1x2048xf32, #tpu.memory_space<vmem>> -> memref<2048xf32, #tpu.memory_space<vmem>>
      %dma_start3A_353 = tpu.memref_slice %arg6[%add3A_346, %mul3A_348] : memref<1024x16384xf32, #tpu.memory_space<hbm>> -> memref<1x2048xf32, #tpu.memory_space<hbm>>
      %dma_start3A_354 = tpu.memref_squeeze %dma_start3A_353 : memref<1x2048xf32, #tpu.memory_space<hbm>> -> memref<2048xf32, #tpu.memory_space<hbm>>
      %dma_start3A_355 = tpu.memref_slice %arg6[%add3A_346, %mul3A_348] : memref<1024x16384xf32, #tpu.memory_space<hbm>> -> memref<1x2048xf32, #tpu.memory_space<hbm>>
      %dma_start3A_356 = tpu.memref_squeeze %dma_start3A_355 : memref<1x2048xf32, #tpu.memory_space<hbm>> -> memref<2048xf32, #tpu.memory_space<hbm>>
      %dma_start3A_357 = arith.constant 0 : i32
      %dma_start3A_358 = tpu.memref_slice %arg11[%dma_start3A_349, %dma_start3A_357] : memref<4x2048xf32, #tpu.memory_space<vmem>> -> memref<1x2048xf32, #tpu.memory_space<vmem>>
      %dma_start3A_359 = tpu.memref_squeeze %dma_start3A_358 : memref<1x2048xf32, #tpu.memory_space<vmem>> -> memref<2048xf32, #tpu.memory_space<vmem>>
      tpu.enqueue_dma source(%dma_start3A_359 : memref<2048xf32, #tpu.memory_space<vmem>>) target(%dma_start3A_356 : memref<2048xf32, #tpu.memory_space<hbm>>) target_semaphore(%arg16 : memref<!tpu.dma_semaphore, #tpu.memory_space<semaphore_mem>>)
      %add3A_360 = arith.constant 1 : i32
      %add3A_361 = arith.addi %mul3A_211, %add3A_360 : i32
      %add3A_362 = arith.constant 3 : i32
      %add3A_363 = arith.addi %add3A_361, %add3A_362 : i32
      %lt3A_364 = arith.constant 256 : i32
      %lt3A_365 = arith.cmpi slt, %add3A_363, %lt3A_364 : i32
      %convert_element_type3A_366 = arith.extui %lt3A_365 : i1 to i32
      %cond3A_367 = arith.constant 0 : i32
      %cond3A_368 = arith.cmpi ne, %convert_element_type3A_366, %cond3A_367 : i32
      scf.if %cond3A_368 {
        %add3A_846 = arith.constant 3 : i32
        %add3A_847 = arith.addi %add3A_361, %add3A_846 : i32
        %jit3A_848 = arith.constant 8 : i32
        %div3A_849 = arith.divsi %add3A_847, %jit3A_848 : i32
        %sign3A_850 = arith.constant 0 : i32
        %sign3A_851 = arith.cmpi sgt, %add3A_847, %sign3A_850 : i32
        %sign3A_852 = arith.extui %sign3A_851 : i1 to i32
        %sign3A_853 = arith.constant 0 : i32
        %sign3A_854 = arith.cmpi slt, %add3A_847, %sign3A_853 : i32
        %sign3A_855 = arith.extui %sign3A_854 : i1 to i32
        %sign3A_856 = arith.subi %sign3A_852, %sign3A_855 : i32
        %sign3A_857 = arith.constant 0 : i32
        %sign3A_858 = arith.cmpi sgt, %jit3A_848, %sign3A_857 : i32
        %sign3A_859 = arith.extui %sign3A_858 : i1 to i32
        %sign3A_860 = arith.constant 0 : i32
        %sign3A_861 = arith.cmpi slt, %jit3A_848, %sign3A_860 : i32
        %sign3A_862 = arith.extui %sign3A_861 : i1 to i32
        %sign3A_863 = arith.subi %sign3A_859, %sign3A_862 : i32
        %ne3A_864 = arith.cmpi ne, %sign3A_856, %sign3A_863 : i32
        %rem3A_865 = arith.remsi %add3A_847, %jit3A_848 : i32
        %ne3A_866 = arith.constant 0 : i32
        %ne3A_867 = arith.cmpi ne, %rem3A_865, %ne3A_866 : i32
        %and3A_868 = arith.andi %ne3A_864, %ne3A_867 : i1
        %sub3A_869 = arith.constant 1 : i32
        %sub3A_870 = arith.subi %div3A_849, %sub3A_869 : i32
        %select_n3A_871 = arith.select %and3A_868, %sub3A_870, %div3A_849 : i32
        %mul3A_872 = arith.constant 8 : i32
        %mul3A_873 = arith.muli %select_n3A_871, %mul3A_872 : i32
        %sub3A_874 = arith.subi %add3A_847, %mul3A_873 : i32
        %add3A_875 = arith.addi %mul3A_2, %select_n3A_871 : i32
        %mul3A_876 = arith.constant 2048 : i32
        %mul3A_877 = arith.muli %sub3A_874, %mul3A_876 : i32
        %dma_start3A_878 = arith.constant 0 : i32
        %dma_start3A_879 = arith.constant 0 : i32
        %dma_start3A_880 = arith.constant 0 : i32
        %dma_start3A_881 = tpu.memref_slice %arg8[%dma_start3A_878, %dma_start3A_879, %dma_start3A_880] : memref<4x2x2048xf32, #tpu.memory_space<vmem>> -> memref<1x2x2048xf32, #tpu.memory_space<vmem>>
        %dma_start3A_882 = tpu.memref_squeeze %dma_start3A_881 : memref<1x2x2048xf32, #tpu.memory_space<vmem>> -> memref<2x2048xf32, #tpu.memory_space<vmem>>
        %dma_start3A_883 = arith.constant 0 : i32
        %dma_start3A_884 = tpu.memref_slice %arg2[%add3A_875, %dma_start3A_883, %mul3A_877] : memref<1024x2x16384xf32, #tpu.memory_space<hbm>> -> memref<1x2x2048xf32, #tpu.memory_space<hbm>>
        %dma_start3A_885 = tpu.memref_squeeze %dma_start3A_884 : memref<1x2x2048xf32, #tpu.memory_space<hbm>> -> memref<2x2048xf32, #tpu.memory_space<hbm>>
        %dma_start3A_886 = arith.constant 0 : i32
        %dma_start3A_887 = arith.constant 0 : i32
        %dma_start3A_888 = tpu.memref_slice %arg8[%dma_start3A_878, %dma_start3A_886, %dma_start3A_887] : memref<4x2x2048xf32, #tpu.memory_space<vmem>> -> memref<1x2x2048xf32, #tpu.memory_space<vmem>>
        %dma_start3A_889 = tpu.memref_squeeze %dma_start3A_888 : memref<1x2x2048xf32, #tpu.memory_space<vmem>> -> memref<2x2048xf32, #tpu.memory_space<vmem>>
        %dma_start3A_890 = arith.constant 0 : i32
        %dma_start3A_891 = tpu.memref_slice %arg2[%add3A_875, %dma_start3A_890, %mul3A_877] : memref<1024x2x16384xf32, #tpu.memory_space<hbm>> -> memref<1x2x2048xf32, #tpu.memory_space<hbm>>
        %dma_start3A_892 = tpu.memref_squeeze %dma_start3A_891 : memref<1x2x2048xf32, #tpu.memory_space<hbm>> -> memref<2x2048xf32, #tpu.memory_space<hbm>>
        tpu.enqueue_dma source(%dma_start3A_892 : memref<2x2048xf32, #tpu.memory_space<hbm>>) target(%dma_start3A_889 : memref<2x2048xf32, #tpu.memory_space<vmem>>) target_semaphore(%arg12 : memref<!tpu.dma_semaphore, #tpu.memory_space<semaphore_mem>>)
        %dma_start3A_893 = arith.constant 0 : i32
        %dma_start3A_894 = arith.constant 0 : i32
        %dma_start3A_895 = arith.constant 0 : i32
        %dma_start3A_896 = tpu.memref_slice %arg9[%dma_start3A_893, %dma_start3A_894, %dma_start3A_895] : memref<4x4x2048xf32, #tpu.memory_space<vmem>> -> memref<1x4x2048xf32, #tpu.memory_space<vmem>>
        %dma_start3A_897 = tpu.memref_squeeze %dma_start3A_896 : memref<1x4x2048xf32, #tpu.memory_space<vmem>> -> memref<4x2048xf32, #tpu.memory_space<vmem>>
        %dma_start3A_898 = arith.constant 0 : i32
        %dma_start3A_899 = tpu.memref_slice %arg4[%add3A_875, %dma_start3A_898, %mul3A_877] : memref<1024x4x16384xf32, #tpu.memory_space<hbm>> -> memref<1x4x2048xf32, #tpu.memory_space<hbm>>
        %dma_start3A_900 = tpu.memref_squeeze %dma_start3A_899 : memref<1x4x2048xf32, #tpu.memory_space<hbm>> -> memref<4x2048xf32, #tpu.memory_space<hbm>>
        %dma_start3A_901 = arith.constant 0 : i32
        %dma_start3A_902 = arith.constant 0 : i32
        %dma_start3A_903 = tpu.memref_slice %arg9[%dma_start3A_893, %dma_start3A_901, %dma_start3A_902] : memref<4x4x2048xf32, #tpu.memory_space<vmem>> -> memref<1x4x2048xf32, #tpu.memory_space<vmem>>
        %dma_start3A_904 = tpu.memref_squeeze %dma_start3A_903 : memref<1x4x2048xf32, #tpu.memory_space<vmem>> -> memref<4x2048xf32, #tpu.memory_space<vmem>>
        %dma_start3A_905 = arith.constant 0 : i32
        %dma_start3A_906 = tpu.memref_slice %arg4[%add3A_875, %dma_start3A_905, %mul3A_877] : memref<1024x4x16384xf32, #tpu.memory_space<hbm>> -> memref<1x4x2048xf32, #tpu.memory_space<hbm>>
        %dma_start3A_907 = tpu.memref_squeeze %dma_start3A_906 : memref<1x4x2048xf32, #tpu.memory_space<hbm>> -> memref<4x2048xf32, #tpu.memory_space<hbm>>
        tpu.enqueue_dma source(%dma_start3A_907 : memref<4x2048xf32, #tpu.memory_space<hbm>>) target(%dma_start3A_904 : memref<4x2048xf32, #tpu.memory_space<vmem>>) target_semaphore(%arg12 : memref<!tpu.dma_semaphore, #tpu.memory_space<semaphore_mem>>)
        %dma_start3A_908 = arith.constant 0 : i32
        %dma_start3A_909 = arith.constant 0 : i32
        %dma_start3A_910 = tpu.memref_slice %arg10[%dma_start3A_908, %dma_start3A_909] : memref<4x2048xf32, #tpu.memory_space<vmem>> -> memref<1x2048xf32, #tpu.memory_space<vmem>>
        %dma_start3A_911 = tpu.memref_squeeze %dma_start3A_910 : memref<1x2048xf32, #tpu.memory_space<vmem>> -> memref<2048xf32, #tpu.memory_space<vmem>>
        %dma_start3A_912 = tpu.memref_slice %arg5[%add3A_875, %mul3A_877] : memref<1024x16384xf32, #tpu.memory_space<hbm>> -> memref<1x2048xf32, #tpu.memory_space<hbm>>
        %dma_start3A_913 = tpu.memref_squeeze %dma_start3A_912 : memref<1x2048xf32, #tpu.memory_space<hbm>> -> memref<2048xf32, #tpu.memory_space<hbm>>
        %dma_start3A_914 = arith.constant 0 : i32
        %dma_start3A_915 = tpu.memref_slice %arg10[%dma_start3A_908, %dma_start3A_914] : memref<4x2048xf32, #tpu.memory_space<vmem>> -> memref<1x2048xf32, #tpu.memory_space<vmem>>
        %dma_start3A_916 = tpu.memref_squeeze %dma_start3A_915 : memref<1x2048xf32, #tpu.memory_space<vmem>> -> memref<2048xf32, #tpu.memory_space<vmem>>
        %dma_start3A_917 = tpu.memref_slice %arg5[%add3A_875, %mul3A_877] : memref<1024x16384xf32, #tpu.memory_space<hbm>> -> memref<1x2048xf32, #tpu.memory_space<hbm>>
        %dma_start3A_918 = tpu.memref_squeeze %dma_start3A_917 : memref<1x2048xf32, #tpu.memory_space<hbm>> -> memref<2048xf32, #tpu.memory_space<hbm>>
        tpu.enqueue_dma source(%dma_start3A_918 : memref<2048xf32, #tpu.memory_space<hbm>>) target(%dma_start3A_916 : memref<2048xf32, #tpu.memory_space<vmem>>) target_semaphore(%arg12 : memref<!tpu.dma_semaphore, #tpu.memory_space<semaphore_mem>>)
      } else {
      }
      %ge3A_369 = arith.constant 4 : i32
      %ge3A_370 = arith.cmpi sge, %add3A_361, %ge3A_369 : i32
      %convert_element_type3A_371 = arith.extui %ge3A_370 : i1 to i32
      %cond3A_372 = arith.constant 0 : i32
      %cond3A_373 = arith.cmpi ne, %convert_element_type3A_371, %cond3A_372 : i32
      scf.if %cond3A_373 {
        %dma_wait3A_846 = arith.constant 1 : i32
        %dma_wait3A_847 = arith.constant 0 : i32
        %dma_wait3A_848 = arith.constant 0 : i32
        %dma_wait3A_849 = tpu.memref_slice %arg11[%dma_wait3A_846, %dma_wait3A_848] : memref<4x2048xf32, #tpu.memory_space<vmem>> -> memref<1x2048xf32, #tpu.memory_space<vmem>>
        %dma_wait3A_850 = tpu.memref_squeeze %dma_wait3A_849 : memref<1x2048xf32, #tpu.memory_space<vmem>> -> memref<2048xf32, #tpu.memory_space<vmem>>
        %dma_wait3A_851 = arith.constant 0 : i32
        %dma_wait3A_852 = tpu.memref_slice %arg6[%dma_wait3A_847, %dma_wait3A_851] : memref<1024x16384xf32, #tpu.memory_space<hbm>> -> memref<1x2048xf32, #tpu.memory_space<hbm>>
        %dma_wait3A_853 = tpu.memref_squeeze %dma_wait3A_852 : memref<1x2048xf32, #tpu.memory_space<hbm>> -> memref<2048xf32, #tpu.memory_space<hbm>>
        %dma_wait3A_854 = arith.constant 0 : i32
        %dma_wait3A_855 = tpu.memref_slice %arg6[%dma_wait3A_847, %dma_wait3A_854] : memref<1024x16384xf32, #tpu.memory_space<hbm>> -> memref<1x2048xf32, #tpu.memory_space<hbm>>
        %dma_wait3A_856 = tpu.memref_squeeze %dma_wait3A_855 : memref<1x2048xf32, #tpu.memory_space<hbm>> -> memref<2048xf32, #tpu.memory_space<hbm>>
        %dma_wait3A_857 = arith.constant 0 : i32
        %dma_wait3A_858 = tpu.memref_slice %arg11[%dma_wait3A_846, %dma_wait3A_857] : memref<4x2048xf32, #tpu.memory_space<vmem>> -> memref<1x2048xf32, #tpu.memory_space<vmem>>
        %dma_wait3A_859 = tpu.memref_squeeze %dma_wait3A_858 : memref<1x2048xf32, #tpu.memory_space<vmem>> -> memref<2048xf32, #tpu.memory_space<vmem>>
        tpu.wait_dma2 semaphore(%arg17 : memref<!tpu.dma_semaphore, #tpu.memory_space<semaphore_mem>>) src(%dma_wait3A_859 : memref<2048xf32, #tpu.memory_space<vmem>>) dst(%dma_wait3A_856 : memref<2048xf32, #tpu.memory_space<hbm>>)
      } else {
      }
      %dma_wait3A_374 = arith.constant 0 : i32
      %dma_wait3A_375 = arith.constant 1 : i32
      %dma_wait3A_376 = arith.constant 0 : i32
      %dma_wait3A_377 = arith.constant 0 : i32
      %dma_wait3A_378 = tpu.memref_slice %arg8[%dma_wait3A_375, %dma_wait3A_376, %dma_wait3A_377] : memref<4x2x2048xf32, #tpu.memory_space<vmem>> -> memref<1x2x2048xf32, #tpu.memory_space<vmem>>
      %dma_wait3A_379 = tpu.memref_squeeze %dma_wait3A_378 : memref<1x2x2048xf32, #tpu.memory_space<vmem>> -> memref<2x2048xf32, #tpu.memory_space<vmem>>
      %dma_wait3A_380 = arith.constant 0 : i32
      %dma_wait3A_381 = arith.constant 0 : i32
      %dma_wait3A_382 = tpu.memref_slice %arg2[%dma_wait3A_374, %dma_wait3A_380, %dma_wait3A_381] : memref<1024x2x16384xf32, #tpu.memory_space<hbm>> -> memref<1x2x2048xf32, #tpu.memory_space<hbm>>
      %dma_wait3A_383 = tpu.memref_squeeze %dma_wait3A_382 : memref<1x2x2048xf32, #tpu.memory_space<hbm>> -> memref<2x2048xf32, #tpu.memory_space<hbm>>
      %dma_wait3A_384 = arith.constant 0 : i32
      %dma_wait3A_385 = arith.constant 0 : i32
      %dma_wait3A_386 = tpu.memref_slice %arg8[%dma_wait3A_375, %dma_wait3A_384, %dma_wait3A_385] : memref<4x2x2048xf32, #tpu.memory_space<vmem>> -> memref<1x2x2048xf32, #tpu.memory_space<vmem>>
      %dma_wait3A_387 = tpu.memref_squeeze %dma_wait3A_386 : memref<1x2x2048xf32, #tpu.memory_space<vmem>> -> memref<2x2048xf32, #tpu.memory_space<vmem>>
      %dma_wait3A_388 = arith.constant 0 : i32
      %dma_wait3A_389 = arith.constant 0 : i32
      %dma_wait3A_390 = tpu.memref_slice %arg2[%dma_wait3A_374, %dma_wait3A_388, %dma_wait3A_389] : memref<1024x2x16384xf32, #tpu.memory_space<hbm>> -> memref<1x2x2048xf32, #tpu.memory_space<hbm>>
      %dma_wait3A_391 = tpu.memref_squeeze %dma_wait3A_390 : memref<1x2x2048xf32, #tpu.memory_space<hbm>> -> memref<2x2048xf32, #tpu.memory_space<hbm>>
      tpu.wait_dma2 semaphore(%arg13 : memref<!tpu.dma_semaphore, #tpu.memory_space<semaphore_mem>>) src(%dma_wait3A_391 : memref<2x2048xf32, #tpu.memory_space<hbm>>) dst(%dma_wait3A_387 : memref<2x2048xf32, #tpu.memory_space<vmem>>)
      %dma_wait3A_392 = arith.constant 0 : i32
      %dma_wait3A_393 = arith.constant 1 : i32
      %dma_wait3A_394 = arith.constant 0 : i32
      %dma_wait3A_395 = arith.constant 0 : i32
      %dma_wait3A_396 = tpu.memref_slice %arg9[%dma_wait3A_393, %dma_wait3A_394, %dma_wait3A_395] : memref<4x4x2048xf32, #tpu.memory_space<vmem>> -> memref<1x4x2048xf32, #tpu.memory_space<vmem>>
      %dma_wait3A_397 = tpu.memref_squeeze %dma_wait3A_396 : memref<1x4x2048xf32, #tpu.memory_space<vmem>> -> memref<4x2048xf32, #tpu.memory_space<vmem>>
      %dma_wait3A_398 = arith.constant 0 : i32
      %dma_wait3A_399 = arith.constant 0 : i32
      %dma_wait3A_400 = tpu.memref_slice %arg4[%dma_wait3A_392, %dma_wait3A_398, %dma_wait3A_399] : memref<1024x4x16384xf32, #tpu.memory_space<hbm>> -> memref<1x4x2048xf32, #tpu.memory_space<hbm>>
      %dma_wait3A_401 = tpu.memref_squeeze %dma_wait3A_400 : memref<1x4x2048xf32, #tpu.memory_space<hbm>> -> memref<4x2048xf32, #tpu.memory_space<hbm>>
      %dma_wait3A_402 = arith.constant 0 : i32
      %dma_wait3A_403 = arith.constant 0 : i32
      %dma_wait3A_404 = tpu.memref_slice %arg9[%dma_wait3A_393, %dma_wait3A_402, %dma_wait3A_403] : memref<4x4x2048xf32, #tpu.memory_space<vmem>> -> memref<1x4x2048xf32, #tpu.memory_space<vmem>>
      %dma_wait3A_405 = tpu.memref_squeeze %dma_wait3A_404 : memref<1x4x2048xf32, #tpu.memory_space<vmem>> -> memref<4x2048xf32, #tpu.memory_space<vmem>>
      %dma_wait3A_406 = arith.constant 0 : i32
      %dma_wait3A_407 = arith.constant 0 : i32
      %dma_wait3A_408 = tpu.memref_slice %arg4[%dma_wait3A_392, %dma_wait3A_406, %dma_wait3A_407] : memref<1024x4x16384xf32, #tpu.memory_space<hbm>> -> memref<1x4x2048xf32, #tpu.memory_space<hbm>>
      %dma_wait3A_409 = tpu.memref_squeeze %dma_wait3A_408 : memref<1x4x2048xf32, #tpu.memory_space<hbm>> -> memref<4x2048xf32, #tpu.memory_space<hbm>>
      tpu.wait_dma2 semaphore(%arg13 : memref<!tpu.dma_semaphore, #tpu.memory_space<semaphore_mem>>) src(%dma_wait3A_409 : memref<4x2048xf32, #tpu.memory_space<hbm>>) dst(%dma_wait3A_405 : memref<4x2048xf32, #tpu.memory_space<vmem>>)
      %dma_wait3A_410 = arith.constant 0 : i32
      %dma_wait3A_411 = arith.constant 1 : i32
      %dma_wait3A_412 = arith.constant 0 : i32
      %dma_wait3A_413 = tpu.memref_slice %arg10[%dma_wait3A_411, %dma_wait3A_412] : memref<4x2048xf32, #tpu.memory_space<vmem>> -> memref<1x2048xf32, #tpu.memory_space<vmem>>
      %dma_wait3A_414 = tpu.memref_squeeze %dma_wait3A_413 : memref<1x2048xf32, #tpu.memory_space<vmem>> -> memref<2048xf32, #tpu.memory_space<vmem>>
      %dma_wait3A_415 = arith.constant 0 : i32
      %dma_wait3A_416 = tpu.memref_slice %arg5[%dma_wait3A_410, %dma_wait3A_415] : memref<1024x16384xf32, #tpu.memory_space<hbm>> -> memref<1x2048xf32, #tpu.memory_space<hbm>>
      %dma_wait3A_417 = tpu.memref_squeeze %dma_wait3A_416 : memref<1x2048xf32, #tpu.memory_space<hbm>> -> memref<2048xf32, #tpu.memory_space<hbm>>
      %dma_wait3A_418 = arith.constant 0 : i32
      %dma_wait3A_419 = tpu.memref_slice %arg10[%dma_wait3A_411, %dma_wait3A_418] : memref<4x2048xf32, #tpu.memory_space<vmem>> -> memref<1x2048xf32, #tpu.memory_space<vmem>>
      %dma_wait3A_420 = tpu.memref_squeeze %dma_wait3A_419 : memref<1x2048xf32, #tpu.memory_space<vmem>> -> memref<2048xf32, #tpu.memory_space<vmem>>
      %dma_wait3A_421 = arith.constant 0 : i32
      %dma_wait3A_422 = tpu.memref_slice %arg5[%dma_wait3A_410, %dma_wait3A_421] : memref<1024x16384xf32, #tpu.memory_space<hbm>> -> memref<1x2048xf32, #tpu.memory_space<hbm>>
      %dma_wait3A_423 = tpu.memref_squeeze %dma_wait3A_422 : memref<1x2048xf32, #tpu.memory_space<hbm>> -> memref<2048xf32, #tpu.memory_space<hbm>>
      tpu.wait_dma2 semaphore(%arg13 : memref<!tpu.dma_semaphore, #tpu.memory_space<semaphore_mem>>) src(%dma_wait3A_423 : memref<2048xf32, #tpu.memory_space<hbm>>) dst(%dma_wait3A_420 : memref<2048xf32, #tpu.memory_space<vmem>>)
      %jit3A_424 = arith.constant 8 : i32
      %div3A_425 = arith.divsi %add3A_361, %jit3A_424 : i32
      %sign3A_426 = arith.constant 0 : i32
      %sign3A_427 = arith.cmpi sgt, %add3A_361, %sign3A_426 : i32
      %sign3A_428 = arith.extui %sign3A_427 : i1 to i32
      %sign3A_429 = arith.constant 0 : i32
      %sign3A_430 = arith.cmpi slt, %add3A_361, %sign3A_429 : i32
      %sign3A_431 = arith.extui %sign3A_430 : i1 to i32
      %sign3A_432 = arith.subi %sign3A_428, %sign3A_431 : i32
      %sign3A_433 = arith.constant 0 : i32
      %sign3A_434 = arith.cmpi sgt, %jit3A_424, %sign3A_433 : i32
      %sign3A_435 = arith.extui %sign3A_434 : i1 to i32
      %sign3A_436 = arith.constant 0 : i32
      %sign3A_437 = arith.cmpi slt, %jit3A_424, %sign3A_436 : i32
      %sign3A_438 = arith.extui %sign3A_437 : i1 to i32
      %sign3A_439 = arith.subi %sign3A_435, %sign3A_438 : i32
      %ne3A_440 = arith.cmpi ne, %sign3A_432, %sign3A_439 : i32
      %rem3A_441 = arith.remsi %add3A_361, %jit3A_424 : i32
      %ne3A_442 = arith.constant 0 : i32
      %ne3A_443 = arith.cmpi ne, %rem3A_441, %ne3A_442 : i32
      %and3A_444 = arith.andi %ne3A_440, %ne3A_443 : i1
      %sub3A_445 = arith.constant 1 : i32
      %sub3A_446 = arith.subi %div3A_425, %sub3A_445 : i32
      %select_n3A_447 = arith.select %and3A_444, %sub3A_446, %div3A_425 : i32
      %mul3A_448 = arith.constant 8 : i32
      %mul3A_449 = arith.muli %select_n3A_447, %mul3A_448 : i32
      %sub3A_450 = arith.subi %add3A_361, %mul3A_449 : i32
      %add3A_451 = arith.addi %mul3A_2, %select_n3A_447 : i32
      %mul3A_452 = arith.constant 2048 : i32
      %mul3A_453 = arith.muli %sub3A_450, %mul3A_452 : i32
      %get3A_454 = arith.constant 0 : i32
      %get3A_455 = arith.index_cast %select_n3A_447 : i32 to index
      %get3A_456 = arith.index_cast %get3A_454 : i32 to index
      %get3A_457 = arith.constant 0 : index
      %get3A_458 = tpu.vector_load %arg7[%get3A_455, %get3A_456, %get3A_457] {strides = array<i32>} : memref<32x4x16xf32, #tpu.memory_space<vmem>>, vector<1x1x16xf32>,
      %get3A_459 = vector.shape_cast %get3A_458 : vector<1x1x16xf32> to vector<16xf32>
      %get3A_460 = arith.constant 1 : i32
      %get3A_461 = arith.index_cast %select_n3A_447 : i32 to index
      %get3A_462 = arith.index_cast %get3A_460 : i32 to index
      %get3A_463 = arith.constant 0 : index
      %get3A_464 = tpu.vector_load %arg7[%get3A_461, %get3A_462, %get3A_463] {strides = array<i32>} : memref<32x4x16xf32, #tpu.memory_space<vmem>>, vector<1x1x16xf32>,
      %get3A_465 = vector.shape_cast %get3A_464 : vector<1x1x16xf32> to vector<16xf32>
      %get3A_466 = arith.constant 2 : i32
      %get3A_467 = arith.index_cast %select_n3A_447 : i32 to index
      %get3A_468 = arith.index_cast %get3A_466 : i32 to index
      %get3A_469 = arith.constant 0 : index
      %get3A_470 = tpu.vector_load %arg7[%get3A_467, %get3A_468, %get3A_469] {strides = array<i32>} : memref<32x4x16xf32, #tpu.memory_space<vmem>>, vector<1x1x16xf32>,
      %get3A_471 = vector.shape_cast %get3A_470 : vector<1x1x16xf32> to vector<16xf32>
      %get3A_472 = arith.constant 3 : i32
      %get3A_473 = arith.index_cast %select_n3A_447 : i32 to index
      %get3A_474 = arith.index_cast %get3A_472 : i32 to index
      %get3A_475 = arith.constant 0 : index
      %get3A_476 = tpu.vector_load %arg7[%get3A_473, %get3A_474, %get3A_475] {strides = array<i32>} : memref<32x4x16xf32, #tpu.memory_space<vmem>>, vector<1x1x16xf32>,
      %get3A_477 = vector.shape_cast %get3A_476 : vector<1x1x16xf32> to vector<16xf32>
      %parallel_loop3A_478 = arith.constant 0 : i32
      %parallel_loop3A_479 = arith.constant 2048 : i32
      %parallel_loop3A_480 = arith.constant 16 : i32
      scf.for %parallel_loop3A_846 = %parallel_loop3A_478 to %parallel_loop3A_479 step %parallel_loop3A_480  : i32 {
        %parallel_loop3A_847 = arith.constant 1 : i32
        %parallel_loop3A_848 = arith.constant 0 : i32
        %parallel_loop3A_849 = arith.index_cast %parallel_loop3A_847 : i32 to index
        %parallel_loop3A_850 = arith.index_cast %parallel_loop3A_848 : i32 to index
        %parallel_loop3A_851 = arith.index_cast %parallel_loop3A_846 : i32 to index
        %parallel_loop3A_852 = tpu.vector_load %arg8[%parallel_loop3A_849, %parallel_loop3A_850, %parallel_loop3A_851] {strides = array<i32>} : memref<4x2x2048xf32, #tpu.memory_space<vmem>>, vector<1x1x16xf32>,
        %parallel_loop3A_853 = vector.shape_cast %parallel_loop3A_852 : vector<1x1x16xf32> to vector<16xf32>
        %parallel_loop3A_854 = arith.constant 1 : i32
        %parallel_loop3A_855 = arith.constant 1 : i32
        %parallel_loop3A_856 = arith.index_cast %parallel_loop3A_854 : i32 to index
        %parallel_loop3A_857 = arith.index_cast %parallel_loop3A_855 : i32 to index
        %parallel_loop3A_858 = arith.index_cast %parallel_loop3A_846 : i32 to index
        %parallel_loop3A_859 = tpu.vector_load %arg8[%parallel_loop3A_856, %parallel_loop3A_857, %parallel_loop3A_858] {strides = array<i32>} : memref<4x2x2048xf32, #tpu.memory_space<vmem>>, vector<1x1x16xf32>,
        %parallel_loop3A_860 = vector.shape_cast %parallel_loop3A_859 : vector<1x1x16xf32> to vector<16xf32>
        %parallel_loop3A_861 = arith.constant 1.000000e+00 : f32
        %parallel_loop3A_862 = vector.broadcast %parallel_loop3A_861 : f32 to vector<16xf32>
        %parallel_loop3A_863 = arith.subf %parallel_loop3A_862, %parallel_loop3A_853 : vector<16xf32>
        %parallel_loop3A_864 = arith.constant 1.000000e+00 : f32
        %parallel_loop3A_865 = vector.broadcast %parallel_loop3A_864 : f32 to vector<16xf32>
        %parallel_loop3A_866 = arith.subf %parallel_loop3A_865, %parallel_loop3A_860 : vector<16xf32>
        %parallel_loop3A_867 = arith.mulf %parallel_loop3A_863, %parallel_loop3A_866 : vector<16xf32>
        %parallel_loop3A_868 = arith.constant 1.000000e+00 : f32
        %parallel_loop3A_869 = vector.broadcast %parallel_loop3A_868 : f32 to vector<16xf32>
        %parallel_loop3A_870 = arith.subf %parallel_loop3A_869, %parallel_loop3A_867 : vector<16xf32>
        %parallel_loop3A_871 = arith.constant 1 : i32
        %parallel_loop3A_872 = arith.index_cast %parallel_loop3A_871 : i32 to index
        %parallel_loop3A_873 = arith.index_cast %parallel_loop3A_846 : i32 to index
        %parallel_loop3A_874 = tpu.vector_load %arg10[%parallel_loop3A_872, %parallel_loop3A_873] {strides = array<i32>} : memref<4x2048xf32, #tpu.memory_space<vmem>>, vector<1x16xf32>,
        %parallel_loop3A_875 = vector.shape_cast %parallel_loop3A_874 : vector<1x16xf32> to vector<16xf32>
        %parallel_loop3A_876 = arith.constant 1.000000e+00 : f32
        %parallel_loop3A_877 = vector.broadcast %parallel_loop3A_876 : f32 to vector<16xf32>
        %parallel_loop3A_878 = arith.subf %parallel_loop3A_877, %parallel_loop3A_875 : vector<16xf32>
        %parallel_loop3A_879 = arith.mulf %parallel_loop3A_878, %parallel_loop3A_870 : vector<16xf32>
        %parallel_loop3A_880 = arith.addf %parallel_loop3A_875, %parallel_loop3A_879 : vector<16xf32>
        %parallel_loop3A_881 = arith.constant 1 : i32
        %parallel_loop3A_882 = arith.constant 0 : i32
        %parallel_loop3A_883 = arith.index_cast %parallel_loop3A_881 : i32 to index
        %parallel_loop3A_884 = arith.index_cast %parallel_loop3A_882 : i32 to index
        %parallel_loop3A_885 = arith.index_cast %parallel_loop3A_846 : i32 to index
        %parallel_loop3A_886 = tpu.vector_load %arg9[%parallel_loop3A_883, %parallel_loop3A_884, %parallel_loop3A_885] {strides = array<i32>} : memref<4x4x2048xf32, #tpu.memory_space<vmem>>, vector<1x1x16xf32>,
        %parallel_loop3A_887 = vector.shape_cast %parallel_loop3A_886 : vector<1x1x16xf32> to vector<16xf32>
        %parallel_loop3A_888 = arith.mulf %get3A_459, %parallel_loop3A_887 : vector<16xf32>
        %parallel_loop3A_889 = arith.constant 1.000000e+00 : f32
        %parallel_loop3A_890 = vector.broadcast %parallel_loop3A_889 : f32 to vector<16xf32>
        %parallel_loop3A_891 = arith.subf %parallel_loop3A_890, %parallel_loop3A_888 : vector<16xf32>
        %parallel_loop3A_892 = arith.constant 1 : i32
        %parallel_loop3A_893 = arith.constant 1 : i32
        %parallel_loop3A_894 = arith.index_cast %parallel_loop3A_892 : i32 to index
        %parallel_loop3A_895 = arith.index_cast %parallel_loop3A_893 : i32 to index
        %parallel_loop3A_896 = arith.index_cast %parallel_loop3A_846 : i32 to index
        %parallel_loop3A_897 = tpu.vector_load %arg9[%parallel_loop3A_894, %parallel_loop3A_895, %parallel_loop3A_896] {strides = array<i32>} : memref<4x4x2048xf32, #tpu.memory_space<vmem>>, vector<1x1x16xf32>,
        %parallel_loop3A_898 = vector.shape_cast %parallel_loop3A_897 : vector<1x1x16xf32> to vector<16xf32>
        %parallel_loop3A_899 = arith.mulf %get3A_465, %parallel_loop3A_898 : vector<16xf32>
        %parallel_loop3A_900 = arith.constant 1.000000e+00 : f32
        %parallel_loop3A_901 = vector.broadcast %parallel_loop3A_900 : f32 to vector<16xf32>
        %parallel_loop3A_902 = arith.subf %parallel_loop3A_901, %parallel_loop3A_899 : vector<16xf32>
        %parallel_loop3A_903 = arith.mulf %parallel_loop3A_891, %parallel_loop3A_902 : vector<16xf32>
        %parallel_loop3A_904 = arith.constant 1 : i32
        %parallel_loop3A_905 = arith.constant 2 : i32
        %parallel_loop3A_906 = arith.index_cast %parallel_loop3A_904 : i32 to index
        %parallel_loop3A_907 = arith.index_cast %parallel_loop3A_905 : i32 to index
        %parallel_loop3A_908 = arith.index_cast %parallel_loop3A_846 : i32 to index
        %parallel_loop3A_909 = tpu.vector_load %arg9[%parallel_loop3A_906, %parallel_loop3A_907, %parallel_loop3A_908] {strides = array<i32>} : memref<4x4x2048xf32, #tpu.memory_space<vmem>>, vector<1x1x16xf32>,
        %parallel_loop3A_910 = vector.shape_cast %parallel_loop3A_909 : vector<1x1x16xf32> to vector<16xf32>
        %parallel_loop3A_911 = arith.mulf %get3A_471, %parallel_loop3A_910 : vector<16xf32>
        %parallel_loop3A_912 = arith.constant 1.000000e+00 : f32
        %parallel_loop3A_913 = vector.broadcast %parallel_loop3A_912 : f32 to vector<16xf32>
        %parallel_loop3A_914 = arith.subf %parallel_loop3A_913, %parallel_loop3A_911 : vector<16xf32>
        %parallel_loop3A_915 = arith.mulf %parallel_loop3A_903, %parallel_loop3A_914 : vector<16xf32>
        %parallel_loop3A_916 = arith.constant 1 : i32
        %parallel_loop3A_917 = arith.constant 3 : i32
        %parallel_loop3A_918 = arith.index_cast %parallel_loop3A_916 : i32 to index
        %parallel_loop3A_919 = arith.index_cast %parallel_loop3A_917 : i32 to index
        %parallel_loop3A_920 = arith.index_cast %parallel_loop3A_846 : i32 to index
        %parallel_loop3A_921 = tpu.vector_load %arg9[%parallel_loop3A_918, %parallel_loop3A_919, %parallel_loop3A_920] {strides = array<i32>} : memref<4x4x2048xf32, #tpu.memory_space<vmem>>, vector<1x1x16xf32>,
        %parallel_loop3A_922 = vector.shape_cast %parallel_loop3A_921 : vector<1x1x16xf32> to vector<16xf32>
        %parallel_loop3A_923 = arith.mulf %get3A_477, %parallel_loop3A_922 : vector<16xf32>
        %parallel_loop3A_924 = arith.constant 1.000000e+00 : f32
        %parallel_loop3A_925 = vector.broadcast %parallel_loop3A_924 : f32 to vector<16xf32>
        %parallel_loop3A_926 = arith.subf %parallel_loop3A_925, %parallel_loop3A_923 : vector<16xf32>
        %parallel_loop3A_927 = arith.mulf %parallel_loop3A_915, %parallel_loop3A_926 : vector<16xf32>
        %parallel_loop3A_928 = arith.mulf %parallel_loop3A_880, %parallel_loop3A_927 : vector<16xf32>
        %parallel_loop3A_929 = arith.constant 0.000000e+00 : f32
        %parallel_loop3A_930 = vector.broadcast %parallel_loop3A_929 : f32 to vector<16xf32>
        %parallel_loop3A_931 = arith.maximumf %parallel_loop3A_928, %parallel_loop3A_930 : vector<16xf32>
        %parallel_loop3A_932 = arith.constant 1.000000e+00 : f32
        %parallel_loop3A_933 = vector.broadcast %parallel_loop3A_932 : f32 to vector<16xf32>
        %parallel_loop3A_934 = arith.minimumf %parallel_loop3A_931, %parallel_loop3A_933 : vector<16xf32>
        %parallel_loop3A_935 = arith.constant 1 : i32
        %parallel_loop3A_936 = arith.index_cast %parallel_loop3A_935 : i32 to index
        %parallel_loop3A_937 = arith.index_cast %parallel_loop3A_846 : i32 to index
        %parallel_loop3A_938 = tpu.vector_load %arg11[%parallel_loop3A_936, %parallel_loop3A_937] {strides = array<i32>} : memref<4x2048xf32, #tpu.memory_space<vmem>>, vector<1x16xf32>,
        %parallel_loop3A_939 = vector.shape_cast %parallel_loop3A_938 : vector<1x16xf32> to vector<16xf32>
        %parallel_loop3A_940 = vector.shape_cast %parallel_loop3A_934 : vector<16xf32> to vector<1x16xf32>
        tpu.vector_store %arg11[%parallel_loop3A_936, %parallel_loop3A_937], %parallel_loop3A_940 {strides = array<i32>} : memref<4x2048xf32, #tpu.memory_space<vmem>>, vector<1x16xf32>,
      } {sc.loop_unroll_factor = 16 : i64, sc.parallel_access}
      %jit3A_481 = arith.constant 8 : i32
      %div3A_482 = arith.divsi %add3A_361, %jit3A_481 : i32
      %sign3A_483 = arith.constant 0 : i32
      %sign3A_484 = arith.cmpi sgt, %add3A_361, %sign3A_483 : i32
      %sign3A_485 = arith.extui %sign3A_484 : i1 to i32
      %sign3A_486 = arith.constant 0 : i32
      %sign3A_487 = arith.cmpi slt, %add3A_361, %sign3A_486 : i32
      %sign3A_488 = arith.extui %sign3A_487 : i1 to i32
      %sign3A_489 = arith.subi %sign3A_485, %sign3A_488 : i32
      %sign3A_490 = arith.constant 0 : i32
      %sign3A_491 = arith.cmpi sgt, %jit3A_481, %sign3A_490 : i32
      %sign3A_492 = arith.extui %sign3A_491 : i1 to i32
      %sign3A_493 = arith.constant 0 : i32
      %sign3A_494 = arith.cmpi slt, %jit3A_481, %sign3A_493 : i32
      %sign3A_495 = arith.extui %sign3A_494 : i1 to i32
      %sign3A_496 = arith.subi %sign3A_492, %sign3A_495 : i32
      %ne3A_497 = arith.cmpi ne, %sign3A_489, %sign3A_496 : i32
      %rem3A_498 = arith.remsi %add3A_361, %jit3A_481 : i32
      %ne3A_499 = arith.constant 0 : i32
      %ne3A_500 = arith.cmpi ne, %rem3A_498, %ne3A_499 : i32
      %and3A_501 = arith.andi %ne3A_497, %ne3A_500 : i1
      %sub3A_502 = arith.constant 1 : i32
      %sub3A_503 = arith.subi %div3A_482, %sub3A_502 : i32
      %select_n3A_504 = arith.select %and3A_501, %sub3A_503, %div3A_482 : i32
      %mul3A_505 = arith.constant 8 : i32
      %mul3A_506 = arith.muli %select_n3A_504, %mul3A_505 : i32
      %sub3A_507 = arith.subi %add3A_361, %mul3A_506 : i32
      %add3A_508 = arith.addi %mul3A_2, %select_n3A_504 : i32
      %mul3A_509 = arith.constant 2048 : i32
      %mul3A_510 = arith.muli %sub3A_507, %mul3A_509 : i32
      %dma_start3A_511 = arith.constant 1 : i32
      %dma_start3A_512 = arith.constant 0 : i32
      %dma_start3A_513 = tpu.memref_slice %arg11[%dma_start3A_511, %dma_start3A_512] : memref<4x2048xf32, #tpu.memory_space<vmem>> -> memref<1x2048xf32, #tpu.memory_space<vmem>>
      %dma_start3A_514 = tpu.memref_squeeze %dma_start3A_513 : memref<1x2048xf32, #tpu.memory_space<vmem>> -> memref<2048xf32, #tpu.memory_space<vmem>>
      %dma_start3A_515 = tpu.memref_slice %arg6[%add3A_508, %mul3A_510] : memref<1024x16384xf32, #tpu.memory_space<hbm>> -> memref<1x2048xf32, #tpu.memory_space<hbm>>
      %dma_start3A_516 = tpu.memref_squeeze %dma_start3A_515 : memref<1x2048xf32, #tpu.memory_space<hbm>> -> memref<2048xf32, #tpu.memory_space<hbm>>
      %dma_start3A_517 = tpu.memref_slice %arg6[%add3A_508, %mul3A_510] : memref<1024x16384xf32, #tpu.memory_space<hbm>> -> memref<1x2048xf32, #tpu.memory_space<hbm>>
      %dma_start3A_518 = tpu.memref_squeeze %dma_start3A_517 : memref<1x2048xf32, #tpu.memory_space<hbm>> -> memref<2048xf32, #tpu.memory_space<hbm>>
      %dma_start3A_519 = arith.constant 0 : i32
      %dma_start3A_520 = tpu.memref_slice %arg11[%dma_start3A_511, %dma_start3A_519] : memref<4x2048xf32, #tpu.memory_space<vmem>> -> memref<1x2048xf32, #tpu.memory_space<vmem>>
      %dma_start3A_521 = tpu.memref_squeeze %dma_start3A_520 : memref<1x2048xf32, #tpu.memory_space<vmem>> -> memref<2048xf32, #tpu.memory_space<vmem>>
      tpu.enqueue_dma source(%dma_start3A_521 : memref<2048xf32, #tpu.memory_space<vmem>>) target(%dma_start3A_518 : memref<2048xf32, #tpu.memory_space<hbm>>) target_semaphore(%arg17 : memref<!tpu.dma_semaphore, #tpu.memory_space<semaphore_mem>>)
      %add3A_522 = arith.constant 2 : i32
      %add3A_523 = arith.addi %mul3A_211, %add3A_522 : i32
      %add3A_524 = arith.constant 3 : i32
      %add3A_525 = arith.addi %add3A_523, %add3A_524 : i32
      %lt3A_526 = arith.constant 256 : i32
      %lt3A_527 = arith.cmpi slt, %add3A_525, %lt3A_526 : i32
      %convert_element_type3A_528 = arith.extui %lt3A_527 : i1 to i32
      %cond3A_529 = arith.constant 0 : i32
      %cond3A_530 = arith.cmpi ne, %convert_element_type3A_528, %cond3A_529 : i32
      scf.if %cond3A_530 {
        %add3A_846 = arith.constant 3 : i32
        %add3A_847 = arith.addi %add3A_523, %add3A_846 : i32
        %jit3A_848 = arith.constant 8 : i32
        %div3A_849 = arith.divsi %add3A_847, %jit3A_848 : i32
        %sign3A_850 = arith.constant 0 : i32
        %sign3A_851 = arith.cmpi sgt, %add3A_847, %sign3A_850 : i32
        %sign3A_852 = arith.extui %sign3A_851 : i1 to i32
        %sign3A_853 = arith.constant 0 : i32
        %sign3A_854 = arith.cmpi slt, %add3A_847, %sign3A_853 : i32
        %sign3A_855 = arith.extui %sign3A_854 : i1 to i32
        %sign3A_856 = arith.subi %sign3A_852, %sign3A_855 : i32
        %sign3A_857 = arith.constant 0 : i32
        %sign3A_858 = arith.cmpi sgt, %jit3A_848, %sign3A_857 : i32
        %sign3A_859 = arith.extui %sign3A_858 : i1 to i32
        %sign3A_860 = arith.constant 0 : i32
        %sign3A_861 = arith.cmpi slt, %jit3A_848, %sign3A_860 : i32
        %sign3A_862 = arith.extui %sign3A_861 : i1 to i32
        %sign3A_863 = arith.subi %sign3A_859, %sign3A_862 : i32
        %ne3A_864 = arith.cmpi ne, %sign3A_856, %sign3A_863 : i32
        %rem3A_865 = arith.remsi %add3A_847, %jit3A_848 : i32
        %ne3A_866 = arith.constant 0 : i32
        %ne3A_867 = arith.cmpi ne, %rem3A_865, %ne3A_866 : i32
        %and3A_868 = arith.andi %ne3A_864, %ne3A_867 : i1
        %sub3A_869 = arith.constant 1 : i32
        %sub3A_870 = arith.subi %div3A_849, %sub3A_869 : i32
        %select_n3A_871 = arith.select %and3A_868, %sub3A_870, %div3A_849 : i32
        %mul3A_872 = arith.constant 8 : i32
        %mul3A_873 = arith.muli %select_n3A_871, %mul3A_872 : i32
        %sub3A_874 = arith.subi %add3A_847, %mul3A_873 : i32
        %add3A_875 = arith.addi %mul3A_2, %select_n3A_871 : i32
        %mul3A_876 = arith.constant 2048 : i32
        %mul3A_877 = arith.muli %sub3A_874, %mul3A_876 : i32
        %dma_start3A_878 = arith.constant 1 : i32
        %dma_start3A_879 = arith.constant 0 : i32
        %dma_start3A_880 = arith.constant 0 : i32
        %dma_start3A_881 = tpu.memref_slice %arg8[%dma_start3A_878, %dma_start3A_879, %dma_start3A_880] : memref<4x2x2048xf32, #tpu.memory_space<vmem>> -> memref<1x2x2048xf32, #tpu.memory_space<vmem>>
        %dma_start3A_882 = tpu.memref_squeeze %dma_start3A_881 : memref<1x2x2048xf32, #tpu.memory_space<vmem>> -> memref<2x2048xf32, #tpu.memory_space<vmem>>
        %dma_start3A_883 = arith.constant 0 : i32
        %dma_start3A_884 = tpu.memref_slice %arg2[%add3A_875, %dma_start3A_883, %mul3A_877] : memref<1024x2x16384xf32, #tpu.memory_space<hbm>> -> memref<1x2x2048xf32, #tpu.memory_space<hbm>>
        %dma_start3A_885 = tpu.memref_squeeze %dma_start3A_884 : memref<1x2x2048xf32, #tpu.memory_space<hbm>> -> memref<2x2048xf32, #tpu.memory_space<hbm>>
        %dma_start3A_886 = arith.constant 0 : i32
        %dma_start3A_887 = arith.constant 0 : i32
        %dma_start3A_888 = tpu.memref_slice %arg8[%dma_start3A_878, %dma_start3A_886, %dma_start3A_887] : memref<4x2x2048xf32, #tpu.memory_space<vmem>> -> memref<1x2x2048xf32, #tpu.memory_space<vmem>>
        %dma_start3A_889 = tpu.memref_squeeze %dma_start3A_888 : memref<1x2x2048xf32, #tpu.memory_space<vmem>> -> memref<2x2048xf32, #tpu.memory_space<vmem>>
        %dma_start3A_890 = arith.constant 0 : i32
        %dma_start3A_891 = tpu.memref_slice %arg2[%add3A_875, %dma_start3A_890, %mul3A_877] : memref<1024x2x16384xf32, #tpu.memory_space<hbm>> -> memref<1x2x2048xf32, #tpu.memory_space<hbm>>
        %dma_start3A_892 = tpu.memref_squeeze %dma_start3A_891 : memref<1x2x2048xf32, #tpu.memory_space<hbm>> -> memref<2x2048xf32, #tpu.memory_space<hbm>>
        tpu.enqueue_dma source(%dma_start3A_892 : memref<2x2048xf32, #tpu.memory_space<hbm>>) target(%dma_start3A_889 : memref<2x2048xf32, #tpu.memory_space<vmem>>) target_semaphore(%arg13 : memref<!tpu.dma_semaphore, #tpu.memory_space<semaphore_mem>>)
        %dma_start3A_893 = arith.constant 1 : i32
        %dma_start3A_894 = arith.constant 0 : i32
        %dma_start3A_895 = arith.constant 0 : i32
        %dma_start3A_896 = tpu.memref_slice %arg9[%dma_start3A_893, %dma_start3A_894, %dma_start3A_895] : memref<4x4x2048xf32, #tpu.memory_space<vmem>> -> memref<1x4x2048xf32, #tpu.memory_space<vmem>>
        %dma_start3A_897 = tpu.memref_squeeze %dma_start3A_896 : memref<1x4x2048xf32, #tpu.memory_space<vmem>> -> memref<4x2048xf32, #tpu.memory_space<vmem>>
        %dma_start3A_898 = arith.constant 0 : i32
        %dma_start3A_899 = tpu.memref_slice %arg4[%add3A_875, %dma_start3A_898, %mul3A_877] : memref<1024x4x16384xf32, #tpu.memory_space<hbm>> -> memref<1x4x2048xf32, #tpu.memory_space<hbm>>
        %dma_start3A_900 = tpu.memref_squeeze %dma_start3A_899 : memref<1x4x2048xf32, #tpu.memory_space<hbm>> -> memref<4x2048xf32, #tpu.memory_space<hbm>>
        %dma_start3A_901 = arith.constant 0 : i32
        %dma_start3A_902 = arith.constant 0 : i32
        %dma_start3A_903 = tpu.memref_slice %arg9[%dma_start3A_893, %dma_start3A_901, %dma_start3A_902] : memref<4x4x2048xf32, #tpu.memory_space<vmem>> -> memref<1x4x2048xf32, #tpu.memory_space<vmem>>
        %dma_start3A_904 = tpu.memref_squeeze %dma_start3A_903 : memref<1x4x2048xf32, #tpu.memory_space<vmem>> -> memref<4x2048xf32, #tpu.memory_space<vmem>>
        %dma_start3A_905 = arith.constant 0 : i32
        %dma_start3A_906 = tpu.memref_slice %arg4[%add3A_875, %dma_start3A_905, %mul3A_877] : memref<1024x4x16384xf32, #tpu.memory_space<hbm>> -> memref<1x4x2048xf32, #tpu.memory_space<hbm>>
        %dma_start3A_907 = tpu.memref_squeeze %dma_start3A_906 : memref<1x4x2048xf32, #tpu.memory_space<hbm>> -> memref<4x2048xf32, #tpu.memory_space<hbm>>
        tpu.enqueue_dma source(%dma_start3A_907 : memref<4x2048xf32, #tpu.memory_space<hbm>>) target(%dma_start3A_904 : memref<4x2048xf32, #tpu.memory_space<vmem>>) target_semaphore(%arg13 : memref<!tpu.dma_semaphore, #tpu.memory_space<semaphore_mem>>)
        %dma_start3A_908 = arith.constant 1 : i32
        %dma_start3A_909 = arith.constant 0 : i32
        %dma_start3A_910 = tpu.memref_slice %arg10[%dma_start3A_908, %dma_start3A_909] : memref<4x2048xf32, #tpu.memory_space<vmem>> -> memref<1x2048xf32, #tpu.memory_space<vmem>>
        %dma_start3A_911 = tpu.memref_squeeze %dma_start3A_910 : memref<1x2048xf32, #tpu.memory_space<vmem>> -> memref<2048xf32, #tpu.memory_space<vmem>>
        %dma_start3A_912 = tpu.memref_slice %arg5[%add3A_875, %mul3A_877] : memref<1024x16384xf32, #tpu.memory_space<hbm>> -> memref<1x2048xf32, #tpu.memory_space<hbm>>
        %dma_start3A_913 = tpu.memref_squeeze %dma_start3A_912 : memref<1x2048xf32, #tpu.memory_space<hbm>> -> memref<2048xf32, #tpu.memory_space<hbm>>
        %dma_start3A_914 = arith.constant 0 : i32
        %dma_start3A_915 = tpu.memref_slice %arg10[%dma_start3A_908, %dma_start3A_914] : memref<4x2048xf32, #tpu.memory_space<vmem>> -> memref<1x2048xf32, #tpu.memory_space<vmem>>
        %dma_start3A_916 = tpu.memref_squeeze %dma_start3A_915 : memref<1x2048xf32, #tpu.memory_space<vmem>> -> memref<2048xf32, #tpu.memory_space<vmem>>
        %dma_start3A_917 = tpu.memref_slice %arg5[%add3A_875, %mul3A_877] : memref<1024x16384xf32, #tpu.memory_space<hbm>> -> memref<1x2048xf32, #tpu.memory_space<hbm>>
        %dma_start3A_918 = tpu.memref_squeeze %dma_start3A_917 : memref<1x2048xf32, #tpu.memory_space<hbm>> -> memref<2048xf32, #tpu.memory_space<hbm>>
        tpu.enqueue_dma source(%dma_start3A_918 : memref<2048xf32, #tpu.memory_space<hbm>>) target(%dma_start3A_916 : memref<2048xf32, #tpu.memory_space<vmem>>) target_semaphore(%arg13 : memref<!tpu.dma_semaphore, #tpu.memory_space<semaphore_mem>>)
      } else {
      }
      %ge3A_531 = arith.constant 4 : i32
      %ge3A_532 = arith.cmpi sge, %add3A_523, %ge3A_531 : i32
      %convert_element_type3A_533 = arith.extui %ge3A_532 : i1 to i32
      %cond3A_534 = arith.constant 0 : i32
      %cond3A_535 = arith.cmpi ne, %convert_element_type3A_533, %cond3A_534 : i32
      scf.if %cond3A_535 {
        %dma_wait3A_846 = arith.constant 2 : i32
        %dma_wait3A_847 = arith.constant 0 : i32
        %dma_wait3A_848 = arith.constant 0 : i32
        %dma_wait3A_849 = tpu.memref_slice %arg11[%dma_wait3A_846, %dma_wait3A_848] : memref<4x2048xf32, #tpu.memory_space<vmem>> -> memref<1x2048xf32, #tpu.memory_space<vmem>>
        %dma_wait3A_850 = tpu.memref_squeeze %dma_wait3A_849 : memref<1x2048xf32, #tpu.memory_space<vmem>> -> memref<2048xf32, #tpu.memory_space<vmem>>
        %dma_wait3A_851 = arith.constant 0 : i32
        %dma_wait3A_852 = tpu.memref_slice %arg6[%dma_wait3A_847, %dma_wait3A_851] : memref<1024x16384xf32, #tpu.memory_space<hbm>> -> memref<1x2048xf32, #tpu.memory_space<hbm>>
        %dma_wait3A_853 = tpu.memref_squeeze %dma_wait3A_852 : memref<1x2048xf32, #tpu.memory_space<hbm>> -> memref<2048xf32, #tpu.memory_space<hbm>>
        %dma_wait3A_854 = arith.constant 0 : i32
        %dma_wait3A_855 = tpu.memref_slice %arg6[%dma_wait3A_847, %dma_wait3A_854] : memref<1024x16384xf32, #tpu.memory_space<hbm>> -> memref<1x2048xf32, #tpu.memory_space<hbm>>
        %dma_wait3A_856 = tpu.memref_squeeze %dma_wait3A_855 : memref<1x2048xf32, #tpu.memory_space<hbm>> -> memref<2048xf32, #tpu.memory_space<hbm>>
        %dma_wait3A_857 = arith.constant 0 : i32
        %dma_wait3A_858 = tpu.memref_slice %arg11[%dma_wait3A_846, %dma_wait3A_857] : memref<4x2048xf32, #tpu.memory_space<vmem>> -> memref<1x2048xf32, #tpu.memory_space<vmem>>
        %dma_wait3A_859 = tpu.memref_squeeze %dma_wait3A_858 : memref<1x2048xf32, #tpu.memory_space<vmem>> -> memref<2048xf32, #tpu.memory_space<vmem>>
        tpu.wait_dma2 semaphore(%arg18 : memref<!tpu.dma_semaphore, #tpu.memory_space<semaphore_mem>>) src(%dma_wait3A_859 : memref<2048xf32, #tpu.memory_space<vmem>>) dst(%dma_wait3A_856 : memref<2048xf32, #tpu.memory_space<hbm>>)
      } else {
      }
      %dma_wait3A_536 = arith.constant 0 : i32
      %dma_wait3A_537 = arith.constant 2 : i32
      %dma_wait3A_538 = arith.constant 0 : i32
      %dma_wait3A_539 = arith.constant 0 : i32
      %dma_wait3A_540 = tpu.memref_slice %arg8[%dma_wait3A_537, %dma_wait3A_538, %dma_wait3A_539] : memref<4x2x2048xf32, #tpu.memory_space<vmem>> -> memref<1x2x2048xf32, #tpu.memory_space<vmem>>
      %dma_wait3A_541 = tpu.memref_squeeze %dma_wait3A_540 : memref<1x2x2048xf32, #tpu.memory_space<vmem>> -> memref<2x2048xf32, #tpu.memory_space<vmem>>
      %dma_wait3A_542 = arith.constant 0 : i32
      %dma_wait3A_543 = arith.constant 0 : i32
      %dma_wait3A_544 = tpu.memref_slice %arg2[%dma_wait3A_536, %dma_wait3A_542, %dma_wait3A_543] : memref<1024x2x16384xf32, #tpu.memory_space<hbm>> -> memref<1x2x2048xf32, #tpu.memory_space<hbm>>
      %dma_wait3A_545 = tpu.memref_squeeze %dma_wait3A_544 : memref<1x2x2048xf32, #tpu.memory_space<hbm>> -> memref<2x2048xf32, #tpu.memory_space<hbm>>
      %dma_wait3A_546 = arith.constant 0 : i32
      %dma_wait3A_547 = arith.constant 0 : i32
      %dma_wait3A_548 = tpu.memref_slice %arg8[%dma_wait3A_537, %dma_wait3A_546, %dma_wait3A_547] : memref<4x2x2048xf32, #tpu.memory_space<vmem>> -> memref<1x2x2048xf32, #tpu.memory_space<vmem>>
      %dma_wait3A_549 = tpu.memref_squeeze %dma_wait3A_548 : memref<1x2x2048xf32, #tpu.memory_space<vmem>> -> memref<2x2048xf32, #tpu.memory_space<vmem>>
      %dma_wait3A_550 = arith.constant 0 : i32
      %dma_wait3A_551 = arith.constant 0 : i32
      %dma_wait3A_552 = tpu.memref_slice %arg2[%dma_wait3A_536, %dma_wait3A_550, %dma_wait3A_551] : memref<1024x2x16384xf32, #tpu.memory_space<hbm>> -> memref<1x2x2048xf32, #tpu.memory_space<hbm>>
      %dma_wait3A_553 = tpu.memref_squeeze %dma_wait3A_552 : memref<1x2x2048xf32, #tpu.memory_space<hbm>> -> memref<2x2048xf32, #tpu.memory_space<hbm>>
      tpu.wait_dma2 semaphore(%arg14 : memref<!tpu.dma_semaphore, #tpu.memory_space<semaphore_mem>>) src(%dma_wait3A_553 : memref<2x2048xf32, #tpu.memory_space<hbm>>) dst(%dma_wait3A_549 : memref<2x2048xf32, #tpu.memory_space<vmem>>)
      %dma_wait3A_554 = arith.constant 0 : i32
      %dma_wait3A_555 = arith.constant 2 : i32
      %dma_wait3A_556 = arith.constant 0 : i32
      %dma_wait3A_557 = arith.constant 0 : i32
      %dma_wait3A_558 = tpu.memref_slice %arg9[%dma_wait3A_555, %dma_wait3A_556, %dma_wait3A_557] : memref<4x4x2048xf32, #tpu.memory_space<vmem>> -> memref<1x4x2048xf32, #tpu.memory_space<vmem>>
      %dma_wait3A_559 = tpu.memref_squeeze %dma_wait3A_558 : memref<1x4x2048xf32, #tpu.memory_space<vmem>> -> memref<4x2048xf32, #tpu.memory_space<vmem>>
      %dma_wait3A_560 = arith.constant 0 : i32
      %dma_wait3A_561 = arith.constant 0 : i32
      %dma_wait3A_562 = tpu.memref_slice %arg4[%dma_wait3A_554, %dma_wait3A_560, %dma_wait3A_561] : memref<1024x4x16384xf32, #tpu.memory_space<hbm>> -> memref<1x4x2048xf32, #tpu.memory_space<hbm>>
      %dma_wait3A_563 = tpu.memref_squeeze %dma_wait3A_562 : memref<1x4x2048xf32, #tpu.memory_space<hbm>> -> memref<4x2048xf32, #tpu.memory_space<hbm>>
      %dma_wait3A_564 = arith.constant 0 : i32
      %dma_wait3A_565 = arith.constant 0 : i32
      %dma_wait3A_566 = tpu.memref_slice %arg9[%dma_wait3A_555, %dma_wait3A_564, %dma_wait3A_565] : memref<4x4x2048xf32, #tpu.memory_space<vmem>> -> memref<1x4x2048xf32, #tpu.memory_space<vmem>>
      %dma_wait3A_567 = tpu.memref_squeeze %dma_wait3A_566 : memref<1x4x2048xf32, #tpu.memory_space<vmem>> -> memref<4x2048xf32, #tpu.memory_space<vmem>>
      %dma_wait3A_568 = arith.constant 0 : i32
      %dma_wait3A_569 = arith.constant 0 : i32
      %dma_wait3A_570 = tpu.memref_slice %arg4[%dma_wait3A_554, %dma_wait3A_568, %dma_wait3A_569] : memref<1024x4x16384xf32, #tpu.memory_space<hbm>> -> memref<1x4x2048xf32, #tpu.memory_space<hbm>>
      %dma_wait3A_571 = tpu.memref_squeeze %dma_wait3A_570 : memref<1x4x2048xf32, #tpu.memory_space<hbm>> -> memref<4x2048xf32, #tpu.memory_space<hbm>>
      tpu.wait_dma2 semaphore(%arg14 : memref<!tpu.dma_semaphore, #tpu.memory_space<semaphore_mem>>) src(%dma_wait3A_571 : memref<4x2048xf32, #tpu.memory_space<hbm>>) dst(%dma_wait3A_567 : memref<4x2048xf32, #tpu.memory_space<vmem>>)
      %dma_wait3A_572 = arith.constant 0 : i32
      %dma_wait3A_573 = arith.constant 2 : i32
      %dma_wait3A_574 = arith.constant 0 : i32
      %dma_wait3A_575 = tpu.memref_slice %arg10[%dma_wait3A_573, %dma_wait3A_574] : memref<4x2048xf32, #tpu.memory_space<vmem>> -> memref<1x2048xf32, #tpu.memory_space<vmem>>
      %dma_wait3A_576 = tpu.memref_squeeze %dma_wait3A_575 : memref<1x2048xf32, #tpu.memory_space<vmem>> -> memref<2048xf32, #tpu.memory_space<vmem>>
      %dma_wait3A_577 = arith.constant 0 : i32
      %dma_wait3A_578 = tpu.memref_slice %arg5[%dma_wait3A_572, %dma_wait3A_577] : memref<1024x16384xf32, #tpu.memory_space<hbm>> -> memref<1x2048xf32, #tpu.memory_space<hbm>>
      %dma_wait3A_579 = tpu.memref_squeeze %dma_wait3A_578 : memref<1x2048xf32, #tpu.memory_space<hbm>> -> memref<2048xf32, #tpu.memory_space<hbm>>
      %dma_wait3A_580 = arith.constant 0 : i32
      %dma_wait3A_581 = tpu.memref_slice %arg10[%dma_wait3A_573, %dma_wait3A_580] : memref<4x2048xf32, #tpu.memory_space<vmem>> -> memref<1x2048xf32, #tpu.memory_space<vmem>>
      %dma_wait3A_582 = tpu.memref_squeeze %dma_wait3A_581 : memref<1x2048xf32, #tpu.memory_space<vmem>> -> memref<2048xf32, #tpu.memory_space<vmem>>
      %dma_wait3A_583 = arith.constant 0 : i32
      %dma_wait3A_584 = tpu.memref_slice %arg5[%dma_wait3A_572, %dma_wait3A_583] : memref<1024x16384xf32, #tpu.memory_space<hbm>> -> memref<1x2048xf32, #tpu.memory_space<hbm>>
      %dma_wait3A_585 = tpu.memref_squeeze %dma_wait3A_584 : memref<1x2048xf32, #tpu.memory_space<hbm>> -> memref<2048xf32, #tpu.memory_space<hbm>>
      tpu.wait_dma2 semaphore(%arg14 : memref<!tpu.dma_semaphore, #tpu.memory_space<semaphore_mem>>) src(%dma_wait3A_585 : memref<2048xf32, #tpu.memory_space<hbm>>) dst(%dma_wait3A_582 : memref<2048xf32, #tpu.memory_space<vmem>>)
      %jit3A_586 = arith.constant 8 : i32
      %div3A_587 = arith.divsi %add3A_523, %jit3A_586 : i32
      %sign3A_588 = arith.constant 0 : i32
      %sign3A_589 = arith.cmpi sgt, %add3A_523, %sign3A_588 : i32
      %sign3A_590 = arith.extui %sign3A_589 : i1 to i32
      %sign3A_591 = arith.constant 0 : i32
      %sign3A_592 = arith.cmpi slt, %add3A_523, %sign3A_591 : i32
      %sign3A_593 = arith.extui %sign3A_592 : i1 to i32
      %sign3A_594 = arith.subi %sign3A_590, %sign3A_593 : i32
      %sign3A_595 = arith.constant 0 : i32
      %sign3A_596 = arith.cmpi sgt, %jit3A_586, %sign3A_595 : i32
      %sign3A_597 = arith.extui %sign3A_596 : i1 to i32
      %sign3A_598 = arith.constant 0 : i32
      %sign3A_599 = arith.cmpi slt, %jit3A_586, %sign3A_598 : i32
      %sign3A_600 = arith.extui %sign3A_599 : i1 to i32
      %sign3A_601 = arith.subi %sign3A_597, %sign3A_600 : i32
      %ne3A_602 = arith.cmpi ne, %sign3A_594, %sign3A_601 : i32
      %rem3A_603 = arith.remsi %add3A_523, %jit3A_586 : i32
      %ne3A_604 = arith.constant 0 : i32
      %ne3A_605 = arith.cmpi ne, %rem3A_603, %ne3A_604 : i32
      %and3A_606 = arith.andi %ne3A_602, %ne3A_605 : i1
      %sub3A_607 = arith.constant 1 : i32
      %sub3A_608 = arith.subi %div3A_587, %sub3A_607 : i32
      %select_n3A_609 = arith.select %and3A_606, %sub3A_608, %div3A_587 : i32
      %mul3A_610 = arith.constant 8 : i32
      %mul3A_611 = arith.muli %select_n3A_609, %mul3A_610 : i32
      %sub3A_612 = arith.subi %add3A_523, %mul3A_611 : i32
      %add3A_613 = arith.addi %mul3A_2, %select_n3A_609 : i32
      %mul3A_614 = arith.constant 2048 : i32
      %mul3A_615 = arith.muli %sub3A_612, %mul3A_614 : i32
      %get3A_616 = arith.constant 0 : i32
      %get3A_617 = arith.index_cast %select_n3A_609 : i32 to index
      %get3A_618 = arith.index_cast %get3A_616 : i32 to index
      %get3A_619 = arith.constant 0 : index
      %get3A_620 = tpu.vector_load %arg7[%get3A_617, %get3A_618, %get3A_619] {strides = array<i32>} : memref<32x4x16xf32, #tpu.memory_space<vmem>>, vector<1x1x16xf32>,
      %get3A_621 = vector.shape_cast %get3A_620 : vector<1x1x16xf32> to vector<16xf32>
      %get3A_622 = arith.constant 1 : i32
      %get3A_623 = arith.index_cast %select_n3A_609 : i32 to index
      %get3A_624 = arith.index_cast %get3A_622 : i32 to index
      %get3A_625 = arith.constant 0 : index
      %get3A_626 = tpu.vector_load %arg7[%get3A_623, %get3A_624, %get3A_625] {strides = array<i32>} : memref<32x4x16xf32, #tpu.memory_space<vmem>>, vector<1x1x16xf32>,
      %get3A_627 = vector.shape_cast %get3A_626 : vector<1x1x16xf32> to vector<16xf32>
      %get3A_628 = arith.constant 2 : i32
      %get3A_629 = arith.index_cast %select_n3A_609 : i32 to index
      %get3A_630 = arith.index_cast %get3A_628 : i32 to index
      %get3A_631 = arith.constant 0 : index
      %get3A_632 = tpu.vector_load %arg7[%get3A_629, %get3A_630, %get3A_631] {strides = array<i32>} : memref<32x4x16xf32, #tpu.memory_space<vmem>>, vector<1x1x16xf32>,
      %get3A_633 = vector.shape_cast %get3A_632 : vector<1x1x16xf32> to vector<16xf32>
      %get3A_634 = arith.constant 3 : i32
      %get3A_635 = arith.index_cast %select_n3A_609 : i32 to index
      %get3A_636 = arith.index_cast %get3A_634 : i32 to index
      %get3A_637 = arith.constant 0 : index
      %get3A_638 = tpu.vector_load %arg7[%get3A_635, %get3A_636, %get3A_637] {strides = array<i32>} : memref<32x4x16xf32, #tpu.memory_space<vmem>>, vector<1x1x16xf32>,
      %get3A_639 = vector.shape_cast %get3A_638 : vector<1x1x16xf32> to vector<16xf32>
      %parallel_loop3A_640 = arith.constant 0 : i32
      %parallel_loop3A_641 = arith.constant 2048 : i32
      %parallel_loop3A_642 = arith.constant 16 : i32
      scf.for %parallel_loop3A_846 = %parallel_loop3A_640 to %parallel_loop3A_641 step %parallel_loop3A_642  : i32 {
        %parallel_loop3A_847 = arith.constant 2 : i32
        %parallel_loop3A_848 = arith.constant 0 : i32
        %parallel_loop3A_849 = arith.index_cast %parallel_loop3A_847 : i32 to index
        %parallel_loop3A_850 = arith.index_cast %parallel_loop3A_848 : i32 to index
        %parallel_loop3A_851 = arith.index_cast %parallel_loop3A_846 : i32 to index
        %parallel_loop3A_852 = tpu.vector_load %arg8[%parallel_loop3A_849, %parallel_loop3A_850, %parallel_loop3A_851] {strides = array<i32>} : memref<4x2x2048xf32, #tpu.memory_space<vmem>>, vector<1x1x16xf32>,
        %parallel_loop3A_853 = vector.shape_cast %parallel_loop3A_852 : vector<1x1x16xf32> to vector<16xf32>
        %parallel_loop3A_854 = arith.constant 2 : i32
        %parallel_loop3A_855 = arith.constant 1 : i32
        %parallel_loop3A_856 = arith.index_cast %parallel_loop3A_854 : i32 to index
        %parallel_loop3A_857 = arith.index_cast %parallel_loop3A_855 : i32 to index
        %parallel_loop3A_858 = arith.index_cast %parallel_loop3A_846 : i32 to index
        %parallel_loop3A_859 = tpu.vector_load %arg8[%parallel_loop3A_856, %parallel_loop3A_857, %parallel_loop3A_858] {strides = array<i32>} : memref<4x2x2048xf32, #tpu.memory_space<vmem>>, vector<1x1x16xf32>,
        %parallel_loop3A_860 = vector.shape_cast %parallel_loop3A_859 : vector<1x1x16xf32> to vector<16xf32>
        %parallel_loop3A_861 = arith.constant 1.000000e+00 : f32
        %parallel_loop3A_862 = vector.broadcast %parallel_loop3A_861 : f32 to vector<16xf32>
        %parallel_loop3A_863 = arith.subf %parallel_loop3A_862, %parallel_loop3A_853 : vector<16xf32>
        %parallel_loop3A_864 = arith.constant 1.000000e+00 : f32
        %parallel_loop3A_865 = vector.broadcast %parallel_loop3A_864 : f32 to vector<16xf32>
        %parallel_loop3A_866 = arith.subf %parallel_loop3A_865, %parallel_loop3A_860 : vector<16xf32>
        %parallel_loop3A_867 = arith.mulf %parallel_loop3A_863, %parallel_loop3A_866 : vector<16xf32>
        %parallel_loop3A_868 = arith.constant 1.000000e+00 : f32
        %parallel_loop3A_869 = vector.broadcast %parallel_loop3A_868 : f32 to vector<16xf32>
        %parallel_loop3A_870 = arith.subf %parallel_loop3A_869, %parallel_loop3A_867 : vector<16xf32>
        %parallel_loop3A_871 = arith.constant 2 : i32
        %parallel_loop3A_872 = arith.index_cast %parallel_loop3A_871 : i32 to index
        %parallel_loop3A_873 = arith.index_cast %parallel_loop3A_846 : i32 to index
        %parallel_loop3A_874 = tpu.vector_load %arg10[%parallel_loop3A_872, %parallel_loop3A_873] {strides = array<i32>} : memref<4x2048xf32, #tpu.memory_space<vmem>>, vector<1x16xf32>,
        %parallel_loop3A_875 = vector.shape_cast %parallel_loop3A_874 : vector<1x16xf32> to vector<16xf32>
        %parallel_loop3A_876 = arith.constant 1.000000e+00 : f32
        %parallel_loop3A_877 = vector.broadcast %parallel_loop3A_876 : f32 to vector<16xf32>
        %parallel_loop3A_878 = arith.subf %parallel_loop3A_877, %parallel_loop3A_875 : vector<16xf32>
        %parallel_loop3A_879 = arith.mulf %parallel_loop3A_878, %parallel_loop3A_870 : vector<16xf32>
        %parallel_loop3A_880 = arith.addf %parallel_loop3A_875, %parallel_loop3A_879 : vector<16xf32>
        %parallel_loop3A_881 = arith.constant 2 : i32
        %parallel_loop3A_882 = arith.constant 0 : i32
        %parallel_loop3A_883 = arith.index_cast %parallel_loop3A_881 : i32 to index
        %parallel_loop3A_884 = arith.index_cast %parallel_loop3A_882 : i32 to index
        %parallel_loop3A_885 = arith.index_cast %parallel_loop3A_846 : i32 to index
        %parallel_loop3A_886 = tpu.vector_load %arg9[%parallel_loop3A_883, %parallel_loop3A_884, %parallel_loop3A_885] {strides = array<i32>} : memref<4x4x2048xf32, #tpu.memory_space<vmem>>, vector<1x1x16xf32>,
        %parallel_loop3A_887 = vector.shape_cast %parallel_loop3A_886 : vector<1x1x16xf32> to vector<16xf32>
        %parallel_loop3A_888 = arith.mulf %get3A_621, %parallel_loop3A_887 : vector<16xf32>
        %parallel_loop3A_889 = arith.constant 1.000000e+00 : f32
        %parallel_loop3A_890 = vector.broadcast %parallel_loop3A_889 : f32 to vector<16xf32>
        %parallel_loop3A_891 = arith.subf %parallel_loop3A_890, %parallel_loop3A_888 : vector<16xf32>
        %parallel_loop3A_892 = arith.constant 2 : i32
        %parallel_loop3A_893 = arith.constant 1 : i32
        %parallel_loop3A_894 = arith.index_cast %parallel_loop3A_892 : i32 to index
        %parallel_loop3A_895 = arith.index_cast %parallel_loop3A_893 : i32 to index
        %parallel_loop3A_896 = arith.index_cast %parallel_loop3A_846 : i32 to index
        %parallel_loop3A_897 = tpu.vector_load %arg9[%parallel_loop3A_894, %parallel_loop3A_895, %parallel_loop3A_896] {strides = array<i32>} : memref<4x4x2048xf32, #tpu.memory_space<vmem>>, vector<1x1x16xf32>,
        %parallel_loop3A_898 = vector.shape_cast %parallel_loop3A_897 : vector<1x1x16xf32> to vector<16xf32>
        %parallel_loop3A_899 = arith.mulf %get3A_627, %parallel_loop3A_898 : vector<16xf32>
        %parallel_loop3A_900 = arith.constant 1.000000e+00 : f32
        %parallel_loop3A_901 = vector.broadcast %parallel_loop3A_900 : f32 to vector<16xf32>
        %parallel_loop3A_902 = arith.subf %parallel_loop3A_901, %parallel_loop3A_899 : vector<16xf32>
        %parallel_loop3A_903 = arith.mulf %parallel_loop3A_891, %parallel_loop3A_902 : vector<16xf32>
        %parallel_loop3A_904 = arith.constant 2 : i32
        %parallel_loop3A_905 = arith.constant 2 : i32
        %parallel_loop3A_906 = arith.index_cast %parallel_loop3A_904 : i32 to index
        %parallel_loop3A_907 = arith.index_cast %parallel_loop3A_905 : i32 to index
        %parallel_loop3A_908 = arith.index_cast %parallel_loop3A_846 : i32 to index
        %parallel_loop3A_909 = tpu.vector_load %arg9[%parallel_loop3A_906, %parallel_loop3A_907, %parallel_loop3A_908] {strides = array<i32>} : memref<4x4x2048xf32, #tpu.memory_space<vmem>>, vector<1x1x16xf32>,
        %parallel_loop3A_910 = vector.shape_cast %parallel_loop3A_909 : vector<1x1x16xf32> to vector<16xf32>
        %parallel_loop3A_911 = arith.mulf %get3A_633, %parallel_loop3A_910 : vector<16xf32>
        %parallel_loop3A_912 = arith.constant 1.000000e+00 : f32
        %parallel_loop3A_913 = vector.broadcast %parallel_loop3A_912 : f32 to vector<16xf32>
        %parallel_loop3A_914 = arith.subf %parallel_loop3A_913, %parallel_loop3A_911 : vector<16xf32>
        %parallel_loop3A_915 = arith.mulf %parallel_loop3A_903, %parallel_loop3A_914 : vector<16xf32>
        %parallel_loop3A_916 = arith.constant 2 : i32
        %parallel_loop3A_917 = arith.constant 3 : i32
        %parallel_loop3A_918 = arith.index_cast %parallel_loop3A_916 : i32 to index
        %parallel_loop3A_919 = arith.index_cast %parallel_loop3A_917 : i32 to index
        %parallel_loop3A_920 = arith.index_cast %parallel_loop3A_846 : i32 to index
        %parallel_loop3A_921 = tpu.vector_load %arg9[%parallel_loop3A_918, %parallel_loop3A_919, %parallel_loop3A_920] {strides = array<i32>} : memref<4x4x2048xf32, #tpu.memory_space<vmem>>, vector<1x1x16xf32>,
        %parallel_loop3A_922 = vector.shape_cast %parallel_loop3A_921 : vector<1x1x16xf32> to vector<16xf32>
        %parallel_loop3A_923 = arith.mulf %get3A_639, %parallel_loop3A_922 : vector<16xf32>
        %parallel_loop3A_924 = arith.constant 1.000000e+00 : f32
        %parallel_loop3A_925 = vector.broadcast %parallel_loop3A_924 : f32 to vector<16xf32>
        %parallel_loop3A_926 = arith.subf %parallel_loop3A_925, %parallel_loop3A_923 : vector<16xf32>
        %parallel_loop3A_927 = arith.mulf %parallel_loop3A_915, %parallel_loop3A_926 : vector<16xf32>
        %parallel_loop3A_928 = arith.mulf %parallel_loop3A_880, %parallel_loop3A_927 : vector<16xf32>
        %parallel_loop3A_929 = arith.constant 0.000000e+00 : f32
        %parallel_loop3A_930 = vector.broadcast %parallel_loop3A_929 : f32 to vector<16xf32>
        %parallel_loop3A_931 = arith.maximumf %parallel_loop3A_928, %parallel_loop3A_930 : vector<16xf32>
        %parallel_loop3A_932 = arith.constant 1.000000e+00 : f32
        %parallel_loop3A_933 = vector.broadcast %parallel_loop3A_932 : f32 to vector<16xf32>
        %parallel_loop3A_934 = arith.minimumf %parallel_loop3A_931, %parallel_loop3A_933 : vector<16xf32>
        %parallel_loop3A_935 = arith.constant 2 : i32
        %parallel_loop3A_936 = arith.index_cast %parallel_loop3A_935 : i32 to index
        %parallel_loop3A_937 = arith.index_cast %parallel_loop3A_846 : i32 to index
        %parallel_loop3A_938 = tpu.vector_load %arg11[%parallel_loop3A_936, %parallel_loop3A_937] {strides = array<i32>} : memref<4x2048xf32, #tpu.memory_space<vmem>>, vector<1x16xf32>,
        %parallel_loop3A_939 = vector.shape_cast %parallel_loop3A_938 : vector<1x16xf32> to vector<16xf32>
        %parallel_loop3A_940 = vector.shape_cast %parallel_loop3A_934 : vector<16xf32> to vector<1x16xf32>
        tpu.vector_store %arg11[%parallel_loop3A_936, %parallel_loop3A_937], %parallel_loop3A_940 {strides = array<i32>} : memref<4x2048xf32, #tpu.memory_space<vmem>>, vector<1x16xf32>,
      } {sc.loop_unroll_factor = 16 : i64, sc.parallel_access}
      %jit3A_643 = arith.constant 8 : i32
      %div3A_644 = arith.divsi %add3A_523, %jit3A_643 : i32
      %sign3A_645 = arith.constant 0 : i32
      %sign3A_646 = arith.cmpi sgt, %add3A_523, %sign3A_645 : i32
      %sign3A_647 = arith.extui %sign3A_646 : i1 to i32
      %sign3A_648 = arith.constant 0 : i32
      %sign3A_649 = arith.cmpi slt, %add3A_523, %sign3A_648 : i32
      %sign3A_650 = arith.extui %sign3A_649 : i1 to i32
      %sign3A_651 = arith.subi %sign3A_647, %sign3A_650 : i32
      %sign3A_652 = arith.constant 0 : i32
      %sign3A_653 = arith.cmpi sgt, %jit3A_643, %sign3A_652 : i32
      %sign3A_654 = arith.extui %sign3A_653 : i1 to i32
      %sign3A_655 = arith.constant 0 : i32
      %sign3A_656 = arith.cmpi slt, %jit3A_643, %sign3A_655 : i32
      %sign3A_657 = arith.extui %sign3A_656 : i1 to i32
      %sign3A_658 = arith.subi %sign3A_654, %sign3A_657 : i32
      %ne3A_659 = arith.cmpi ne, %sign3A_651, %sign3A_658 : i32
      %rem3A_660 = arith.remsi %add3A_523, %jit3A_643 : i32
      %ne3A_661 = arith.constant 0 : i32
      %ne3A_662 = arith.cmpi ne, %rem3A_660, %ne3A_661 : i32
      %and3A_663 = arith.andi %ne3A_659, %ne3A_662 : i1
      %sub3A_664 = arith.constant 1 : i32
      %sub3A_665 = arith.subi %div3A_644, %sub3A_664 : i32
      %select_n3A_666 = arith.select %and3A_663, %sub3A_665, %div3A_644 : i32
      %mul3A_667 = arith.constant 8 : i32
      %mul3A_668 = arith.muli %select_n3A_666, %mul3A_667 : i32
      %sub3A_669 = arith.subi %add3A_523, %mul3A_668 : i32
      %add3A_670 = arith.addi %mul3A_2, %select_n3A_666 : i32
      %mul3A_671 = arith.constant 2048 : i32
      %mul3A_672 = arith.muli %sub3A_669, %mul3A_671 : i32
      %dma_start3A_673 = arith.constant 2 : i32
      %dma_start3A_674 = arith.constant 0 : i32
      %dma_start3A_675 = tpu.memref_slice %arg11[%dma_start3A_673, %dma_start3A_674] : memref<4x2048xf32, #tpu.memory_space<vmem>> -> memref<1x2048xf32, #tpu.memory_space<vmem>>
      %dma_start3A_676 = tpu.memref_squeeze %dma_start3A_675 : memref<1x2048xf32, #tpu.memory_space<vmem>> -> memref<2048xf32, #tpu.memory_space<vmem>>
      %dma_start3A_677 = tpu.memref_slice %arg6[%add3A_670, %mul3A_672] : memref<1024x16384xf32, #tpu.memory_space<hbm>> -> memref<1x2048xf32, #tpu.memory_space<hbm>>
      %dma_start3A_678 = tpu.memref_squeeze %dma_start3A_677 : memref<1x2048xf32, #tpu.memory_space<hbm>> -> memref<2048xf32, #tpu.memory_space<hbm>>
      %dma_start3A_679 = tpu.memref_slice %arg6[%add3A_670, %mul3A_672] : memref<1024x16384xf32, #tpu.memory_space<hbm>> -> memref<1x2048xf32, #tpu.memory_space<hbm>>
      %dma_start3A_680 = tpu.memref_squeeze %dma_start3A_679 : memref<1x2048xf32, #tpu.memory_space<hbm>> -> memref<2048xf32, #tpu.memory_space<hbm>>
      %dma_start3A_681 = arith.constant 0 : i32
      %dma_start3A_682 = tpu.memref_slice %arg11[%dma_start3A_673, %dma_start3A_681] : memref<4x2048xf32, #tpu.memory_space<vmem>> -> memref<1x2048xf32, #tpu.memory_space<vmem>>
      %dma_start3A_683 = tpu.memref_squeeze %dma_start3A_682 : memref<1x2048xf32, #tpu.memory_space<vmem>> -> memref<2048xf32, #tpu.memory_space<vmem>>
      tpu.enqueue_dma source(%dma_start3A_683 : memref<2048xf32, #tpu.memory_space<vmem>>) target(%dma_start3A_680 : memref<2048xf32, #tpu.memory_space<hbm>>) target_semaphore(%arg18 : memref<!tpu.dma_semaphore, #tpu.memory_space<semaphore_mem>>)
      %add3A_684 = arith.constant 3 : i32
      %add3A_685 = arith.addi %mul3A_211, %add3A_684 : i32
      %add3A_686 = arith.constant 3 : i32
      %add3A_687 = arith.addi %add3A_685, %add3A_686 : i32
      %lt3A_688 = arith.constant 256 : i32
      %lt3A_689 = arith.cmpi slt, %add3A_687, %lt3A_688 : i32
      %convert_element_type3A_690 = arith.extui %lt3A_689 : i1 to i32
      %cond3A_691 = arith.constant 0 : i32
      %cond3A_692 = arith.cmpi ne, %convert_element_type3A_690, %cond3A_691 : i32
      scf.if %cond3A_692 {
        %add3A_846 = arith.constant 3 : i32
        %add3A_847 = arith.addi %add3A_685, %add3A_846 : i32
        %jit3A_848 = arith.constant 8 : i32
        %div3A_849 = arith.divsi %add3A_847, %jit3A_848 : i32
        %sign3A_850 = arith.constant 0 : i32
        %sign3A_851 = arith.cmpi sgt, %add3A_847, %sign3A_850 : i32
        %sign3A_852 = arith.extui %sign3A_851 : i1 to i32
        %sign3A_853 = arith.constant 0 : i32
        %sign3A_854 = arith.cmpi slt, %add3A_847, %sign3A_853 : i32
        %sign3A_855 = arith.extui %sign3A_854 : i1 to i32
        %sign3A_856 = arith.subi %sign3A_852, %sign3A_855 : i32
        %sign3A_857 = arith.constant 0 : i32
        %sign3A_858 = arith.cmpi sgt, %jit3A_848, %sign3A_857 : i32
        %sign3A_859 = arith.extui %sign3A_858 : i1 to i32
        %sign3A_860 = arith.constant 0 : i32
        %sign3A_861 = arith.cmpi slt, %jit3A_848, %sign3A_860 : i32
        %sign3A_862 = arith.extui %sign3A_861 : i1 to i32
        %sign3A_863 = arith.subi %sign3A_859, %sign3A_862 : i32
        %ne3A_864 = arith.cmpi ne, %sign3A_856, %sign3A_863 : i32
        %rem3A_865 = arith.remsi %add3A_847, %jit3A_848 : i32
        %ne3A_866 = arith.constant 0 : i32
        %ne3A_867 = arith.cmpi ne, %rem3A_865, %ne3A_866 : i32
        %and3A_868 = arith.andi %ne3A_864, %ne3A_867 : i1
        %sub3A_869 = arith.constant 1 : i32
        %sub3A_870 = arith.subi %div3A_849, %sub3A_869 : i32
        %select_n3A_871 = arith.select %and3A_868, %sub3A_870, %div3A_849 : i32
        %mul3A_872 = arith.constant 8 : i32
        %mul3A_873 = arith.muli %select_n3A_871, %mul3A_872 : i32
        %sub3A_874 = arith.subi %add3A_847, %mul3A_873 : i32
        %add3A_875 = arith.addi %mul3A_2, %select_n3A_871 : i32
        %mul3A_876 = arith.constant 2048 : i32
        %mul3A_877 = arith.muli %sub3A_874, %mul3A_876 : i32
        %dma_start3A_878 = arith.constant 2 : i32
        %dma_start3A_879 = arith.constant 0 : i32
        %dma_start3A_880 = arith.constant 0 : i32
        %dma_start3A_881 = tpu.memref_slice %arg8[%dma_start3A_878, %dma_start3A_879, %dma_start3A_880] : memref<4x2x2048xf32, #tpu.memory_space<vmem>> -> memref<1x2x2048xf32, #tpu.memory_space<vmem>>
        %dma_start3A_882 = tpu.memref_squeeze %dma_start3A_881 : memref<1x2x2048xf32, #tpu.memory_space<vmem>> -> memref<2x2048xf32, #tpu.memory_space<vmem>>
        %dma_start3A_883 = arith.constant 0 : i32
        %dma_start3A_884 = tpu.memref_slice %arg2[%add3A_875, %dma_start3A_883, %mul3A_877] : memref<1024x2x16384xf32, #tpu.memory_space<hbm>> -> memref<1x2x2048xf32, #tpu.memory_space<hbm>>
        %dma_start3A_885 = tpu.memref_squeeze %dma_start3A_884 : memref<1x2x2048xf32, #tpu.memory_space<hbm>> -> memref<2x2048xf32, #tpu.memory_space<hbm>>
        %dma_start3A_886 = arith.constant 0 : i32
        %dma_start3A_887 = arith.constant 0 : i32
        %dma_start3A_888 = tpu.memref_slice %arg8[%dma_start3A_878, %dma_start3A_886, %dma_start3A_887] : memref<4x2x2048xf32, #tpu.memory_space<vmem>> -> memref<1x2x2048xf32, #tpu.memory_space<vmem>>
        %dma_start3A_889 = tpu.memref_squeeze %dma_start3A_888 : memref<1x2x2048xf32, #tpu.memory_space<vmem>> -> memref<2x2048xf32, #tpu.memory_space<vmem>>
        %dma_start3A_890 = arith.constant 0 : i32
        %dma_start3A_891 = tpu.memref_slice %arg2[%add3A_875, %dma_start3A_890, %mul3A_877] : memref<1024x2x16384xf32, #tpu.memory_space<hbm>> -> memref<1x2x2048xf32, #tpu.memory_space<hbm>>
        %dma_start3A_892 = tpu.memref_squeeze %dma_start3A_891 : memref<1x2x2048xf32, #tpu.memory_space<hbm>> -> memref<2x2048xf32, #tpu.memory_space<hbm>>
        tpu.enqueue_dma source(%dma_start3A_892 : memref<2x2048xf32, #tpu.memory_space<hbm>>) target(%dma_start3A_889 : memref<2x2048xf32, #tpu.memory_space<vmem>>) target_semaphore(%arg14 : memref<!tpu.dma_semaphore, #tpu.memory_space<semaphore_mem>>)
        %dma_start3A_893 = arith.constant 2 : i32
        %dma_start3A_894 = arith.constant 0 : i32
        %dma_start3A_895 = arith.constant 0 : i32
        %dma_start3A_896 = tpu.memref_slice %arg9[%dma_start3A_893, %dma_start3A_894, %dma_start3A_895] : memref<4x4x2048xf32, #tpu.memory_space<vmem>> -> memref<1x4x2048xf32, #tpu.memory_space<vmem>>
        %dma_start3A_897 = tpu.memref_squeeze %dma_start3A_896 : memref<1x4x2048xf32, #tpu.memory_space<vmem>> -> memref<4x2048xf32, #tpu.memory_space<vmem>>
        %dma_start3A_898 = arith.constant 0 : i32
        %dma_start3A_899 = tpu.memref_slice %arg4[%add3A_875, %dma_start3A_898, %mul3A_877] : memref<1024x4x16384xf32, #tpu.memory_space<hbm>> -> memref<1x4x2048xf32, #tpu.memory_space<hbm>>
        %dma_start3A_900 = tpu.memref_squeeze %dma_start3A_899 : memref<1x4x2048xf32, #tpu.memory_space<hbm>> -> memref<4x2048xf32, #tpu.memory_space<hbm>>
        %dma_start3A_901 = arith.constant 0 : i32
        %dma_start3A_902 = arith.constant 0 : i32
        %dma_start3A_903 = tpu.memref_slice %arg9[%dma_start3A_893, %dma_start3A_901, %dma_start3A_902] : memref<4x4x2048xf32, #tpu.memory_space<vmem>> -> memref<1x4x2048xf32, #tpu.memory_space<vmem>>
        %dma_start3A_904 = tpu.memref_squeeze %dma_start3A_903 : memref<1x4x2048xf32, #tpu.memory_space<vmem>> -> memref<4x2048xf32, #tpu.memory_space<vmem>>
        %dma_start3A_905 = arith.constant 0 : i32
        %dma_start3A_906 = tpu.memref_slice %arg4[%add3A_875, %dma_start3A_905, %mul3A_877] : memref<1024x4x16384xf32, #tpu.memory_space<hbm>> -> memref<1x4x2048xf32, #tpu.memory_space<hbm>>
        %dma_start3A_907 = tpu.memref_squeeze %dma_start3A_906 : memref<1x4x2048xf32, #tpu.memory_space<hbm>> -> memref<4x2048xf32, #tpu.memory_space<hbm>>
        tpu.enqueue_dma source(%dma_start3A_907 : memref<4x2048xf32, #tpu.memory_space<hbm>>) target(%dma_start3A_904 : memref<4x2048xf32, #tpu.memory_space<vmem>>) target_semaphore(%arg14 : memref<!tpu.dma_semaphore, #tpu.memory_space<semaphore_mem>>)
        %dma_start3A_908 = arith.constant 2 : i32
        %dma_start3A_909 = arith.constant 0 : i32
        %dma_start3A_910 = tpu.memref_slice %arg10[%dma_start3A_908, %dma_start3A_909] : memref<4x2048xf32, #tpu.memory_space<vmem>> -> memref<1x2048xf32, #tpu.memory_space<vmem>>
        %dma_start3A_911 = tpu.memref_squeeze %dma_start3A_910 : memref<1x2048xf32, #tpu.memory_space<vmem>> -> memref<2048xf32, #tpu.memory_space<vmem>>
        %dma_start3A_912 = tpu.memref_slice %arg5[%add3A_875, %mul3A_877] : memref<1024x16384xf32, #tpu.memory_space<hbm>> -> memref<1x2048xf32, #tpu.memory_space<hbm>>
        %dma_start3A_913 = tpu.memref_squeeze %dma_start3A_912 : memref<1x2048xf32, #tpu.memory_space<hbm>> -> memref<2048xf32, #tpu.memory_space<hbm>>
        %dma_start3A_914 = arith.constant 0 : i32
        %dma_start3A_915 = tpu.memref_slice %arg10[%dma_start3A_908, %dma_start3A_914] : memref<4x2048xf32, #tpu.memory_space<vmem>> -> memref<1x2048xf32, #tpu.memory_space<vmem>>
        %dma_start3A_916 = tpu.memref_squeeze %dma_start3A_915 : memref<1x2048xf32, #tpu.memory_space<vmem>> -> memref<2048xf32, #tpu.memory_space<vmem>>
        %dma_start3A_917 = tpu.memref_slice %arg5[%add3A_875, %mul3A_877] : memref<1024x16384xf32, #tpu.memory_space<hbm>> -> memref<1x2048xf32, #tpu.memory_space<hbm>>
        %dma_start3A_918 = tpu.memref_squeeze %dma_start3A_917 : memref<1x2048xf32, #tpu.memory_space<hbm>> -> memref<2048xf32, #tpu.memory_space<hbm>>
        tpu.enqueue_dma source(%dma_start3A_918 : memref<2048xf32, #tpu.memory_space<hbm>>) target(%dma_start3A_916 : memref<2048xf32, #tpu.memory_space<vmem>>) target_semaphore(%arg14 : memref<!tpu.dma_semaphore, #tpu.memory_space<semaphore_mem>>)
      } else {
      }
      %ge3A_693 = arith.constant 4 : i32
      %ge3A_694 = arith.cmpi sge, %add3A_685, %ge3A_693 : i32
      %convert_element_type3A_695 = arith.extui %ge3A_694 : i1 to i32
      %cond3A_696 = arith.constant 0 : i32
      %cond3A_697 = arith.cmpi ne, %convert_element_type3A_695, %cond3A_696 : i32
      scf.if %cond3A_697 {
        %dma_wait3A_846 = arith.constant 3 : i32
        %dma_wait3A_847 = arith.constant 0 : i32
        %dma_wait3A_848 = arith.constant 0 : i32
        %dma_wait3A_849 = tpu.memref_slice %arg11[%dma_wait3A_846, %dma_wait3A_848] : memref<4x2048xf32, #tpu.memory_space<vmem>> -> memref<1x2048xf32, #tpu.memory_space<vmem>>
        %dma_wait3A_850 = tpu.memref_squeeze %dma_wait3A_849 : memref<1x2048xf32, #tpu.memory_space<vmem>> -> memref<2048xf32, #tpu.memory_space<vmem>>
        %dma_wait3A_851 = arith.constant 0 : i32
        %dma_wait3A_852 = tpu.memref_slice %arg6[%dma_wait3A_847, %dma_wait3A_851] : memref<1024x16384xf32, #tpu.memory_space<hbm>> -> memref<1x2048xf32, #tpu.memory_space<hbm>>
        %dma_wait3A_853 = tpu.memref_squeeze %dma_wait3A_852 : memref<1x2048xf32, #tpu.memory_space<hbm>> -> memref<2048xf32, #tpu.memory_space<hbm>>
        %dma_wait3A_854 = arith.constant 0 : i32
        %dma_wait3A_855 = tpu.memref_slice %arg6[%dma_wait3A_847, %dma_wait3A_854] : memref<1024x16384xf32, #tpu.memory_space<hbm>> -> memref<1x2048xf32, #tpu.memory_space<hbm>>
        %dma_wait3A_856 = tpu.memref_squeeze %dma_wait3A_855 : memref<1x2048xf32, #tpu.memory_space<hbm>> -> memref<2048xf32, #tpu.memory_space<hbm>>
        %dma_wait3A_857 = arith.constant 0 : i32
        %dma_wait3A_858 = tpu.memref_slice %arg11[%dma_wait3A_846, %dma_wait3A_857] : memref<4x2048xf32, #tpu.memory_space<vmem>> -> memref<1x2048xf32, #tpu.memory_space<vmem>>
        %dma_wait3A_859 = tpu.memref_squeeze %dma_wait3A_858 : memref<1x2048xf32, #tpu.memory_space<vmem>> -> memref<2048xf32, #tpu.memory_space<vmem>>
        tpu.wait_dma2 semaphore(%arg19 : memref<!tpu.dma_semaphore, #tpu.memory_space<semaphore_mem>>) src(%dma_wait3A_859 : memref<2048xf32, #tpu.memory_space<vmem>>) dst(%dma_wait3A_856 : memref<2048xf32, #tpu.memory_space<hbm>>)
      } else {
      }
      %dma_wait3A_698 = arith.constant 0 : i32
      %dma_wait3A_699 = arith.constant 3 : i32
      %dma_wait3A_700 = arith.constant 0 : i32
      %dma_wait3A_701 = arith.constant 0 : i32
      %dma_wait3A_702 = tpu.memref_slice %arg8[%dma_wait3A_699, %dma_wait3A_700, %dma_wait3A_701] : memref<4x2x2048xf32, #tpu.memory_space<vmem>> -> memref<1x2x2048xf32, #tpu.memory_space<vmem>>
      %dma_wait3A_703 = tpu.memref_squeeze %dma_wait3A_702 : memref<1x2x2048xf32, #tpu.memory_space<vmem>> -> memref<2x2048xf32, #tpu.memory_space<vmem>>
      %dma_wait3A_704 = arith.constant 0 : i32
      %dma_wait3A_705 = arith.constant 0 : i32
      %dma_wait3A_706 = tpu.memref_slice %arg2[%dma_wait3A_698, %dma_wait3A_704, %dma_wait3A_705] : memref<1024x2x16384xf32, #tpu.memory_space<hbm>> -> memref<1x2x2048xf32, #tpu.memory_space<hbm>>
      %dma_wait3A_707 = tpu.memref_squeeze %dma_wait3A_706 : memref<1x2x2048xf32, #tpu.memory_space<hbm>> -> memref<2x2048xf32, #tpu.memory_space<hbm>>
      %dma_wait3A_708 = arith.constant 0 : i32
      %dma_wait3A_709 = arith.constant 0 : i32
      %dma_wait3A_710 = tpu.memref_slice %arg8[%dma_wait3A_699, %dma_wait3A_708, %dma_wait3A_709] : memref<4x2x2048xf32, #tpu.memory_space<vmem>> -> memref<1x2x2048xf32, #tpu.memory_space<vmem>>
      %dma_wait3A_711 = tpu.memref_squeeze %dma_wait3A_710 : memref<1x2x2048xf32, #tpu.memory_space<vmem>> -> memref<2x2048xf32, #tpu.memory_space<vmem>>
      %dma_wait3A_712 = arith.constant 0 : i32
      %dma_wait3A_713 = arith.constant 0 : i32
      %dma_wait3A_714 = tpu.memref_slice %arg2[%dma_wait3A_698, %dma_wait3A_712, %dma_wait3A_713] : memref<1024x2x16384xf32, #tpu.memory_space<hbm>> -> memref<1x2x2048xf32, #tpu.memory_space<hbm>>
      %dma_wait3A_715 = tpu.memref_squeeze %dma_wait3A_714 : memref<1x2x2048xf32, #tpu.memory_space<hbm>> -> memref<2x2048xf32, #tpu.memory_space<hbm>>
      tpu.wait_dma2 semaphore(%arg15 : memref<!tpu.dma_semaphore, #tpu.memory_space<semaphore_mem>>) src(%dma_wait3A_715 : memref<2x2048xf32, #tpu.memory_space<hbm>>) dst(%dma_wait3A_711 : memref<2x2048xf32, #tpu.memory_space<vmem>>)
      %dma_wait3A_716 = arith.constant 0 : i32
      %dma_wait3A_717 = arith.constant 3 : i32
      %dma_wait3A_718 = arith.constant 0 : i32
      %dma_wait3A_719 = arith.constant 0 : i32
      %dma_wait3A_720 = tpu.memref_slice %arg9[%dma_wait3A_717, %dma_wait3A_718, %dma_wait3A_719] : memref<4x4x2048xf32, #tpu.memory_space<vmem>> -> memref<1x4x2048xf32, #tpu.memory_space<vmem>>
      %dma_wait3A_721 = tpu.memref_squeeze %dma_wait3A_720 : memref<1x4x2048xf32, #tpu.memory_space<vmem>> -> memref<4x2048xf32, #tpu.memory_space<vmem>>
      %dma_wait3A_722 = arith.constant 0 : i32
      %dma_wait3A_723 = arith.constant 0 : i32
      %dma_wait3A_724 = tpu.memref_slice %arg4[%dma_wait3A_716, %dma_wait3A_722, %dma_wait3A_723] : memref<1024x4x16384xf32, #tpu.memory_space<hbm>> -> memref<1x4x2048xf32, #tpu.memory_space<hbm>>
      %dma_wait3A_725 = tpu.memref_squeeze %dma_wait3A_724 : memref<1x4x2048xf32, #tpu.memory_space<hbm>> -> memref<4x2048xf32, #tpu.memory_space<hbm>>
      %dma_wait3A_726 = arith.constant 0 : i32
      %dma_wait3A_727 = arith.constant 0 : i32
      %dma_wait3A_728 = tpu.memref_slice %arg9[%dma_wait3A_717, %dma_wait3A_726, %dma_wait3A_727] : memref<4x4x2048xf32, #tpu.memory_space<vmem>> -> memref<1x4x2048xf32, #tpu.memory_space<vmem>>
      %dma_wait3A_729 = tpu.memref_squeeze %dma_wait3A_728 : memref<1x4x2048xf32, #tpu.memory_space<vmem>> -> memref<4x2048xf32, #tpu.memory_space<vmem>>
      %dma_wait3A_730 = arith.constant 0 : i32
      %dma_wait3A_731 = arith.constant 0 : i32
      %dma_wait3A_732 = tpu.memref_slice %arg4[%dma_wait3A_716, %dma_wait3A_730, %dma_wait3A_731] : memref<1024x4x16384xf32, #tpu.memory_space<hbm>> -> memref<1x4x2048xf32, #tpu.memory_space<hbm>>
      %dma_wait3A_733 = tpu.memref_squeeze %dma_wait3A_732 : memref<1x4x2048xf32, #tpu.memory_space<hbm>> -> memref<4x2048xf32, #tpu.memory_space<hbm>>
      tpu.wait_dma2 semaphore(%arg15 : memref<!tpu.dma_semaphore, #tpu.memory_space<semaphore_mem>>) src(%dma_wait3A_733 : memref<4x2048xf32, #tpu.memory_space<hbm>>) dst(%dma_wait3A_729 : memref<4x2048xf32, #tpu.memory_space<vmem>>)
      %dma_wait3A_734 = arith.constant 0 : i32
      %dma_wait3A_735 = arith.constant 3 : i32
      %dma_wait3A_736 = arith.constant 0 : i32
      %dma_wait3A_737 = tpu.memref_slice %arg10[%dma_wait3A_735, %dma_wait3A_736] : memref<4x2048xf32, #tpu.memory_space<vmem>> -> memref<1x2048xf32, #tpu.memory_space<vmem>>
      %dma_wait3A_738 = tpu.memref_squeeze %dma_wait3A_737 : memref<1x2048xf32, #tpu.memory_space<vmem>> -> memref<2048xf32, #tpu.memory_space<vmem>>
      %dma_wait3A_739 = arith.constant 0 : i32
      %dma_wait3A_740 = tpu.memref_slice %arg5[%dma_wait3A_734, %dma_wait3A_739] : memref<1024x16384xf32, #tpu.memory_space<hbm>> -> memref<1x2048xf32, #tpu.memory_space<hbm>>
      %dma_wait3A_741 = tpu.memref_squeeze %dma_wait3A_740 : memref<1x2048xf32, #tpu.memory_space<hbm>> -> memref<2048xf32, #tpu.memory_space<hbm>>
      %dma_wait3A_742 = arith.constant 0 : i32
      %dma_wait3A_743 = tpu.memref_slice %arg10[%dma_wait3A_735, %dma_wait3A_742] : memref<4x2048xf32, #tpu.memory_space<vmem>> -> memref<1x2048xf32, #tpu.memory_space<vmem>>
      %dma_wait3A_744 = tpu.memref_squeeze %dma_wait3A_743 : memref<1x2048xf32, #tpu.memory_space<vmem>> -> memref<2048xf32, #tpu.memory_space<vmem>>
      %dma_wait3A_745 = arith.constant 0 : i32
      %dma_wait3A_746 = tpu.memref_slice %arg5[%dma_wait3A_734, %dma_wait3A_745] : memref<1024x16384xf32, #tpu.memory_space<hbm>> -> memref<1x2048xf32, #tpu.memory_space<hbm>>
      %dma_wait3A_747 = tpu.memref_squeeze %dma_wait3A_746 : memref<1x2048xf32, #tpu.memory_space<hbm>> -> memref<2048xf32, #tpu.memory_space<hbm>>
      tpu.wait_dma2 semaphore(%arg15 : memref<!tpu.dma_semaphore, #tpu.memory_space<semaphore_mem>>) src(%dma_wait3A_747 : memref<2048xf32, #tpu.memory_space<hbm>>) dst(%dma_wait3A_744 : memref<2048xf32, #tpu.memory_space<vmem>>)
      %jit3A_748 = arith.constant 8 : i32
      %div3A_749 = arith.divsi %add3A_685, %jit3A_748 : i32
      %sign3A_750 = arith.constant 0 : i32
      %sign3A_751 = arith.cmpi sgt, %add3A_685, %sign3A_750 : i32
      %sign3A_752 = arith.extui %sign3A_751 : i1 to i32
      %sign3A_753 = arith.constant 0 : i32
      %sign3A_754 = arith.cmpi slt, %add3A_685, %sign3A_753 : i32
      %sign3A_755 = arith.extui %sign3A_754 : i1 to i32
      %sign3A_756 = arith.subi %sign3A_752, %sign3A_755 : i32
      %sign3A_757 = arith.constant 0 : i32
      %sign3A_758 = arith.cmpi sgt, %jit3A_748, %sign3A_757 : i32
      %sign3A_759 = arith.extui %sign3A_758 : i1 to i32
      %sign3A_760 = arith.constant 0 : i32
      %sign3A_761 = arith.cmpi slt, %jit3A_748, %sign3A_760 : i32
      %sign3A_762 = arith.extui %sign3A_761 : i1 to i32
      %sign3A_763 = arith.subi %sign3A_759, %sign3A_762 : i32
      %ne3A_764 = arith.cmpi ne, %sign3A_756, %sign3A_763 : i32
      %rem3A_765 = arith.remsi %add3A_685, %jit3A_748 : i32
      %ne3A_766 = arith.constant 0 : i32
      %ne3A_767 = arith.cmpi ne, %rem3A_765, %ne3A_766 : i32
      %and3A_768 = arith.andi %ne3A_764, %ne3A_767 : i1
      %sub3A_769 = arith.constant 1 : i32
      %sub3A_770 = arith.subi %div3A_749, %sub3A_769 : i32
      %select_n3A_771 = arith.select %and3A_768, %sub3A_770, %div3A_749 : i32
      %mul3A_772 = arith.constant 8 : i32
      %mul3A_773 = arith.muli %select_n3A_771, %mul3A_772 : i32
      %sub3A_774 = arith.subi %add3A_685, %mul3A_773 : i32
      %add3A_775 = arith.addi %mul3A_2, %select_n3A_771 : i32
      %mul3A_776 = arith.constant 2048 : i32
      %mul3A_777 = arith.muli %sub3A_774, %mul3A_776 : i32
      %get3A_778 = arith.constant 0 : i32
      %get3A_779 = arith.index_cast %select_n3A_771 : i32 to index
      %get3A_780 = arith.index_cast %get3A_778 : i32 to index
      %get3A_781 = arith.constant 0 : index
      %get3A_782 = tpu.vector_load %arg7[%get3A_779, %get3A_780, %get3A_781] {strides = array<i32>} : memref<32x4x16xf32, #tpu.memory_space<vmem>>, vector<1x1x16xf32>,
      %get3A_783 = vector.shape_cast %get3A_782 : vector<1x1x16xf32> to vector<16xf32>
      %get3A_784 = arith.constant 1 : i32
      %get3A_785 = arith.index_cast %select_n3A_771 : i32 to index
      %get3A_786 = arith.index_cast %get3A_784 : i32 to index
      %get3A_787 = arith.constant 0 : index
      %get3A_788 = tpu.vector_load %arg7[%get3A_785, %get3A_786, %get3A_787] {strides = array<i32>} : memref<32x4x16xf32, #tpu.memory_space<vmem>>, vector<1x1x16xf32>,
      %get3A_789 = vector.shape_cast %get3A_788 : vector<1x1x16xf32> to vector<16xf32>
      %get3A_790 = arith.constant 2 : i32
      %get3A_791 = arith.index_cast %select_n3A_771 : i32 to index
      %get3A_792 = arith.index_cast %get3A_790 : i32 to index
      %get3A_793 = arith.constant 0 : index
      %get3A_794 = tpu.vector_load %arg7[%get3A_791, %get3A_792, %get3A_793] {strides = array<i32>} : memref<32x4x16xf32, #tpu.memory_space<vmem>>, vector<1x1x16xf32>,
      %get3A_795 = vector.shape_cast %get3A_794 : vector<1x1x16xf32> to vector<16xf32>
      %get3A_796 = arith.constant 3 : i32
      %get3A_797 = arith.index_cast %select_n3A_771 : i32 to index
      %get3A_798 = arith.index_cast %get3A_796 : i32 to index
      %get3A_799 = arith.constant 0 : index
      %get3A_800 = tpu.vector_load %arg7[%get3A_797, %get3A_798, %get3A_799] {strides = array<i32>} : memref<32x4x16xf32, #tpu.memory_space<vmem>>, vector<1x1x16xf32>,
      %get3A_801 = vector.shape_cast %get3A_800 : vector<1x1x16xf32> to vector<16xf32>
      %parallel_loop3A_802 = arith.constant 0 : i32
      %parallel_loop3A_803 = arith.constant 2048 : i32
      %parallel_loop3A_804 = arith.constant 16 : i32
      scf.for %parallel_loop3A_846 = %parallel_loop3A_802 to %parallel_loop3A_803 step %parallel_loop3A_804  : i32 {
        %parallel_loop3A_847 = arith.constant 3 : i32
        %parallel_loop3A_848 = arith.constant 0 : i32
        %parallel_loop3A_849 = arith.index_cast %parallel_loop3A_847 : i32 to index
        %parallel_loop3A_850 = arith.index_cast %parallel_loop3A_848 : i32 to index
        %parallel_loop3A_851 = arith.index_cast %parallel_loop3A_846 : i32 to index
        %parallel_loop3A_852 = tpu.vector_load %arg8[%parallel_loop3A_849, %parallel_loop3A_850, %parallel_loop3A_851] {strides = array<i32>} : memref<4x2x2048xf32, #tpu.memory_space<vmem>>, vector<1x1x16xf32>,
        %parallel_loop3A_853 = vector.shape_cast %parallel_loop3A_852 : vector<1x1x16xf32> to vector<16xf32>
        %parallel_loop3A_854 = arith.constant 3 : i32
        %parallel_loop3A_855 = arith.constant 1 : i32
        %parallel_loop3A_856 = arith.index_cast %parallel_loop3A_854 : i32 to index
        %parallel_loop3A_857 = arith.index_cast %parallel_loop3A_855 : i32 to index
        %parallel_loop3A_858 = arith.index_cast %parallel_loop3A_846 : i32 to index
        %parallel_loop3A_859 = tpu.vector_load %arg8[%parallel_loop3A_856, %parallel_loop3A_857, %parallel_loop3A_858] {strides = array<i32>} : memref<4x2x2048xf32, #tpu.memory_space<vmem>>, vector<1x1x16xf32>,
        %parallel_loop3A_860 = vector.shape_cast %parallel_loop3A_859 : vector<1x1x16xf32> to vector<16xf32>
        %parallel_loop3A_861 = arith.constant 1.000000e+00 : f32
        %parallel_loop3A_862 = vector.broadcast %parallel_loop3A_861 : f32 to vector<16xf32>
        %parallel_loop3A_863 = arith.subf %parallel_loop3A_862, %parallel_loop3A_853 : vector<16xf32>
        %parallel_loop3A_864 = arith.constant 1.000000e+00 : f32
        %parallel_loop3A_865 = vector.broadcast %parallel_loop3A_864 : f32 to vector<16xf32>
        %parallel_loop3A_866 = arith.subf %parallel_loop3A_865, %parallel_loop3A_860 : vector<16xf32>
        %parallel_loop3A_867 = arith.mulf %parallel_loop3A_863, %parallel_loop3A_866 : vector<16xf32>
        %parallel_loop3A_868 = arith.constant 1.000000e+00 : f32
        %parallel_loop3A_869 = vector.broadcast %parallel_loop3A_868 : f32 to vector<16xf32>
        %parallel_loop3A_870 = arith.subf %parallel_loop3A_869, %parallel_loop3A_867 : vector<16xf32>
        %parallel_loop3A_871 = arith.constant 3 : i32
        %parallel_loop3A_872 = arith.index_cast %parallel_loop3A_871 : i32 to index
        %parallel_loop3A_873 = arith.index_cast %parallel_loop3A_846 : i32 to index
        %parallel_loop3A_874 = tpu.vector_load %arg10[%parallel_loop3A_872, %parallel_loop3A_873] {strides = array<i32>} : memref<4x2048xf32, #tpu.memory_space<vmem>>, vector<1x16xf32>,
        %parallel_loop3A_875 = vector.shape_cast %parallel_loop3A_874 : vector<1x16xf32> to vector<16xf32>
        %parallel_loop3A_876 = arith.constant 1.000000e+00 : f32
        %parallel_loop3A_877 = vector.broadcast %parallel_loop3A_876 : f32 to vector<16xf32>
        %parallel_loop3A_878 = arith.subf %parallel_loop3A_877, %parallel_loop3A_875 : vector<16xf32>
        %parallel_loop3A_879 = arith.mulf %parallel_loop3A_878, %parallel_loop3A_870 : vector<16xf32>
        %parallel_loop3A_880 = arith.addf %parallel_loop3A_875, %parallel_loop3A_879 : vector<16xf32>
        %parallel_loop3A_881 = arith.constant 3 : i32
        %parallel_loop3A_882 = arith.constant 0 : i32
        %parallel_loop3A_883 = arith.index_cast %parallel_loop3A_881 : i32 to index
        %parallel_loop3A_884 = arith.index_cast %parallel_loop3A_882 : i32 to index
        %parallel_loop3A_885 = arith.index_cast %parallel_loop3A_846 : i32 to index
        %parallel_loop3A_886 = tpu.vector_load %arg9[%parallel_loop3A_883, %parallel_loop3A_884, %parallel_loop3A_885] {strides = array<i32>} : memref<4x4x2048xf32, #tpu.memory_space<vmem>>, vector<1x1x16xf32>,
        %parallel_loop3A_887 = vector.shape_cast %parallel_loop3A_886 : vector<1x1x16xf32> to vector<16xf32>
        %parallel_loop3A_888 = arith.mulf %get3A_783, %parallel_loop3A_887 : vector<16xf32>
        %parallel_loop3A_889 = arith.constant 1.000000e+00 : f32
        %parallel_loop3A_890 = vector.broadcast %parallel_loop3A_889 : f32 to vector<16xf32>
        %parallel_loop3A_891 = arith.subf %parallel_loop3A_890, %parallel_loop3A_888 : vector<16xf32>
        %parallel_loop3A_892 = arith.constant 3 : i32
        %parallel_loop3A_893 = arith.constant 1 : i32
        %parallel_loop3A_894 = arith.index_cast %parallel_loop3A_892 : i32 to index
        %parallel_loop3A_895 = arith.index_cast %parallel_loop3A_893 : i32 to index
        %parallel_loop3A_896 = arith.index_cast %parallel_loop3A_846 : i32 to index
        %parallel_loop3A_897 = tpu.vector_load %arg9[%parallel_loop3A_894, %parallel_loop3A_895, %parallel_loop3A_896] {strides = array<i32>} : memref<4x4x2048xf32, #tpu.memory_space<vmem>>, vector<1x1x16xf32>,
        %parallel_loop3A_898 = vector.shape_cast %parallel_loop3A_897 : vector<1x1x16xf32> to vector<16xf32>
        %parallel_loop3A_899 = arith.mulf %get3A_789, %parallel_loop3A_898 : vector<16xf32>
        %parallel_loop3A_900 = arith.constant 1.000000e+00 : f32
        %parallel_loop3A_901 = vector.broadcast %parallel_loop3A_900 : f32 to vector<16xf32>
        %parallel_loop3A_902 = arith.subf %parallel_loop3A_901, %parallel_loop3A_899 : vector<16xf32>
        %parallel_loop3A_903 = arith.mulf %parallel_loop3A_891, %parallel_loop3A_902 : vector<16xf32>
        %parallel_loop3A_904 = arith.constant 3 : i32
        %parallel_loop3A_905 = arith.constant 2 : i32
        %parallel_loop3A_906 = arith.index_cast %parallel_loop3A_904 : i32 to index
        %parallel_loop3A_907 = arith.index_cast %parallel_loop3A_905 : i32 to index
        %parallel_loop3A_908 = arith.index_cast %parallel_loop3A_846 : i32 to index
        %parallel_loop3A_909 = tpu.vector_load %arg9[%parallel_loop3A_906, %parallel_loop3A_907, %parallel_loop3A_908] {strides = array<i32>} : memref<4x4x2048xf32, #tpu.memory_space<vmem>>, vector<1x1x16xf32>,
        %parallel_loop3A_910 = vector.shape_cast %parallel_loop3A_909 : vector<1x1x16xf32> to vector<16xf32>
        %parallel_loop3A_911 = arith.mulf %get3A_795, %parallel_loop3A_910 : vector<16xf32>
        %parallel_loop3A_912 = arith.constant 1.000000e+00 : f32
        %parallel_loop3A_913 = vector.broadcast %parallel_loop3A_912 : f32 to vector<16xf32>
        %parallel_loop3A_914 = arith.subf %parallel_loop3A_913, %parallel_loop3A_911 : vector<16xf32>
        %parallel_loop3A_915 = arith.mulf %parallel_loop3A_903, %parallel_loop3A_914 : vector<16xf32>
        %parallel_loop3A_916 = arith.constant 3 : i32
        %parallel_loop3A_917 = arith.constant 3 : i32
        %parallel_loop3A_918 = arith.index_cast %parallel_loop3A_916 : i32 to index
        %parallel_loop3A_919 = arith.index_cast %parallel_loop3A_917 : i32 to index
        %parallel_loop3A_920 = arith.index_cast %parallel_loop3A_846 : i32 to index
        %parallel_loop3A_921 = tpu.vector_load %arg9[%parallel_loop3A_918, %parallel_loop3A_919, %parallel_loop3A_920] {strides = array<i32>} : memref<4x4x2048xf32, #tpu.memory_space<vmem>>, vector<1x1x16xf32>,
        %parallel_loop3A_922 = vector.shape_cast %parallel_loop3A_921 : vector<1x1x16xf32> to vector<16xf32>
        %parallel_loop3A_923 = arith.mulf %get3A_801, %parallel_loop3A_922 : vector<16xf32>
        %parallel_loop3A_924 = arith.constant 1.000000e+00 : f32
        %parallel_loop3A_925 = vector.broadcast %parallel_loop3A_924 : f32 to vector<16xf32>
        %parallel_loop3A_926 = arith.subf %parallel_loop3A_925, %parallel_loop3A_923 : vector<16xf32>
        %parallel_loop3A_927 = arith.mulf %parallel_loop3A_915, %parallel_loop3A_926 : vector<16xf32>
        %parallel_loop3A_928 = arith.mulf %parallel_loop3A_880, %parallel_loop3A_927 : vector<16xf32>
        %parallel_loop3A_929 = arith.constant 0.000000e+00 : f32
        %parallel_loop3A_930 = vector.broadcast %parallel_loop3A_929 : f32 to vector<16xf32>
        %parallel_loop3A_931 = arith.maximumf %parallel_loop3A_928, %parallel_loop3A_930 : vector<16xf32>
        %parallel_loop3A_932 = arith.constant 1.000000e+00 : f32
        %parallel_loop3A_933 = vector.broadcast %parallel_loop3A_932 : f32 to vector<16xf32>
        %parallel_loop3A_934 = arith.minimumf %parallel_loop3A_931, %parallel_loop3A_933 : vector<16xf32>
        %parallel_loop3A_935 = arith.constant 3 : i32
        %parallel_loop3A_936 = arith.index_cast %parallel_loop3A_935 : i32 to index
        %parallel_loop3A_937 = arith.index_cast %parallel_loop3A_846 : i32 to index
        %parallel_loop3A_938 = tpu.vector_load %arg11[%parallel_loop3A_936, %parallel_loop3A_937] {strides = array<i32>} : memref<4x2048xf32, #tpu.memory_space<vmem>>, vector<1x16xf32>,
        %parallel_loop3A_939 = vector.shape_cast %parallel_loop3A_938 : vector<1x16xf32> to vector<16xf32>
        %parallel_loop3A_940 = vector.shape_cast %parallel_loop3A_934 : vector<16xf32> to vector<1x16xf32>
        tpu.vector_store %arg11[%parallel_loop3A_936, %parallel_loop3A_937], %parallel_loop3A_940 {strides = array<i32>} : memref<4x2048xf32, #tpu.memory_space<vmem>>, vector<1x16xf32>,
      } {sc.loop_unroll_factor = 16 : i64, sc.parallel_access}
      %jit3A_805 = arith.constant 8 : i32
      %div3A_806 = arith.divsi %add3A_685, %jit3A_805 : i32
      %sign3A_807 = arith.constant 0 : i32
      %sign3A_808 = arith.cmpi sgt, %add3A_685, %sign3A_807 : i32
      %sign3A_809 = arith.extui %sign3A_808 : i1 to i32
      %sign3A_810 = arith.constant 0 : i32
      %sign3A_811 = arith.cmpi slt, %add3A_685, %sign3A_810 : i32
      %sign3A_812 = arith.extui %sign3A_811 : i1 to i32
      %sign3A_813 = arith.subi %sign3A_809, %sign3A_812 : i32
      %sign3A_814 = arith.constant 0 : i32
      %sign3A_815 = arith.cmpi sgt, %jit3A_805, %sign3A_814 : i32
      %sign3A_816 = arith.extui %sign3A_815 : i1 to i32
      %sign3A_817 = arith.constant 0 : i32
      %sign3A_818 = arith.cmpi slt, %jit3A_805, %sign3A_817 : i32
      %sign3A_819 = arith.extui %sign3A_818 : i1 to i32
      %sign3A_820 = arith.subi %sign3A_816, %sign3A_819 : i32
      %ne3A_821 = arith.cmpi ne, %sign3A_813, %sign3A_820 : i32
      %rem3A_822 = arith.remsi %add3A_685, %jit3A_805 : i32
      %ne3A_823 = arith.constant 0 : i32
      %ne3A_824 = arith.cmpi ne, %rem3A_822, %ne3A_823 : i32
      %and3A_825 = arith.andi %ne3A_821, %ne3A_824 : i1
      %sub3A_826 = arith.constant 1 : i32
      %sub3A_827 = arith.subi %div3A_806, %sub3A_826 : i32
      %select_n3A_828 = arith.select %and3A_825, %sub3A_827, %div3A_806 : i32
      %mul3A_829 = arith.constant 8 : i32
      %mul3A_830 = arith.muli %select_n3A_828, %mul3A_829 : i32
      %sub3A_831 = arith.subi %add3A_685, %mul3A_830 : i32
      %add3A_832 = arith.addi %mul3A_2, %select_n3A_828 : i32
      %mul3A_833 = arith.constant 2048 : i32
      %mul3A_834 = arith.muli %sub3A_831, %mul3A_833 : i32
      %dma_start3A_835 = arith.constant 3 : i32
      %dma_start3A_836 = arith.constant 0 : i32
      %dma_start3A_837 = tpu.memref_slice %arg11[%dma_start3A_835, %dma_start3A_836] : memref<4x2048xf32, #tpu.memory_space<vmem>> -> memref<1x2048xf32, #tpu.memory_space<vmem>>
      %dma_start3A_838 = tpu.memref_squeeze %dma_start3A_837 : memref<1x2048xf32, #tpu.memory_space<vmem>> -> memref<2048xf32, #tpu.memory_space<vmem>>
      %dma_start3A_839 = tpu.memref_slice %arg6[%add3A_832, %mul3A_834] : memref<1024x16384xf32, #tpu.memory_space<hbm>> -> memref<1x2048xf32, #tpu.memory_space<hbm>>
      %dma_start3A_840 = tpu.memref_squeeze %dma_start3A_839 : memref<1x2048xf32, #tpu.memory_space<hbm>> -> memref<2048xf32, #tpu.memory_space<hbm>>
      %dma_start3A_841 = tpu.memref_slice %arg6[%add3A_832, %mul3A_834] : memref<1024x16384xf32, #tpu.memory_space<hbm>> -> memref<1x2048xf32, #tpu.memory_space<hbm>>
      %dma_start3A_842 = tpu.memref_squeeze %dma_start3A_841 : memref<1x2048xf32, #tpu.memory_space<hbm>> -> memref<2048xf32, #tpu.memory_space<hbm>>
      %dma_start3A_843 = arith.constant 0 : i32
      %dma_start3A_844 = tpu.memref_slice %arg11[%dma_start3A_835, %dma_start3A_843] : memref<4x2048xf32, #tpu.memory_space<vmem>> -> memref<1x2048xf32, #tpu.memory_space<vmem>>
      %dma_start3A_845 = tpu.memref_squeeze %dma_start3A_844 : memref<1x2048xf32, #tpu.memory_space<vmem>> -> memref<2048xf32, #tpu.memory_space<vmem>>
      tpu.enqueue_dma source(%dma_start3A_845 : memref<2048xf32, #tpu.memory_space<vmem>>) target(%dma_start3A_842 : memref<2048xf32, #tpu.memory_space<hbm>>) target_semaphore(%arg19 : memref<!tpu.dma_semaphore, #tpu.memory_space<semaphore_mem>>)
    }
    %scan3A_153 = arith.constant 64 : i32
    %dma_wait3A = arith.constant 0 : i32
    %dma_wait3A_154 = arith.constant 0 : i32
    %dma_wait3A_155 = arith.constant 0 : i32
    %dma_wait3A_156 = tpu.memref_slice %arg11[%dma_wait3A, %dma_wait3A_155] : memref<4x2048xf32, #tpu.memory_space<vmem>> -> memref<1x2048xf32, #tpu.memory_space<vmem>>
    %dma_wait3A_157 = tpu.memref_squeeze %dma_wait3A_156 : memref<1x2048xf32, #tpu.memory_space<vmem>> -> memref<2048xf32, #tpu.memory_space<vmem>>
    %dma_wait3A_158 = arith.constant 0 : i32
    %dma_wait3A_159 = tpu.memref_slice %arg6[%dma_wait3A_154, %dma_wait3A_158] : memref<1024x16384xf32, #tpu.memory_space<hbm>> -> memref<1x2048xf32, #tpu.memory_space<hbm>>
    %dma_wait3A_160 = tpu.memref_squeeze %dma_wait3A_159 : memref<1x2048xf32, #tpu.memory_space<hbm>> -> memref<2048xf32, #tpu.memory_space<hbm>>
    %dma_wait3A_161 = arith.constant 0 : i32
    %dma_wait3A_162 = tpu.memref_slice %arg6[%dma_wait3A_154, %dma_wait3A_161] : memref<1024x16384xf32, #tpu.memory_space<hbm>> -> memref<1x2048xf32, #tpu.memory_space<hbm>>
    %dma_wait3A_163 = tpu.memref_squeeze %dma_wait3A_162 : memref<1x2048xf32, #tpu.memory_space<hbm>> -> memref<2048xf32, #tpu.memory_space<hbm>>
    %dma_wait3A_164 = arith.constant 0 : i32
    %dma_wait3A_165 = tpu.memref_slice %arg11[%dma_wait3A, %dma_wait3A_164] : memref<4x2048xf32, #tpu.memory_space<vmem>> -> memref<1x2048xf32, #tpu.memory_space<vmem>>
    %dma_wait3A_166 = tpu.memref_squeeze %dma_wait3A_165 : memref<1x2048xf32, #tpu.memory_space<vmem>> -> memref<2048xf32, #tpu.memory_space<vmem>>
    tpu.wait_dma2 semaphore(%arg16 : memref<!tpu.dma_semaphore, #tpu.memory_space<semaphore_mem>>) src(%dma_wait3A_166 : memref<2048xf32, #tpu.memory_space<vmem>>) dst(%dma_wait3A_163 : memref<2048xf32, #tpu.memory_space<hbm>>)
    %dma_wait3A_167 = arith.constant 1 : i32
    %dma_wait3A_168 = arith.constant 0 : i32
    %dma_wait3A_169 = arith.constant 0 : i32
    %dma_wait3A_170 = tpu.memref_slice %arg11[%dma_wait3A_167, %dma_wait3A_169] : memref<4x2048xf32, #tpu.memory_space<vmem>> -> memref<1x2048xf32, #tpu.memory_space<vmem>>
    %dma_wait3A_171 = tpu.memref_squeeze %dma_wait3A_170 : memref<1x2048xf32, #tpu.memory_space<vmem>> -> memref<2048xf32, #tpu.memory_space<vmem>>
    %dma_wait3A_172 = arith.constant 0 : i32
    %dma_wait3A_173 = tpu.memref_slice %arg6[%dma_wait3A_168, %dma_wait3A_172] : memref<1024x16384xf32, #tpu.memory_space<hbm>> -> memref<1x2048xf32, #tpu.memory_space<hbm>>
    %dma_wait3A_174 = tpu.memref_squeeze %dma_wait3A_173 : memref<1x2048xf32, #tpu.memory_space<hbm>> -> memref<2048xf32, #tpu.memory_space<hbm>>
    %dma_wait3A_175 = arith.constant 0 : i32
    %dma_wait3A_176 = tpu.memref_slice %arg6[%dma_wait3A_168, %dma_wait3A_175] : memref<1024x16384xf32, #tpu.memory_space<hbm>> -> memref<1x2048xf32, #tpu.memory_space<hbm>>
    %dma_wait3A_177 = tpu.memref_squeeze %dma_wait3A_176 : memref<1x2048xf32, #tpu.memory_space<hbm>> -> memref<2048xf32, #tpu.memory_space<hbm>>
    %dma_wait3A_178 = arith.constant 0 : i32
    %dma_wait3A_179 = tpu.memref_slice %arg11[%dma_wait3A_167, %dma_wait3A_178] : memref<4x2048xf32, #tpu.memory_space<vmem>> -> memref<1x2048xf32, #tpu.memory_space<vmem>>
    %dma_wait3A_180 = tpu.memref_squeeze %dma_wait3A_179 : memref<1x2048xf32, #tpu.memory_space<vmem>> -> memref<2048xf32, #tpu.memory_space<vmem>>
    tpu.wait_dma2 semaphore(%arg17 : memref<!tpu.dma_semaphore, #tpu.memory_space<semaphore_mem>>) src(%dma_wait3A_180 : memref<2048xf32, #tpu.memory_space<vmem>>) dst(%dma_wait3A_177 : memref<2048xf32, #tpu.memory_space<hbm>>)
    %dma_wait3A_181 = arith.constant 2 : i32
    %dma_wait3A_182 = arith.constant 0 : i32
    %dma_wait3A_183 = arith.constant 0 : i32
    %dma_wait3A_184 = tpu.memref_slice %arg11[%dma_wait3A_181, %dma_wait3A_183] : memref<4x2048xf32, #tpu.memory_space<vmem>> -> memref<1x2048xf32, #tpu.memory_space<vmem>>
    %dma_wait3A_185 = tpu.memref_squeeze %dma_wait3A_184 : memref<1x2048xf32, #tpu.memory_space<vmem>> -> memref<2048xf32, #tpu.memory_space<vmem>>
    %dma_wait3A_186 = arith.constant 0 : i32
    %dma_wait3A_187 = tpu.memref_slice %arg6[%dma_wait3A_182, %dma_wait3A_186] : memref<1024x16384xf32, #tpu.memory_space<hbm>> -> memref<1x2048xf32, #tpu.memory_space<hbm>>
    %dma_wait3A_188 = tpu.memref_squeeze %dma_wait3A_187 : memref<1x2048xf32, #tpu.memory_space<hbm>> -> memref<2048xf32, #tpu.memory_space<hbm>>
    %dma_wait3A_189 = arith.constant 0 : i32
    %dma_wait3A_190 = tpu.memref_slice %arg6[%dma_wait3A_182, %dma_wait3A_189] : memref<1024x16384xf32, #tpu.memory_space<hbm>> -> memref<1x2048xf32, #tpu.memory_space<hbm>>
    %dma_wait3A_191 = tpu.memref_squeeze %dma_wait3A_190 : memref<1x2048xf32, #tpu.memory_space<hbm>> -> memref<2048xf32, #tpu.memory_space<hbm>>
    %dma_wait3A_192 = arith.constant 0 : i32
    %dma_wait3A_193 = tpu.memref_slice %arg11[%dma_wait3A_181, %dma_wait3A_192] : memref<4x2048xf32, #tpu.memory_space<vmem>> -> memref<1x2048xf32, #tpu.memory_space<vmem>>
    %dma_wait3A_194 = tpu.memref_squeeze %dma_wait3A_193 : memref<1x2048xf32, #tpu.memory_space<vmem>> -> memref<2048xf32, #tpu.memory_space<vmem>>
    tpu.wait_dma2 semaphore(%arg18 : memref<!tpu.dma_semaphore, #tpu.memory_space<semaphore_mem>>) src(%dma_wait3A_194 : memref<2048xf32, #tpu.memory_space<vmem>>) dst(%dma_wait3A_191 : memref<2048xf32, #tpu.memory_space<hbm>>)
    %dma_wait3A_195 = arith.constant 3 : i32
    %dma_wait3A_196 = arith.constant 0 : i32
    %dma_wait3A_197 = arith.constant 0 : i32
    %dma_wait3A_198 = tpu.memref_slice %arg11[%dma_wait3A_195, %dma_wait3A_197] : memref<4x2048xf32, #tpu.memory_space<vmem>> -> memref<1x2048xf32, #tpu.memory_space<vmem>>
    %dma_wait3A_199 = tpu.memref_squeeze %dma_wait3A_198 : memref<1x2048xf32, #tpu.memory_space<vmem>> -> memref<2048xf32, #tpu.memory_space<vmem>>
    %dma_wait3A_200 = arith.constant 0 : i32
    %dma_wait3A_201 = tpu.memref_slice %arg6[%dma_wait3A_196, %dma_wait3A_200] : memref<1024x16384xf32, #tpu.memory_space<hbm>> -> memref<1x2048xf32, #tpu.memory_space<hbm>>
    %dma_wait3A_202 = tpu.memref_squeeze %dma_wait3A_201 : memref<1x2048xf32, #tpu.memory_space<hbm>> -> memref<2048xf32, #tpu.memory_space<hbm>>
    %dma_wait3A_203 = arith.constant 0 : i32
    %dma_wait3A_204 = tpu.memref_slice %arg6[%dma_wait3A_196, %dma_wait3A_203] : memref<1024x16384xf32, #tpu.memory_space<hbm>> -> memref<1x2048xf32, #tpu.memory_space<hbm>>
    %dma_wait3A_205 = tpu.memref_squeeze %dma_wait3A_204 : memref<1x2048xf32, #tpu.memory_space<hbm>> -> memref<2048xf32, #tpu.memory_space<hbm>>
    %dma_wait3A_206 = arith.constant 0 : i32
    %dma_wait3A_207 = tpu.memref_slice %arg11[%dma_wait3A_195, %dma_wait3A_206] : memref<4x2048xf32, #tpu.memory_space<vmem>> -> memref<1x2048xf32, #tpu.memory_space<vmem>>
    %dma_wait3A_208 = tpu.memref_squeeze %dma_wait3A_207 : memref<1x2048xf32, #tpu.memory_space<vmem>> -> memref<2048xf32, #tpu.memory_space<vmem>>
    tpu.wait_dma2 semaphore(%arg19 : memref<!tpu.dma_semaphore, #tpu.memory_space<semaphore_mem>>) src(%dma_wait3A_208 : memref<2048xf32, #tpu.memory_space<vmem>>) dst(%dma_wait3A_205 : memref<2048xf32, #tpu.memory_space<hbm>>)
    return
  }
}

</mosaic_0001>

<sc_bundles>
// kernel: kernel.3.cloned.1.call-start
scs
__scs_entry_jumppad:
0x0: {  	(pc) =	sbr.rel $0x88, $3  }
0x1: {  	(tag) =	ssettag $0x0;
	lr =	simm.s32 $0x1  }
0x2: {  	[smem:$0x3F9D] =	sst lr;
	_ =	strace $0xD0000000  }
0x3: {  	_ = 	snop  }
0x4: {  	_ = 	snop  }
0x5: {  	_ = 	snop  }
0x6: {  	_ = 	snop  }
0x7: {  	_ = 	snop  }
__scs_overlays_trampoline_lowered:
0x8: {  	[smem:$0x3FAC] =	sst s0  }
0x9: {  	[smem:$0x3FAD] =	sst s1  }
0xa: {  	[smem:$0x3FAE] =	sst s2  }
0xb: {  	[smem:$0x3FAF] =	sst s3  }
0xc: {  	[smem:$0x3FB0] =	sst s4  }
0xd: {  	[smem:$0x3FB1] =	sst s5  }
0xe: {  	[smem:$0x3FB2] =	sst s6  }
0xf: {  	[smem:$0x3FB3] =	sst s7  }
0x10: {  	[smem:$0x3FB4] =	sst s8  }
0x11: {  	[smem:$0x3FB5] =	sst s9;
	s0 =	simm.s32 @!p0 $0x0  }
0x12: {  	s1 =	sld [smem:$0x3F9B];
	s0 =	simm.s32 @p0 $0x1  }
0x13: {  	[smem:$0x3FB6] =	sst s0;
	s0 =	simm.s32 @!p1 $0x0  }
0x14: {  	s2 =	sld [smem:$0x3F9A];
	s0 =	simm.s32 @p1 $0x1  }
0x15: {  	[smem:$0x3FB7] =	sst s0;
	s0 =	simm.s32 @!p2 $0x0  }
0x16: {  	s3 =	sld [smem:$0x3FDB];
	s0 =	simm.s32 @p2 $0x1  }
0x17: {  	s4 =	simm.s32 $0x1BF5;
	[smem:$0x3FB9] =	sst s0  }
0x18: {  	s0 =	sld [smem:$0x3F9C];
	_ =	swait.ge [sflag:s4], $0x0  }
0x19: {  	s7 =	sld [smem:$0x3F9D]  }
0x1a: {  	s8 =	sadd.s32 $0xFFFFE003, lr  }
0x1b: {  	s9 =	sadd.s32 $0xFFFFFEF7, lr;
	s5 =	simm.s32 $0xFFFFFFFF;
	p2 =	slt.u32 s8, $0xFFFFF086  }
0x1c: {  	p1 =	slt.u32 s9, $0xF7A;
	s5 =	simm.s32 @!p2 $0x0  }
0x1d: {  	s5 =	simm.s32 @p1 $0x1;
	p0 =	seq.s32 s7, s2  }
0x1e: {  	s7 =	smul.u32 @!p0 $0xF7A, s2;
	p2 =	seq.s32 @!p0 s5, $0x0  }
0x1f: {  	s9 =	smul.u32 $0xF7A, s1;
	s8 =	simm.s32 @!p0 $0x1BF5;
	p2 =	por !p2, p0  }
0x20: {  	[sflag:s8] =	ssyncset.s32 @!p0 $0xFFFFF086;
	s6 =	sadd.s32 @!p0 s3, s7;
	s7 =	simm.s32 @!p0 $0x108  }
0x21: {  	s3 =	sadd.s32 s3, s9;
	s6 =	sadd.s32 @!p0 $0x88, s6;
	s7 =	simm.s32 @p2 $0x1082  }
0x22: {  	[simem:s7], [sflag:s8] =	dma.local @!p0 [hbm:s6], $0xF7A  }
0x23: {  	s9 =	sor.u32 $0xD0000000, s2;
	s6 =	simm.s32 $0x108;
	_ =	swait.ge @!p0 [sflag:s8], $0x0  }
0x24: {  	s3 =	sadd.s32 $0x88, s3;
	s6 =	simm.s32 @!p1 $0x1082;
	[sflag:s4] =	ssyncset.s32 $0xFFFFF086  }
0x25: {  	[simem:s6], [sflag:s4] =	dma.local [hbm:s3], $0xF7A  }
0x26: {  	[smem:$0x3F9D] =	sst s1;
	(tag) =	ssettag s2;
	_ =	strace s9  }
0x27: {  	s1 =	sld [smem:$0x3FAD]  }
0x28: {  	s2 =	sld [smem:$0x3FAE]  }
0x29: {  	s4 =	sld [smem:$0x3FB0]  }
0x2a: {  	p0 =	seq.s32 s5, $0x0;
	s5 =	sld [smem:$0x3FB1]  }
0x2b: {  	s6 =	sld [smem:$0x3FB2]  }
0x2c: {  	s7 =	sld [smem:$0x3FB3]  }
0x2d: {  	s3 =	simm.s32 $0x108;
	s8 =	sld [smem:$0x3FB4]  }
0x2e: {  	s3 =	simm.s32 @!p0 $0x1082;
	s9 =	sld [smem:$0x3FB5]  }
0x2f: {  	lr =	sadd.s32 s0, s3;
	s0 =	sld [smem:$0x3FAC]  }
0x30: {  	s3 =	sld [smem:$0x3FAF]  }
0x31: {  	[smem:$0x3FB8] =	sst s10  }
0x32: {  	s10 =	sld [smem:$0x3FB6];
	_ =	sdelay $0x3  }
0x33: {  	p0 =	seq.s32 s10, $0x1;
	s10 =	sld [smem:$0x3FB8];
	_ =	sdelay $0x3  }
0x34: {  	[smem:$0x3FB8] =	sst s10  }
0x35: {  	s10 =	sld [smem:$0x3FB7];
	_ =	sdelay $0x3  }
0x36: {  	p1 =	seq.s32 s10, $0x1;
	s10 =	sld [smem:$0x3FB8];
	_ =	sdelay $0x3  }
0x37: {  	[smem:$0x3FB8] =	sst s10  }
0x38: {  	s10 =	sld [smem:$0x3FB9]  }
0x39: {  	_ = 	snop;
	(pc) =	sbr.ind lr, $3  }
0x3a: {  	_ = 	snop  }
0x3b: {  	_ = 	snop  }
0x3c: {  	p2 =	seq.s32 s10, $0x1;
	s10 =	sld [smem:$0x3FB8]  }
0x3d: {  	_ =	shalt  }
0x3e: {  	_ =	shalt  }
0x3f: {  	_ =	shalt  }
0x40: {  	_ =	shalt  }
0x41: {  	_ =	shalt  }
0x42: {  	_ =	shalt  }
0x43: {  	_ =	shalt  }
0x44: {  	_ =	shalt  }
0x45: {  	_ =	shalt  }
0x46: {  	_ =	shalt  }
0x47: {  	_ =	shalt  }
0x48: {  	_ =	shalt  }
0x49: {  	_ =	shalt  }
0x4a: {  	_ =	shalt  }
0x4b: {  	_ =	shalt  }
0x4c: {  	_ =	shalt  }
0x4d: {  	_ =	shalt  }
0x4e: {  	_ =	shalt  }
0x4f: {  	_ =	shalt  }
0x50: {  	_ =	shalt  }
0x51: {  	_ =	shalt  }
0x52: {  	_ =	shalt  }
0x53: {  	_ =	shalt  }
0x54: {  	_ =	shalt  }
0x55: {  	_ =	shalt  }
0x56: {  	_ =	shalt  }
0x57: {  	_ =	shalt  }
0x58: {  	_ =	shalt  }
0x59: {  	_ =	shalt  }
0x5a: {  	_ =	shalt  }
0x5b: {  	_ =	shalt  }
0x5c: {  	_ =	shalt  }
0x5d: {  	_ =	shalt  }
0x5e: {  	_ =	shalt  }
0x5f: {  	_ =	shalt  }
0x60: {  	_ =	shalt  }
0x61: {  	_ =	shalt  }
0x62: {  	_ =	shalt  }
0x63: {  	_ =	shalt  }
0x64: {  	_ =	shalt  }
0x65: {  	_ =	shalt  }
0x66: {  	_ =	shalt  }
0x67: {  	_ =	shalt  }
0x68: {  	_ =	shalt  }
0x69: {  	_ =	shalt  }
0x6a: {  	_ =	shalt  }
0x6b: {  	_ =	shalt  }
0x6c: {  	_ =	shalt  }
0x6d: {  	_ =	shalt  }
0x6e: {  	_ =	shalt  }
0x6f: {  	_ =	shalt  }
0x70: {  	_ =	shalt  }
0x71: {  	_ =	shalt  }
0x72: {  	_ =	shalt  }
0x73: {  	_ =	shalt  }
0x74: {  	_ =	shalt  }
0x75: {  	_ =	shalt  }
0x76: {  	_ =	shalt  }
0x77: {  	_ =	shalt  }
0x78: {  	_ =	shalt  }
0x79: {  	_ =	shalt  }
0x7a: {  	_ =	shalt  }
0x7b: {  	_ =	shalt  }
0x7c: {  	_ =	shalt  }
0x7d: {  	_ =	shalt  }
0x7e: {  	_ =	shalt  }
0x7f: {  	_ =	shalt  }
0x80: {  	_ =	shalt  }
0x81: {  	_ =	shalt  }
0x82: {  	_ =	shalt  }
0x83: {  	_ =	shalt  }
0x84: {  	_ =	shalt  }
0x85: {  	_ =	shalt  }
0x86: {  	_ =	shalt  }
0x87: {  	_ =	shalt  }
.Lfunc_end0:
.L_simem_size_0:
called_computation_lowered:
.L_overlay_start_0:
0x88: {  	s2 =	sld [smem:$0x3FD9]  }
0x89: {  	s3 =	sld [smem:$0x3FFE];
	_ =	sdelay $0x1  }
0x8a: {  	s1 =	srdreg.scid  }
0x8b: {  	s0 =	sand.u32 $0x1, s1  }
0x8c: {  	s17 =	sshll.u32 s0, $0xA;
	s2 =	sadd.s32 s3, s2  }
0x8d: {  	s2 =	sadd.s32 s2, s17  }
0x8e: {  	[smem:$0x3FC4] =	sst s2  }
0x8f: {  	_ = 	snop  }
0x90: {  	s2 =	sld [smem:$0x3FC9]  }
0x91: {  	s18 =	sld [smem:$0x3FC7]  }
0x92: {  	s4 =	sld [smem:$0x3FC6]  }
0x93: {  	s5 =	sld [smem:$0x3FD0];
	(tm) =	ssettm $0x1  }
0x94: {  	s6 =	sld [smem:$0x3FFB];
	_ =	sdelay $0x3  }
0x95: {  	_ =	strace s6  }
0x96: {  	s6 =	sld [smem:$0x3FFC];
	_ =	sdelay $0x3  }
0x97: {  	_ =	strace s6  }
0x98: {  	s6 =	sld [smem:$0x3FFD];
	_ =	sdelay $0x3  }
0x99: {  	_ =	strace s6  }
0x9a: {  	_ =	strace $0x8FFFFFFF  }
0x9b: {  	s19 =	sld [smem:$0x3FDB];
	_ =	sdelay $0x1  }
0x9c: {  	s7 =	simm.s32 $_scs_section_size  }
0x9d: {  	s8 =	simm.s32 $_size__tile_overlayer_lowered;
	s9 =	simm.s32 $_tile_overlayer_lowered  }
0x9e: {  	s22 =	simm.s32 $0x1BFF;
	s21 =	sshll.u32 s9, $0x1;
	s6 =	sadd.s32 s7, s19  }
0x9f: {  	s10 =	simm.s32 $0x0;
	s20 =	sshll.u32 s8, $0x1;
	s8 =	sadd.s32 s21, s6  }
0xa0: {  	[timem:s10], [sflag:s22] =	dma.local [hbm:s8], s20  }
0xa1: {  	_ =	swait.ge [sflag:s22], s20  }
0xa2: {  	s7 =	ssub.s32 $0x0, s20;
	[sflag:s22] =	ssyncset.done $0x0  }
0xa3: {  	[sflag:s22] =	ssyncadd.s32 s7;
	_ =	sdelay $0x1  }
0xa4: {  	s23 =	simm.s32 $0x1B8B  }
0xa5: {  	_ =	swait.ge [sflag:s23], $0x1  }
0xa6: {  	[sflag:s23] =	ssyncset.done $0x0  }
0xa7: {  	s25 =	simm.s32 $0x1B8E;
	s24 =	sld [smem:$0x3FFE];
	[sflag:s23] =	ssyncadd.s32 $0xFFFFFFFF  }
0xa8: {  	s26 =	simm.s32 $execute0_lowered;
	[smem:$0x3FD2] =	sst s25  }
0xa9: {  	s8 =	sshll.u32 s26, $0x1;
	_ =	strace $0x80000046;
	[dreg:$0x1] =	wrdreg $0xFFFFFFFF  }
0xaa: {  	s28 =	simm.s32 $_size_execute0_lowered;
	s6 =	sadd.s32 s6, s8;
	[dreg:$0x0] =	wrdreg $0x0  }
0xab: {  	s8 =	sshll.u32 s28, $0x1;
	[dreg:$0x2] =	wrdreg s6  }
0xac: {  	[dreg:$0x3] =	wrdreg s8  }
0xad: {  	[dreg:$0x4] =	wrdreg $0xC0  }
0xae: {  	_ =	task [dreg:s10], $0x5FFFF  }
0xaf: {  	[dreg:$0x1] =	wrdreg $0xFFFFFFFF  }
0xb0: {  	[dreg:$0x0] =	wrdreg $0x60  }
0xb1: {  	[dreg:$0x2] =	wrdreg s2  }
0xb2: {  	[dreg:$0x3] =	wrdreg s24  }
0xb3: {  	[dreg:$0x4] =	wrdreg s18  }
0xb4: {  	[dreg:$0x5] =	wrdreg s4  }
0xb5: {  	[dreg:$0x6] =	wrdreg s5  }
0xb6: {  	[dreg:$0x7] =	wrdreg $0x9  }
0xb7: {  	_ =	task.clear_ibuf [dreg:s10], $0x8FFFF;
	_ =	strace $0x90000046  }
0xb8: {  	s29 =	simm.s32 $0x9;
	_ =	strace $0x80000048  }
0xb9: {  	_ =	swait.ge [sflag:s29], $0x1  }
0xba: {  	[sflag:s29] =	ssyncadd.s32 $0xFFFFFFFF  }
0xbb: {  	_ =	strace $0x90000048  }
0xbc: {  	_ =	sfence  }
0xbd: {  	s30 =	sld [smem:$0x0];
	_ =	sdelay $0x2  }
0xbe: {  	s31 =	sshll.u32 s1, $0xD;
	s1 =	sshrl.u32 s1, $0x2  }
0xbf: {  	s3 =	sand.u32 $0x4000, s31;
	s1 =	sadd.s32 s1, s30  }
0xc0: {  	s0 =	sor.u32 s3, s0;
	s1 =	sshll.u32 s1, $0x11  }
0xc1: {  	s0 =	sor.u32 s1, s0  }
0xc2: {  	s0 =	sadd.s32 $0x8F2B, s0  }
0xc3: {  	[sflag:s0] =	ssyncadd.remote.s32 $0x1  }
0xc4: {  	_ =	sfence.sel $0xFFFF  }
0xc5: {  	[dreg:$0x0] =	wrdreg $0xFFFFFFFF;
	(pc) =	sbr.abs _section_cstart, $3  }
0xc6: {  	[dreg:$0x1] =	wrdreg $0xFFFFFFFF  }
0xc7: {  	_ =	task.clear_ibuf [dreg:s10], $0x2FFFF;
	_ =	strace $0x9FFFFFFF  }
0xc8: {  	(tm) =	ssettm $0x7FFFFFFF  }
0xc9: {  	_ =	shalt  }
tec
execute0_lowered:
.L_overlay_start_1:
0x0: {  	(tag) =	ssettag $0x1  }
0x1: {  	s0 =	rddreg [dreg:$0x0]  }
0x2: {  	s1 =	rddreg [dreg:$0x1];
	s3 =	srdreg.scid  }
0x3: {  	s2 =	rddreg [dreg:$0x2];
	s6 =	stileid.u32;
	s3 =	sand.u32 $0x1, s3  }
0x4: {  	s4 =	rddreg [dreg:$0x3];
	s6 =	sshll.u32 s6, $0x6;
	s7 =	sshll.u32 s3, $0x5  }
0x5: {  	s5 =	rddreg [dreg:$0x4];
	s3 =	ssub.s32 $0x2, s3;
	s6 =	sor.u32 s7, s6  }
0x6: {  	s7 =	simm.s32 $0x0;
	s18 =	sshrl.u32 s3, $0x1;
	s8 =	sshll.u32 s6, $0x6  }
0x7: {  	[smem:$0x7FF] =	sst s7;
	s3 =	ssub.s32 s3, s18;
	s20 =	sshll.u32 s6, $0xD  }
0x8: {  	s9 =	sshll.u32 s6, $0xB;
	s1 =	sadd.s32 s8, s1;
	s8 =	sadd.s32 s2, s20  }
0x9: {  	_ =	strace $0x80000047;
	s25 =	smax.u32 s3, $0x1;
	[dreg:$0x8] =	wrdreg s8  }
0xa: {  	s9 =	sadd.s32 s4, s9;
	[dreg:$0x10] =	wrdreg s25  }
0xb: {  	s28 =	simm.s32 $0x1;
	s1 =	sadd.s32 $0x400, s1;
	[dreg:$0x9] =	wrdreg s9  }
0xc: {  	s31 =	simm.s32 $0x3;
	s21 =	sadd.s32 $0x400, s8;
	[dreg:$0x6] =	wrdreg s1  }
0xd: {  	s11 =	simm.s32 $0x4;
	s22 =	sadd.s32 $0x800, s9;
	[dreg:$0xb] =	wrdreg s21  }
0xe: {  	s13 =	simm.s32 $0x13980;
	s23 =	sadd.s32 $0x800, s8;
	[dreg:$0xc] =	wrdreg s22  }
0xf: {  	s15 =	simm.s32 $0x13B80;
	s24 =	sadd.s32 $0x1000, s9;
	[dreg:$0xe] =	wrdreg s23  }
0x10: {  	s16 =	simm.s32 $0x13D80;
	s26 =	sadd.s32 $0x80, s9;
	[dreg:$0xf] =	wrdreg s24  }
0x11: {  	s19 =	sshll.u32 s6, $0xC;
	s29 =	sadd.s32 $0x100, s9;
	[dreg:$0x11] =	wrdreg s26  }
0x12: {  	s18 =	simm.s32 $0x13F80;
	s30 =	sadd.s32 $0x180, s9;
	[dreg:$0x12] =	wrdreg s29  }
0x13: {  	s3 =	simm.s32 $0x0;
	s1 =	sadd.s32 s0, s19;
	[dreg:$0x13] =	wrdreg s30  }
0x14: {  	s8 =	simm.s32 $0x2;
	s10 =	sadd.s32 $0x200, s1;
	[dreg:$0x7] =	wrdreg s1  }
0x15: {  	s25 =	simm.s32 $0x7;
	s1 =	sadd.s32 $0x400, s1;
	[dreg:$0xa] =	wrdreg s10  }
0x16: {  	s9 =	simm.s32 $0x8;
	s23 =	simm.s32 $0x6;
	[dreg:$0xd] =	wrdreg s1  }
.LBB2_1:
0x17: {  	[dreg:$0x14] =	wrdreg s3  }
0x18: {  	s1 =	rddreg [dreg:$0x6];
	s17 =	simm.s32 $0x9  }
0x19: {  	[tilespmem:s7], [sflag:$0x9] =	stream.linear.gather [hbm4b:s1+s7], $0x4000, $0x38;
	[tilespmem:$0x14000] =	vst v63  }
0x1a: {  	_ =	swait.ge [sflag:s17], $0x4000  }
0x1b: {  	[sflag:s17] =	ssyncset.done $0x0  }
0x1c: {  	s20 =	simm.s32 $0x4000;
	s19 =	rddreg [dreg:$0x7];
	[sflag:s17] =	ssyncadd.s32 $0xFFFFC000  }
0x1d: {  	[tilespmem:s20], [sflag:$0x1] =	stream.linear.gather [hbm4b:s19+s7], $0x1000, $0x38;
	[tilespmem:$0x14000] =	vst v63  }
0x1e: {  	s22 =	simm.s32 $0x8000;
	s21 =	rddreg [dreg:$0x8]  }
0x1f: {  	[tilespmem:s22], [sflag:$0x1] =	stream.linear.gather [hbm4b:s21+s7], $0x2000, $0x38;
	[tilespmem:$0x14000] =	vst v63  }
0x20: {  	s24 =	simm.s32 $0x10000;
	s3 =	rddreg [dreg:$0x9]  }
0x21: {  	[tilespmem:s24], [sflag:$0x1] =	stream.linear.gather [hbm4b:s3+s7], $0x80, $0x38;
	[tilespmem:$0x14000] =	vst v63  }
0x22: {  	s10 =	simm.s32 $0x10200;
	s26 =	rddreg [dreg:$0x11]  }
0x23: {  	[tilespmem:s10], [sflag:$0x1] =	stream.linear.gather [hbm4b:s26+s7], $0x80, $0x38;
	[tilespmem:$0x14000] =	vst v63  }
0x24: {  	s30 =	simm.s32 $0x10400;
	s29 =	rddreg [dreg:$0x12]  }
0x25: {  	[tilespmem:s30], [sflag:$0x1] =	stream.linear.gather [hbm4b:s29+s7], $0x80, $0x38;
	[tilespmem:$0x14000] =	vst v63  }
0x26: {  	s12 =	simm.s32 $0x10600;
	s10 =	rddreg [dreg:$0x13]  }
0x27: {  	[tilespmem:s12], [sflag:$0x1] =	stream.linear.gather [hbm4b:s10+s7], $0x80, $0x38;
	[tilespmem:$0x14000] =	vst v63  }
0x28: {  	s14 =	sadd.s32 $0x200, s3;
	s17 =	simm.s32 $0x10800  }
0x29: {  	[tilespmem:s17], [sflag:$0x1] =	stream.linear.gather [hbm4b:s14+s7], $0x80, $0x38;
	[tilespmem:$0x14000] =	vst v63  }
0x2a: {  	s19 =	sadd.s32 $0x280, s3;
	s20 =	simm.s32 $0x10A00  }
0x2b: {  	[tilespmem:s20], [sflag:$0x1] =	stream.linear.gather [hbm4b:s19+s7], $0x80, $0x38;
	[tilespmem:$0x14000] =	vst v63  }
0x2c: {  	s21 =	sadd.s32 $0x300, s3;
	s22 =	simm.s32 $0x10C00  }
0x2d: {  	[tilespmem:s22], [sflag:$0x1] =	stream.linear.gather [hbm4b:s21+s7], $0x80, $0x38;
	[tilespmem:$0x14000] =	vst v63  }
0x2e: {  	s24 =	sadd.s32 $0x380, s3;
	s26 =	simm.s32 $0x10E00  }
0x2f: {  	[tilespmem:s26], [sflag:$0x1] =	stream.linear.gather [hbm4b:s24+s7], $0x80, $0x38;
	[tilespmem:$0x14000] =	vst v63  }
0x30: {  	s29 =	sadd.s32 $0x400, s3;
	s30 =	simm.s32 $0x11000  }
0x31: {  	[tilespmem:s30], [sflag:$0x1] =	stream.linear.gather [hbm4b:s29+s7], $0x80, $0x38;
	[tilespmem:$0x14000] =	vst v63  }
0x32: {  	s10 =	sadd.s32 $0x480, s3;
	s12 =	simm.s32 $0x11200  }
0x33: {  	[tilespmem:s12], [sflag:$0x1] =	stream.linear.gather [hbm4b:s10+s7], $0x80, $0x38;
	[tilespmem:$0x14000] =	vst v63  }
0x34: {  	s14 =	sadd.s32 $0x500, s3;
	s17 =	simm.s32 $0x11400  }
0x35: {  	[tilespmem:s17], [sflag:$0x1] =	stream.linear.gather [hbm4b:s14+s7], $0x80, $0x38;
	[tilespmem:$0x14000] =	vst v63  }
0x36: {  	s19 =	sadd.s32 $0x580, s3;
	s20 =	simm.s32 $0x11600  }
0x37: {  	[tilespmem:s20], [sflag:$0x1] =	stream.linear.gather [hbm4b:s19+s7], $0x80, $0x38;
	[tilespmem:$0x14000] =	vst v63  }
0x38: {  	s21 =	sadd.s32 $0x600, s3;
	s22 =	simm.s32 $0x11800  }
0x39: {  	[tilespmem:s22], [sflag:$0x1] =	stream.linear.gather [hbm4b:s21+s7], $0x80, $0x38;
	[tilespmem:$0x14000] =	vst v63  }
0x3a: {  	s24 =	sadd.s32 $0x680, s3;
	s26 =	simm.s32 $0x11A00  }
0x3b: {  	[tilespmem:s26], [sflag:$0x1] =	stream.linear.gather [hbm4b:s24+s7], $0x80, $0x38;
	[tilespmem:$0x14000] =	vst v63  }
0x3c: {  	s29 =	sadd.s32 $0x700, s3;
	s30 =	simm.s32 $0x11C00  }
0x3d: {  	[tilespmem:s30], [sflag:$0x1] =	stream.linear.gather [hbm4b:s29+s7], $0x80, $0x38;
	[tilespmem:$0x14000] =	vst v63  }
0x3e: {  	s12 =	sadd.s32 $0x780, s3;
	s14 =	simm.s32 $0x11E00  }
0x3f: {  	[tilespmem:s14], [sflag:$0x1] =	stream.linear.gather [hbm4b:s12+s7], $0x80, $0x38;
	[tilespmem:$0x14000] =	vst v63  }
0x40: {  	s17 =	rddreg [dreg:$0xa];
	s19 =	simm.s32 $0x5000  }
0x41: {  	[tilespmem:s19], [sflag:$0x2] =	stream.linear.gather [hbm4b:s17+s7], $0x1000, $0x38;
	[tilespmem:$0x14000] =	vst v63  }
0x42: {  	s20 =	rddreg [dreg:$0xb];
	s21 =	simm.s32 $0xA000  }
0x43: {  	[tilespmem:s21], [sflag:$0x2] =	stream.linear.gather [hbm4b:s20+s7], $0x2000, $0x38;
	[tilespmem:$0x14000] =	vst v63  }
0x44: {  	s3 =	rddreg [dreg:$0xc];
	s22 =	simm.s32 $0x10080  }
0x45: {  	[tilespmem:s22], [sflag:$0x2] =	stream.linear.gather [hbm4b:s3+s7], $0x80, $0x38;
	[tilespmem:$0x14000] =	vst v63  }
0x46: {  	s24 =	sadd.s32 $0x80, s3;
	s26 =	simm.s32 $0x10280  }
0x47: {  	[tilespmem:s26], [sflag:$0x2] =	stream.linear.gather [hbm4b:s24+s7], $0x80, $0x38;
	[tilespmem:$0x14000] =	vst v63  }
0x48: {  	s29 =	sadd.s32 $0x100, s3;
	s30 =	simm.s32 $0x10480  }
0x49: {  	[tilespmem:s30], [sflag:$0x2] =	stream.linear.gather [hbm4b:s29+s7], $0x80, $0x38;
	[tilespmem:$0x14000] =	vst v63  }
0x4a: {  	s10 =	sadd.s32 $0x180, s3;
	s12 =	simm.s32 $0x10680  }
0x4b: {  	[tilespmem:s12], [sflag:$0x2] =	stream.linear.gather [hbm4b:s10+s7], $0x80, $0x38;
	[tilespmem:$0x14000] =	vst v63  }
0x4c: {  	s14 =	sadd.s32 $0x200, s3;
	s17 =	simm.s32 $0x10880  }
0x4d: {  	[tilespmem:s17], [sflag:$0x2] =	stream.linear.gather [hbm4b:s14+s7], $0x80, $0x38;
	[tilespmem:$0x14000] =	vst v63  }
0x4e: {  	s19 =	sadd.s32 $0x280, s3;
	s20 =	simm.s32 $0x10A80  }
0x4f: {  	[tilespmem:s20], [sflag:$0x2] =	stream.linear.gather [hbm4b:s19+s7], $0x80, $0x38;
	[tilespmem:$0x14000] =	vst v63  }
0x50: {  	s21 =	sadd.s32 $0x300, s3;
	s22 =	simm.s32 $0x10C80  }
0x51: {  	[tilespmem:s22], [sflag:$0x2] =	stream.linear.gather [hbm4b:s21+s7], $0x80, $0x38;
	[tilespmem:$0x14000] =	vst v63  }
0x52: {  	s24 =	sadd.s32 $0x380, s3;
	s26 =	simm.s32 $0x10E80  }
0x53: {  	[tilespmem:s26], [sflag:$0x2] =	stream.linear.gather [hbm4b:s24+s7], $0x80, $0x38;
	[tilespmem:$0x14000] =	vst v63  }
0x54: {  	s29 =	sadd.s32 $0x400, s3;
	s30 =	simm.s32 $0x11080  }
0x55: {  	[tilespmem:s30], [sflag:$0x2] =	stream.linear.gather [hbm4b:s29+s7], $0x80, $0x38;
	[tilespmem:$0x14000] =	vst v63  }
0x56: {  	s10 =	sadd.s32 $0x480, s3;
	s12 =	simm.s32 $0x11280  }
0x57: {  	[tilespmem:s12], [sflag:$0x2] =	stream.linear.gather [hbm4b:s10+s7], $0x80, $0x38;
	[tilespmem:$0x14000] =	vst v63  }
0x58: {  	s14 =	sadd.s32 $0x500, s3;
	s17 =	simm.s32 $0x11480  }
0x59: {  	[tilespmem:s17], [sflag:$0x2] =	stream.linear.gather [hbm4b:s14+s7], $0x80, $0x38;
	[tilespmem:$0x14000] =	vst v63  }
0x5a: {  	s19 =	sadd.s32 $0x580, s3;
	s20 =	simm.s32 $0x11680  }
0x5b: {  	[tilespmem:s20], [sflag:$0x2] =	stream.linear.gather [hbm4b:s19+s7], $0x80, $0x38;
	[tilespmem:$0x14000] =	vst v63  }
0x5c: {  	s21 =	sadd.s32 $0x600, s3;
	s22 =	simm.s32 $0x11880  }
0x5d: {  	[tilespmem:s22], [sflag:$0x2] =	stream.linear.gather [hbm4b:s21+s7], $0x80, $0x38;
	[tilespmem:$0x14000] =	vst v63  }
0x5e: {  	s24 =	sadd.s32 $0x680, s3;
	s26 =	simm.s32 $0x11A80  }
0x5f: {  	[tilespmem:s26], [sflag:$0x2] =	stream.linear.gather [hbm4b:s24+s7], $0x80, $0x38;
	[tilespmem:$0x14000] =	vst v63  }
0x60: {  	s29 =	sadd.s32 $0x700, s3;
	s30 =	simm.s32 $0x11C80  }
0x61: {  	[tilespmem:s30], [sflag:$0x2] =	stream.linear.gather [hbm4b:s29+s7], $0x80, $0x38;
	[tilespmem:$0x14000] =	vst v63  }
0x62: {  	s3 =	sadd.s32 $0x780, s3;
	s10 =	simm.s32 $0x11E80  }
0x63: {  	[tilespmem:s10], [sflag:$0x2] =	stream.linear.gather [hbm4b:s3+s7], $0x80, $0x38;
	[tilespmem:$0x14000] =	vst v63  }
0x64: {  	s12 =	rddreg [dreg:$0xd];
	s14 =	simm.s32 $0x6000  }
0x65: {  	[tilespmem:s14], [sflag:$0x3] =	stream.linear.gather [hbm4b:s12+s7], $0x1000, $0x38;
	[tilespmem:$0x14000] =	vst v63  }
0x66: {  	s17 =	rddreg [dreg:$0xe];
	s19 =	simm.s32 $0xC000  }
0x67: {  	[tilespmem:s19], [sflag:$0x3] =	stream.linear.gather [hbm4b:s17+s7], $0x2000, $0x38;
	[tilespmem:$0x14000] =	vst v63  }
0x68: {  	s20 =	simm.s32 $0x10100;
	s3 =	rddreg [dreg:$0xf]  }
0x69: {  	[tilespmem:s20], [sflag:$0x3] =	stream.linear.gather [hbm4b:s3+s7], $0x80, $0x38;
	[tilespmem:$0x14000] =	vst v63  }
0x6a: {  	s22 =	simm.s32 $0x10300;
	s21 =	sadd.s32 $0x80, s3  }
0x6b: {  	[tilespmem:s22], [sflag:$0x3] =	stream.linear.gather [hbm4b:s21+s7], $0x80, $0x38;
	[tilespmem:$0x14000] =	vst v63  }
0x6c: {  	s26 =	simm.s32 $0x10500;
	s24 =	sadd.s32 $0x100, s3  }
0x6d: {  	[tilespmem:s26], [sflag:$0x3] =	stream.linear.gather [hbm4b:s24+s7], $0x80, $0x38;
	[tilespmem:$0x14000] =	vst v63  }
0x6e: {  	s30 =	simm.s32 $0x10700;
	s29 =	sadd.s32 $0x180, s3  }
0x6f: {  	[tilespmem:s30], [sflag:$0x3] =	stream.linear.gather [hbm4b:s29+s7], $0x80, $0x38;
	[tilespmem:$0x14000] =	vst v63  }
0x70: {  	s10 =	sadd.s32 $0x200, s3;
	s12 =	simm.s32 $0x10900  }
0x71: {  	[tilespmem:s12], [sflag:$0x3] =	stream.linear.gather [hbm4b:s10+s7], $0x80, $0x38;
	[tilespmem:$0x14000] =	vst v63  }
0x72: {  	s14 =	sadd.s32 $0x280, s3;
	s17 =	simm.s32 $0x10B00  }
0x73: {  	[tilespmem:s17], [sflag:$0x3] =	stream.linear.gather [hbm4b:s14+s7], $0x80, $0x38;
	[tilespmem:$0x14000] =	vst v63  }
0x74: {  	s19 =	sadd.s32 $0x300, s3;
	s20 =	simm.s32 $0x10D00  }
0x75: {  	[tilespmem:s20], [sflag:$0x3] =	stream.linear.gather [hbm4b:s19+s7], $0x80, $0x38;
	[tilespmem:$0x14000] =	vst v63  }
0x76: {  	s21 =	sadd.s32 $0x380, s3;
	s22 =	simm.s32 $0x10F00  }
0x77: {  	[tilespmem:s22], [sflag:$0x3] =	stream.linear.gather [hbm4b:s21+s7], $0x80, $0x38;
	[tilespmem:$0x14000] =	vst v63  }
0x78: {  	s24 =	sadd.s32 $0x400, s3;
	s26 =	simm.s32 $0x11100  }
0x79: {  	[tilespmem:s26], [sflag:$0x3] =	stream.linear.gather [hbm4b:s24+s7], $0x80, $0x38;
	[tilespmem:$0x14000] =	vst v63  }
0x7a: {  	s29 =	sadd.s32 $0x480, s3;
	s30 =	simm.s32 $0x11300  }
0x7b: {  	[tilespmem:s30], [sflag:$0x3] =	stream.linear.gather [hbm4b:s29+s7], $0x80, $0x38;
	[tilespmem:$0x14000] =	vst v63  }
0x7c: {  	s10 =	sadd.s32 $0x500, s3;
	s12 =	simm.s32 $0x11500  }
0x7d: {  	[tilespmem:s12], [sflag:$0x3] =	stream.linear.gather [hbm4b:s10+s7], $0x80, $0x38;
	[tilespmem:$0x14000] =	vst v63  }
0x7e: {  	s14 =	sadd.s32 $0x580, s3;
	s17 =	simm.s32 $0x11700  }
0x7f: {  	[tilespmem:s17], [sflag:$0x3] =	stream.linear.gather [hbm4b:s14+s7], $0x80, $0x38;
	[tilespmem:$0x14000] =	vst v63  }
0x80: {  	s19 =	sadd.s32 $0x600, s3;
	s20 =	simm.s32 $0x11900  }
0x81: {  	[tilespmem:s20], [sflag:$0x3] =	stream.linear.gather [hbm4b:s19+s7], $0x80, $0x38;
	[tilespmem:$0x14000] =	vst v63  }
0x82: {  	s21 =	sadd.s32 $0x680, s3;
	s22 =	simm.s32 $0x11B00  }
0x83: {  	[tilespmem:s22], [sflag:$0x3] =	stream.linear.gather [hbm4b:s21+s7], $0x80, $0x38;
	[tilespmem:$0x14000] =	vst v63  }
0x84: {  	s24 =	sadd.s32 $0x700, s3;
	s26 =	simm.s32 $0x11D00  }
0x85: {  	[tilespmem:s26], [sflag:$0x3] =	stream.linear.gather [hbm4b:s24+s7], $0x80, $0x38;
	[tilespmem:$0x14000] =	vst v63  }
0x86: {  	s29 =	sadd.s32 $0x780, s3;
	s30 =	simm.s32 $0x11F00;
	s10 =	simm.s32 $0x0  }
0x87: {  	[tilespmem:s30], [sflag:$0x3] =	stream.linear.gather [hbm4b:s29+s7], $0x80, $0x38;
	[tilespmem:$0x14000] =	vst v63  }
.LBB2_2:
0x88: {  	s19 =	sshllo.u32 s10, $0x2;
	s30 =	sshrl.u32 s10, $0x1  }
0x89: {  	s1 =	sshll.u32 s30, $0xE;
	s3 =	sshll.u32 s19, $0xB  }
0x8a: {  	s12 =	sor.u32 s6, s30;
	s1 =	ssub.s32 s3, s1  }
0x8b: {  	s21 =	sshll.u32 s12, $0xF;
	s14 =	sshll.u32 s1, $0x1  }
0x8c: {  	s3 =	sadd.s32 s21, s14  }
0x8d: {  	s22 =	simm.s32 $0x7000;
	s3 =	sshrl.u32 s3, $0x3  }
0x8e: {  	s24 =	sshll.u32 s12, $0x10;
	s26 =	sshll.u32 s1, $0x2;
	s3 =	sadd.s32 s0, s3  }
0x8f: {  	[tilespmem:s22], [sflag:$0x4] =	stream.linear.gather [hbm4b:s3+s7], $0x1000, $0x38;
	[tilespmem:$0x14000] =	vst v63  }
0x90: {  	s17 =	simm.s32 $0xE000;
	s3 =	sadd.s32 s24, s26  }
0x91: {  	s20 =	sshll.u32 s12, $0xE;
	s1 =	sshll.u32 s1, $0x3;
	s3 =	sshrl.u32 s3, $0x3  }
0x92: {  	s14 =	sand.u32 $0xFE0000, s20;
	s21 =	sshll.u32 s10, $0x6;
	s3 =	sadd.s32 s2, s3  }
0x93: {  	[tilespmem:s17], [sflag:$0x4] =	stream.linear.gather [hbm4b:s3+s7], $0x2000, $0x38;
	[tilespmem:$0x14000] =	vst v63  }
0x94: {  	s1 =	sadd.s32 s14, s1;
	s17 =	sand.u32 $0x380, s21  }
0x95: {  	s1 =	sor.u32 s17, s1  }
0x96: {  	s1 =	sshrl.u32 s1, $0x3  }
0x97: {  	s22 =	simm.s32 $0x10180;
	s1 =	sadd.s32 s4, s1  }
0x98: {  	[tilespmem:s22], [sflag:$0x4] =	stream.linear.gather [hbm4b:s1+s7], $0x80, $0x38;
	[tilespmem:$0x14000] =	vst v63  }
0x99: {  	s26 =	simm.s32 $0x10380;
	s24 =	sadd.s32 $0x80, s1  }
0x9a: {  	[tilespmem:s26], [sflag:$0x4] =	stream.linear.gather [hbm4b:s24+s7], $0x80, $0x38;
	[tilespmem:$0x14000] =	vst v63  }
0x9b: {  	s20 =	simm.s32 $0x10580;
	s12 =	sadd.s32 $0x100, s1  }
0x9c: {  	[tilespmem:s20], [sflag:$0x4] =	stream.linear.gather [hbm4b:s12+s7], $0x80, $0x38;
	[tilespmem:$0x14000] =	vst v63  }
0x9d: {  	s21 =	sadd.s32 $0x180, s1;
	s22 =	simm.s32 $0x10780  }
0x9e: {  	[tilespmem:s22], [sflag:$0x4] =	stream.linear.gather [hbm4b:s21+s7], $0x80, $0x38;
	[tilespmem:$0x14000] =	vst v63  }
0x9f: {  	s24 =	sadd.s32 $0x200, s1;
	s26 =	simm.s32 $0x10980  }
0xa0: {  	[tilespmem:s26], [sflag:$0x4] =	stream.linear.gather [hbm4b:s24+s7], $0x80, $0x38;
	[tilespmem:$0x14000] =	vst v63  }
0xa1: {  	s12 =	sadd.s32 $0x280, s1;
	s20 =	simm.s32 $0x10B80  }
0xa2: {  	[tilespmem:s20], [sflag:$0x4] =	stream.linear.gather [hbm4b:s12+s7], $0x80, $0x38;
	[tilespmem:$0x14000] =	vst v63  }
0xa3: {  	s21 =	sadd.s32 $0x300, s1;
	s22 =	simm.s32 $0x10D80  }
0xa4: {  	[tilespmem:s22], [sflag:$0x4] =	stream.linear.gather [hbm4b:s21+s7], $0x80, $0x38;
	[tilespmem:$0x14000] =	vst v63  }
0xa5: {  	s24 =	sadd.s32 $0x380, s1;
	s26 =	simm.s32 $0x10F80  }
0xa6: {  	[tilespmem:s26], [sflag:$0x4] =	stream.linear.gather [hbm4b:s24+s7], $0x80, $0x38;
	[tilespmem:$0x14000] =	vst v63  }
0xa7: {  	s12 =	sadd.s32 $0x400, s1;
	s20 =	simm.s32 $0x11180  }
0xa8: {  	[tilespmem:s20], [sflag:$0x4] =	stream.linear.gather [hbm4b:s12+s7], $0x80, $0x38;
	[tilespmem:$0x14000] =	vst v63  }
0xa9: {  	s21 =	sadd.s32 $0x480, s1;
	s22 =	simm.s32 $0x11380  }
0xaa: {  	[tilespmem:s22], [sflag:$0x4] =	stream.linear.gather [hbm4b:s21+s7], $0x80, $0x38;
	[tilespmem:$0x14000] =	vst v63  }
0xab: {  	s24 =	sadd.s32 $0x500, s1;
	s26 =	simm.s32 $0x11580  }
0xac: {  	[tilespmem:s26], [sflag:$0x4] =	stream.linear.gather [hbm4b:s24+s7], $0x80, $0x38;
	[tilespmem:$0x14000] =	vst v63  }
0xad: {  	s12 =	sadd.s32 $0x580, s1;
	s20 =	simm.s32 $0x11780  }
0xae: {  	[tilespmem:s20], [sflag:$0x4] =	stream.linear.gather [hbm4b:s12+s7], $0x80, $0x38;
	[tilespmem:$0x14000] =	vst v63  }
0xaf: {  	s21 =	sadd.s32 $0x600, s1;
	s22 =	simm.s32 $0x11980  }
0xb0: {  	[tilespmem:s22], [sflag:$0x4] =	stream.linear.gather [hbm4b:s21+s7], $0x80, $0x38;
	[tilespmem:$0x14000] =	vst v63  }
0xb1: {  	s24 =	sadd.s32 $0x680, s1;
	s26 =	simm.s32 $0x11B80  }
0xb2: {  	[tilespmem:s26], [sflag:$0x4] =	stream.linear.gather [hbm4b:s24+s7], $0x80, $0x38;
	[tilespmem:$0x14000] =	vst v63  }
0xb3: {  	s12 =	sadd.s32 $0x700, s1;
	s20 =	simm.s32 $0x11D80  }
0xb4: {  	[tilespmem:s20], [sflag:$0x4] =	stream.linear.gather [hbm4b:s12+s7], $0x80, $0x38;
	[tilespmem:$0x14000] =	vst v63  }
0xb5: {  	p0 =	seq.s32 s10, $0x0;
	s1 =	sadd.s32 $0x780, s1;
	s21 =	simm.s32 $0x11F80  }
0xb6: {  	[tilespmem:s21], [sflag:$0x4] =	stream.linear.gather [hbm4b:s1+s7], $0x80, $0x38;
	[tilespmem:$0x14000] =	vst v63  }
0xb7: {  	s1 =	simm.s32 @!p0 $0x5  }
0xb8: {  	_ =	swait.ge @!p0 [sflag:s1], $0x800  }
0xb9: {  	[sflag:s1] =	ssyncset.done @!p0 $0x0  }
0xba: {  	[sflag:s1] =	ssyncadd.s32 @!p0 $0xFFFFF800  }
0xbb: {  	_ =	swait.ge [sflag:s28], $0x1000  }
0xbc: {  	[sflag:s28] =	ssyncset.done $0x0  }
0xbd: {  	[sflag:s28] =	ssyncadd.s32 $0xFFFFF000  }
0xbe: {  	_ =	swait.ge [sflag:s28], $0x2000  }
0xbf: {  	[sflag:s28] =	ssyncset.done $0x0  }
0xc0: {  	[sflag:s28] =	ssyncadd.s32 $0xFFFFE000  }
0xc1: {  	_ =	swait.ge [sflag:s28], $0x800  }
0xc2: {  	s22 =	sshll.u32 s30, $0x9;
	[sflag:s28] =	ssyncset.done $0x0  }
0xc3: {  	s26 =	sand.u32 $0x3FFFFE00, s22;
	[sflag:s28] =	ssyncadd.s32 $0xFFFFF800  }
0xc4: {  	v1 =	vld [tilespmem:s26+$0x0]  }
0xc5: {  	v2 =	vld [tilespmem:s26+$0x80]  }
0xc6: {  	v3 =	vld [tilespmem:s26+$0x100]  }
0xc7: {  	s24 =	simm.s32 $0x4100;
	v0 =	vld [tilespmem:s26+$0x180]  }
0xc8: {  	v4 =	vld [tilespmem:s24+$0x70]  }
0xc9: {  	s1 =	simm.s32 $0x8200;
	v5 =	vld [tilespmem:s24+$0xF0]  }
0xca: {  	v6 =	vld [tilespmem:s1+$0x70]  }
0xcb: {  	v7 =	vld [tilespmem:s1+$0xF0]  }
0xcc: {  	s3 =	simm.s32 $0x10200;
	v8 =	vld [tilespmem:s1+$0x170]  }
0xcd: {  	v9 =	vld [tilespmem:s3+$0x70]  }
0xce: {  	v10 =	vld [tilespmem:s1+$0x1F0]  }
0xcf: {  	v11 =	vld [tilespmem:s24+$0xFFFFFF80]  }
0xd0: {  	v12 =	vld [tilespmem:s1+$0xFFFFFE00]  }
0xd1: {  	v14 =	vld [tilespmem:s1+$0xFFFFFE80]  }
0xd2: {  	v15 =	vld [tilespmem:s24+$0xFFFFFF10]  }
0xd3: {  	v16 =	vld [tilespmem:s24+$0xFFFFFF90]  }
0xd4: {  	v17 =	vld [tilespmem:s1+$0xFFFFFE10]  }
0xd5: {  	v18 =	vld [tilespmem:s1+$0xFFFFFE90]  }
0xd6: {  	v19 =	vld [tilespmem:s24+$0xFFFFFF20]  }
0xd7: {  	v20 =	vld [tilespmem:s24+$0xFFFFFFA0]  }
0xd8: {  	v21 =	vld [tilespmem:s1+$0xFFFFFE20]  }
0xd9: {  	v22 =	vld [tilespmem:s1+$0xFFFFFEA0]  }
0xda: {  	v23 =	vld [tilespmem:s24+$0xFFFFFF30]  }
0xdb: {  	v24 =	vld [tilespmem:s24+$0xFFFFFFB0]  }
0xdc: {  	v25 =	vld [tilespmem:s1+$0xFFFFFE30]  }
0xdd: {  	v31 =	vld [tilespmem:s1+$0xFFFFFE60]  }
0xde: {  	v49 =	vld [tilespmem:s1+$0xB0]  }
0xdf: {  	v39 =	vld [tilespmem:s24+$0xD0]  }
0xe0: {  	v40 =	vld [tilespmem:s1+$0xD0]  }
0xe1: {  	v52 =	vld [tilespmem:s24+$0x60];
	v4 =	vsub.f32 $1.000000000e+00, v4  }
0xe2: {  	v41 =	vld [tilespmem:s24+$0xE0];
	v5 =	vsub.f32 $1.000000000e+00, v5;
	v6 =	vmul.f32 v6, v1;
	v7 =	vmul.f32 v7, v2  }
0xe3: {  	v57 =	vld [tilespmem:s1+$0xFFFFFF00];
	v8 =	vmul.f32 v8, v3;
	v10 =	vmul.f32 v10, v0;
	v13 =	vsub.f32 $1.000000000e+00, v11  }
0xe4: {  	v26 =	vld [tilespmem:s1+$0xFFFFFEB0];
	v31 =	vmul.f32 v31, v1;
	v51 =	vmul.f32 v49, v2;
	v54 =	vsub.f32 $1.000000000e+00, v39  }
0xe5: {  	v59 =	vld [tilespmem:s1+$0xFFFFFF10];
	v4 =	vmul.f32 v5, v4;
	v5 =	vsub.f32 $1.000000000e+00, v6;
	v6 =	vsub.f32 $1.000000000e+00, v7  }
0xe6: {  	v27 =	vld [tilespmem:s24+$0xFFFFFF40];
	v56 =	vmul.f32 v40, v2;
	v58 =	vsub.f32 $1.000000000e+00, v52;
	v7 =	vsub.f32 $1.000000000e+00, v9  }
0xe7: {  	v28 =	vld [tilespmem:s24+$0xFFFFFFC0];
	v4 =	vsub.f32 $1.000000000e+00, v4;
	v5 =	vmul.f32 v6, v5;
	v6 =	vsub.f32 $1.000000000e+00, v8  }
0xe8: {  	v29 =	vld [tilespmem:s1+$0xFFFFFE40];
	v41 =	vsub.f32 $1.000000000e+00, v41;
	v40 =	vmul.f32 v57, v3;
	v8 =	vmul.f32 v12, v1  }
0xe9: {  	v30 =	vld [tilespmem:s1+$0xFFFFFEC0];
	v4 =	vmul.f32 v4, v7;
	v5 =	vmul.f32 v6, v5;
	v6 =	vsub.f32 $1.000000000e+00, v10  }
0xea: {  	v32 =	vld [tilespmem:s24+$0xFFFFFF70];
	v62 =	vmul.f32 v59, v3;
	v7 =	vsub.f32 $1.000000000e+00, v8;
	v8 =	vmul.f32 v14, v2  }
0xeb: {  	v33 =	vld [tilespmem:s24+$0xFFFFFFF0];
	v10 =	vsub.f32 $1.000000000e+00, v15;
	v4 =	vadd.f32 v4, v9;
	v5 =	vmul.f32 v6, v5  }
0xec: {  	v34 =	vld [tilespmem:s1+$0x80];
	v6 =	vmul.f32 v17, v1;
	v9 =	vsub.f32 $1.000000000e+00, v16;
	v8 =	vsub.f32 $1.000000000e+00, v8  }
0xed: {  	v35 =	vld [tilespmem:s24+$0x90];
	v16 =	vmul.f32 v18, v2;
	v18 =	vsub.f32 $1.000000000e+00, v20;
	v20 =	vmul.f32 v21, v1  }
0xee: {  	v42 =	vld [tilespmem:s1+$0xFFFFFF20];
	v4 =	vmul.f32 v5, v4;
	v5 =	vsub.f32 $1.000000000e+00, v6;
	v6 =	vsub.f32 $1.000000000e+00, v19  }
0xef: {  	v11 =	vld [tilespmem:s24+$0xFFFFFF50];
	v9 =	vmul.f32 v9, v10;
	v10 =	vsub.f32 $1.000000000e+00, v16;
	v16 =	vmul.f32 v8, v7  }
0xf0: {  	v12 =	vld [tilespmem:s24+$0xFFFFFFD0];
	v20 =	vsub.f32 $1.000000000e+00, v20;
	v4 =	vmax.f32 v4, $0.0e+00;
	v6 =	vmul.f32 v18, v6  }
0xf1: {  	v14 =	vld [tilespmem:s1+$0xFFFFFE50];
	v18 =	vmul.f32 v10, v5;
	v10 =	vmul.f32 v26, v2;
	v7 =	vmin.f32 v4, $1.000000000e+00  }
0xf2: {  	v26 =	vld [tilespmem:s24+$0x0];
	v4 =	vmul.f32 v22, v2;
	v22 =	vsub.f32 $1.000000000e+00, v23;
	v23 =	vsub.f32 $1.000000000e+00, v24  }
0xf3: {  	v8 =	vsub.f32 $1.000000000e+00, v9;
	v24 =	vmul.f32 v25, v1;
	v25 =	vld [tilespmem:s1+$0xFFFFFE70];
	v9 =	vsub.f32 $1.000000000e+00, v6  }
0xf4: {  	v15 =	vld [tilespmem:s1+$0xFFFFFED0];
	v4 =	vsub.f32 $1.000000000e+00, v4;
	v5 =	vmul.f32 v23, v22;
	v22 =	vsub.f32 $1.000000000e+00, v27  }
0xf5: {  	v49 =	vmul.f32 v42, v3;
	v17 =	vld [tilespmem:s24+$0xFFFFFF60];
	v23 =	vsub.f32 $1.000000000e+00, v28;
	v28 =	vsub.f32 $1.000000000e+00, v10  }
0xf6: {  	v19 =	vld [tilespmem:s24+$0xFFFFFFE0];
	v20 =	vmul.f32 v4, v20;
	v4 =	vsub.f32 $1.000000000e+00, v24;
	v24 =	vmul.f32 v29, v1  }
0xf7: {  	v36 =	vld [tilespmem:s1+$0x90];
	v10 =	vsub.f32 $1.000000000e+00, v5;
	v5 =	vmul.f32 v30, v2;
	v23 =	vmul.f32 v23, v22  }
0xf8: {  	v21 =	vld [tilespmem:s1+$0xFFFFFEE0];
	v30 =	vsub.f32 $1.000000000e+00, v11;
	v26 =	vsub.f32 $1.000000000e+00, v26;
	v25 =	vmul.f32 v25, v1  }
0xf9: {  	v29 =	vld [tilespmem:s1+$0x0];
	v24 =	vsub.f32 $1.000000000e+00, v24;
	v22 =	vmul.f32 v28, v4;
	v4 =	vsub.f32 $1.000000000e+00, v5  }
0xfa: {  	v47 =	vld [tilespmem:s1+$0x20];
	v5 =	vsub.f32 $1.000000000e+00, v12;
	v11 =	vsub.f32 $1.000000000e+00, v23;
	v12 =	vmul.f32 v14, v1  }
0xfb: {  	v6 =	vld [tilespmem:s1+$0xFFFFFEF0];
	v14 =	vmul.f32 v15, v2;
	v15 =	vsub.f32 $1.000000000e+00, v17;
	v17 =	vsub.f32 $1.000000000e+00, v19  }
0xfc: {  	v27 =	vld [tilespmem:s24+$0x80];
	v5 =	vmul.f32 v5, v30;
	v30 =	vsub.f32 $1.000000000e+00, v12;
	v23 =	vmul.f32 v4, v24  }
0xfd: {  	v28 =	vld [tilespmem:s24+$0x10];
	v14 =	vsub.f32 $1.000000000e+00, v14;
	v4 =	vmul.f32 v17, v15;
	v15 =	vmul.f32 v21, v2  }
0xfe: {  	v19 =	vld [tilespmem:s1+$0x10];
	v17 =	vsub.f32 $1.000000000e+00, v31;
	v31 =	vsub.f32 $1.000000000e+00, v33;
	v29 =	vmul.f32 v29, v1  }
0xff: {  	v21 =	vld [tilespmem:s24+$0xA0];
	v12 =	vsub.f32 $1.000000000e+00, v5;
	v24 =	vmul.f32 v14, v30;
	v30 =	vsub.f32 $1.000000000e+00, v32  }
0x100: {  	v5 =	vld [tilespmem:s24+$0x20];
	v15 =	vsub.f32 $1.000000000e+00, v15;
	v14 =	vsub.f32 $1.000000000e+00, v4;
	v4 =	vmul.f32 v6, v2  }
0x101: {  	v48 =	vld [tilespmem:s1+$0x30];
	v25 =	vsub.f32 $1.000000000e+00, v25;
	v32 =	vmul.f32 v47, v1;
	v30 =	vmul.f32 v31, v30  }
0x102: {  	v29 =	vsub.f32 $1.000000000e+00, v29;
	v31 =	vld [tilespmem:s24+$0x30];
	v33 =	vmul.f32 v15, v17;
	v17 =	vsub.f32 $1.000000000e+00, v27  }
0x103: {  	v4 =	vsub.f32 $1.000000000e+00, v4;
	v27 =	vld [tilespmem:s24+$0xB0];
	v15 =	vsub.f32 $1.000000000e+00, v30;
	v30 =	vmul.f32 v34, v2  }
0x104: {  	v6 =	vld [tilespmem:s1+$0xA0];
	v17 =	vmul.f32 v17, v26;
	v26 =	vsub.f32 $1.000000000e+00, v28;
	v28 =	vsub.f32 $1.000000000e+00, v35  }
0x105: {  	v37 =	vld [tilespmem:s24+$0x40];
	v19 =	vmul.f32 v19, v1;
	v21 =	vsub.f32 $1.000000000e+00, v21;
	v5 =	vsub.f32 $1.000000000e+00, v5  }
0x106: {  	v25 =	vmul.f32 v4, v25;
	v30 =	vsub.f32 $1.000000000e+00, v30;
	v4 =	vmul.f32 v28, v26;
	v26 =	vld [tilespmem:s24+$0xC0]  }
0x107: {  	v50 =	vld [tilespmem:s1+$0x40];
	v32 =	vsub.f32 $1.000000000e+00, v32;
	v28 =	vmul.f32 v36, v2;
	v5 =	vmul.f32 v21, v5  }
0x108: {  	v38 =	vld [tilespmem:s1+$0xC0];
	v31 =	vsub.f32 $1.000000000e+00, v31;
	v27 =	vsub.f32 $1.000000000e+00, v27;
	v29 =	vmul.f32 v30, v29  }
0x109: {  	v30 =	vsub.f32 $1.000000000e+00, v19;
	v19 =	vsub.f32 $1.000000000e+00, v4;
	v4 =	vmul.f32 v6, v2;
	v6 =	vld [tilespmem:s24+$0x50]  }
0x10a: {  	v21 =	vsub.f32 $1.000000000e+00, v5;
	v27 =	vmul.f32 v27, v31;
	v31 =	vsub.f32 $1.000000000e+00, v37  }
0x10b: {  	v55 =	vld [tilespmem:s24+$0xFFFFFF00];
	v5 =	vmul.f32 v48, v1;
	v4 =	vsub.f32 $1.000000000e+00, v4;
	v26 =	vsub.f32 $1.000000000e+00, v26  }
0x10c: {  	v60 =	vld [tilespmem:s1+$0xFFFFFF40];
	v34 =	vsub.f32 $1.000000000e+00, v51;
	v36 =	vmul.f32 v50, v1;
	v28 =	vsub.f32 $1.000000000e+00, v28  }
0x10d: {  	v5 =	vsub.f32 $1.000000000e+00, v5;
	v32 =	vmul.f32 v4, v32;
	v4 =	vmul.f32 v26, v31;
	v26 =	vld [tilespmem:s1+$0x60]  }
0x10e: {  	v53 =	vld [tilespmem:s1+$0xE0];
	v35 =	vsub.f32 $1.000000000e+00, v27;
	v27 =	vmul.f32 v38, v2;
	v6 =	vsub.f32 $1.000000000e+00, v6  }
0x10f: {  	v39 =	vsub.f32 $1.000000000e+00, v56;
	v28 =	vmul.f32 v28, v30;
	v31 =	vmul.f32 v34, v5  }
0x110: {  	v30 =	vld [tilespmem:s1+$0x50];
	v5 =	vsub.f32 $1.000000000e+00, v36;
	v27 =	vsub.f32 $1.000000000e+00, v27;
	v6 =	vmul.f32 v54, v6  }
0x111: {  	v43 =	vld [tilespmem:s1+$0xFFFFFF50];
	v52 =	vmul.f32 v60, v3;
	v48 =	vsub.f32 $1.000000000e+00, v40;
	v38 =	vsub.f32 $1.000000000e+00, v55  }
0x112: {  	v27 =	vmul.f32 v27, v5;
	v5 =	vsub.f32 $1.000000000e+00, v6;
	v6 =	vmul.f32 v26, v1;
	v26 =	vld [tilespmem:s1+$0xFFFFFF30]  }
0x113: {  	v63 =	vld [tilespmem:s1+$0xFFFFFF60];
	v17 =	vsub.f32 $1.000000000e+00, v17;
	v34 =	vmul.f32 v53, v2;
	v36 =	vmul.f32 v41, v58  }
0x114: {  	v59 =	vld [tilespmem:s3+$0xFFFFFE00];
	v13 =	vmul.f32 v13, v38;
	v38 =	vmul.f32 v48, v16;
	v16 =	vsub.f32 $1.000000000e+00, v49  }
0x115: {  	v51 =	vld [tilespmem:s1+$0x100];
	v30 =	vmul.f32 v30, v1;
	v4 =	vsub.f32 $1.000000000e+00, v4;
	v34 =	vsub.f32 $1.000000000e+00, v34  }
0x116: {  	v50 =	vld [tilespmem:s1+$0xFFFFFF70];
	v13 =	vsub.f32 $1.000000000e+00, v13;
	v44 =	vmul.f32 v16, v20;
	v61 =	vsub.f32 $1.000000000e+00, v6  }
0x117: {  	v60 =	vld [tilespmem:s1+$0xFFFFFF80];
	v6 =	vsub.f32 $1.000000000e+00, v36;
	v36 =	vsub.f32 $1.000000000e+00, v62;
	v26 =	vmul.f32 v26, v3  }
0x118: {  	v53 =	vld [tilespmem:s1+$0x110];
	v16 =	vsub.f32 $1.000000000e+00, v52;
	v20 =	vmul.f32 v63, v3;
	v30 =	vsub.f32 $1.000000000e+00, v30  }
0x119: {  	v54 =	vld [tilespmem:s1+$0x120];
	v36 =	vmul.f32 v36, v18;
	v18 =	vsub.f32 $1.000000000e+00, v26;
	v26 =	vmul.f32 v43, v3  }
0x11a: {  	v55 =	vld [tilespmem:s1+$0x130];
	v57 =	vmul.f32 v16, v23;
	v16 =	vsub.f32 $1.000000000e+00, v20;
	v20 =	vmul.f32 v51, v3  }
0x11b: {  	v56 =	vmul.f32 v18, v22;
	v18 =	vsub.f32 $1.000000000e+00, v26;
	v22 =	vmul.f32 v50, v3;
	v26 =	vld [tilespmem:s1+$0x140]  }
0x11c: {  	v23 =	vld [tilespmem:s1+$0x150];
	v30 =	vmul.f32 v39, v30;
	v45 =	vmul.f32 v16, v33;
	v16 =	vsub.f32 $1.000000000e+00, v20  }
0x11d: {  	v48 =	vld [tilespmem:s3+$0xFFFFFE40];
	v58 =	vmul.f32 v18, v24;
	v18 =	vsub.f32 $1.000000000e+00, v22;
	v22 =	vmul.f32 v53, v3  }
0x11e: {  	v20 =	vmul.f32 v54, v3;
	v46 =	vmul.f32 v16, v29;
	v29 =	vsub.f32 $1.000000000e+00, v59;
	v24 =	vld [tilespmem:s1+$0x160]  }
0x11f: {  	v43 =	vmul.f32 v18, v25;
	v18 =	vsub.f32 $1.000000000e+00, v22;
	v22 =	vmul.f32 v55, v3;
	v25 =	vld [tilespmem:s3+$0xFFFFFE10]  }
0x120: {  	v34 =	vmul.f32 v34, v61;
	v16 =	vsub.f32 $1.000000000e+00, v20;
	v20 =	vmul.f32 v26, v3;
	v26 =	vld [tilespmem:s1+$0xFFFFFF90]  }
0x121: {  	v47 =	vmul.f32 v18, v28;
	v18 =	vsub.f32 $1.000000000e+00, v22;
	v22 =	vmul.f32 v23, v3;
	v28 =	vld [tilespmem:s3+$0xFFFFFE20]  }
0x122: {  	v63 =	vld [tilespmem:s1+$0xFFFFFFB0];
	v61 =	vmul.f32 v60, v0;
	v23 =	vmul.f32 v16, v32;
	v16 =	vsub.f32 $1.000000000e+00, v20  }
0x123: {  	v24 =	vmul.f32 v24, v3;
	v20 =	vmul.f32 v18, v31;
	v31 =	vld [tilespmem:s1+$0xFFFFFFA0];
	v22 =	vsub.f32 $1.000000000e+00, v22  }
0x124: {  	v29 =	vmul.f32 v13, v29;
	v18 =	vmul.f32 v16, v27;
	v27 =	vld [tilespmem:s3+$0xFFFFFE30];
	v62 =	vsub.f32 $1.000000000e+00, v25  }
0x125: {  	v52 =	vld [tilespmem:s3+$0xFFFFFE50];
	v24 =	vsub.f32 $1.000000000e+00, v24;
	v16 =	vmul.f32 v22, v30;
	v26 =	vmul.f32 v26, v0  }
0x126: {  	v51 =	vld [tilespmem:s1+$0xFFFFFFC0];
	v22 =	vadd.f32 v29, v59;
	v8 =	vmul.f32 v8, v62;
	v29 =	vsub.f32 $1.000000000e+00, v28  }
0x127: {  	v30 =	vsub.f32 $1.000000000e+00, v61;
	v59 =	vld [tilespmem:s1+$0x1A0];
	v13 =	vmul.f32 v24, v34;
	v26 =	vsub.f32 $1.000000000e+00, v26  }
0x128: {  	v39 =	vld [tilespmem:s3+$0x40];
	v31 =	vmul.f32 v31, v0;
	v25 =	vadd.f32 v8, v25;
	v8 =	vmul.f32 v9, v29  }
0x129: {  	v53 =	vld [tilespmem:s1+$0xFFFFFFD0];
	v24 =	vmul.f32 v30, v38;
	v9 =	vsub.f32 $1.000000000e+00, v27;
	v30 =	vmul.f32 v26, v36  }
0x12a: {  	v54 =	vld [tilespmem:s3+$0xFFFFFE60];
	v26 =	vsub.f32 $1.000000000e+00, v31;
	v31 =	vmul.f32 v63, v0;
	v29 =	vadd.f32 v8, v28  }
0x12b: {  	v28 =	vmul.f32 v51, v0;
	v8 =	vmul.f32 v10, v9;
	v9 =	vsub.f32 $1.000000000e+00, v48;
	v10 =	vld [tilespmem:s1+$0xFFFFFFE0]  }
0x12c: {  	v55 =	vld [tilespmem:s3+$0xFFFFFE70];
	v63 =	vmul.f32 v59, v0;
	v34 =	vmul.f32 v26, v44;
	v26 =	vsub.f32 $1.000000000e+00, v31  }
0x12d: {  	v27 =	vadd.f32 v8, v27;
	v8 =	vmul.f32 v11, v9;
	v9 =	vsub.f32 $1.000000000e+00, v52;
	v11 =	vld [tilespmem:s1+$0xFFFFFFF0]  }
0x12e: {  	v31 =	vmul.f32 v53, v0;
	v32 =	vmul.f32 v26, v56;
	v26 =	vsub.f32 $1.000000000e+00, v28;
	v56 =	vld [tilespmem:s3+$0x0]  }
0x12f: {  	v28 =	vadd.f32 v8, v48;
	v8 =	vmul.f32 v12, v9;
	v9 =	vsub.f32 $1.000000000e+00, v54;
	v12 =	vld [tilespmem:s1+$0x180]  }
0x130: {  	v31 =	vsub.f32 $1.000000000e+00, v31;
	v33 =	vmul.f32 v26, v57;
	v10 =	vmul.f32 v10, v0;
	v57 =	vld [tilespmem:s3+$0x10]  }
0x131: {  	v26 =	vadd.f32 v8, v52;
	v8 =	vmul.f32 v14, v9;
	v9 =	vsub.f32 $1.000000000e+00, v55;
	v14 =	vld [tilespmem:s1+$0x190]  }
0x132: {  	v42 =	vsub.f32 $1.000000000e+00, v63;
	v31 =	vmul.f32 v31, v58;
	v58 =	vld [tilespmem:s3+$0x20];
	v11 =	vmul.f32 v11, v0  }
0x133: {  	v44 =	vsub.f32 $1.000000000e+00, v39;
	v9 =	vmul.f32 v15, v9;
	v15 =	vsub.f32 $1.000000000e+00, v56  }
0x134: {  	v36 =	vld [tilespmem:s3+$0x30];
	v10 =	vsub.f32 $1.000000000e+00, v10;
	v60 =	vsub.f32 $1.000000000e+00, v11  }
0x135: {  	v61 =	vld [tilespmem:s1+$0x1B0];
	v11 =	vadd.f32 v9, v55;
	v9 =	vmul.f32 v17, v15;
	v17 =	vsub.f32 $1.000000000e+00, v57  }
0x136: {  	v8 =	vadd.f32 v8, v54;
	v12 =	vmul.f32 v12, v0;
	v14 =	vmul.f32 v14, v0  }
0x137: {  	v37 =	vld [tilespmem:s1+$0x1C0];
	v10 =	vmul.f32 v10, v45;
	v17 =	vmul.f32 v19, v17;
	v19 =	vsub.f32 $1.000000000e+00, v58  }
0x138: {  	v38 =	vld [tilespmem:s3+$0x50];
	v15 =	vmul.f32 v60, v43;
	v12 =	vsub.f32 $1.000000000e+00, v12;
	v62 =	vsub.f32 $1.000000000e+00, v14  }
0x139: {  	v41 =	vld [tilespmem:s1+$0x1D0];
	v14 =	vadd.f32 v17, v57;
	v17 =	vmul.f32 v21, v19;
	v21 =	vsub.f32 $1.000000000e+00, v36  }
0x13a: {  	s29 =	sshll.u32 s10, $0x2;
	s21 =	simm.s32 $0x12200;
	v40 =	vld [tilespmem:s3+$0x60];
	v43 =	vmul.f32 v61, v0;
	v9 =	vadd.f32 v9, v56;
	v12 =	vmul.f32 v12, v46  }
0x13b: {  	s22 =	simm.s32 $0x0;
	s20 =	simm.s32 $0x12200;
	[tilespmem:s21+$0x70] =	vst v7;
	v7 =	vld [tilespmem:s1+$0x1E0];
	s24 =	simm.s32 $0x4300;
	v19 =	vmul.f32 v62, v47;
	v17 =	vadd.f32 v17, v58;
	v21 =	vmul.f32 v35, v21  }
.LBB2_3:
0x13c: {  	v45 =	vld [tilespmem:s24+$0x70];
	v23 =	vmul.f32 v42, v23;
	v42 =	vsub.f32 $1.000000000e+00, v43;
	v43 =	vmul.f32 v37, v0  }
0x13d: {  	s1 =	sadd.s32 $0x400, s1;
	v46 =	vld [tilespmem:s24+$0xF0];
	v35 =	vadd.f32 v21, v36;
	v4 =	vmul.f32 v4, v44;
	v36 =	vsub.f32 $1.000000000e+00, v38  }
0x13e: {  	v44 =	vld [tilespmem:s1+$0x70];
	v37 =	vmul.f32 v42, v20;
	v20 =	vsub.f32 $1.000000000e+00, v43;
	v41 =	vmul.f32 v41, v0  }
0x13f: {  	s22 =	sadd.s32 $0x100, s22;
	v42 =	vld [tilespmem:s1+$0xF0];
	v21 =	vadd.f32 v4, v39;
	v4 =	vmul.f32 v5, v36;
	v5 =	vsub.f32 $1.000000000e+00, v40  }
0x140: {  	s3 =	sadd.s32 $0x400, s3;
	p0 =	slt.u32 s22, $0x700;
	v39 =	vld [tilespmem:s1+$0x170];
	v36 =	vmul.f32 v20, v18;
	v18 =	vsub.f32 $1.000000000e+00, v41;
	v7 =	vmul.f32 v7, v0  }
0x141: {  	v22 =	vmul.f32 v24, v22;
	v20 =	vld [tilespmem:s3+$0x70];
	v24 =	vadd.f32 v4, v38;
	v4 =	vmul.f32 v6, v5  }
0x142: {  	v30 =	vmul.f32 v30, v25;
	v5 =	vld [tilespmem:s1+$0x1F0];
	v25 =	vmul.f32 v18, v16;
	v7 =	vsub.f32 $1.000000000e+00, v7  }
0x143: {  	v34 =	vmul.f32 v34, v29;
	v18 =	vsub.f32 $1.000000000e+00, v45;
	v16 =	vld [tilespmem:s24+$0xFFFFFF80];
	v6 =	vadd.f32 v4, v40  }
0x144: {  	v40 =	vsub.f32 $1.000000000e+00, v46;
	v41 =	vmul.f32 v44, v1;
	v38 =	vld [tilespmem:s1+$0xFFFFFE00];
	v42 =	vmul.f32 v42, v2  }
0x145: {  	v4 =	vmax.f32 v22, $0.0e+00;
	v29 =	vmul.f32 v7, v13;
	v43 =	vld [tilespmem:s1+$0xFFFFFE80];
	v39 =	vmul.f32 v39, v3  }
0x146: {  	v13 =	vmul.f32 v40, v18;
	v18 =	vsub.f32 $1.000000000e+00, v41;
	v7 =	vld [tilespmem:s24+$0xFFFFFF10];
	v22 =	vsub.f32 $1.000000000e+00, v42  }
0x147: {  	v27 =	vmul.f32 v32, v27;
	v41 =	vsub.f32 $1.000000000e+00, v20;
	v40 =	vld [tilespmem:s24+$0xFFFFFF90];
	v5 =	vmul.f32 v5, v0  }
0x148: {  	v42 =	vsub.f32 $1.000000000e+00, v13;
	v32 =	vld [tilespmem:s1+$0xFFFFFE10];
	v18 =	vmul.f32 v22, v18;
	v22 =	vsub.f32 $1.000000000e+00, v39  }
0x149: {  	v28 =	vmul.f32 v33, v28;
	v13 =	vsub.f32 $1.000000000e+00, v16;
	v16 =	vmul.f32 v38, v1;
	v38 =	vld [tilespmem:s1+$0xFFFFFE90]  }
0x14a: {  	v39 =	vmul.f32 v42, v41;
	v5 =	vsub.f32 $1.000000000e+00, v5;
	v33 =	vld [tilespmem:s24+$0xFFFFFF20];
	v18 =	vmul.f32 v22, v18  }
0x14b: {  	v22 =	vmul.f32 v43, v2;
	v16 =	vsub.f32 $1.000000000e+00, v16;
	v7 =	vsub.f32 $1.000000000e+00, v7;
	v41 =	vld [tilespmem:s24+$0xFFFFFFA0]  }
0x14c: {  	v20 =	vadd.f32 v39, v20;
	v40 =	vsub.f32 $1.000000000e+00, v40;
	v42 =	vld [tilespmem:s1+$0xFFFFFE20];
	v5 =	vmul.f32 v5, v18  }
0x14d: {  	v26 =	vmul.f32 v31, v26;
	v18 =	vsub.f32 $1.000000000e+00, v22;
	v22 =	vmul.f32 v32, v1;
	v32 =	vld [tilespmem:s1+$0xFFFFFEA0]  }
0x14e: {  	v31 =	vmul.f32 v38, v2;
	v38 =	vld [tilespmem:s24+$0xFFFFFF30];
	v20 =	vmul.f32 v5, v20;
	v5 =	vmax.f32 v30, $0.0e+00  }
0x14f: {  	v7 =	vmul.f32 v40, v7;
	v22 =	vsub.f32 $1.000000000e+00, v22;
	v30 =	vsub.f32 $1.000000000e+00, v33;
	v33 =	vld [tilespmem:s24+$0xFFFFFFB0]  }
0x150: {  	v31 =	vsub.f32 $1.000000000e+00, v31;
	v39 =	vsub.f32 $1.000000000e+00, v41;
	v40 =	vld [tilespmem:s1+$0xFFFFFE30];
	v20 =	vmax.f32 v20, $0.0e+00  }
0x151: {  	s21 =	sadd.s32 $0x400, s21;
	v16 =	vmul.f32 v18, v16;
	v41 =	vmul.f32 v42, v1;
	v42 =	vld [tilespmem:s1+$0xFFFFFEB0];
	v18 =	vmin.f32 v20, $1.000000000e+00  }
0x152: {  	v7 =	vsub.f32 $1.000000000e+00, v7;
	v20 =	vmul.f32 v39, v30;
	v30 =	vmul.f32 v32, v2;
	v32 =	vld [tilespmem:s24+$0xFFFFFF40];
	[tilespmem:s21+$0x70] =	vst v18  }
0x153: {  	v18 =	vmul.f32 v31, v22;
	v22 =	vsub.f32 $1.000000000e+00, v41;
	v31 =	vsub.f32 $1.000000000e+00, v38;
	v38 =	vld [tilespmem:s24+$0xFFFFFFC0]  }
0x154: {  	v41 =	vmul.f32 v10, v8;
	v39 =	vsub.f32 $1.000000000e+00, v30;
	v30 =	vsub.f32 $1.000000000e+00, v33;
	v33 =	vld [tilespmem:s1+$0xFFFFFE40]  }
0x155: {  	v15 =	vmul.f32 v15, v11;
	v8 =	vsub.f32 $1.000000000e+00, v20;
	v10 =	vmul.f32 v40, v1;
	v40 =	vld [tilespmem:s1+$0xFFFFFEC0]  }
0x156: {  	v11 =	vmul.f32 v30, v31;
	v31 =	vmul.f32 v42, v2;
	v42 =	vld [tilespmem:s24+$0xFFFFFF50];
	v30 =	vmax.f32 v34, $0.0e+00  }
0x157: {  	v20 =	vmul.f32 v39, v22;
	v10 =	vsub.f32 $1.000000000e+00, v10;
	v22 =	vsub.f32 $1.000000000e+00, v32;
	v32 =	vld [tilespmem:s24+$0xFFFFFFD0]  }
0x158: {  	v39 =	vmul.f32 v12, v9;
	v34 =	vsub.f32 $1.000000000e+00, v31;
	v31 =	vsub.f32 $1.000000000e+00, v38;
	v38 =	vld [tilespmem:s1+$0xFFFFFE50]  }
0x159: {  	v19 =	vmul.f32 v19, v14;
	v9 =	vsub.f32 $1.000000000e+00, v11;
	v11 =	vmul.f32 v33, v1;
	v12 =	vld [tilespmem:s1+$0xFFFFFED0]  }
0x15a: {  	v14 =	vmul.f32 v31, v22;
	v33 =	vmul.f32 v40, v2;
	v40 =	vld [tilespmem:s24+$0xFFFFFF60];
	v31 =	vmax.f32 v27, $0.0e+00  }
0x15b: {  	v22 =	vmul.f32 v34, v10;
	v11 =	vsub.f32 $1.000000000e+00, v11;
	v27 =	vsub.f32 $1.000000000e+00, v42;
	v34 =	vld [tilespmem:s24+$0xFFFFFFE0]  }
0x15c: {  	v17 =	vmul.f32 v23, v17;
	v33 =	vsub.f32 $1.000000000e+00, v33;
	v32 =	vsub.f32 $1.000000000e+00, v32;
	v42 =	vld [tilespmem:s1+$0xFFFFFE60]  }
0x15d: {  	v35 =	vmul.f32 v37, v35;
	v10 =	vsub.f32 $1.000000000e+00, v14;
	v14 =	vmul.f32 v38, v1;
	v38 =	vld [tilespmem:s1+$0xFFFFFEE0]  }
0x15e: {  	v37 =	vmax.f32 v28, $0.0e+00;
	v27 =	vmul.f32 v32, v27;
	v12 =	vmul.f32 v12, v2;
	v32 =	vld [tilespmem:s24+$0xFFFFFF70]  }
0x15f: {  	v23 =	vmul.f32 v33, v11;
	v14 =	vsub.f32 $1.000000000e+00, v14;
	v28 =	vsub.f32 $1.000000000e+00, v40;
	v33 =	vld [tilespmem:s24+$0xFFFFFFF0]  }
0x160: {  	v21 =	vmul.f32 v36, v21;
	v12 =	vsub.f32 $1.000000000e+00, v12;
	v34 =	vsub.f32 $1.000000000e+00, v34;
	v40 =	vld [tilespmem:s1+$0xFFFFFE70]  }
0x161: {  	v11 =	vsub.f32 $1.000000000e+00, v27;
	v27 =	vmul.f32 v42, v1;
	v36 =	vld [tilespmem:s1+$0xFFFFFEF0];
	v42 =	vmul.f32 v25, v24  }
0x162: {  	v25 =	vmul.f32 v34, v28;
	v28 =	vmul.f32 v38, v2;
	v34 =	vld [tilespmem:s24+$0x0];
	v38 =	vmax.f32 v26, $0.0e+00  }
0x163: {  	v24 =	vmul.f32 v12, v14;
	v14 =	vsub.f32 $1.000000000e+00, v27;
	v26 =	vsub.f32 $1.000000000e+00, v32;
	v27 =	vld [tilespmem:s24+$0x80]  }
0x164: {  	v6 =	vmul.f32 v29, v6;
	v28 =	vsub.f32 $1.000000000e+00, v28;
	v32 =	vsub.f32 $1.000000000e+00, v33;
	v33 =	vld [tilespmem:s1+$0x0]  }
0x165: {  	v41 =	vmax.f32 v41, $0.0e+00;
	v12 =	vsub.f32 $1.000000000e+00, v25;
	v29 =	vmul.f32 v40, v1;
	v40 =	vld [tilespmem:s1+$0x80]  }
0x166: {  	v43 =	vmax.f32 v15, $0.0e+00;
	v26 =	vmul.f32 v32, v26;
	v32 =	vmul.f32 v36, v2;
	v36 =	vld [tilespmem:s24+$0x10]  }
0x167: {  	v25 =	vmul.f32 v28, v14;
	v15 =	vsub.f32 $1.000000000e+00, v29;
	v28 =	vsub.f32 $1.000000000e+00, v34;
	v29 =	vld [tilespmem:s24+$0x90]  }
0x168: {  	v39 =	vmax.f32 v39, $0.0e+00;
	v32 =	vsub.f32 $1.000000000e+00, v32;
	v27 =	vsub.f32 $1.000000000e+00, v27;
	v34 =	vld [tilespmem:s1+$0x10]  }
0x169: {  	v45 =	vmax.f32 v19, $0.0e+00;
	v14 =	vsub.f32 $1.000000000e+00, v26;
	v33 =	vmul.f32 v33, v1;
	v44 =	vld [tilespmem:s1+$0x90]  }
0x16a: {  	v19 =	vmul.f32 v27, v28;
	v27 =	vmul.f32 v40, v2;
	v28 =	vld [tilespmem:s24+$0x20];
	v40 =	vmax.f32 v17, $0.0e+00  }
0x16b: {  	v26 =	vmul.f32 v32, v15;
	v17 =	vsub.f32 $1.000000000e+00, v33;
	v32 =	vsub.f32 $1.000000000e+00, v36;
	v33 =	vld [tilespmem:s24+$0xA0]  }
0x16c: {  	v35 =	vmax.f32 v35, $0.0e+00;
	v27 =	vsub.f32 $1.000000000e+00, v27;
	v29 =	vsub.f32 $1.000000000e+00, v29;
	v36 =	vld [tilespmem:s1+$0x20]  }
0x16d: {  	v46 =	vmax.f32 v21, $0.0e+00;
	v15 =	vsub.f32 $1.000000000e+00, v19;
	v19 =	vmul.f32 v34, v1;
	v34 =	vld [tilespmem:s1+$0xA0]  }
0x16e: {  	v42 =	vmax.f32 v42, $0.0e+00;
	v21 =	vmul.f32 v29, v32;
	v29 =	vmul.f32 v44, v2;
	v32 =	vld [tilespmem:s24+$0x30]  }
0x16f: {  	v27 =	vmul.f32 v27, v17;
	v19 =	vsub.f32 $1.000000000e+00, v19;
	v28 =	vsub.f32 $1.000000000e+00, v28;
	v44 =	vld [tilespmem:s24+$0xB0]  }
0x170: {  	v48 =	vmax.f32 v6, $0.0e+00;
	v29 =	vsub.f32 $1.000000000e+00, v29;
	v33 =	vsub.f32 $1.000000000e+00, v33;
	v47 =	vld [tilespmem:s1+$0x30]  }
0x171: {  	v4 =	vmin.f32 v4, $1.000000000e+00;
	v17 =	vsub.f32 $1.000000000e+00, v21;
	v6 =	vmul.f32 v36, v1;
	v21 =	vld [tilespmem:s1+$0xB0]  }
0x172: {  	v33 =	vmul.f32 v33, v28;
	v34 =	vmul.f32 v34, v2;
	v36 =	vld [tilespmem:s24+$0x40];
	[tilespmem:s20+$0xFFFFFE00] =	vst v4;
	v4 =	vmin.f32 v5, $1.000000000e+00  }
0x173: {  	v28 =	vmul.f32 v29, v19;
	v5 =	vsub.f32 $1.000000000e+00, v6;
	v6 =	vsub.f32 $1.000000000e+00, v32;
	v32 =	vld [tilespmem:s24+$0xC0];
	[tilespmem:s20+$0xFFFFFE10] =	vst v4  }
0x174: {  	v30 =	vmin.f32 v30, $1.000000000e+00;
	v4 =	vsub.f32 $1.000000000e+00, v34;
	v29 =	vsub.f32 $1.000000000e+00, v44;
	v34 =	vld [tilespmem:s1+$0x40]  }
0x175: {  	v19 =	vsub.f32 $1.000000000e+00, v33;
	v33 =	vmul.f32 v47, v1;
	v44 =	vld [tilespmem:s1+$0xC0];
	[tilespmem:s20+$0xFFFFFE20] =	vst v30;
	v30 =	vmin.f32 v31, $1.000000000e+00  }
0x176: {  	v6 =	vmul.f32 v29, v6;
	v21 =	vmul.f32 v21, v2;
	v31 =	vld [tilespmem:s24+$0x50];
	[tilespmem:s20+$0xFFFFFE30] =	vst v30;
	v30 =	vmin.f32 v37, $1.000000000e+00  }
0x177: {  	v29 =	vmul.f32 v4, v5;
	v4 =	vsub.f32 $1.000000000e+00, v33;
	v5 =	vsub.f32 $1.000000000e+00, v36;
	v33 =	vld [tilespmem:s24+$0xD0];
	[tilespmem:s20+$0xFFFFFE40] =	vst v30  }
0x178: {  	v37 =	vmin.f32 v38, $1.000000000e+00;
	v30 =	vsub.f32 $1.000000000e+00, v21;
	v32 =	vsub.f32 $1.000000000e+00, v32;
	v36 =	vld [tilespmem:s1+$0x50]  }
0x179: {  	v21 =	vsub.f32 $1.000000000e+00, v6;
	v6 =	vmul.f32 v34, v1;
	v34 =	vld [tilespmem:s1+$0xD0];
	[tilespmem:s20+$0xFFFFFE50] =	vst v37;
	v37 =	vmin.f32 v41, $1.000000000e+00  }
0x17a: {  	v5 =	vmul.f32 v32, v5;
	v32 =	vmul.f32 v44, v2;
	v38 =	vld [tilespmem:s24+$0x60];
	[tilespmem:s20+$0xFFFFFE60] =	vst v37;
	v37 =	vmin.f32 v43, $1.000000000e+00  }
0x17b: {  	v30 =	vmul.f32 v30, v4;
	v6 =	vsub.f32 $1.000000000e+00, v6;
	v31 =	vsub.f32 $1.000000000e+00, v31;
	v41 =	vld [tilespmem:s24+$0xE0];
	[tilespmem:s20+$0xFFFFFE70] =	vst v37  }
0x17c: {  	v39 =	vmin.f32 v39, $1.000000000e+00;
	v32 =	vsub.f32 $1.000000000e+00, v32;
	v33 =	vsub.f32 $1.000000000e+00, v33;
	v37 =	vld [tilespmem:s1+$0x60]  }
0x17d: {  	v4 =	vsub.f32 $1.000000000e+00, v5;
	v5 =	vmul.f32 v36, v1;
	v36 =	vld [tilespmem:s1+$0xE0];
	[tilespmem:s20+$0x0] =	vst v39;
	v39 =	vmin.f32 v45, $1.000000000e+00  }
0x17e: {  	v43 =	vld [tilespmem:s24+$0xFFFFFF00];
	v31 =	vmul.f32 v33, v31;
	v33 =	vmul.f32 v34, v2;
	[tilespmem:s20+$0x10] =	vst v39;
	v34 =	vmin.f32 v40, $1.000000000e+00  }
0x17f: {  	v32 =	vmul.f32 v32, v6;
	v39 =	vld [tilespmem:s1+$0xFFFFFF00];
	v6 =	vsub.f32 $1.000000000e+00, v5;
	v38 =	vsub.f32 $1.000000000e+00, v38;
	[tilespmem:s20+$0x20] =	vst v34  }
0x180: {  	v35 =	vmin.f32 v35, $1.000000000e+00;
	v34 =	vld [tilespmem:s1+$0xFFFFFF10];
	v33 =	vsub.f32 $1.000000000e+00, v33;
	v40 =	vsub.f32 $1.000000000e+00, v41  }
0x181: {  	v5 =	vsub.f32 $1.000000000e+00, v31;
	v41 =	vld [tilespmem:s1+$0xFFFFFF20];
	v31 =	vmul.f32 v37, v1;
	[tilespmem:s20+$0x30] =	vst v35;
	v35 =	vmin.f32 v46, $1.000000000e+00  }
0x182: {  	v37 =	vld [tilespmem:s1+$0xFFFFFF30];
	v38 =	vmul.f32 v40, v38;
	v36 =	vmul.f32 v36, v2;
	[tilespmem:s20+$0x40] =	vst v35;
	v35 =	vmin.f32 v42, $1.000000000e+00  }
0x183: {  	v33 =	vmul.f32 v33, v6;
	v40 =	vsub.f32 $1.000000000e+00, v43;
	v42 =	vld [tilespmem:s1+$0xFFFFFF40];
	v31 =	vsub.f32 $1.000000000e+00, v31;
	[tilespmem:s20+$0x50] =	vst v35  }
0x184: {  	v35 =	vmul.f32 v39, v3;
	v39 =	vld [tilespmem:s1+$0xFFFFFF50];
	v6 =	vsub.f32 $1.000000000e+00, v38;
	v36 =	vsub.f32 $1.000000000e+00, v36  }
0x185: {  	v13 =	vmul.f32 v13, v40;
	v34 =	vmul.f32 v34, v3;
	v38 =	vld [tilespmem:s1+$0xFFFFFF60];
	v40 =	vmin.f32 v48, $1.000000000e+00  }
0x186: {  	v35 =	vsub.f32 $1.000000000e+00, v35;
	v41 =	vmul.f32 v41, v3;
	v43 =	vld [tilespmem:s1+$0xFFFFFF70];
	v31 =	vmul.f32 v36, v31;
	[tilespmem:s20+$0x60] =	vst v40;
	s20 =	smov.u32 s21  }
0x187: {  	v13 =	vsub.f32 $1.000000000e+00, v13;
	v34 =	vsub.f32 $1.000000000e+00, v34;
	v36 =	vmul.f32 v37, v3;
	v37 =	vld [tilespmem:s1+$0x100]  }
0x188: {  	v35 =	vmul.f32 v35, v16;
	v16 =	vsub.f32 $1.000000000e+00, v41;
	v40 =	vmul.f32 v42, v3;
	v41 =	vld [tilespmem:s1+$0x110]  }
0x189: {  	v34 =	vmul.f32 v34, v18;
	v18 =	vsub.f32 $1.000000000e+00, v36;
	v36 =	vmul.f32 v39, v3;
	v39 =	vld [tilespmem:s1+$0x120]  }
0x18a: {  	v42 =	vmul.f32 v16, v20;
	v16 =	vsub.f32 $1.000000000e+00, v40;
	v20 =	vmul.f32 v38, v3;
	v38 =	vld [tilespmem:s1+$0x130]  }
0x18b: {  	v40 =	vmul.f32 v18, v22;
	v18 =	vsub.f32 $1.000000000e+00, v36;
	v22 =	vmul.f32 v43, v3;
	v36 =	vld [tilespmem:s1+$0x140]  }
0x18c: {  	v43 =	vmul.f32 v16, v23;
	v16 =	vsub.f32 $1.000000000e+00, v20;
	v20 =	vmul.f32 v37, v3;
	v23 =	vld [tilespmem:s1+$0x150]  }
0x18d: {  	v37 =	vmul.f32 v18, v24;
	v18 =	vsub.f32 $1.000000000e+00, v22;
	v22 =	vmul.f32 v41, v3;
	v24 =	vld [tilespmem:s1+$0x160]  }
0x18e: {  	v41 =	vld [tilespmem:s3+$0xFFFFFE00];
	v44 =	vmul.f32 v16, v25;
	v16 =	vsub.f32 $1.000000000e+00, v20;
	v20 =	vmul.f32 v39, v3  }
0x18f: {  	v25 =	vld [tilespmem:s1+$0xFFFFFF80];
	v39 =	vmul.f32 v18, v26;
	v18 =	vsub.f32 $1.000000000e+00, v22;
	v22 =	vmul.f32 v38, v3  }
0x190: {  	v26 =	vld [tilespmem:s3+$0xFFFFFE10];
	v38 =	vmul.f32 v16, v27;
	v16 =	vsub.f32 $1.000000000e+00, v20;
	v20 =	vmul.f32 v36, v3  }
0x191: {  	v27 =	vld [tilespmem:s1+$0xFFFFFF90];
	v45 =	vmul.f32 v18, v28;
	v18 =	vsub.f32 $1.000000000e+00, v22;
	v22 =	vmul.f32 v23, v3  }
0x192: {  	v28 =	vld [tilespmem:s3+$0xFFFFFE20];
	v23 =	vmul.f32 v16, v29;
	v16 =	vsub.f32 $1.000000000e+00, v20;
	v24 =	vmul.f32 v24, v3  }
0x193: {  	v29 =	vsub.f32 $1.000000000e+00, v41;
	v36 =	vld [tilespmem:s1+$0xFFFFFFA0];
	v20 =	vmul.f32 v18, v30;
	v22 =	vsub.f32 $1.000000000e+00, v22  }
0x194: {  	v25 =	vmul.f32 v25, v0;
	v46 =	vld [tilespmem:s3+$0xFFFFFE30];
	v18 =	vmul.f32 v16, v32;
	v24 =	vsub.f32 $1.000000000e+00, v24  }
0x195: {  	v29 =	vmul.f32 v13, v29;
	v30 =	vsub.f32 $1.000000000e+00, v26;
	v32 =	vld [tilespmem:s1+$0xFFFFFFB0];
	v16 =	vmul.f32 v22, v33  }
0x196: {  	v25 =	vsub.f32 $1.000000000e+00, v25;
	v27 =	vmul.f32 v27, v0;
	v33 =	vld [tilespmem:s3+$0xFFFFFE40];
	v13 =	vmul.f32 v24, v31  }
0x197: {  	v22 =	vadd.f32 v29, v41;
	v7 =	vmul.f32 v7, v30;
	v29 =	vsub.f32 $1.000000000e+00, v28;
	v31 =	vld [tilespmem:s1+$0xFFFFFFC0]  }
0x198: {  	v24 =	vmul.f32 v25, v35;
	v27 =	vsub.f32 $1.000000000e+00, v27;
	v35 =	vmul.f32 v36, v0;
	v36 =	vld [tilespmem:s3+$0xFFFFFE50]  }
0x199: {  	v25 =	vadd.f32 v7, v26;
	v7 =	vmul.f32 v8, v29;
	v8 =	vsub.f32 $1.000000000e+00, v46;
	v26 =	vld [tilespmem:s1+$0xFFFFFFD0]  }
0x19a: {  	v30 =	vmul.f32 v27, v34;
	v27 =	vsub.f32 $1.000000000e+00, v35;
	v32 =	vmul.f32 v32, v0;
	v35 =	vld [tilespmem:s3+$0xFFFFFE60]  }
0x19b: {  	v29 =	vadd.f32 v7, v28;
	v7 =	vmul.f32 v9, v8;
	v8 =	vsub.f32 $1.000000000e+00, v33;
	v9 =	vld [tilespmem:s1+$0xFFFFFFE0]  }
0x19c: {  	v34 =	vmul.f32 v27, v42;
	v28 =	vsub.f32 $1.000000000e+00, v32;
	v31 =	vmul.f32 v31, v0;
	v41 =	vld [tilespmem:s3+$0xFFFFFE70]  }
0x19d: {  	v27 =	vadd.f32 v7, v46;
	v7 =	vmul.f32 v10, v8;
	v8 =	vsub.f32 $1.000000000e+00, v36;
	v10 =	vld [tilespmem:s1+$0xFFFFFFF0]  }
0x19e: {  	v32 =	vmul.f32 v28, v40;
	v31 =	vsub.f32 $1.000000000e+00, v31;
	v26 =	vmul.f32 v26, v0;
	v40 =	vld [tilespmem:s3+$0x0]  }
0x19f: {  	v28 =	vadd.f32 v7, v33;
	v7 =	vmul.f32 v11, v8;
	v8 =	vsub.f32 $1.000000000e+00, v35;
	v11 =	vld [tilespmem:s1+$0x180]  }
0x1a0: {  	v33 =	vmul.f32 v31, v43;
	v31 =	vsub.f32 $1.000000000e+00, v26;
	v9 =	vmul.f32 v9, v0;
	v42 =	vld [tilespmem:s3+$0x10]  }
0x1a1: {  	v26 =	vadd.f32 v7, v36;
	v7 =	vmul.f32 v12, v8;
	v12 =	vsub.f32 $1.000000000e+00, v41;
	v43 =	vld [tilespmem:s1+$0x190]  }
0x1a2: {  	v31 =	vmul.f32 v31, v37;
	v9 =	vsub.f32 $1.000000000e+00, v9;
	v36 =	vmul.f32 v10, v0;
	v46 =	vld [tilespmem:s3+$0x20]  }
0x1a3: {  	v8 =	vadd.f32 v7, v35;
	v7 =	vmul.f32 v14, v12;
	v12 =	vsub.f32 $1.000000000e+00, v40;
	v14 =	vld [tilespmem:s1+$0x1A0]  }
0x1a4: {  	v10 =	vmul.f32 v9, v44;
	v9 =	vsub.f32 $1.000000000e+00, v36;
	v35 =	vmul.f32 v11, v0;
	v36 =	vld [tilespmem:s3+$0x30]  }
0x1a5: {  	v11 =	vadd.f32 v7, v41;
	v7 =	vmul.f32 v15, v12;
	v12 =	vsub.f32 $1.000000000e+00, v42;
	v44 =	vld [tilespmem:s1+$0x1B0]  }
0x1a6: {  	v15 =	vmul.f32 v9, v39;
	v35 =	vsub.f32 $1.000000000e+00, v35;
	v41 =	vmul.f32 v43, v0;
	v39 =	vld [tilespmem:s3+$0x40]  }
.Ltmp0:
0x1a7: {  	v9 =	vadd.f32 v7, v40;
	v7 =	vmul.f32 v17, v12;
	v17 =	vsub.f32 $1.000000000e+00, v46;
	v37 =	vld [tilespmem:s1+$0x1C0];
	(pc) =	sbr.rel @p0 .LBB2_3-.Ltmp0, $4  }
0x1a8: {  	v12 =	vmul.f32 v35, v38;
	v35 =	vsub.f32 $1.000000000e+00, v41;
	v40 =	vmul.f32 v14, v0;
	v38 =	vld [tilespmem:s3+$0x50]  }
0x1a9: {  	v14 =	vadd.f32 v7, v42;
	v7 =	vmul.f32 v19, v17;
	v47 =	vsub.f32 $1.000000000e+00, v36;
	v41 =	vld [tilespmem:s1+$0x1D0]  }
0x1aa: {  	v19 =	vmul.f32 v35, v45;
	v42 =	vsub.f32 $1.000000000e+00, v40;
	v43 =	vmul.f32 v44, v0;
	v40 =	vld [tilespmem:s3+$0x60]  }
0x1ab: {  	s24 =	sadd.s32 $0x200, s24;
	v17 =	vadd.f32 v7, v46;
	v21 =	vmul.f32 v21, v47;
	v44 =	vsub.f32 $1.000000000e+00, v39;
	v7 =	vld [tilespmem:s1+$0x1E0]  }
0x1ac: {  	v1 =	vmul.f32 v42, v23;
	v3 =	vmul.f32 v37, v0  }
0x1ad: {  	v2 =	vsub.f32 $1.000000000e+00, v43;
	v8 =	vmul.f32 v10, v8;
	v11 =	vmul.f32 v15, v11  }
0x1ae: {  	v9 =	vmul.f32 v12, v9;
	v4 =	vmul.f32 v4, v44  }
0x1af: {  	v21 =	vadd.f32 v21, v36;
	v23 =	vsub.f32 $1.000000000e+00, v38;
	v2 =	vmul.f32 v2, v20  }
0x1b0: {  	v3 =	vsub.f32 $1.000000000e+00, v3;
	v20 =	vmul.f32 v41, v0;
	v8 =	vmax.f32 v8, $0.0e+00  }
0x1b1: {  	v11 =	vmax.f32 v11, $0.0e+00;
	v1 =	vmul.f32 v1, v17;
	v9 =	vmax.f32 v9, $0.0e+00  }
0x1b2: {  	v4 =	vadd.f32 v4, v39;
	v5 =	vmul.f32 v5, v23;
	v23 =	vsub.f32 $1.000000000e+00, v40  }
0x1b3: {  	v8 =	vmin.f32 v8, $1.000000000e+00;
	v0 =	vmul.f32 v7, v0;
	v3 =	vmul.f32 v3, v18  }
0x1b4: {  	v7 =	vsub.f32 $1.000000000e+00, v20;
	v18 =	vmul.f32 v24, v22;
	v20 =	vmul.f32 v30, v25  }
0x1b5: {  	v22 =	vmul.f32 v33, v28;
	[tilespmem:s20+$0xFFFFFE60] =	vst v8;
	v8 =	vmin.f32 v11, $1.000000000e+00;
	v2 =	vmul.f32 v2, v21  }
0x1b6: {  	v1 =	vmax.f32 v1, $0.0e+00;
	v6 =	vmul.f32 v6, v23;
	v5 =	vadd.f32 v5, v38  }
0x1b7: {  	[tilespmem:s20+$0xFFFFFE70] =	vst v8;
	v8 =	vmin.f32 v9, $1.000000000e+00;
	v1 =	vmin.f32 v1, $1.000000000e+00;
	v0 =	vsub.f32 $1.000000000e+00, v0  }
0x1b8: {  	v7 =	vmul.f32 v7, v16;
	v16 =	vmul.f32 v34, v29;
	v18 =	vmax.f32 v18, $0.0e+00;
	[tilespmem:s20+$0x0] =	vst v8  }
0x1b9: {  	v20 =	vmax.f32 v20, $0.0e+00;
	v10 =	vmax.f32 v22, $0.0e+00;
	[tilespmem:s20+$0x20] =	vst v1;
	v18 =	vmin.f32 v18, $1.000000000e+00  }
0x1ba: {  	v3 =	vmul.f32 v3, v4;
	v2 =	vmax.f32 v2, $0.0e+00;
	v10 =	vmin.f32 v10, $1.000000000e+00;
	[tilespmem:s20+$0xFFFFFE00] =	vst v18  }
0x1bb: {  	v6 =	vadd.f32 v6, v40;
	v1 =	vmin.f32 v2, $1.000000000e+00;
	v0 =	vmul.f32 v0, v13;
	[tilespmem:s20+$0xFFFFFE40] =	vst v10  }
0x1bc: {  	v13 =	vmul.f32 v32, v27;
	v16 =	vmax.f32 v16, $0.0e+00;
	v18 =	vmin.f32 v20, $1.000000000e+00;
	[tilespmem:s20+$0x30] =	vst v1  }
0x1bd: {  	v20 =	vmul.f32 v31, v26;
	v3 =	vmax.f32 v3, $0.0e+00;
	[tilespmem:s20+$0xFFFFFE10] =	vst v18;
	v16 =	vmin.f32 v16, $1.000000000e+00  }
0x1be: {  	v5 =	vmul.f32 v7, v5;
	v1 =	vmin.f32 v3, $1.000000000e+00;
	v13 =	vmax.f32 v13, $0.0e+00;
	[tilespmem:s20+$0xFFFFFE20] =	vst v16  }
0x1bf: {  	v12 =	vmul.f32 v19, v14;
	s3 =	sshll.u32 s10, $0x10;
	s12 =	sshll.u32 s30, $0x11;
	v15 =	vmax.f32 v20, $0.0e+00;
	[tilespmem:s20+$0x40] =	vst v1;
	v13 =	vmin.f32 v13, $1.000000000e+00  }
0x1c0: {  	s1 =	ssub.s32 s3, s12;
	v0 =	vmul.f32 v0, v6;
	v2 =	vmax.f32 v5, $0.0e+00;
	v10 =	vmin.f32 v15, $1.000000000e+00;
	[tilespmem:s20+$0xFFFFFE30] =	vst v13  }
0x1c1: {  	s1 =	sor.u32 s17, s1;
	v1 =	vmin.f32 v2, $1.000000000e+00;
	[tilespmem:s20+$0xFFFFFE50] =	vst v10;
	v10 =	vmax.f32 v12, $0.0e+00  }
0x1c2: {  	s1 =	sadd.s32 s14, s1;
	v0 =	vmax.f32 v0, $0.0e+00;
	[tilespmem:s20+$0x50] =	vst v1;
	v4 =	vmin.f32 v10, $1.000000000e+00  }
0x1c3: {  	s1 =	sshrl.u32 s1, $0x3;
	v0 =	vmin.f32 v0, $1.000000000e+00;
	[tilespmem:s20+$0x10] =	vst v4  }
0x1c4: {  	s22 =	simm.s32 $0x12000;
	s1 =	sadd.s32 s5, s1;
	[tilespmem:s20+$0x60] =	vst v0  }
0x1c5: {  	[hbm4b:s1+s7] =	stream.linear.scatter [tilespmem:s22], [sflag:$0x5], $0x80, $0x38;
	[tilespmem:$0x14000] =	vst v63  }
0x1c6: {  	s21 =	simm.s32 $0x12200;
	s24 =	sadd.s32 $0x80, s1  }
0x1c7: {  	[hbm4b:s24+s7] =	stream.linear.scatter [tilespmem:s21], [sflag:$0x5], $0x80, $0x38;
	[tilespmem:$0x14000] =	vst v63  }
0x1c8: {  	s22 =	sadd.s32 $0x100, s1;
	s24 =	simm.s32 $0x12400  }
0x1c9: {  	[hbm4b:s22+s7] =	stream.linear.scatter [tilespmem:s24], [sflag:$0x5], $0x80, $0x38;
	[tilespmem:$0x14000] =	vst v63  }
0x1ca: {  	s22 =	sadd.s32 $0x180, s1;
	s24 =	simm.s32 $0x12600  }
0x1cb: {  	[hbm4b:s22+s7] =	stream.linear.scatter [tilespmem:s24], [sflag:$0x5], $0x80, $0x38;
	[tilespmem:$0x14000] =	vst v63  }
0x1cc: {  	s22 =	sadd.s32 $0x200, s1;
	s24 =	simm.s32 $0x12800  }
0x1cd: {  	[hbm4b:s22+s7] =	stream.linear.scatter [tilespmem:s24], [sflag:$0x5], $0x80, $0x38;
	[tilespmem:$0x14000] =	vst v63  }
0x1ce: {  	s22 =	sadd.s32 $0x280, s1;
	s24 =	simm.s32 $0x12A00  }
0x1cf: {  	[hbm4b:s22+s7] =	stream.linear.scatter [tilespmem:s24], [sflag:$0x5], $0x80, $0x38;
	[tilespmem:$0x14000] =	vst v63  }
0x1d0: {  	s22 =	sadd.s32 $0x300, s1;
	s24 =	simm.s32 $0x12C00  }
0x1d1: {  	[hbm4b:s22+s7] =	stream.linear.scatter [tilespmem:s24], [sflag:$0x5], $0x80, $0x38;
	[tilespmem:$0x14000] =	vst v63  }
0x1d2: {  	s22 =	sadd.s32 $0x380, s1;
	s24 =	simm.s32 $0x12E00  }
0x1d3: {  	[hbm4b:s22+s7] =	stream.linear.scatter [tilespmem:s24], [sflag:$0x5], $0x80, $0x38;
	[tilespmem:$0x14000] =	vst v63  }
0x1d4: {  	s22 =	sadd.s32 $0x400, s1;
	s24 =	simm.s32 $0x13000  }
0x1d5: {  	[hbm4b:s22+s7] =	stream.linear.scatter [tilespmem:s24], [sflag:$0x5], $0x80, $0x38;
	[tilespmem:$0x14000] =	vst v63  }
0x1d6: {  	s22 =	sadd.s32 $0x480, s1;
	s24 =	simm.s32 $0x13200  }
0x1d7: {  	[hbm4b:s22+s7] =	stream.linear.scatter [tilespmem:s24], [sflag:$0x5], $0x80, $0x38;
	[tilespmem:$0x14000] =	vst v63  }
0x1d8: {  	s22 =	sadd.s32 $0x500, s1;
	s24 =	simm.s32 $0x13400  }
0x1d9: {  	[hbm4b:s22+s7] =	stream.linear.scatter [tilespmem:s24], [sflag:$0x5], $0x80, $0x38;
	[tilespmem:$0x14000] =	vst v63  }
0x1da: {  	s22 =	sadd.s32 $0x580, s1;
	s24 =	simm.s32 $0x13600  }
0x1db: {  	[hbm4b:s22+s7] =	stream.linear.scatter [tilespmem:s24], [sflag:$0x5], $0x80, $0x38;
	[tilespmem:$0x14000] =	vst v63  }
0x1dc: {  	s22 =	sadd.s32 $0x600, s1;
	s24 =	simm.s32 $0x13800  }
0x1dd: {  	[hbm4b:s22+s7] =	stream.linear.scatter [tilespmem:s24], [sflag:$0x5], $0x80, $0x38;
	[tilespmem:$0x14000] =	vst v63  }
0x1de: {  	s22 =	sadd.s32 $0x680, s1;
	s24 =	simm.s32 $0x13A00  }
0x1df: {  	[hbm4b:s22+s7] =	stream.linear.scatter [tilespmem:s24], [sflag:$0x5], $0x80, $0x38;
	[tilespmem:$0x14000] =	vst v63  }
0x1e0: {  	p0 =	seq.s32 s10, $0x3F;
	s22 =	sadd.s32 $0x700, s1;
	s24 =	simm.s32 $0x13C00  }
0x1e1: {  	[hbm4b:s22+s7] =	stream.linear.scatter [tilespmem:s24], [sflag:$0x5], $0x80, $0x38;
	[tilespmem:$0x14000] =	vst v63  }
0x1e2: {  	s20 =	sadd.s32 @!p0 $0x4, s29;
	s1 =	sadd.s32 $0x780, s1;
	s22 =	simm.s32 $0x13E00  }
0x1e3: {  	[hbm4b:s1+s7] =	stream.linear.scatter [tilespmem:s22], [sflag:$0x5], $0x80, $0x38;
	[tilespmem:$0x14000] =	vst v63  }
0x1e4: {  	s1 =	sshrl.u32 @!p0 s20, $0x3  }
0x1e5: {  	s22 =	sshll.u32 @!p0 s20, $0xB;
	s21 =	sshll.u32 @!p0 s1, $0xE  }
0x1e6: {  	s24 =	sadd.s32 @!p0 s6, s1;
	s21 =	ssub.s32 @!p0 s22, s21  }
0x1e7: {  	s1 =	sshll.u32 @!p0 s24, $0xF;
	s22 =	sshll.u32 @!p0 s21, $0x1  }
0x1e8: {  	s1 =	sadd.s32 @!p0 s1, s22  }
0x1e9: {  	s1 =	sshrl.u32 @!p0 s1, $0x3  }
0x1ea: {  	s30 =	simm.s32 @!p0 $0x4000;
	s22 =	sadd.s32 @!p0 s0, s1;
	s1 =	simm.s32 @!p0 $0x0  }
0x1eb: {  	[tilespmem:s30], [sflag:$0x1] =	stream.linear.gather @!p0 [hbm4b:s22+s1], $0x1000, $0x38;
	[tilespmem:$0x14000] =	vst v63  }
0x1ec: {  	s22 =	sshll.u32 @!p0 s24, $0x10;
	s30 =	sshll.u32 @!p0 s21, $0x2  }
0x1ed: {  	s22 =	sadd.s32 @!p0 s22, s30  }
0x1ee: {  	s22 =	sshrl.u32 @!p0 s22, $0x3  }
0x1ef: {  	s30 =	simm.s32 @!p0 $0x8000;
	s22 =	sadd.s32 @!p0 s2, s22  }
0x1f0: {  	[tilespmem:s30], [sflag:$0x1] =	stream.linear.gather @!p0 [hbm4b:s22+s1], $0x2000, $0x38;
	[tilespmem:$0x14000] =	vst v63  }
0x1f1: {  	s22 =	sshll.u32 @!p0 s24, $0xE  }
0x1f2: {  	s20 =	sshll.u32 @!p0 s20, $0x4;
	s21 =	sshll.u32 @!p0 s21, $0x3;
	s22 =	sand.u32 @!p0 $0x7FFE0000, s22  }
0x1f3: {  	s20 =	sand.u32 @!p0 $0x380, s20;
	s21 =	sadd.s32 @!p0 s21, s22  }
0x1f4: {  	s20 =	sor.u32 @!p0 s20, s21  }
0x1f5: {  	s20 =	sshrl.u32 @!p0 s20, $0x3  }
0x1f6: {  	s21 =	simm.s32 @!p0 $0x10000;
	s20 =	sadd.s32 @!p0 s4, s20  }
0x1f7: {  	[tilespmem:s21], [sflag:$0x1] =	stream.linear.gather @!p0 [hbm4b:s20+s1], $0x80, $0x38;
	[tilespmem:$0x14000] =	vst v63  }
0x1f8: {  	s22 =	simm.s32 @!p0 $0x10200;
	s21 =	sadd.s32 @!p0 $0x80, s20  }
0x1f9: {  	[tilespmem:s22], [sflag:$0x1] =	stream.linear.gather @!p0 [hbm4b:s21+s1], $0x80, $0x38;
	[tilespmem:$0x14000] =	vst v63  }
0x1fa: {  	s21 =	sadd.s32 @!p0 $0x100, s20;
	s22 =	simm.s32 @!p0 $0x10400  }
0x1fb: {  	[tilespmem:s22], [sflag:$0x1] =	stream.linear.gather @!p0 [hbm4b:s21+s1], $0x80, $0x38;
	[tilespmem:$0x14000] =	vst v63  }
0x1fc: {  	s21 =	sadd.s32 @!p0 $0x180, s20;
	s22 =	simm.s32 @!p0 $0x10600  }
0x1fd: {  	[tilespmem:s22], [sflag:$0x1] =	stream.linear.gather @!p0 [hbm4b:s21+s1], $0x80, $0x38;
	[tilespmem:$0x14000] =	vst v63  }
0x1fe: {  	s21 =	sadd.s32 @!p0 $0x200, s20;
	s22 =	simm.s32 @!p0 $0x10800  }
0x1ff: {  	[tilespmem:s22], [sflag:$0x1] =	stream.linear.gather @!p0 [hbm4b:s21+s1], $0x80, $0x38;
	[tilespmem:$0x14000] =	vst v63  }
0x200: {  	s21 =	sadd.s32 @!p0 $0x280, s20;
	s22 =	simm.s32 @!p0 $0x10A00  }
0x201: {  	[tilespmem:s22], [sflag:$0x1] =	stream.linear.gather @!p0 [hbm4b:s21+s1], $0x80, $0x38;
	[tilespmem:$0x14000] =	vst v63  }
0x202: {  	s21 =	sadd.s32 @!p0 $0x300, s20;
	s22 =	simm.s32 @!p0 $0x10C00  }
0x203: {  	[tilespmem:s22], [sflag:$0x1] =	stream.linear.gather @!p0 [hbm4b:s21+s1], $0x80, $0x38;
	[tilespmem:$0x14000] =	vst v63  }
0x204: {  	s21 =	sadd.s32 @!p0 $0x380, s20;
	s22 =	simm.s32 @!p0 $0x10E00  }
0x205: {  	[tilespmem:s22], [sflag:$0x1] =	stream.linear.gather @!p0 [hbm4b:s21+s1], $0x80, $0x38;
	[tilespmem:$0x14000] =	vst v63  }
0x206: {  	s21 =	sadd.s32 @!p0 $0x400, s20;
	s22 =	simm.s32 @!p0 $0x11000  }
0x207: {  	[tilespmem:s22], [sflag:$0x1] =	stream.linear.gather @!p0 [hbm4b:s21+s1], $0x80, $0x38;
	[tilespmem:$0x14000] =	vst v63  }
0x208: {  	s21 =	sadd.s32 @!p0 $0x480, s20;
	s22 =	simm.s32 @!p0 $0x11200  }
0x209: {  	[tilespmem:s22], [sflag:$0x1] =	stream.linear.gather @!p0 [hbm4b:s21+s1], $0x80, $0x38;
	[tilespmem:$0x14000] =	vst v63  }
0x20a: {  	s21 =	sadd.s32 @!p0 $0x500, s20;
	s22 =	simm.s32 @!p0 $0x11400  }
0x20b: {  	[tilespmem:s22], [sflag:$0x1] =	stream.linear.gather @!p0 [hbm4b:s21+s1], $0x80, $0x38;
	[tilespmem:$0x14000] =	vst v63  }
0x20c: {  	s21 =	sadd.s32 @!p0 $0x580, s20;
	s22 =	simm.s32 @!p0 $0x11600  }
0x20d: {  	[tilespmem:s22], [sflag:$0x1] =	stream.linear.gather @!p0 [hbm4b:s21+s1], $0x80, $0x38;
	[tilespmem:$0x14000] =	vst v63  }
0x20e: {  	s21 =	sadd.s32 @!p0 $0x600, s20;
	s22 =	simm.s32 @!p0 $0x11800  }
0x20f: {  	[tilespmem:s22], [sflag:$0x1] =	stream.linear.gather @!p0 [hbm4b:s21+s1], $0x80, $0x38;
	[tilespmem:$0x14000] =	vst v63  }
0x210: {  	s21 =	sadd.s32 @!p0 $0x680, s20;
	s22 =	simm.s32 @!p0 $0x11A00  }
0x211: {  	[tilespmem:s22], [sflag:$0x1] =	stream.linear.gather @!p0 [hbm4b:s21+s1], $0x80, $0x38;
	[tilespmem:$0x14000] =	vst v63  }
0x212: {  	p1 =	seq.s32 @!p0 s10, $0x0;
	s21 =	sadd.s32 @!p0 $0x700, s20;
	s22 =	simm.s32 @!p0 $0x11C00  }
0x213: {  	[tilespmem:s22], [sflag:$0x1] =	stream.linear.gather @!p0 [hbm4b:s21+s1], $0x80, $0x38;
	[tilespmem:$0x14000] =	vst v63  }
0x214: {  	p1 =	por p0, !p1;
	s20 =	sadd.s32 @!p0 $0x780, s20;
	s21 =	simm.s32 @!p0 $0x11E00  }
0x215: {  	[tilespmem:s21], [sflag:$0x1] =	stream.linear.gather @!p0 [hbm4b:s20+s1], $0x80, $0x38;
	[tilespmem:$0x14000] =	vst v63  }
0x216: {  	_ =	swait.ge @p1 [sflag:s23], $0x800  }
0x217: {  	[sflag:s23] =	ssyncset.done @p1 $0x0  }
0x218: {  	[sflag:s23] =	ssyncadd.s32 @p1 $0xFFFFF800  }
0x219: {  	_ =	swait.ge [sflag:s8], $0x1000  }
0x21a: {  	[sflag:s8] =	ssyncset.done $0x0  }
0x21b: {  	[sflag:s8] =	ssyncadd.s32 $0xFFFFF000  }
0x21c: {  	_ =	swait.ge [sflag:s8], $0x2000  }
0x21d: {  	[sflag:s8] =	ssyncset.done $0x0  }
0x21e: {  	[sflag:s8] =	ssyncadd.s32 $0xFFFFE000  }
0x21f: {  	_ =	swait.ge [sflag:s8], $0x800  }
0x220: {  	[sflag:s8] =	ssyncset.done $0x0  }
0x221: {  	[sflag:s8] =	ssyncadd.s32 $0xFFFFF800  }
0x222: {  	v1 =	vld [tilespmem:s26+$0x0]  }
0x223: {  	v2 =	vld [tilespmem:s26+$0x80]  }
0x224: {  	v3 =	vld [tilespmem:s26+$0x100]  }
0x225: {  	s24 =	simm.s32 $0x51F0;
	v0 =	vld [tilespmem:s26+$0x180]  }
0x226: {  	v4 =	vld [tilespmem:s24+$0xFFFFFF80]  }
0x227: {  	s1 =	simm.s32 $0xA3F0;
	v5 =	vld [tilespmem:s24+$0x0]  }
0x228: {  	v6 =	vld [tilespmem:s1+$0xFFFFFE80]  }
0x229: {  	v7 =	vld [tilespmem:s1+$0xFFFFFF00]  }
0x22a: {  	s20 =	simm.s32 $0x10280;
	v8 =	vld [tilespmem:s1+$0xFFFFFF80]  }
0x22b: {  	v9 =	vld [tilespmem:s20+$0x70]  }
0x22c: {  	v10 =	vld [tilespmem:s1+$0x0]  }
0x22d: {  	v11 =	vld [tilespmem:s24+$0xFFFFFE90]  }
0x22e: {  	v12 =	vld [tilespmem:s1+$0xFFFFFC10]  }
0x22f: {  	v14 =	vld [tilespmem:s1+$0xFFFFFC90]  }
0x230: {  	v15 =	vld [tilespmem:s24+$0xFFFFFE20]  }
0x231: {  	v16 =	vld [tilespmem:s24+$0xFFFFFEA0]  }
0x232: {  	v17 =	vld [tilespmem:s1+$0xFFFFFC20]  }
0x233: {  	v18 =	vld [tilespmem:s1+$0xFFFFFCA0]  }
0x234: {  	v19 =	vld [tilespmem:s24+$0xFFFFFE30]  }
0x235: {  	v20 =	vld [tilespmem:s24+$0xFFFFFEB0]  }
0x236: {  	v21 =	vld [tilespmem:s1+$0xFFFFFC30]  }
0x237: {  	v22 =	vld [tilespmem:s1+$0xFFFFFCB0]  }
0x238: {  	v31 =	vld [tilespmem:s1+$0xFFFFFC70]  }
0x239: {  	v60 =	vld [tilespmem:s1+$0xFFFFFE30]  }
0x23a: {  	v62 =	vld [tilespmem:s1+$0xFFFFFEC0]  }
0x23b: {  	v44 =	vld [tilespmem:s1+$0xFFFFFE50]  }
0x23c: {  	v46 =	vld [tilespmem:s24+$0xFFFFFFE0]  }
0x23d: {  	v50 =	vld [tilespmem:s24+$0xFFFFFFF0]  }
0x23e: {  	v48 =	vld [tilespmem:s1+$0xFFFFFEE0];
	v6 =	vmul.f32 v6, v1  }
0x23f: {  	v53 =	vld [tilespmem:s24+$0xFFFFFE10];
	v4 =	vsub.f32 $1.000000000e+00, v4;
	v7 =	vmul.f32 v7, v2;
	v8 =	vmul.f32 v8, v3  }
0x240: {  	v23 =	vld [tilespmem:s24+$0xFFFFFE40];
	v5 =	vsub.f32 $1.000000000e+00, v5;
	v10 =	vmul.f32 v10, v0;
	v31 =	vmul.f32 v31, v1  }
0x241: {  	v55 =	vld [tilespmem:s1+$0xFFFFFD10];
	v13 =	vsub.f32 $1.000000000e+00, v11;
	v32 =	vmul.f32 v60, v1;
	v47 =	vmul.f32 v62, v2  }
0x242: {  	v24 =	vld [tilespmem:s24+$0xFFFFFEC0];
	v36 =	vmul.f32 v44, v1;
	v52 =	vsub.f32 $1.000000000e+00, v46;
	v41 =	vsub.f32 $1.000000000e+00, v50  }
0x243: {  	v25 =	vld [tilespmem:s1+$0xFFFFFC40];
	v4 =	vmul.f32 v5, v4;
	v5 =	vsub.f32 $1.000000000e+00, v6;
	v6 =	vsub.f32 $1.000000000e+00, v7  }
0x244: {  	v26 =	vld [tilespmem:s1+$0xFFFFFCC0];
	v54 =	vmul.f32 v48, v2;
	v38 =	vsub.f32 $1.000000000e+00, v53;
	v7 =	vsub.f32 $1.000000000e+00, v9  }
0x245: {  	v27 =	vld [tilespmem:s24+$0xFFFFFE50];
	v4 =	vsub.f32 $1.000000000e+00, v4;
	v5 =	vmul.f32 v6, v5;
	v6 =	vsub.f32 $1.000000000e+00, v8  }
0x246: {  	v28 =	vld [tilespmem:s24+$0xFFFFFED0];
	v40 =	vmul.f32 v55, v3;
	v32 =	vsub.f32 $1.000000000e+00, v32;
	v8 =	vmul.f32 v12, v1  }
0x247: {  	v29 =	vld [tilespmem:s1+$0xFFFFFC50];
	v4 =	vmul.f32 v4, v7;
	v5 =	vmul.f32 v6, v5;
	v6 =	vsub.f32 $1.000000000e+00, v10  }
0x248: {  	v30 =	vld [tilespmem:s1+$0xFFFFFCD0];
	v7 =	vsub.f32 $1.000000000e+00, v8;
	v8 =	vmul.f32 v14, v2;
	v10 =	vsub.f32 $1.000000000e+00, v15  }
0x249: {  	v56 =	vld [tilespmem:s24+$0xFFFFFE80];
	v4 =	vadd.f32 v4, v9;
	v5 =	vmul.f32 v6, v5;
	v6 =	vmul.f32 v17, v1  }
0x24a: {  	v57 =	vld [tilespmem:s24+$0xFFFFFF00];
	v9 =	vsub.f32 $1.000000000e+00, v16;
	v8 =	vsub.f32 $1.000000000e+00, v8;
	v16 =	vmul.f32 v18, v2  }
0x24b: {  	v58 =	vld [tilespmem:s1+$0xFFFFFE90];
	v18 =	vsub.f32 $1.000000000e+00, v20;
	v20 =	vmul.f32 v21, v1;
	v4 =	vmul.f32 v5, v4  }
0x24c: {  	v35 =	vld [tilespmem:s24+$0xFFFFFFA0];
	v5 =	vsub.f32 $1.000000000e+00, v6;
	v6 =	vsub.f32 $1.000000000e+00, v19;
	v9 =	vmul.f32 v9, v10  }
0x24d: {  	v11 =	vld [tilespmem:s24+$0xFFFFFE60];
	v10 =	vsub.f32 $1.000000000e+00, v16;
	v16 =	vmul.f32 v8, v7;
	v20 =	vsub.f32 $1.000000000e+00, v20  }
0x24e: {  	v12 =	vld [tilespmem:s24+$0xFFFFFEE0];
	v4 =	vmax.f32 v4, $0.0e+00;
	v8 =	vsub.f32 $1.000000000e+00, v9;
	v6 =	vmul.f32 v18, v6  }
0x24f: {  	v14 =	vld [tilespmem:s1+$0xFFFFFC60];
	v18 =	vmul.f32 v10, v5;
	v7 =	vmin.f32 v4, $1.000000000e+00;
	v4 =	vmul.f32 v22, v2  }
0x250: {  	v10 =	vmul.f32 v26, v2;
	v26 =	vld [tilespmem:s24+$0xFFFFFF10];
	v22 =	vsub.f32 $1.000000000e+00, v23;
	v23 =	vsub.f32 $1.000000000e+00, v24  }
0x251: {  	v15 =	vld [tilespmem:s1+$0xFFFFFCE0];
	v24 =	vmul.f32 v25, v1;
	v9 =	vsub.f32 $1.000000000e+00, v6;
	v4 =	vsub.f32 $1.000000000e+00, v4  }
0x252: {  	v25 =	vld [tilespmem:s1+$0xFFFFFC80];
	v5 =	vmul.f32 v23, v22;
	v22 =	vsub.f32 $1.000000000e+00, v27;
	v23 =	vsub.f32 $1.000000000e+00, v28  }
0x253: {  	v17 =	vld [tilespmem:s24+$0xFFFFFE70];
	v28 =	vsub.f32 $1.000000000e+00, v10;
	v20 =	vmul.f32 v4, v20;
	v4 =	vsub.f32 $1.000000000e+00, v24  }
0x254: {  	v19 =	vld [tilespmem:s24+$0xFFFFFEF0];
	v24 =	vmul.f32 v29, v1;
	v10 =	vsub.f32 $1.000000000e+00, v5;
	v5 =	vmul.f32 v30, v2  }
0x255: {  	v59 =	vld [tilespmem:s1+$0xFFFFFEA0];
	v23 =	vmul.f32 v23, v22;
	v30 =	vsub.f32 $1.000000000e+00, v11;
	v26 =	vsub.f32 $1.000000000e+00, v26  }
0x256: {  	v21 =	vld [tilespmem:s1+$0xFFFFFCF0];
	v24 =	vsub.f32 $1.000000000e+00, v24;
	v22 =	vmul.f32 v28, v4;
	v4 =	vsub.f32 $1.000000000e+00, v5  }
0x257: {  	v6 =	vld [tilespmem:s1+$0xFFFFFD00];
	v25 =	vmul.f32 v25, v1;
	v5 =	vsub.f32 $1.000000000e+00, v12;
	v11 =	vsub.f32 $1.000000000e+00, v23  }
0x258: {  	v29 =	vld [tilespmem:s1+$0xFFFFFE10];
	v12 =	vmul.f32 v14, v1;
	v14 =	vmul.f32 v15, v2;
	v15 =	vsub.f32 $1.000000000e+00, v17  }
0x259: {  	v27 =	vld [tilespmem:s24+$0xFFFFFF90];
	v17 =	vsub.f32 $1.000000000e+00, v19;
	v25 =	vsub.f32 $1.000000000e+00, v25;
	v5 =	vmul.f32 v5, v30  }
0x25a: {  	v28 =	vld [tilespmem:s24+$0xFFFFFF20];
	v30 =	vsub.f32 $1.000000000e+00, v12;
	v14 =	vsub.f32 $1.000000000e+00, v14;
	v23 =	vmul.f32 v4, v24  }
0x25b: {  	v19 =	vld [tilespmem:s1+$0xFFFFFE20];
	v4 =	vmul.f32 v17, v15;
	v15 =	vmul.f32 v21, v2;
	v17 =	vsub.f32 $1.000000000e+00, v31  }
0x25c: {  	v21 =	vld [tilespmem:s24+$0xFFFFFFB0];
	v31 =	vsub.f32 $1.000000000e+00, v57;
	v24 =	vmul.f32 v14, v30;
	v30 =	vsub.f32 $1.000000000e+00, v56  }
0x25d: {  	v29 =	vmul.f32 v29, v1;
	v12 =	vsub.f32 $1.000000000e+00, v5;
	v5 =	vld [tilespmem:s24+$0xFFFFFF30];
	v15 =	vsub.f32 $1.000000000e+00, v15  }
0x25e: {  	v61 =	vld [tilespmem:s1+$0xFFFFFE40];
	v14 =	vsub.f32 $1.000000000e+00, v4;
	v4 =	vmul.f32 v6, v2;
	v30 =	vmul.f32 v31, v30  }
0x25f: {  	v29 =	vsub.f32 $1.000000000e+00, v29;
	v31 =	vld [tilespmem:s24+$0xFFFFFF40];
	v33 =	vmul.f32 v15, v17;
	v17 =	vsub.f32 $1.000000000e+00, v27  }
0x260: {  	v4 =	vsub.f32 $1.000000000e+00, v4;
	v27 =	vld [tilespmem:s24+$0xFFFFFFC0];
	v15 =	vsub.f32 $1.000000000e+00, v30;
	v30 =	vmul.f32 v58, v2  }
0x261: {  	v6 =	vld [tilespmem:s1+$0xFFFFFEB0];
	v17 =	vmul.f32 v17, v26;
	v26 =	vsub.f32 $1.000000000e+00, v28;
	v28 =	vsub.f32 $1.000000000e+00, v35  }
0x262: {  	v63 =	vld [tilespmem:s24+$0xFFFFFF50];
	v19 =	vmul.f32 v19, v1;
	v21 =	vsub.f32 $1.000000000e+00, v21;
	v5 =	vsub.f32 $1.000000000e+00, v5  }
0x263: {  	v25 =	vmul.f32 v4, v25;
	v30 =	vsub.f32 $1.000000000e+00, v30;
	v4 =	vmul.f32 v28, v26;
	v26 =	vld [tilespmem:s24+$0xFFFFFFD0]  }
0x264: {  	v34 =	vsub.f32 $1.000000000e+00, v47;
	v28 =	vmul.f32 v59, v2;
	v5 =	vmul.f32 v21, v5  }
0x265: {  	v45 =	vld [tilespmem:s1+$0xFFFFFED0];
	v31 =	vsub.f32 $1.000000000e+00, v31;
	v27 =	vsub.f32 $1.000000000e+00, v27;
	v29 =	vmul.f32 v30, v29  }
0x266: {  	v30 =	vsub.f32 $1.000000000e+00, v19;
	v19 =	vsub.f32 $1.000000000e+00, v4;
	v4 =	vmul.f32 v6, v2;
	v6 =	vld [tilespmem:s24+$0xFFFFFF60]  }
0x267: {  	v49 =	vld [tilespmem:s24+$0xFFFFFF70];
	v21 =	vsub.f32 $1.000000000e+00, v5;
	v27 =	vmul.f32 v27, v31;
	v31 =	vsub.f32 $1.000000000e+00, v63  }
0x268: {  	v51 =	vld [tilespmem:s1+$0xFFFFFEF0];
	v5 =	vmul.f32 v61, v1;
	v4 =	vsub.f32 $1.000000000e+00, v4;
	v26 =	vsub.f32 $1.000000000e+00, v26  }
0x269: {  	v39 =	vsub.f32 $1.000000000e+00, v54;
	v13 =	vmul.f32 v13, v38;
	v58 =	vld [tilespmem:s1+$0xFFFFFD30];
	v28 =	vsub.f32 $1.000000000e+00, v28  }
0x26a: {  	v5 =	vsub.f32 $1.000000000e+00, v5;
	v32 =	vmul.f32 v4, v32;
	v4 =	vmul.f32 v26, v31;
	v26 =	vld [tilespmem:s1+$0xFFFFFE70]  }
0x26b: {  	v57 =	vld [tilespmem:s1+$0xFFFFFD20];
	v35 =	vsub.f32 $1.000000000e+00, v27;
	v27 =	vmul.f32 v45, v2;
	v6 =	vsub.f32 $1.000000000e+00, v6  }
0x26c: {  	v48 =	vsub.f32 $1.000000000e+00, v40;
	v28 =	vmul.f32 v28, v30;
	v30 =	vld [tilespmem:s1+$0xFFFFFE60];
	v31 =	vmul.f32 v34, v5  }
0x26d: {  	v63 =	vld [tilespmem:s1+$0xFFFFFD70];
	v5 =	vsub.f32 $1.000000000e+00, v36;
	v27 =	vsub.f32 $1.000000000e+00, v27;
	v6 =	vmul.f32 v52, v6  }
0x26e: {  	v38 =	vmul.f32 v48, v16;
	v56 =	vsub.f32 $1.000000000e+00, v49;
	v59 =	vld [tilespmem:s1+$0xFFFFFD50];
	v49 =	vmul.f32 v58, v3  }
0x26f: {  	v27 =	vmul.f32 v27, v5;
	v5 =	vsub.f32 $1.000000000e+00, v6;
	v6 =	vmul.f32 v26, v1;
	v26 =	vld [tilespmem:s1+$0xFFFFFD40]  }
0x270: {  	v50 =	vld [tilespmem:s1+$0xFFFFFD80];
	v62 =	vmul.f32 v57, v3;
	v16 =	vsub.f32 $1.000000000e+00, v49;
	v34 =	vmul.f32 v51, v2  }
0x271: {  	v13 =	vsub.f32 $1.000000000e+00, v13;
	v61 =	vld [tilespmem:s1+$0xFFFFFD60];
	v36 =	vmul.f32 v41, v56;
	v30 =	vmul.f32 v30, v1  }
0x272: {  	v17 =	vsub.f32 $1.000000000e+00, v17;
	v51 =	vld [tilespmem:s1+$0xFFFFFF10];
	v44 =	vmul.f32 v16, v20;
	v20 =	vmul.f32 v63, v3  }
0x273: {  	v53 =	vld [tilespmem:s1+$0xFFFFFF20];
	v52 =	vmul.f32 v59, v3;
	v30 =	vsub.f32 $1.000000000e+00, v30;
	v60 =	vsub.f32 $1.000000000e+00, v6  }
0x274: {  	v55 =	vld [tilespmem:s1+$0xFFFFFF40];
	v6 =	vsub.f32 $1.000000000e+00, v36;
	v36 =	vsub.f32 $1.000000000e+00, v62;
	v26 =	vmul.f32 v26, v3  }
0x275: {  	v54 =	vld [tilespmem:s1+$0xFFFFFF30];
	v34 =	vsub.f32 $1.000000000e+00, v34;
	v16 =	vsub.f32 $1.000000000e+00, v52;
	v30 =	vmul.f32 v39, v30  }
0x276: {  	v48 =	vld [tilespmem:s20+$0xFFFFFE40];
	v36 =	vmul.f32 v36, v18;
	v18 =	vsub.f32 $1.000000000e+00, v26;
	v26 =	vmul.f32 v61, v3  }
0x277: {  	v59 =	vld [tilespmem:s20+$0xFFFFFE00];
	v57 =	vmul.f32 v16, v23;
	v16 =	vsub.f32 $1.000000000e+00, v20;
	v20 =	vmul.f32 v51, v3  }
0x278: {  	v56 =	vmul.f32 v18, v22;
	v18 =	vsub.f32 $1.000000000e+00, v26;
	v22 =	vmul.f32 v50, v3;
	v26 =	vld [tilespmem:s1+$0xFFFFFF50]  }
0x279: {  	v23 =	vld [tilespmem:s1+$0xFFFFFF60];
	v45 =	vmul.f32 v16, v33;
	v16 =	vsub.f32 $1.000000000e+00, v20;
	v34 =	vmul.f32 v34, v60  }
0x27a: {  	v60 =	vld [tilespmem:s1+$0xFFFFFD90];
	v58 =	vmul.f32 v18, v24;
	v18 =	vsub.f32 $1.000000000e+00, v22;
	v22 =	vmul.f32 v53, v3  }
0x27b: {  	v4 =	vsub.f32 $1.000000000e+00, v4;
	v20 =	vmul.f32 v54, v3;
	v46 =	vmul.f32 v16, v29;
	v24 =	vld [tilespmem:s1+$0xFFFFFF70]  }
0x27c: {  	v43 =	vmul.f32 v18, v25;
	v18 =	vsub.f32 $1.000000000e+00, v22;
	v22 =	vmul.f32 v55, v3;
	v25 =	vld [tilespmem:s20+$0xFFFFFE10]  }
0x27d: {  	v16 =	vsub.f32 $1.000000000e+00, v20;
	v29 =	vsub.f32 $1.000000000e+00, v59;
	v20 =	vmul.f32 v26, v3;
	v26 =	vld [tilespmem:s1+$0xFFFFFDA0]  }
0x27e: {  	v47 =	vmul.f32 v18, v28;
	v18 =	vsub.f32 $1.000000000e+00, v22;
	v22 =	vmul.f32 v23, v3;
	v28 =	vld [tilespmem:s20+$0xFFFFFE20]  }
0x27f: {  	v63 =	vld [tilespmem:s1+$0xFFFFFDC0];
	v29 =	vmul.f32 v13, v29;
	v23 =	vmul.f32 v16, v32;
	v16 =	vsub.f32 $1.000000000e+00, v20  }
0x280: {  	v24 =	vmul.f32 v24, v3;
	v20 =	vmul.f32 v18, v31;
	v31 =	vld [tilespmem:s1+$0xFFFFFDB0];
	v22 =	vsub.f32 $1.000000000e+00, v22  }
0x281: {  	v61 =	vmul.f32 v60, v0;
	v18 =	vmul.f32 v16, v27;
	v27 =	vld [tilespmem:s20+$0xFFFFFE30];
	v62 =	vsub.f32 $1.000000000e+00, v25  }
0x282: {  	v52 =	vld [tilespmem:s20+$0xFFFFFE50];
	v24 =	vsub.f32 $1.000000000e+00, v24;
	v16 =	vmul.f32 v22, v30;
	v26 =	vmul.f32 v26, v0  }
0x283: {  	v51 =	vld [tilespmem:s1+$0xFFFFFDD0];
	v22 =	vadd.f32 v29, v59;
	v8 =	vmul.f32 v8, v62;
	v29 =	vsub.f32 $1.000000000e+00, v28  }
0x284: {  	v30 =	vsub.f32 $1.000000000e+00, v61;
	v59 =	vld [tilespmem:s1+$0xFFFFFFB0];
	v13 =	vmul.f32 v24, v34;
	v26 =	vsub.f32 $1.000000000e+00, v26  }
0x285: {  	v39 =	vld [tilespmem:s20+$0x40];
	v31 =	vmul.f32 v31, v0;
	v25 =	vadd.f32 v8, v25;
	v8 =	vmul.f32 v9, v29  }
0x286: {  	v53 =	vld [tilespmem:s1+$0xFFFFFDE0];
	v24 =	vmul.f32 v30, v38;
	v9 =	vsub.f32 $1.000000000e+00, v27;
	v30 =	vmul.f32 v26, v36  }
0x287: {  	v54 =	vld [tilespmem:s20+$0xFFFFFE60];
	v26 =	vsub.f32 $1.000000000e+00, v31;
	v31 =	vmul.f32 v63, v0;
	v29 =	vadd.f32 v8, v28  }
0x288: {  	v28 =	vmul.f32 v51, v0;
	v8 =	vmul.f32 v10, v9;
	v9 =	vsub.f32 $1.000000000e+00, v48;
	v10 =	vld [tilespmem:s1+$0xFFFFFDF0]  }
0x289: {  	v55 =	vld [tilespmem:s20+$0xFFFFFE70];
	v63 =	vmul.f32 v59, v0;
	v34 =	vmul.f32 v26, v44;
	v26 =	vsub.f32 $1.000000000e+00, v31  }
0x28a: {  	v27 =	vadd.f32 v8, v27;
	v8 =	vmul.f32 v11, v9;
	v9 =	vsub.f32 $1.000000000e+00, v52;
	v11 =	vld [tilespmem:s1+$0xFFFFFE00]  }
0x28b: {  	v31 =	vmul.f32 v53, v0;
	v32 =	vmul.f32 v26, v56;
	v26 =	vsub.f32 $1.000000000e+00, v28;
	v56 =	vld [tilespmem:s20+$0x0]  }
0x28c: {  	v28 =	vadd.f32 v8, v48;
	v8 =	vmul.f32 v12, v9;
	v9 =	vsub.f32 $1.000000000e+00, v54;
	v12 =	vld [tilespmem:s1+$0xFFFFFF90]  }
0x28d: {  	v31 =	vsub.f32 $1.000000000e+00, v31;
	v33 =	vmul.f32 v26, v57;
	v10 =	vmul.f32 v10, v0;
	v57 =	vld [tilespmem:s20+$0x10]  }
0x28e: {  	v26 =	vadd.f32 v8, v52;
	v8 =	vmul.f32 v14, v9;
	v9 =	vsub.f32 $1.000000000e+00, v55;
	v14 =	vld [tilespmem:s1+$0xFFFFFFA0]  }
0x28f: {  	v42 =	vsub.f32 $1.000000000e+00, v63;
	v31 =	vmul.f32 v31, v58;
	v58 =	vld [tilespmem:s20+$0x20];
	v11 =	vmul.f32 v11, v0  }
0x290: {  	v44 =	vsub.f32 $1.000000000e+00, v39;
	v9 =	vmul.f32 v15, v9;
	v15 =	vsub.f32 $1.000000000e+00, v56  }
0x291: {  	v36 =	vld [tilespmem:s20+$0x30];
	v10 =	vsub.f32 $1.000000000e+00, v10;
	v60 =	vsub.f32 $1.000000000e+00, v11  }
0x292: {  	v61 =	vld [tilespmem:s1+$0xFFFFFFC0];
	v11 =	vadd.f32 v9, v55;
	v9 =	vmul.f32 v17, v15;
	v17 =	vsub.f32 $1.000000000e+00, v57  }
0x293: {  	v8 =	vadd.f32 v8, v54;
	v12 =	vmul.f32 v12, v0;
	v14 =	vmul.f32 v14, v0  }
0x294: {  	v37 =	vld [tilespmem:s1+$0xFFFFFFD0];
	v10 =	vmul.f32 v10, v45;
	v17 =	vmul.f32 v19, v17;
	v19 =	vsub.f32 $1.000000000e+00, v58  }
0x295: {  	v38 =	vld [tilespmem:s20+$0x50];
	v15 =	vmul.f32 v60, v43;
	v12 =	vsub.f32 $1.000000000e+00, v12;
	v62 =	vsub.f32 $1.000000000e+00, v14  }
0x296: {  	v41 =	vld [tilespmem:s1+$0xFFFFFFE0];
	v14 =	vadd.f32 v17, v57;
	v17 =	vmul.f32 v21, v19;
	v21 =	vsub.f32 $1.000000000e+00, v36  }
0x297: {  	s30 =	ssub.s32 $0x0, s12;
	s22 =	simm.s32 $0x12280;
	v40 =	vld [tilespmem:s20+$0x60];
	v43 =	vmul.f32 v61, v0;
	v9 =	vadd.f32 v9, v56;
	v12 =	vmul.f32 v12, v46  }
0x298: {  	s12 =	simm.s32 $0x53F0;
	s21 =	simm.s32 $0x12280;
	[tilespmem:s22+$0x70] =	vst v7;
	v7 =	vld [tilespmem:s1+$0xFFFFFFF0];
	s24 =	simm.s32 $0x0;
	v19 =	vmul.f32 v62, v47;
	v17 =	vadd.f32 v17, v58;
	v21 =	vmul.f32 v35, v21  }
.LBB2_5:
0x299: {  	v45 =	vld [tilespmem:s12+$0xFFFFFF80];
	v23 =	vmul.f32 v42, v23;
	v42 =	vsub.f32 $1.000000000e+00, v43;
	v43 =	vmul.f32 v37, v0  }
0x29a: {  	s1 =	sadd.s32 $0x400, s1;
	v46 =	vld [tilespmem:s12+$0x0];
	v35 =	vadd.f32 v21, v36;
	v4 =	vmul.f32 v4, v44;
	v36 =	vsub.f32 $1.000000000e+00, v38  }
0x29b: {  	v44 =	vld [tilespmem:s1+$0xFFFFFE80];
	v37 =	vmul.f32 v42, v20;
	v20 =	vsub.f32 $1.000000000e+00, v43;
	v41 =	vmul.f32 v41, v0  }
0x29c: {  	s24 =	sadd.s32 $0x100, s24;
	v42 =	vld [tilespmem:s1+$0xFFFFFF00];
	v21 =	vadd.f32 v4, v39;
	v4 =	vmul.f32 v5, v36;
	v5 =	vsub.f32 $1.000000000e+00, v40  }
0x29d: {  	s20 =	sadd.s32 $0x400, s20;
	p2 =	slt.u32 s24, $0x700;
	v39 =	vld [tilespmem:s1+$0xFFFFFF80];
	v36 =	vmul.f32 v20, v18;
	v18 =	vsub.f32 $1.000000000e+00, v41;
	v7 =	vmul.f32 v7, v0  }
0x29e: {  	v22 =	vmul.f32 v24, v22;
	v20 =	vld [tilespmem:s20+$0x70];
	v24 =	vadd.f32 v4, v38;
	v4 =	vmul.f32 v6, v5  }
0x29f: {  	v30 =	vmul.f32 v30, v25;
	v5 =	vld [tilespmem:s1+$0x0];
	v25 =	vmul.f32 v18, v16;
	v7 =	vsub.f32 $1.000000000e+00, v7  }
0x2a0: {  	v34 =	vmul.f32 v34, v29;
	v18 =	vsub.f32 $1.000000000e+00, v45;
	v16 =	vld [tilespmem:s12+$0xFFFFFE90];
	v6 =	vadd.f32 v4, v40  }
0x2a1: {  	v40 =	vsub.f32 $1.000000000e+00, v46;
	v41 =	vmul.f32 v44, v1;
	v38 =	vld [tilespmem:s1+$0xFFFFFC10];
	v42 =	vmul.f32 v42, v2  }
0x2a2: {  	v4 =	vmax.f32 v22, $0.0e+00;
	v29 =	vmul.f32 v7, v13;
	v43 =	vld [tilespmem:s1+$0xFFFFFC90];
	v39 =	vmul.f32 v39, v3  }
0x2a3: {  	v13 =	vmul.f32 v40, v18;
	v18 =	vsub.f32 $1.000000000e+00, v41;
	v7 =	vld [tilespmem:s12+$0xFFFFFE20];
	v22 =	vsub.f32 $1.000000000e+00, v42  }
0x2a4: {  	v27 =	vmul.f32 v32, v27;
	v41 =	vsub.f32 $1.000000000e+00, v20;
	v40 =	vld [tilespmem:s12+$0xFFFFFEA0];
	v5 =	vmul.f32 v5, v0  }
0x2a5: {  	v42 =	vsub.f32 $1.000000000e+00, v13;
	v32 =	vld [tilespmem:s1+$0xFFFFFC20];
	v18 =	vmul.f32 v22, v18;
	v22 =	vsub.f32 $1.000000000e+00, v39  }
0x2a6: {  	v28 =	vmul.f32 v33, v28;
	v13 =	vsub.f32 $1.000000000e+00, v16;
	v16 =	vmul.f32 v38, v1;
	v38 =	vld [tilespmem:s1+$0xFFFFFCA0]  }
0x2a7: {  	v39 =	vmul.f32 v42, v41;
	v5 =	vsub.f32 $1.000000000e+00, v5;
	v33 =	vld [tilespmem:s12+$0xFFFFFE30];
	v18 =	vmul.f32 v22, v18  }
0x2a8: {  	v22 =	vmul.f32 v43, v2;
	v16 =	vsub.f32 $1.000000000e+00, v16;
	v7 =	vsub.f32 $1.000000000e+00, v7;
	v41 =	vld [tilespmem:s12+$0xFFFFFEB0]  }
0x2a9: {  	v20 =	vadd.f32 v39, v20;
	v40 =	vsub.f32 $1.000000000e+00, v40;
	v42 =	vld [tilespmem:s1+$0xFFFFFC30];
	v5 =	vmul.f32 v5, v18  }
0x2aa: {  	v26 =	vmul.f32 v31, v26;
	v18 =	vsub.f32 $1.000000000e+00, v22;
	v22 =	vmul.f32 v32, v1;
	v32 =	vld [tilespmem:s1+$0xFFFFFCB0]  }
0x2ab: {  	v31 =	vmul.f32 v38, v2;
	v38 =	vld [tilespmem:s12+$0xFFFFFE40];
	v20 =	vmul.f32 v5, v20;
	v5 =	vmax.f32 v30, $0.0e+00  }
0x2ac: {  	v7 =	vmul.f32 v40, v7;
	v22 =	vsub.f32 $1.000000000e+00, v22;
	v30 =	vsub.f32 $1.000000000e+00, v33;
	v33 =	vld [tilespmem:s12+$0xFFFFFEC0]  }
0x2ad: {  	v31 =	vsub.f32 $1.000000000e+00, v31;
	v39 =	vsub.f32 $1.000000000e+00, v41;
	v40 =	vld [tilespmem:s1+$0xFFFFFC40];
	v20 =	vmax.f32 v20, $0.0e+00  }
0x2ae: {  	s22 =	sadd.s32 $0x400, s22;
	v16 =	vmul.f32 v18, v16;
	v41 =	vmul.f32 v42, v1;
	v42 =	vld [tilespmem:s1+$0xFFFFFCC0];
	v18 =	vmin.f32 v20, $1.000000000e+00  }
0x2af: {  	v7 =	vsub.f32 $1.000000000e+00, v7;
	v20 =	vmul.f32 v39, v30;
	v30 =	vmul.f32 v32, v2;
	v32 =	vld [tilespmem:s12+$0xFFFFFE50];
	[tilespmem:s22+$0x70] =	vst v18  }
0x2b0: {  	v18 =	vmul.f32 v31, v22;
	v22 =	vsub.f32 $1.000000000e+00, v41;
	v31 =	vsub.f32 $1.000000000e+00, v38;
	v38 =	vld [tilespmem:s12+$0xFFFFFED0]  }
0x2b1: {  	v41 =	vmul.f32 v10, v8;
	v39 =	vsub.f32 $1.000000000e+00, v30;
	v30 =	vsub.f32 $1.000000000e+00, v33;
	v33 =	vld [tilespmem:s1+$0xFFFFFC50]  }
0x2b2: {  	v15 =	vmul.f32 v15, v11;
	v8 =	vsub.f32 $1.000000000e+00, v20;
	v10 =	vmul.f32 v40, v1;
	v40 =	vld [tilespmem:s1+$0xFFFFFCD0]  }
0x2b3: {  	v11 =	vmul.f32 v30, v31;
	v31 =	vmul.f32 v42, v2;
	v42 =	vld [tilespmem:s12+$0xFFFFFE60];
	v30 =	vmax.f32 v34, $0.0e+00  }
0x2b4: {  	v20 =	vmul.f32 v39, v22;
	v10 =	vsub.f32 $1.000000000e+00, v10;
	v22 =	vsub.f32 $1.000000000e+00, v32;
	v32 =	vld [tilespmem:s12+$0xFFFFFEE0]  }
0x2b5: {  	v39 =	vmul.f32 v12, v9;
	v34 =	vsub.f32 $1.000000000e+00, v31;
	v31 =	vsub.f32 $1.000000000e+00, v38;
	v38 =	vld [tilespmem:s1+$0xFFFFFC60]  }
0x2b6: {  	v19 =	vmul.f32 v19, v14;
	v9 =	vsub.f32 $1.000000000e+00, v11;
	v11 =	vmul.f32 v33, v1;
	v12 =	vld [tilespmem:s1+$0xFFFFFCE0]  }
0x2b7: {  	v14 =	vmul.f32 v31, v22;
	v33 =	vmul.f32 v40, v2;
	v40 =	vld [tilespmem:s12+$0xFFFFFE70];
	v31 =	vmax.f32 v27, $0.0e+00  }
0x2b8: {  	v22 =	vmul.f32 v34, v10;
	v11 =	vsub.f32 $1.000000000e+00, v11;
	v27 =	vsub.f32 $1.000000000e+00, v42;
	v34 =	vld [tilespmem:s12+$0xFFFFFEF0]  }
0x2b9: {  	v17 =	vmul.f32 v23, v17;
	v33 =	vsub.f32 $1.000000000e+00, v33;
	v32 =	vsub.f32 $1.000000000e+00, v32;
	v42 =	vld [tilespmem:s1+$0xFFFFFC70]  }
0x2ba: {  	v35 =	vmul.f32 v37, v35;
	v10 =	vsub.f32 $1.000000000e+00, v14;
	v14 =	vmul.f32 v38, v1;
	v38 =	vld [tilespmem:s1+$0xFFFFFCF0]  }
0x2bb: {  	v37 =	vmax.f32 v28, $0.0e+00;
	v27 =	vmul.f32 v32, v27;
	v12 =	vmul.f32 v12, v2;
	v32 =	vld [tilespmem:s12+$0xFFFFFE80]  }
0x2bc: {  	v23 =	vmul.f32 v33, v11;
	v14 =	vsub.f32 $1.000000000e+00, v14;
	v28 =	vsub.f32 $1.000000000e+00, v40;
	v33 =	vld [tilespmem:s12+$0xFFFFFF00]  }
0x2bd: {  	v21 =	vmul.f32 v36, v21;
	v12 =	vsub.f32 $1.000000000e+00, v12;
	v34 =	vsub.f32 $1.000000000e+00, v34;
	v40 =	vld [tilespmem:s1+$0xFFFFFC80]  }
0x2be: {  	v11 =	vsub.f32 $1.000000000e+00, v27;
	v27 =	vmul.f32 v42, v1;
	v36 =	vld [tilespmem:s1+$0xFFFFFD00];
	v42 =	vmul.f32 v25, v24  }
0x2bf: {  	v25 =	vmul.f32 v34, v28;
	v28 =	vmul.f32 v38, v2;
	v34 =	vld [tilespmem:s12+$0xFFFFFF10];
	v38 =	vmax.f32 v26, $0.0e+00  }
0x2c0: {  	v24 =	vmul.f32 v12, v14;
	v14 =	vsub.f32 $1.000000000e+00, v27;
	v26 =	vsub.f32 $1.000000000e+00, v32;
	v27 =	vld [tilespmem:s12+$0xFFFFFF90]  }
0x2c1: {  	v6 =	vmul.f32 v29, v6;
	v28 =	vsub.f32 $1.000000000e+00, v28;
	v32 =	vsub.f32 $1.000000000e+00, v33;
	v33 =	vld [tilespmem:s1+$0xFFFFFE10]  }
0x2c2: {  	v41 =	vmax.f32 v41, $0.0e+00;
	v12 =	vsub.f32 $1.000000000e+00, v25;
	v29 =	vmul.f32 v40, v1;
	v40 =	vld [tilespmem:s1+$0xFFFFFE90]  }
0x2c3: {  	v43 =	vmax.f32 v15, $0.0e+00;
	v26 =	vmul.f32 v32, v26;
	v32 =	vmul.f32 v36, v2;
	v36 =	vld [tilespmem:s12+$0xFFFFFF20]  }
0x2c4: {  	v25 =	vmul.f32 v28, v14;
	v15 =	vsub.f32 $1.000000000e+00, v29;
	v28 =	vsub.f32 $1.000000000e+00, v34;
	v29 =	vld [tilespmem:s12+$0xFFFFFFA0]  }
0x2c5: {  	v39 =	vmax.f32 v39, $0.0e+00;
	v32 =	vsub.f32 $1.000000000e+00, v32;
	v27 =	vsub.f32 $1.000000000e+00, v27;
	v34 =	vld [tilespmem:s1+$0xFFFFFE20]  }
0x2c6: {  	v45 =	vmax.f32 v19, $0.0e+00;
	v14 =	vsub.f32 $1.000000000e+00, v26;
	v33 =	vmul.f32 v33, v1;
	v44 =	vld [tilespmem:s1+$0xFFFFFEA0]  }
0x2c7: {  	v19 =	vmul.f32 v27, v28;
	v27 =	vmul.f32 v40, v2;
	v28 =	vld [tilespmem:s12+$0xFFFFFF30];
	v40 =	vmax.f32 v17, $0.0e+00  }
0x2c8: {  	v26 =	vmul.f32 v32, v15;
	v17 =	vsub.f32 $1.000000000e+00, v33;
	v32 =	vsub.f32 $1.000000000e+00, v36;
	v33 =	vld [tilespmem:s12+$0xFFFFFFB0]  }
0x2c9: {  	v35 =	vmax.f32 v35, $0.0e+00;
	v27 =	vsub.f32 $1.000000000e+00, v27;
	v29 =	vsub.f32 $1.000000000e+00, v29;
	v36 =	vld [tilespmem:s1+$0xFFFFFE30]  }
0x2ca: {  	v46 =	vmax.f32 v21, $0.0e+00;
	v15 =	vsub.f32 $1.000000000e+00, v19;
	v19 =	vmul.f32 v34, v1;
	v34 =	vld [tilespmem:s1+$0xFFFFFEB0]  }
0x2cb: {  	v42 =	vmax.f32 v42, $0.0e+00;
	v21 =	vmul.f32 v29, v32;
	v29 =	vmul.f32 v44, v2;
	v32 =	vld [tilespmem:s12+$0xFFFFFF40]  }
0x2cc: {  	v27 =	vmul.f32 v27, v17;
	v19 =	vsub.f32 $1.000000000e+00, v19;
	v28 =	vsub.f32 $1.000000000e+00, v28;
	v44 =	vld [tilespmem:s12+$0xFFFFFFC0]  }
0x2cd: {  	v48 =	vmax.f32 v6, $0.0e+00;
	v29 =	vsub.f32 $1.000000000e+00, v29;
	v33 =	vsub.f32 $1.000000000e+00, v33;
	v47 =	vld [tilespmem:s1+$0xFFFFFE40]  }
0x2ce: {  	v4 =	vmin.f32 v4, $1.000000000e+00;
	v17 =	vsub.f32 $1.000000000e+00, v21;
	v6 =	vmul.f32 v36, v1;
	v21 =	vld [tilespmem:s1+$0xFFFFFEC0]  }
0x2cf: {  	v33 =	vmul.f32 v33, v28;
	v34 =	vmul.f32 v34, v2;
	v36 =	vld [tilespmem:s12+$0xFFFFFF50];
	[tilespmem:s21+$0xFFFFFE00] =	vst v4;
	v4 =	vmin.f32 v5, $1.000000000e+00  }
0x2d0: {  	v28 =	vmul.f32 v29, v19;
	v5 =	vsub.f32 $1.000000000e+00, v6;
	v6 =	vsub.f32 $1.000000000e+00, v32;
	v32 =	vld [tilespmem:s12+$0xFFFFFFD0];
	[tilespmem:s21+$0xFFFFFE10] =	vst v4  }
0x2d1: {  	v30 =	vmin.f32 v30, $1.000000000e+00;
	v4 =	vsub.f32 $1.000000000e+00, v34;
	v29 =	vsub.f32 $1.000000000e+00, v44;
	v34 =	vld [tilespmem:s1+$0xFFFFFE50]  }
0x2d2: {  	v19 =	vsub.f32 $1.000000000e+00, v33;
	v33 =	vmul.f32 v47, v1;
	v44 =	vld [tilespmem:s1+$0xFFFFFED0];
	[tilespmem:s21+$0xFFFFFE20] =	vst v30;
	v30 =	vmin.f32 v31, $1.000000000e+00  }
0x2d3: {  	v6 =	vmul.f32 v29, v6;
	v21 =	vmul.f32 v21, v2;
	v31 =	vld [tilespmem:s12+$0xFFFFFF60];
	[tilespmem:s21+$0xFFFFFE30] =	vst v30;
	v30 =	vmin.f32 v37, $1.000000000e+00  }
0x2d4: {  	v29 =	vmul.f32 v4, v5;
	v4 =	vsub.f32 $1.000000000e+00, v33;
	v5 =	vsub.f32 $1.000000000e+00, v36;
	v33 =	vld [tilespmem:s12+$0xFFFFFFE0];
	[tilespmem:s21+$0xFFFFFE40] =	vst v30  }
0x2d5: {  	v37 =	vmin.f32 v38, $1.000000000e+00;
	v30 =	vsub.f32 $1.000000000e+00, v21;
	v32 =	vsub.f32 $1.000000000e+00, v32;
	v36 =	vld [tilespmem:s1+$0xFFFFFE60]  }
0x2d6: {  	v21 =	vsub.f32 $1.000000000e+00, v6;
	v6 =	vmul.f32 v34, v1;
	v34 =	vld [tilespmem:s1+$0xFFFFFEE0];
	[tilespmem:s21+$0xFFFFFE50] =	vst v37;
	v37 =	vmin.f32 v41, $1.000000000e+00  }
0x2d7: {  	v5 =	vmul.f32 v32, v5;
	v32 =	vmul.f32 v44, v2;
	v38 =	vld [tilespmem:s12+$0xFFFFFF70];
	[tilespmem:s21+$0xFFFFFE60] =	vst v37;
	v37 =	vmin.f32 v43, $1.000000000e+00  }
0x2d8: {  	v30 =	vmul.f32 v30, v4;
	v6 =	vsub.f32 $1.000000000e+00, v6;
	v31 =	vsub.f32 $1.000000000e+00, v31;
	v41 =	vld [tilespmem:s12+$0xFFFFFFF0];
	[tilespmem:s21+$0xFFFFFE70] =	vst v37  }
0x2d9: {  	v39 =	vmin.f32 v39, $1.000000000e+00;
	v32 =	vsub.f32 $1.000000000e+00, v32;
	v33 =	vsub.f32 $1.000000000e+00, v33;
	v37 =	vld [tilespmem:s1+$0xFFFFFE70]  }
0x2da: {  	v4 =	vsub.f32 $1.000000000e+00, v5;
	v5 =	vmul.f32 v36, v1;
	v36 =	vld [tilespmem:s1+$0xFFFFFEF0];
	[tilespmem:s21+$0x0] =	vst v39;
	v39 =	vmin.f32 v45, $1.000000000e+00  }
0x2db: {  	v43 =	vld [tilespmem:s12+$0xFFFFFE10];
	v31 =	vmul.f32 v33, v31;
	v33 =	vmul.f32 v34, v2;
	[tilespmem:s21+$0x10] =	vst v39;
	v34 =	vmin.f32 v40, $1.000000000e+00  }
0x2dc: {  	v32 =	vmul.f32 v32, v6;
	v39 =	vld [tilespmem:s1+$0xFFFFFD10];
	v6 =	vsub.f32 $1.000000000e+00, v5;
	v38 =	vsub.f32 $1.000000000e+00, v38;
	[tilespmem:s21+$0x20] =	vst v34  }
0x2dd: {  	v35 =	vmin.f32 v35, $1.000000000e+00;
	v34 =	vld [tilespmem:s1+$0xFFFFFD20];
	v33 =	vsub.f32 $1.000000000e+00, v33;
	v40 =	vsub.f32 $1.000000000e+00, v41  }
0x2de: {  	v5 =	vsub.f32 $1.000000000e+00, v31;
	v41 =	vld [tilespmem:s1+$0xFFFFFD30];
	v31 =	vmul.f32 v37, v1;
	[tilespmem:s21+$0x30] =	vst v35;
	v35 =	vmin.f32 v46, $1.000000000e+00  }
0x2df: {  	v37 =	vld [tilespmem:s1+$0xFFFFFD40];
	v38 =	vmul.f32 v40, v38;
	v36 =	vmul.f32 v36, v2;
	[tilespmem:s21+$0x40] =	vst v35;
	v35 =	vmin.f32 v42, $1.000000000e+00  }
0x2e0: {  	v33 =	vmul.f32 v33, v6;
	v40 =	vsub.f32 $1.000000000e+00, v43;
	v42 =	vld [tilespmem:s1+$0xFFFFFD50];
	v31 =	vsub.f32 $1.000000000e+00, v31;
	[tilespmem:s21+$0x50] =	vst v35  }
0x2e1: {  	v35 =	vmul.f32 v39, v3;
	v39 =	vld [tilespmem:s1+$0xFFFFFD60];
	v6 =	vsub.f32 $1.000000000e+00, v38;
	v36 =	vsub.f32 $1.000000000e+00, v36  }
0x2e2: {  	v13 =	vmul.f32 v13, v40;
	v34 =	vmul.f32 v34, v3;
	v38 =	vld [tilespmem:s1+$0xFFFFFD70];
	v40 =	vmin.f32 v48, $1.000000000e+00  }
0x2e3: {  	v35 =	vsub.f32 $1.000000000e+00, v35;
	v41 =	vmul.f32 v41, v3;
	v43 =	vld [tilespmem:s1+$0xFFFFFD80];
	v31 =	vmul.f32 v36, v31;
	[tilespmem:s21+$0x60] =	vst v40;
	s21 =	smov.u32 s22  }
0x2e4: {  	v13 =	vsub.f32 $1.000000000e+00, v13;
	v34 =	vsub.f32 $1.000000000e+00, v34;
	v36 =	vmul.f32 v37, v3;
	v37 =	vld [tilespmem:s1+$0xFFFFFF10]  }
0x2e5: {  	v35 =	vmul.f32 v35, v16;
	v16 =	vsub.f32 $1.000000000e+00, v41;
	v40 =	vmul.f32 v42, v3;
	v41 =	vld [tilespmem:s1+$0xFFFFFF20]  }
0x2e6: {  	v34 =	vmul.f32 v34, v18;
	v18 =	vsub.f32 $1.000000000e+00, v36;
	v36 =	vmul.f32 v39, v3;
	v39 =	vld [tilespmem:s1+$0xFFFFFF30]  }
0x2e7: {  	v42 =	vmul.f32 v16, v20;
	v16 =	vsub.f32 $1.000000000e+00, v40;
	v20 =	vmul.f32 v38, v3;
	v38 =	vld [tilespmem:s1+$0xFFFFFF40]  }
0x2e8: {  	v40 =	vmul.f32 v18, v22;
	v18 =	vsub.f32 $1.000000000e+00, v36;
	v22 =	vmul.f32 v43, v3;
	v36 =	vld [tilespmem:s1+$0xFFFFFF50]  }
0x2e9: {  	v43 =	vmul.f32 v16, v23;
	v16 =	vsub.f32 $1.000000000e+00, v20;
	v20 =	vmul.f32 v37, v3;
	v23 =	vld [tilespmem:s1+$0xFFFFFF60]  }
0x2ea: {  	v37 =	vmul.f32 v18, v24;
	v18 =	vsub.f32 $1.000000000e+00, v22;
	v22 =	vmul.f32 v41, v3;
	v24 =	vld [tilespmem:s1+$0xFFFFFF70]  }
0x2eb: {  	v41 =	vld [tilespmem:s20+$0xFFFFFE00];
	v44 =	vmul.f32 v16, v25;
	v16 =	vsub.f32 $1.000000000e+00, v20;
	v20 =	vmul.f32 v39, v3  }
0x2ec: {  	v25 =	vld [tilespmem:s1+$0xFFFFFD90];
	v39 =	vmul.f32 v18, v26;
	v18 =	vsub.f32 $1.000000000e+00, v22;
	v22 =	vmul.f32 v38, v3  }
0x2ed: {  	v26 =	vld [tilespmem:s20+$0xFFFFFE10];
	v38 =	vmul.f32 v16, v27;
	v16 =	vsub.f32 $1.000000000e+00, v20;
	v20 =	vmul.f32 v36, v3  }
0x2ee: {  	v27 =	vld [tilespmem:s1+$0xFFFFFDA0];
	v45 =	vmul.f32 v18, v28;
	v18 =	vsub.f32 $1.000000000e+00, v22;
	v22 =	vmul.f32 v23, v3  }
0x2ef: {  	v28 =	vld [tilespmem:s20+$0xFFFFFE20];
	v23 =	vmul.f32 v16, v29;
	v16 =	vsub.f32 $1.000000000e+00, v20;
	v24 =	vmul.f32 v24, v3  }
0x2f0: {  	v29 =	vsub.f32 $1.000000000e+00, v41;
	v36 =	vld [tilespmem:s1+$0xFFFFFDB0];
	v20 =	vmul.f32 v18, v30;
	v22 =	vsub.f32 $1.000000000e+00, v22  }
0x2f1: {  	v25 =	vmul.f32 v25, v0;
	v46 =	vld [tilespmem:s20+$0xFFFFFE30];
	v18 =	vmul.f32 v16, v32;
	v24 =	vsub.f32 $1.000000000e+00, v24  }
0x2f2: {  	v29 =	vmul.f32 v13, v29;
	v30 =	vsub.f32 $1.000000000e+00, v26;
	v32 =	vld [tilespmem:s1+$0xFFFFFDC0];
	v16 =	vmul.f32 v22, v33  }
0x2f3: {  	v25 =	vsub.f32 $1.000000000e+00, v25;
	v27 =	vmul.f32 v27, v0;
	v33 =	vld [tilespmem:s20+$0xFFFFFE40];
	v13 =	vmul.f32 v24, v31  }
0x2f4: {  	v22 =	vadd.f32 v29, v41;
	v7 =	vmul.f32 v7, v30;
	v29 =	vsub.f32 $1.000000000e+00, v28;
	v31 =	vld [tilespmem:s1+$0xFFFFFDD0]  }
0x2f5: {  	v24 =	vmul.f32 v25, v35;
	v27 =	vsub.f32 $1.000000000e+00, v27;
	v35 =	vmul.f32 v36, v0;
	v36 =	vld [tilespmem:s20+$0xFFFFFE50]  }
0x2f6: {  	v25 =	vadd.f32 v7, v26;
	v7 =	vmul.f32 v8, v29;
	v8 =	vsub.f32 $1.000000000e+00, v46;
	v26 =	vld [tilespmem:s1+$0xFFFFFDE0]  }
0x2f7: {  	v30 =	vmul.f32 v27, v34;
	v27 =	vsub.f32 $1.000000000e+00, v35;
	v32 =	vmul.f32 v32, v0;
	v35 =	vld [tilespmem:s20+$0xFFFFFE60]  }
0x2f8: {  	v29 =	vadd.f32 v7, v28;
	v7 =	vmul.f32 v9, v8;
	v8 =	vsub.f32 $1.000000000e+00, v33;
	v9 =	vld [tilespmem:s1+$0xFFFFFDF0]  }
0x2f9: {  	v34 =	vmul.f32 v27, v42;
	v28 =	vsub.f32 $1.000000000e+00, v32;
	v31 =	vmul.f32 v31, v0;
	v41 =	vld [tilespmem:s20+$0xFFFFFE70]  }
0x2fa: {  	v27 =	vadd.f32 v7, v46;
	v7 =	vmul.f32 v10, v8;
	v8 =	vsub.f32 $1.000000000e+00, v36;
	v10 =	vld [tilespmem:s1+$0xFFFFFE00]  }
0x2fb: {  	v32 =	vmul.f32 v28, v40;
	v31 =	vsub.f32 $1.000000000e+00, v31;
	v26 =	vmul.f32 v26, v0;
	v40 =	vld [tilespmem:s20+$0x0]  }
0x2fc: {  	v28 =	vadd.f32 v7, v33;
	v7 =	vmul.f32 v11, v8;
	v8 =	vsub.f32 $1.000000000e+00, v35;
	v11 =	vld [tilespmem:s1+$0xFFFFFF90]  }
0x2fd: {  	v33 =	vmul.f32 v31, v43;
	v31 =	vsub.f32 $1.000000000e+00, v26;
	v9 =	vmul.f32 v9, v0;
	v42 =	vld [tilespmem:s20+$0x10]  }
0x2fe: {  	v26 =	vadd.f32 v7, v36;
	v7 =	vmul.f32 v12, v8;
	v12 =	vsub.f32 $1.000000000e+00, v41;
	v43 =	vld [tilespmem:s1+$0xFFFFFFA0]  }
0x2ff: {  	v31 =	vmul.f32 v31, v37;
	v9 =	vsub.f32 $1.000000000e+00, v9;
	v36 =	vmul.f32 v10, v0;
	v46 =	vld [tilespmem:s20+$0x20]  }
0x300: {  	v8 =	vadd.f32 v7, v35;
	v7 =	vmul.f32 v14, v12;
	v12 =	vsub.f32 $1.000000000e+00, v40;
	v14 =	vld [tilespmem:s1+$0xFFFFFFB0]  }
0x301: {  	v10 =	vmul.f32 v9, v44;
	v9 =	vsub.f32 $1.000000000e+00, v36;
	v35 =	vmul.f32 v11, v0;
	v36 =	vld [tilespmem:s20+$0x30]  }
0x302: {  	v11 =	vadd.f32 v7, v41;
	v7 =	vmul.f32 v15, v12;
	v12 =	vsub.f32 $1.000000000e+00, v42;
	v44 =	vld [tilespmem:s1+$0xFFFFFFC0]  }
0x303: {  	v15 =	vmul.f32 v9, v39;
	v35 =	vsub.f32 $1.000000000e+00, v35;
	v41 =	vmul.f32 v43, v0;
	v39 =	vld [tilespmem:s20+$0x40]  }
.Ltmp1:
0x304: {  	v9 =	vadd.f32 v7, v40;
	v7 =	vmul.f32 v17, v12;
	v17 =	vsub.f32 $1.000000000e+00, v46;
	v37 =	vld [tilespmem:s1+$0xFFFFFFD0];
	(pc) =	sbr.rel @p2 .LBB2_5-.Ltmp1, $4  }
0x305: {  	v12 =	vmul.f32 v35, v38;
	v35 =	vsub.f32 $1.000000000e+00, v41;
	v40 =	vmul.f32 v14, v0;
	v38 =	vld [tilespmem:s20+$0x50]  }
0x306: {  	v14 =	vadd.f32 v7, v42;
	v7 =	vmul.f32 v19, v17;
	v47 =	vsub.f32 $1.000000000e+00, v36;
	v41 =	vld [tilespmem:s1+$0xFFFFFFE0]  }
0x307: {  	v19 =	vmul.f32 v35, v45;
	v42 =	vsub.f32 $1.000000000e+00, v40;
	v43 =	vmul.f32 v44, v0;
	v40 =	vld [tilespmem:s20+$0x60]  }
0x308: {  	s12 =	sadd.s32 $0x200, s12;
	v17 =	vadd.f32 v7, v46;
	v21 =	vmul.f32 v21, v47;
	v44 =	vsub.f32 $1.000000000e+00, v39;
	v7 =	vld [tilespmem:s1+$0xFFFFFFF0]  }
0x309: {  	v1 =	vmul.f32 v42, v23;
	v3 =	vmul.f32 v37, v0  }
0x30a: {  	v2 =	vsub.f32 $1.000000000e+00, v43;
	v8 =	vmul.f32 v10, v8;
	v11 =	vmul.f32 v15, v11  }
0x30b: {  	v9 =	vmul.f32 v12, v9;
	v4 =	vmul.f32 v4, v44  }
0x30c: {  	v21 =	vadd.f32 v21, v36;
	v23 =	vsub.f32 $1.000000000e+00, v38;
	v2 =	vmul.f32 v2, v20  }
0x30d: {  	v3 =	vsub.f32 $1.000000000e+00, v3;
	v20 =	vmul.f32 v41, v0;
	v8 =	vmax.f32 v8, $0.0e+00  }
0x30e: {  	v11 =	vmax.f32 v11, $0.0e+00;
	v1 =	vmul.f32 v1, v17;
	v9 =	vmax.f32 v9, $0.0e+00  }
0x30f: {  	v4 =	vadd.f32 v4, v39;
	v5 =	vmul.f32 v5, v23;
	v23 =	vsub.f32 $1.000000000e+00, v40  }
0x310: {  	v8 =	vmin.f32 v8, $1.000000000e+00;
	v0 =	vmul.f32 v7, v0;
	v3 =	vmul.f32 v3, v18  }
0x311: {  	v7 =	vsub.f32 $1.000000000e+00, v20;
	v18 =	vmul.f32 v24, v22;
	v20 =	vmul.f32 v30, v25  }
0x312: {  	v22 =	vmul.f32 v33, v28;
	[tilespmem:s21+$0xFFFFFE60] =	vst v8;
	v8 =	vmin.f32 v11, $1.000000000e+00;
	v2 =	vmul.f32 v2, v21  }
0x313: {  	v1 =	vmax.f32 v1, $0.0e+00;
	v6 =	vmul.f32 v6, v23;
	v5 =	vadd.f32 v5, v38  }
0x314: {  	[tilespmem:s21+$0xFFFFFE70] =	vst v8;
	v8 =	vmin.f32 v9, $1.000000000e+00;
	v1 =	vmin.f32 v1, $1.000000000e+00;
	v0 =	vsub.f32 $1.000000000e+00, v0  }
0x315: {  	v7 =	vmul.f32 v7, v16;
	v16 =	vmul.f32 v34, v29;
	v18 =	vmax.f32 v18, $0.0e+00;
	[tilespmem:s21+$0x0] =	vst v8  }
0x316: {  	v20 =	vmax.f32 v20, $0.0e+00;
	v10 =	vmax.f32 v22, $0.0e+00;
	[tilespmem:s21+$0x20] =	vst v1;
	v18 =	vmin.f32 v18, $1.000000000e+00  }
0x317: {  	v3 =	vmul.f32 v3, v4;
	v2 =	vmax.f32 v2, $0.0e+00;
	v10 =	vmin.f32 v10, $1.000000000e+00;
	[tilespmem:s21+$0xFFFFFE00] =	vst v18  }
0x318: {  	v6 =	vadd.f32 v6, v40;
	v1 =	vmin.f32 v2, $1.000000000e+00;
	v0 =	vmul.f32 v0, v13;
	[tilespmem:s21+$0xFFFFFE40] =	vst v10  }
0x319: {  	v13 =	vmul.f32 v32, v27;
	v16 =	vmax.f32 v16, $0.0e+00;
	v18 =	vmin.f32 v20, $1.000000000e+00;
	[tilespmem:s21+$0x30] =	vst v1  }
0x31a: {  	v20 =	vmul.f32 v31, v26;
	v3 =	vmax.f32 v3, $0.0e+00;
	[tilespmem:s21+$0xFFFFFE10] =	vst v18;
	v16 =	vmin.f32 v16, $1.000000000e+00  }
0x31b: {  	v5 =	vmul.f32 v7, v5;
	v1 =	vmin.f32 v3, $1.000000000e+00;
	v13 =	vmax.f32 v13, $0.0e+00;
	[tilespmem:s21+$0xFFFFFE20] =	vst v16  }
0x31c: {  	v12 =	vmul.f32 v19, v14;
	s1 =	sadd.s32 s3, s30;
	v15 =	vmax.f32 v20, $0.0e+00;
	[tilespmem:s21+$0x40] =	vst v1;
	v13 =	vmin.f32 v13, $1.000000000e+00  }
0x31d: {  	s1 =	sadd.s32 s17, s1;
	v0 =	vmul.f32 v0, v6;
	v2 =	vmax.f32 v5, $0.0e+00;
	v10 =	vmin.f32 v15, $1.000000000e+00;
	[tilespmem:s21+$0xFFFFFE30] =	vst v13  }
0x31e: {  	s3 =	sadd.s32 s14, s1;
	v1 =	vmin.f32 v2, $1.000000000e+00;
	[tilespmem:s21+$0xFFFFFE50] =	vst v10;
	v10 =	vmax.f32 v12, $0.0e+00  }
0x31f: {  	s1 =	sadd.s32 $0x4000, s3;
	v0 =	vmax.f32 v0, $0.0e+00;
	[tilespmem:s21+$0x50] =	vst v1;
	v4 =	vmin.f32 v10, $1.000000000e+00  }
0x320: {  	s1 =	sshrl.u32 s1, $0x3;
	v0 =	vmin.f32 v0, $1.000000000e+00;
	[tilespmem:s21+$0x10] =	vst v4  }
0x321: {  	s12 =	simm.s32 $0x12080;
	s1 =	sadd.s32 s5, s1;
	[tilespmem:s21+$0x60] =	vst v0  }
0x322: {  	[hbm4b:s1+s7] =	stream.linear.scatter [tilespmem:s12], [sflag:$0x6], $0x80, $0x38;
	[tilespmem:$0x14000] =	vst v63  }
0x323: {  	s20 =	simm.s32 $0x12280;
	s24 =	sadd.s32 $0x80, s1  }
0x324: {  	[hbm4b:s24+s7] =	stream.linear.scatter [tilespmem:s20], [sflag:$0x6], $0x80, $0x38;
	[tilespmem:$0x14000] =	vst v63  }
0x325: {  	s21 =	simm.s32 $0x12480;
	s20 =	sadd.s32 $0x100, s1  }
0x326: {  	[hbm4b:s20+s7] =	stream.linear.scatter [tilespmem:s21], [sflag:$0x6], $0x80, $0x38;
	[tilespmem:$0x14000] =	vst v63  }
0x327: {  	s22 =	sadd.s32 $0x180, s1;
	s24 =	simm.s32 $0x12680  }
0x328: {  	[hbm4b:s22+s7] =	stream.linear.scatter [tilespmem:s24], [sflag:$0x6], $0x80, $0x38;
	[tilespmem:$0x14000] =	vst v63  }
0x329: {  	s20 =	sadd.s32 $0x200, s1;
	s21 =	simm.s32 $0x12880  }
0x32a: {  	[hbm4b:s20+s7] =	stream.linear.scatter [tilespmem:s21], [sflag:$0x6], $0x80, $0x38;
	[tilespmem:$0x14000] =	vst v63  }
0x32b: {  	s22 =	sadd.s32 $0x280, s1;
	s24 =	simm.s32 $0x12A80  }
0x32c: {  	[hbm4b:s22+s7] =	stream.linear.scatter [tilespmem:s24], [sflag:$0x6], $0x80, $0x38;
	[tilespmem:$0x14000] =	vst v63  }
0x32d: {  	s20 =	sadd.s32 $0x300, s1;
	s21 =	simm.s32 $0x12C80  }
0x32e: {  	[hbm4b:s20+s7] =	stream.linear.scatter [tilespmem:s21], [sflag:$0x6], $0x80, $0x38;
	[tilespmem:$0x14000] =	vst v63  }
0x32f: {  	s22 =	sadd.s32 $0x380, s1;
	s24 =	simm.s32 $0x12E80  }
0x330: {  	[hbm4b:s22+s7] =	stream.linear.scatter [tilespmem:s24], [sflag:$0x6], $0x80, $0x38;
	[tilespmem:$0x14000] =	vst v63  }
0x331: {  	s20 =	sadd.s32 $0x400, s1;
	s21 =	simm.s32 $0x13080  }
0x332: {  	[hbm4b:s20+s7] =	stream.linear.scatter [tilespmem:s21], [sflag:$0x6], $0x80, $0x38;
	[tilespmem:$0x14000] =	vst v63  }
0x333: {  	s22 =	sadd.s32 $0x480, s1;
	s24 =	simm.s32 $0x13280  }
0x334: {  	[hbm4b:s22+s7] =	stream.linear.scatter [tilespmem:s24], [sflag:$0x6], $0x80, $0x38;
	[tilespmem:$0x14000] =	vst v63  }
0x335: {  	s20 =	sadd.s32 $0x500, s1;
	s21 =	simm.s32 $0x13480  }
0x336: {  	[hbm4b:s20+s7] =	stream.linear.scatter [tilespmem:s21], [sflag:$0x6], $0x80, $0x38;
	[tilespmem:$0x14000] =	vst v63  }
0x337: {  	s22 =	sadd.s32 $0x580, s1;
	s24 =	simm.s32 $0x13680  }
0x338: {  	[hbm4b:s22+s7] =	stream.linear.scatter [tilespmem:s24], [sflag:$0x6], $0x80, $0x38;
	[tilespmem:$0x14000] =	vst v63  }
0x339: {  	s20 =	sadd.s32 $0x600, s1;
	s21 =	simm.s32 $0x13880  }
0x33a: {  	[hbm4b:s20+s7] =	stream.linear.scatter [tilespmem:s21], [sflag:$0x6], $0x80, $0x38;
	[tilespmem:$0x14000] =	vst v63  }
0x33b: {  	s22 =	sadd.s32 $0x680, s1;
	s24 =	simm.s32 $0x13A80  }
0x33c: {  	[hbm4b:s22+s7] =	stream.linear.scatter [tilespmem:s24], [sflag:$0x6], $0x80, $0x38;
	[tilespmem:$0x14000] =	vst v63  }
0x33d: {  	s20 =	sadd.s32 $0x700, s1;
	s21 =	simm.s32 $0x13C80  }
0x33e: {  	[hbm4b:s20+s7] =	stream.linear.scatter [tilespmem:s21], [sflag:$0x6], $0x80, $0x38;
	[tilespmem:$0x14000] =	vst v63  }
0x33f: {  	s12 =	sadd.s32 @!p0 $0x5, s29;
	s1 =	sadd.s32 $0x780, s1;
	s22 =	simm.s32 $0x13E80  }
0x340: {  	[hbm4b:s1+s7] =	stream.linear.scatter [tilespmem:s22], [sflag:$0x6], $0x80, $0x38;
	[tilespmem:$0x14000] =	vst v63  }
0x341: {  	s1 =	sshrl.u32 @!p0 s12, $0x3  }
0x342: {  	s21 =	sshll.u32 @!p0 s12, $0xB;
	s20 =	sshll.u32 @!p0 s1, $0xE  }
0x343: {  	s22 =	sadd.s32 @!p0 s6, s1;
	s20 =	ssub.s32 @!p0 s21, s20  }
0x344: {  	s1 =	sshll.u32 @!p0 s22, $0xF;
	s21 =	sshll.u32 @!p0 s20, $0x1  }
0x345: {  	s1 =	sadd.s32 @!p0 s1, s21  }
0x346: {  	s1 =	sshrl.u32 @!p0 s1, $0x3  }
0x347: {  	s24 =	simm.s32 @!p0 $0x5000;
	s21 =	sadd.s32 @!p0 s0, s1;
	s1 =	simm.s32 @!p0 $0x0  }
0x348: {  	[tilespmem:s24], [sflag:$0x2] =	stream.linear.gather @!p0 [hbm4b:s21+s1], $0x1000, $0x38;
	[tilespmem:$0x14000] =	vst v63  }
0x349: {  	s21 =	sshll.u32 @!p0 s22, $0x10;
	s24 =	sshll.u32 @!p0 s20, $0x2  }
0x34a: {  	s21 =	sadd.s32 @!p0 s21, s24  }
0x34b: {  	s21 =	sshrl.u32 @!p0 s21, $0x3  }
0x34c: {  	s24 =	simm.s32 @!p0 $0xA000;
	s21 =	sadd.s32 @!p0 s2, s21  }
0x34d: {  	[tilespmem:s24], [sflag:$0x2] =	stream.linear.gather @!p0 [hbm4b:s21+s1], $0x2000, $0x38;
	[tilespmem:$0x14000] =	vst v63  }
0x34e: {  	s21 =	sshll.u32 @!p0 s22, $0xE  }
0x34f: {  	s12 =	sshll.u32 @!p0 s12, $0x4;
	s20 =	sshll.u32 @!p0 s20, $0x3;
	s21 =	sand.u32 @!p0 $0x7FFE0000, s21  }
0x350: {  	s12 =	sand.u32 @!p0 $0x380, s12;
	s20 =	sadd.s32 @!p0 s20, s21  }
0x351: {  	s12 =	sor.u32 @!p0 s12, s20  }
0x352: {  	s12 =	sshrl.u32 @!p0 s12, $0x3  }
0x353: {  	s20 =	simm.s32 @!p0 $0x10080;
	s12 =	sadd.s32 @!p0 s4, s12  }
0x354: {  	[tilespmem:s20], [sflag:$0x2] =	stream.linear.gather @!p0 [hbm4b:s12+s1], $0x80, $0x38;
	[tilespmem:$0x14000] =	vst v63  }
0x355: {  	s21 =	simm.s32 @!p0 $0x10280;
	s20 =	sadd.s32 @!p0 $0x80, s12  }
0x356: {  	[tilespmem:s21], [sflag:$0x2] =	stream.linear.gather @!p0 [hbm4b:s20+s1], $0x80, $0x38;
	[tilespmem:$0x14000] =	vst v63  }
0x357: {  	s20 =	sadd.s32 @!p0 $0x100, s12;
	s21 =	simm.s32 @!p0 $0x10480  }
0x358: {  	[tilespmem:s21], [sflag:$0x2] =	stream.linear.gather @!p0 [hbm4b:s20+s1], $0x80, $0x38;
	[tilespmem:$0x14000] =	vst v63  }
0x359: {  	s20 =	sadd.s32 @!p0 $0x180, s12;
	s21 =	simm.s32 @!p0 $0x10680  }
0x35a: {  	[tilespmem:s21], [sflag:$0x2] =	stream.linear.gather @!p0 [hbm4b:s20+s1], $0x80, $0x38;
	[tilespmem:$0x14000] =	vst v63  }
0x35b: {  	s20 =	sadd.s32 @!p0 $0x200, s12;
	s21 =	simm.s32 @!p0 $0x10880  }
0x35c: {  	[tilespmem:s21], [sflag:$0x2] =	stream.linear.gather @!p0 [hbm4b:s20+s1], $0x80, $0x38;
	[tilespmem:$0x14000] =	vst v63  }
0x35d: {  	s20 =	sadd.s32 @!p0 $0x280, s12;
	s21 =	simm.s32 @!p0 $0x10A80  }
0x35e: {  	[tilespmem:s21], [sflag:$0x2] =	stream.linear.gather @!p0 [hbm4b:s20+s1], $0x80, $0x38;
	[tilespmem:$0x14000] =	vst v63  }
0x35f: {  	s20 =	sadd.s32 @!p0 $0x300, s12;
	s21 =	simm.s32 @!p0 $0x10C80  }
0x360: {  	[tilespmem:s21], [sflag:$0x2] =	stream.linear.gather @!p0 [hbm4b:s20+s1], $0x80, $0x38;
	[tilespmem:$0x14000] =	vst v63  }
0x361: {  	s20 =	sadd.s32 @!p0 $0x380, s12;
	s21 =	simm.s32 @!p0 $0x10E80  }
0x362: {  	[tilespmem:s21], [sflag:$0x2] =	stream.linear.gather @!p0 [hbm4b:s20+s1], $0x80, $0x38;
	[tilespmem:$0x14000] =	vst v63  }
0x363: {  	s20 =	sadd.s32 @!p0 $0x400, s12;
	s21 =	simm.s32 @!p0 $0x11080  }
0x364: {  	[tilespmem:s21], [sflag:$0x2] =	stream.linear.gather @!p0 [hbm4b:s20+s1], $0x80, $0x38;
	[tilespmem:$0x14000] =	vst v63  }
0x365: {  	s20 =	sadd.s32 @!p0 $0x480, s12;
	s21 =	simm.s32 @!p0 $0x11280  }
0x366: {  	[tilespmem:s21], [sflag:$0x2] =	stream.linear.gather @!p0 [hbm4b:s20+s1], $0x80, $0x38;
	[tilespmem:$0x14000] =	vst v63  }
0x367: {  	s20 =	sadd.s32 @!p0 $0x500, s12;
	s21 =	simm.s32 @!p0 $0x11480  }
0x368: {  	[tilespmem:s21], [sflag:$0x2] =	stream.linear.gather @!p0 [hbm4b:s20+s1], $0x80, $0x38;
	[tilespmem:$0x14000] =	vst v63  }
0x369: {  	s20 =	sadd.s32 @!p0 $0x580, s12;
	s21 =	simm.s32 @!p0 $0x11680  }
0x36a: {  	[tilespmem:s21], [sflag:$0x2] =	stream.linear.gather @!p0 [hbm4b:s20+s1], $0x80, $0x38;
	[tilespmem:$0x14000] =	vst v63  }
0x36b: {  	s20 =	sadd.s32 @!p0 $0x600, s12;
	s21 =	simm.s32 @!p0 $0x11880  }
0x36c: {  	[tilespmem:s21], [sflag:$0x2] =	stream.linear.gather @!p0 [hbm4b:s20+s1], $0x80, $0x38;
	[tilespmem:$0x14000] =	vst v63  }
0x36d: {  	s20 =	sadd.s32 @!p0 $0x680, s12;
	s21 =	simm.s32 @!p0 $0x11A80  }
0x36e: {  	[tilespmem:s21], [sflag:$0x2] =	stream.linear.gather @!p0 [hbm4b:s20+s1], $0x80, $0x38;
	[tilespmem:$0x14000] =	vst v63  }
0x36f: {  	s20 =	sadd.s32 @!p0 $0x700, s12;
	s21 =	simm.s32 @!p0 $0x11C80  }
0x370: {  	[tilespmem:s21], [sflag:$0x2] =	stream.linear.gather @!p0 [hbm4b:s20+s1], $0x80, $0x38;
	[tilespmem:$0x14000] =	vst v63  }
0x371: {  	s12 =	sadd.s32 @!p0 $0x780, s12;
	s20 =	simm.s32 @!p0 $0x11E80  }
0x372: {  	[tilespmem:s20], [sflag:$0x2] =	stream.linear.gather @!p0 [hbm4b:s12+s1], $0x80, $0x38;
	[tilespmem:$0x14000] =	vst v63  }
0x373: {  	_ =	swait.ge @p1 [sflag:s25], $0x800  }
0x374: {  	[sflag:s25] =	ssyncset.done @p1 $0x0  }
0x375: {  	[sflag:s25] =	ssyncadd.s32 @p1 $0xFFFFF800  }
0x376: {  	_ =	swait.ge [sflag:s31], $0x1000  }
0x377: {  	[sflag:s31] =	ssyncset.done $0x0  }
0x378: {  	[sflag:s31] =	ssyncadd.s32 $0xFFFFF000  }
0x379: {  	_ =	swait.ge [sflag:s31], $0x2000  }
0x37a: {  	[sflag:s31] =	ssyncset.done $0x0  }
0x37b: {  	[sflag:s31] =	ssyncadd.s32 $0xFFFFE000  }
0x37c: {  	_ =	swait.ge [sflag:s31], $0x800  }
0x37d: {  	[sflag:s31] =	ssyncset.done $0x0  }
0x37e: {  	[sflag:s31] =	ssyncadd.s32 $0xFFFFF800  }
0x37f: {  	v1 =	vld [tilespmem:s26+$0x0]  }
0x380: {  	v2 =	vld [tilespmem:s26+$0x80]  }
0x381: {  	v3 =	vld [tilespmem:s26+$0x100]  }
0x382: {  	s24 =	simm.s32 $0x61F0;
	v0 =	vld [tilespmem:s26+$0x180]  }
0x383: {  	v4 =	vld [tilespmem:s24+$0xFFFFFF80]  }
0x384: {  	s1 =	simm.s32 $0x0;
	v5 =	vld [tilespmem:s24+$0x0]  }
0x385: {  	v6 =	vld [tilespmem:s1+$0xC270]  }
0x386: {  	v7 =	vld [tilespmem:s1+$0xC2F0]  }
0x387: {  	v8 =	vld [tilespmem:s1+$0xC370]  }
0x388: {  	v9 =	vld [tilespmem:s1+$0x10370]  }
0x389: {  	v10 =	vld [tilespmem:s1+$0xC3F0]  }
0x38a: {  	v11 =	vld [tilespmem:s1+$0xC000]  }
0x38b: {  	v12 =	vld [tilespmem:s1+$0xC080]  }
0x38c: {  	v13 =	vld [tilespmem:s1+$0xC010]  }
0x38d: {  	v14 =	vld [tilespmem:s1+$0xC090]  }
0x38e: {  	v15 =	vld [tilespmem:s1+$0xC020]  }
0x38f: {  	v16 =	vld [tilespmem:s1+$0xC0A0]  }
0x390: {  	v17 =	vld [tilespmem:s1+$0xC030]  }
0x391: {  	v18 =	vld [tilespmem:s1+$0xC0B0]  }
0x392: {  	v19 =	vld [tilespmem:s1+$0xC040]  }
0x393: {  	v20 =	vld [tilespmem:s1+$0xC0C0]  }
0x394: {  	v21 =	vld [tilespmem:s1+$0xC050]  }
0x395: {  	v22 =	vld [tilespmem:s1+$0xC0D0]  }
0x396: {  	v23 =	vld [tilespmem:s1+$0xC060]  }
0x397: {  	v26 =	vld [tilespmem:s1+$0xC0F0]  }
0x398: {  	v27 =	vld [tilespmem:s1+$0xC200]  }
0x399: {  	v28 =	vld [tilespmem:s1+$0xC280]  }
0x39a: {  	v51 =	vld [tilespmem:s24+$0xFFFFFF10]  }
0x39b: {  	v24 =	vld [tilespmem:s1+$0xC0E0];
	v6 =	vmul.f32 v6, v1  }
0x39c: {  	v29 =	vld [tilespmem:s1+$0xC210];
	v7 =	vmul.f32 v7, v2;
	v8 =	vmul.f32 v8, v3  }
0x39d: {  	v30 =	vld [tilespmem:s1+$0xC220];
	v4 =	vsub.f32 $1.000000000e+00, v4;
	v10 =	vmul.f32 v10, v0;
	v19 =	vmul.f32 v19, v1  }
0x39e: {  	v31 =	vld [tilespmem:s1+$0xC250];
	v5 =	vsub.f32 $1.000000000e+00, v5;
	v22 =	vmul.f32 v22, v2;
	v26 =	vmul.f32 v26, v2  }
0x39f: {  	v25 =	vld [tilespmem:s1+$0xC070];
	v27 =	vmul.f32 v27, v1;
	v28 =	vmul.f32 v28, v2;
	v34 =	vsub.f32 $1.000000000e+00, v51  }
0x3a0: {  	v55 =	vld [tilespmem:s1+$0xC2D0];
	v4 =	vmul.f32 v5, v4;
	v5 =	vsub.f32 $1.000000000e+00, v6;
	v6 =	vsub.f32 $1.000000000e+00, v7  }
0x3a1: {  	v56 =	vld [tilespmem:s24+$0xFFFFFEA0];
	v29 =	vmul.f32 v29, v1;
	v7 =	vsub.f32 $1.000000000e+00, v9;
	v19 =	vsub.f32 $1.000000000e+00, v19  }
0x3a2: {  	v57 =	vld [tilespmem:s24+$0xFFFFFE30];
	v30 =	vmul.f32 v30, v1;
	v22 =	vsub.f32 $1.000000000e+00, v22;
	v26 =	vsub.f32 $1.000000000e+00, v26  }
0x3a3: {  	v35 =	vld [tilespmem:s24+$0xFFFFFEB0];
	v31 =	vmul.f32 v31, v1;
	v27 =	vsub.f32 $1.000000000e+00, v27;
	v28 =	vsub.f32 $1.000000000e+00, v28  }
0x3a4: {  	v58 =	vld [tilespmem:s24+$0xFFFFFE40];
	v20 =	vmul.f32 v20, v2;
	v59 =	vsub.f32 $1.000000000e+00, v29;
	v30 =	vsub.f32 $1.000000000e+00, v30  }
0x3a5: {  	v33 =	vmul.f32 v55, v2;
	v29 =	vld [tilespmem:s24+$0xFFFFFEC0];
	v31 =	vsub.f32 $1.000000000e+00, v31;
	v4 =	vsub.f32 $1.000000000e+00, v4  }
0x3a6: {  	v61 =	vld [tilespmem:s24+$0xFFFFFED0];
	v5 =	vmul.f32 v6, v5;
	v6 =	vsub.f32 $1.000000000e+00, v8;
	v8 =	vmul.f32 v11, v1  }
0x3a7: {  	v33 =	vsub.f32 $1.000000000e+00, v33;
	v11 =	vmul.f32 v12, v2;
	v12 =	vld [tilespmem:s1+$0xC290];
	v27 =	vmul.f32 v28, v27  }
0x3a8: {  	v28 =	vld [tilespmem:s24+$0xFFFFFF40];
	v4 =	vmul.f32 v4, v7;
	v5 =	vmul.f32 v6, v5;
	v6 =	vsub.f32 $1.000000000e+00, v10  }
0x3a9: {  	v62 =	vld [tilespmem:s24+$0xFFFFFE60];
	v7 =	vsub.f32 $1.000000000e+00, v8;
	v8 =	vmul.f32 v13, v1;
	v10 =	vmul.f32 v14, v2  }
0x3aa: {  	v13 =	vld [tilespmem:s1+$0xC2A0];
	v14 =	vmul.f32 v15, v1;
	v29 =	vsub.f32 $1.000000000e+00, v29;
	v4 =	vadd.f32 v4, v9  }
0x3ab: {  	v15 =	vld [tilespmem:s1+$0xC2B0];
	v5 =	vmul.f32 v6, v5;
	v9 =	vsub.f32 $1.000000000e+00, v11;
	v11 =	vsub.f32 $1.000000000e+00, v8  }
0x3ac: {  	v63 =	vld [tilespmem:s24+$0xFFFFFEE0];
	v8 =	vmul.f32 v16, v2;
	v10 =	vsub.f32 $1.000000000e+00, v10;
	v16 =	vmul.f32 v17, v1  }
0x3ad: {  	v48 =	vld [tilespmem:s24+$0xFFFFFE70];
	v14 =	vsub.f32 $1.000000000e+00, v14;
	v12 =	vmul.f32 v12, v2;
	v28 =	vsub.f32 $1.000000000e+00, v28  }
0x3ae: {  	v49 =	vld [tilespmem:s24+$0xFFFFFEF0];
	v4 =	vmul.f32 v5, v4;
	v17 =	vsub.f32 $1.000000000e+00, v8;
	v8 =	vmul.f32 v18, v2  }
0x3af: {  	v6 =	vld [tilespmem:s1+$0xC230];
	v16 =	vsub.f32 $1.000000000e+00, v16;
	v13 =	vmul.f32 v13, v2;
	v60 =	vsub.f32 $1.000000000e+00, v12  }
0x3b0: {  	v55 =	vld [tilespmem:s24+$0xFFFFFF30];
	v15 =	vmul.f32 v15, v2;
	v54 =	vsub.f32 $1.000000000e+00, v8;
	v8 =	vmul.f32 v9, v7  }
0x3b1: {  	v5 =	vld [tilespmem:s1+$0xC240];
	v4 =	vmax.f32 v4, $0.0e+00;
	v9 =	vmul.f32 v10, v11;
	v10 =	vmul.f32 v17, v14  }
0x3b2: {  	v18 =	vld [tilespmem:s1+$0xC2C0];
	v17 =	vsub.f32 $1.000000000e+00, v20;
	v20 =	vmul.f32 v23, v1;
	v23 =	vmul.f32 v24, v2  }
0x3b3: {  	v12 =	vld [tilespmem:s24+$0xFFFFFE50];
	v24 =	vmul.f32 v25, v1;
	v7 =	vmin.f32 v4, $1.000000000e+00;
	v4 =	vmul.f32 v21, v1  }
0x3b4: {  	v14 =	vld [tilespmem:s1+$0xC2E0];
	v6 =	vmul.f32 v6, v1;
	v13 =	vsub.f32 $1.000000000e+00, v13;
	v15 =	vsub.f32 $1.000000000e+00, v15  }
0x3b5: {  	v25 =	vld [tilespmem:s24+$0xFFFFFE20];
	v37 =	vmul.f32 v60, v59;
	v20 =	vsub.f32 $1.000000000e+00, v20;
	v23 =	vsub.f32 $1.000000000e+00, v23  }
0x3b6: {  	v52 =	vld [tilespmem:s24+$0xFFFFFF90];
	v11 =	vmul.f32 v54, v16;
	v24 =	vsub.f32 $1.000000000e+00, v24;
	v54 =	vsub.f32 $1.000000000e+00, v62  }
0x3b7: {  	v53 =	vld [tilespmem:s24+$0xFFFFFF20];
	v17 =	vmul.f32 v17, v19;
	v62 =	vsub.f32 $1.000000000e+00, v55;
	v4 =	vsub.f32 $1.000000000e+00, v4  }
0x3b8: {  	v21 =	vld [tilespmem:s1+$0xC260];
	v5 =	vmul.f32 v5, v1;
	v6 =	vsub.f32 $1.000000000e+00, v6;
	v32 =	vmul.f32 v23, v20  }
0x3b9: {  	v60 =	vld [tilespmem:s24+$0xFFFFFF60];
	v20 =	vsub.f32 $1.000000000e+00, v57;
	v23 =	vsub.f32 $1.000000000e+00, v35;
	v14 =	vmul.f32 v14, v2  }
0x3ba: {  	v16 =	vld [tilespmem:s24+$0xFFFFFE90];
	v18 =	vmul.f32 v18, v2;
	v12 =	vsub.f32 $1.000000000e+00, v12;
	v19 =	vsub.f32 $1.000000000e+00, v25  }
0x3bb: {  	v55 =	vld [tilespmem:s1+$0xC150];
	v45 =	vmul.f32 v22, v4;
	v4 =	vsub.f32 $1.000000000e+00, v14;
	v14 =	vsub.f32 $1.000000000e+00, v56  }
0x3bc: {  	v26 =	vmul.f32 v26, v24;
	v24 =	vsub.f32 $1.000000000e+00, v61;
	v57 =	vld [tilespmem:s24+$0xFFFFFFC0];
	v35 =	vsub.f32 $1.000000000e+00, v52  }
0x3bd: {  	v61 =	vld [tilespmem:s24+$0xFFFFFFE0];
	v5 =	vsub.f32 $1.000000000e+00, v5;
	v21 =	vmul.f32 v21, v1;
	v14 =	vmul.f32 v14, v19  }
0x3be: {  	v18 =	vsub.f32 $1.000000000e+00, v18;
	v22 =	vld [tilespmem:s24+$0xFFFFFF00];
	v19 =	vsub.f32 $1.000000000e+00, v58  }
0x3bf: {  	v50 =	vsub.f32 $1.000000000e+00, v21;
	v21 =	vld [tilespmem:s24+$0xFFFFFE80];
	v25 =	vsub.f32 $1.000000000e+00, v14;
	v14 =	vmul.f32 v23, v20  }
0x3c0: {  	v12 =	vmul.f32 v24, v12;
	v24 =	vsub.f32 $1.000000000e+00, v63;
	v19 =	vmul.f32 v29, v19;
	v20 =	vld [tilespmem:s24+$0xFFFFFFA0]  }
0x3c1: {  	v52 =	vld [tilespmem:s1+$0xC130];
	v56 =	vsub.f32 $1.000000000e+00, v49;
	v29 =	vsub.f32 $1.000000000e+00, v14  }
0x3c2: {  	v15 =	vmul.f32 v15, v6;
	v23 =	vsub.f32 $1.000000000e+00, v19;
	v14 =	vld [tilespmem:s24+$0xFFFFFFB0];
	v19 =	vsub.f32 $1.000000000e+00, v48  }
0x3c3: {  	v6 =	vsub.f32 $1.000000000e+00, v53;
	v63 =	vld [tilespmem:s24+$0xFFFFFF70];
	v18 =	vmul.f32 v18, v5;
	v24 =	vmul.f32 v24, v54  }
0x3c4: {  	v5 =	vld [tilespmem:s24+$0xFFFFFFF0];
	v22 =	vsub.f32 $1.000000000e+00, v22;
	v21 =	vsub.f32 $1.000000000e+00, v21;
	v19 =	vmul.f32 v56, v19  }
0x3c5: {  	v30 =	vmul.f32 v13, v30;
	v49 =	vsub.f32 $1.000000000e+00, v60;
	v60 =	vld [tilespmem:s1+$0xC310];
	v59 =	vsub.f32 $1.000000000e+00, v20  }
0x3c6: {  	v13 =	vsub.f32 $1.000000000e+00, v24;
	v24 =	vld [tilespmem:s24+$0xFFFFFF50];
	v20 =	vsub.f32 $1.000000000e+00, v19;
	v19 =	vmul.f32 v22, v21  }
0x3c7: {  	v58 =	vld [tilespmem:s24+$0xFFFFFFD0];
	v21 =	vmul.f32 v35, v34;
	v6 =	vmul.f32 v59, v6;
	v14 =	vsub.f32 $1.000000000e+00, v14  }
0x3c8: {  	v16 =	vsub.f32 $1.000000000e+00, v16;
	v40 =	vmul.f32 v4, v50;
	v50 =	vld [tilespmem:s1+$0xC120];
	v22 =	vsub.f32 $1.000000000e+00, v19  }
0x3c9: {  	v19 =	vsub.f32 $1.000000000e+00, v21;
	v21 =	vsub.f32 $1.000000000e+00, v6;
	v6 =	vmul.f32 v14, v62;
	v14 =	vld [tilespmem:s24+$0xFFFFFE10]  }
0x3ca: {  	v46 =	vsub.f32 $1.000000000e+00, v57;
	v57 =	vld [tilespmem:s1+$0xC170];
	v51 =	vsub.f32 $1.000000000e+00, v63  }
0x3cb: {  	v31 =	vmul.f32 v33, v31;
	v47 =	vsub.f32 $1.000000000e+00, v24;
	v24 =	vsub.f32 $1.000000000e+00, v6;
	v6 =	vld [tilespmem:s1+$0xC110]  }
0x3cc: {  	v28 =	vmul.f32 v46, v28;
	v53 =	vsub.f32 $1.000000000e+00, v5;
	v48 =	vld [tilespmem:s1+$0xC100];
	v4 =	vsub.f32 $1.000000000e+00, v58  }
0x3cd: {  	v12 =	vsub.f32 $1.000000000e+00, v12;
	v54 =	vld [tilespmem:s1+$0xC140];
	v58 =	vmul.f32 v52, v3;
	v38 =	vmul.f32 v50, v3  }
0x3ce: {  	v4 =	vmul.f32 v4, v47;
	v35 =	vmul.f32 v53, v51;
	v14 =	vsub.f32 $1.000000000e+00, v14  }
0x3cf: {  	v56 =	vld [tilespmem:s1+$0xC160];
	v34 =	vsub.f32 $1.000000000e+00, v61;
	v61 =	vmul.f32 v55, v3;
	v47 =	vmul.f32 v57, v3  }
0x3d0: {  	v28 =	vsub.f32 $1.000000000e+00, v28;
	v50 =	vld [tilespmem:s1+$0xC350];
	v14 =	vmul.f32 v16, v14;
	v16 =	vmul.f32 v6, v3  }
0x3d1: {  	v38 =	vsub.f32 $1.000000000e+00, v38;
	v51 =	vmul.f32 v60, v3;
	v53 =	vld [tilespmem:s1+$0x10100];
	v39 =	vmul.f32 v48, v3  }
0x3d2: {  	v59 =	vld [tilespmem:s1+$0xC300];
	v33 =	vmul.f32 v34, v49;
	v34 =	vmul.f32 v54, v3;
	v16 =	vsub.f32 $1.000000000e+00, v16  }
0x3d3: {  	v55 =	vld [tilespmem:s1+$0xC180];
	v5 =	vsub.f32 $1.000000000e+00, v4;
	v10 =	vmul.f32 v38, v10;
	v39 =	vsub.f32 $1.000000000e+00, v39  }
0x3d4: {  	v62 =	vld [tilespmem:s1+$0xC320];
	v34 =	vsub.f32 $1.000000000e+00, v34;
	v9 =	vmul.f32 v16, v9;
	v16 =	vsub.f32 $1.000000000e+00, v58  }
0x3d5: {  	v63 =	vld [tilespmem:s1+$0xC330];
	v36 =	vmul.f32 v50, v3;
	v4 =	vsub.f32 $1.000000000e+00, v33;
	v33 =	vmul.f32 v56, v3  }
0x3d6: {  	v48 =	vld [tilespmem:s1+$0xC340];
	v34 =	vmul.f32 v34, v17;
	v11 =	vmul.f32 v16, v11;
	v16 =	vsub.f32 $1.000000000e+00, v61  }
0x3d7: {  	v17 =	vsub.f32 $1.000000000e+00, v33;
	v49 =	vmul.f32 v59, v3;
	v59 =	vsub.f32 $1.000000000e+00, v53  }
0x3d8: {  	v52 =	vld [tilespmem:s1+$0xC360];
	v33 =	vmul.f32 v55, v0;
	v43 =	vmul.f32 v16, v45;
	v16 =	vsub.f32 $1.000000000e+00, v47  }
0x3d9: {  	v57 =	vld [tilespmem:s1+$0xC190];
	v54 =	vmul.f32 v62, v3;
	v45 =	vmul.f32 v17, v32;
	v17 =	vsub.f32 $1.000000000e+00, v49  }
0x3da: {  	v60 =	vld [tilespmem:s1+$0xC1A0];
	v42 =	vmul.f32 v16, v26;
	v16 =	vsub.f32 $1.000000000e+00, v51;
	v26 =	vmul.f32 v63, v3  }
0x3db: {  	v56 =	vld [tilespmem:s1+$0x10110];
	v46 =	vmul.f32 v17, v27;
	v17 =	vsub.f32 $1.000000000e+00, v54;
	v27 =	vmul.f32 v48, v3  }
0x3dc: {  	v55 =	vld [tilespmem:s1+$0x10310];
	v14 =	vsub.f32 $1.000000000e+00, v14;
	v37 =	vmul.f32 v16, v37;
	v16 =	vsub.f32 $1.000000000e+00, v26  }
0x3dd: {  	v58 =	vld [tilespmem:s1+$0x10120];
	v26 =	vmul.f32 v17, v30;
	v27 =	vsub.f32 $1.000000000e+00, v27;
	v30 =	vmul.f32 v52, v3  }
0x3de: {  	v32 =	vmul.f32 v57, v0;
	v57 =	vld [tilespmem:s1+$0x10320];
	v17 =	vmul.f32 v16, v15;
	v15 =	vsub.f32 $1.000000000e+00, v36  }
0x3df: {  	v47 =	vld [tilespmem:s1+$0x10130];
	v16 =	vmul.f32 v27, v18;
	v18 =	vsub.f32 $1.000000000e+00, v30;
	v27 =	vmul.f32 v14, v59  }
0x3e0: {  	v8 =	vmul.f32 v39, v8;
	v61 =	vld [tilespmem:s1+$0xC1B0];
	v30 =	vsub.f32 $1.000000000e+00, v56;
	v15 =	vmul.f32 v15, v31  }
0x3e1: {  	v62 =	vld [tilespmem:s1+$0x10140];
	v31 =	vsub.f32 $1.000000000e+00, v33;
	v14 =	vmul.f32 v18, v40;
	v18 =	vadd.f32 v27, v53  }
0x3e2: {  	v63 =	vld [tilespmem:s1+$0xC1C0];
	v25 =	vmul.f32 v25, v30;
	v30 =	vsub.f32 $1.000000000e+00, v58;
	v40 =	vmul.f32 v60, v0  }
0x3e3: {  	v48 =	vld [tilespmem:s1+$0x10150];
	v60 =	vsub.f32 $1.000000000e+00, v57;
	v27 =	vmul.f32 v31, v8;
	v8 =	vsub.f32 $1.000000000e+00, v32  }
0x3e4: {  	v31 =	vadd.f32 v25, v56;
	v25 =	vmul.f32 v29, v30;
	v29 =	vsub.f32 $1.000000000e+00, v47;
	v30 =	vld [tilespmem:s1+$0xC1D0]  }
0x3e5: {  	v52 =	vld [tilespmem:s1+$0x10160];
	v38 =	vmul.f32 v8, v9;
	v8 =	vsub.f32 $1.000000000e+00, v40;
	v9 =	vmul.f32 v61, v0  }
0x3e6: {  	v36 =	vadd.f32 v25, v58;
	v23 =	vmul.f32 v23, v29;
	v25 =	vsub.f32 $1.000000000e+00, v62;
	v29 =	vld [tilespmem:s1+$0xC1E0]  }
0x3e7: {  	v53 =	vld [tilespmem:s1+$0x10170];
	v40 =	vmul.f32 v8, v10;
	v8 =	vsub.f32 $1.000000000e+00, v9;
	v9 =	vmul.f32 v63, v0  }
0x3e8: {  	v32 =	vadd.f32 v23, v47;
	v10 =	vmul.f32 v12, v25;
	v12 =	vsub.f32 $1.000000000e+00, v48;
	v23 =	vld [tilespmem:s1+$0xC1F0]  }
0x3e9: {  	v25 =	vmul.f32 v30, v0;
	v30 =	vld [tilespmem:s1+$0x10300];
	v39 =	vmul.f32 v8, v11;
	v9 =	vsub.f32 $1.000000000e+00, v9  }
0x3ea: {  	v54 =	vld [tilespmem:s1+$0xC380];
	v8 =	vadd.f32 v10, v62;
	v10 =	vmul.f32 v13, v12;
	v12 =	vsub.f32 $1.000000000e+00, v52  }
0x3eb: {  	v13 =	vsub.f32 $1.000000000e+00, v25;
	v25 =	vmul.f32 v29, v0;
	v11 =	vmul.f32 v9, v34  }
0x3ec: {  	v56 =	vld [tilespmem:s1+$0xC390];
	v9 =	vadd.f32 v10, v48;
	v10 =	vmul.f32 v20, v12;
	v12 =	vsub.f32 $1.000000000e+00, v53  }
0x3ed: {  	v59 =	vld [tilespmem:s1+$0xC3B0];
	v24 =	vmul.f32 v24, v60;
	v58 =	vsub.f32 $1.000000000e+00, v55;
	v23 =	vmul.f32 v23, v0  }
0x3ee: {  	v20 =	vsub.f32 $1.000000000e+00, v25;
	v25 =	vld [tilespmem:s1+$0xC3A0];
	v12 =	vmul.f32 v22, v12;
	v22 =	vsub.f32 $1.000000000e+00, v30  }
0x3ef: {  	v6 =	vsub.f32 $1.000000000e+00, v35;
	v33 =	vmul.f32 v54, v0;
	v29 =	vld [tilespmem:s1+$0x10330];
	v23 =	vsub.f32 $1.000000000e+00, v23  }
0x3f0: {  	v24 =	vadd.f32 v24, v57;
	v21 =	vmul.f32 v21, v58;
	v19 =	vmul.f32 v19, v22  }
0x3f1: {  	v34 =	vmul.f32 v56, v0;
	v22 =	vmul.f32 v23, v42;
	v23 =	vsub.f32 $1.000000000e+00, v33;
	v33 =	vld [tilespmem:s1+$0x10340]  }
0x3f2: {  	v21 =	vadd.f32 v21, v55;
	v13 =	vmul.f32 v13, v43;
	v19 =	vadd.f32 v19, v30;
	v30 =	vld [tilespmem:s1+$0xC3C0]  }
0x3f3: {  	v43 =	vmul.f32 v59, v0;
	v61 =	vsub.f32 $1.000000000e+00, v34;
	v34 =	vld [tilespmem:s1+$0x10350];
	v62 =	vmul.f32 v25, v0  }
0x3f4: {  	v41 =	vld [tilespmem:s1+$0xC3D0];
	v10 =	vadd.f32 v10, v52;
	v20 =	vmul.f32 v20, v45;
	v63 =	vsub.f32 $1.000000000e+00, v29  }
0x3f5: {  	v35 =	vld [tilespmem:s1+$0x10360];
	v12 =	vadd.f32 v12, v53;
	v25 =	vmul.f32 v61, v37;
	v42 =	vsub.f32 $1.000000000e+00, v62  }
0x3f6: {  	s21 =	simm.s32 $0x0;
	s20 =	simm.s32 $0x0;
	s12 =	simm.s32 $0x63F0;
	[tilespmem:s1+$0x12370] =	vst v7;
	v7 =	vld [tilespmem:s1+$0xC3E0];
	v37 =	vmul.f32 v28, v63;
	v23 =	vmul.f32 v23, v46;
	v44 =	vsub.f32 $1.000000000e+00, v33  }
.LBB2_7:
0x3f7: {  	v45 =	vld [tilespmem:s12+$0xFFFFFF80];
	v28 =	vmul.f32 v42, v26;
	v42 =	vsub.f32 $1.000000000e+00, v43;
	v43 =	vmul.f32 v30, v0;
	s20 =	sadd.s32 $0x1000, s20  }
0x3f8: {  	s22 =	sshra.s32 s20, $0x2;
	v46 =	vld [tilespmem:s12+$0x0];
	v26 =	vadd.f32 v37, v29;
	v5 =	vmul.f32 v5, v44;
	v37 =	vsub.f32 $1.000000000e+00, v34  }
0x3f9: {  	s21 =	sadd.s32 $0x100, s21;
	v44 =	vld [tilespmem:s22+$0xC270];
	v30 =	vmul.f32 v42, v17;
	v17 =	vsub.f32 $1.000000000e+00, v43;
	v41 =	vmul.f32 v41, v0  }
0x3fa: {  	p2 =	slt.u32 s21, $0x700;
	v42 =	vld [tilespmem:s22+$0xC2F0];
	v29 =	vadd.f32 v5, v33;
	v4 =	vmul.f32 v4, v37;
	v5 =	vsub.f32 $1.000000000e+00, v35  }
0x3fb: {  	v37 =	vld [tilespmem:s22+$0xC370];
	v33 =	vmul.f32 v17, v16;
	v16 =	vsub.f32 $1.000000000e+00, v41;
	v7 =	vmul.f32 v7, v0  }
0x3fc: {  	v18 =	vmul.f32 v27, v18;
	v17 =	vld [tilespmem:s22+$0x10370];
	v27 =	vadd.f32 v4, v34;
	v4 =	vmul.f32 v6, v5  }
0x3fd: {  	v38 =	vmul.f32 v38, v31;
	v5 =	vld [tilespmem:s22+$0xC3F0];
	v31 =	vmul.f32 v16, v15;
	v7 =	vsub.f32 $1.000000000e+00, v7  }
0x3fe: {  	v6 =	vmul.f32 v40, v36;
	v16 =	vsub.f32 $1.000000000e+00, v45;
	v15 =	vld [tilespmem:s22+$0xC000];
	v34 =	vadd.f32 v4, v35  }
0x3ff: {  	v40 =	vsub.f32 $1.000000000e+00, v46;
	v41 =	vmul.f32 v44, v1;
	v36 =	vld [tilespmem:s22+$0xC080];
	v42 =	vmul.f32 v42, v2  }
0x400: {  	v4 =	vmax.f32 v18, $0.0e+00;
	v35 =	vmul.f32 v7, v14;
	v43 =	vld [tilespmem:s22+$0xC010];
	v37 =	vmul.f32 v37, v3  }
0x401: {  	v14 =	vmul.f32 v40, v16;
	v16 =	vsub.f32 $1.000000000e+00, v41;
	v7 =	vld [tilespmem:s22+$0xC090];
	v18 =	vsub.f32 $1.000000000e+00, v42  }
0x402: {  	v32 =	vmul.f32 v39, v32;
	v41 =	vsub.f32 $1.000000000e+00, v17;
	v40 =	vld [tilespmem:s22+$0xC020];
	v42 =	vmul.f32 v5, v0  }
0x403: {  	v14 =	vsub.f32 $1.000000000e+00, v14;
	v39 =	vld [tilespmem:s22+$0xC0A0];
	v16 =	vmul.f32 v18, v16;
	v18 =	vsub.f32 $1.000000000e+00, v37  }
0x404: {  	v5 =	vmax.f32 v38, $0.0e+00;
	v15 =	vmul.f32 v15, v1;
	v36 =	vmul.f32 v36, v2;
	v37 =	vld [tilespmem:s22+$0xC030]  }
0x405: {  	v14 =	vmul.f32 v14, v41;
	v38 =	vld [tilespmem:s22+$0xC0B0];
	v16 =	vmul.f32 v18, v16;
	v18 =	vsub.f32 $1.000000000e+00, v42  }
0x406: {  	v15 =	vsub.f32 $1.000000000e+00, v15;
	v41 =	vmul.f32 v43, v1;
	v7 =	vmul.f32 v7, v2;
	v42 =	vld [tilespmem:s22+$0xC040]  }
0x407: {  	v14 =	vadd.f32 v14, v17;
	v40 =	vmul.f32 v40, v1;
	v43 =	vld [tilespmem:s22+$0xC0C0];
	v16 =	vmul.f32 v18, v16  }
0x408: {  	v17 =	vsub.f32 $1.000000000e+00, v36;
	v18 =	vsub.f32 $1.000000000e+00, v41;
	v36 =	vmul.f32 v39, v2;
	v39 =	vld [tilespmem:s22+$0xC050]  }
0x409: {  	v41 =	vsub.f32 $1.000000000e+00, v7;
	v7 =	vmul.f32 v37, v1;
	v37 =	vld [tilespmem:s22+$0xC0D0];
	v14 =	vmul.f32 v16, v14  }
0x40a: {  	v16 =	vsub.f32 $1.000000000e+00, v40;
	v36 =	vsub.f32 $1.000000000e+00, v36;
	v38 =	vmul.f32 v38, v2;
	v40 =	vld [tilespmem:s22+$0xC060]  }
0x40b: {  	v44 =	vsub.f32 $1.000000000e+00, v7;
	v42 =	vmul.f32 v42, v1;
	v45 =	vld [tilespmem:s22+$0xC0E0];
	v7 =	vmax.f32 v14, $0.0e+00  }
0x40c: {  	v38 =	vsub.f32 $1.000000000e+00, v38;
	v43 =	vmul.f32 v43, v2;
	v46 =	vld [tilespmem:s22+$0xC070];
	v14 =	vmin.f32 v7, $1.000000000e+00  }
0x40d: {  	v7 =	vmul.f32 v17, v15;
	v17 =	vsub.f32 $1.000000000e+00, v42;
	v39 =	vmul.f32 v39, v1;
	v42 =	vld [tilespmem:s22+$0xC0F0];
	[tilespmem:s22+$0x12370] =	vst v14  }
0x40e: {  	v14 =	vmul.f32 v41, v18;
	v18 =	vsub.f32 $1.000000000e+00, v43;
	v37 =	vmul.f32 v37, v2;
	v41 =	vld [tilespmem:s22+$0xC200]  }
0x40f: {  	v15 =	vmul.f32 v36, v16;
	v36 =	vsub.f32 $1.000000000e+00, v39;
	v39 =	vmul.f32 v40, v1;
	v40 =	vld [tilespmem:s22+$0xC280]  }
0x410: {  	v16 =	vmul.f32 v38, v44;
	v37 =	vsub.f32 $1.000000000e+00, v37;
	v38 =	vmul.f32 v45, v2;
	v43 =	vld [tilespmem:s22+$0xC210]  }
0x411: {  	v17 =	vmul.f32 v18, v17;
	v39 =	vsub.f32 $1.000000000e+00, v39;
	v44 =	vmul.f32 v46, v1;
	v45 =	vld [tilespmem:s22+$0xC290]  }
0x412: {  	v18 =	vmul.f32 v37, v36;
	v36 =	vsub.f32 $1.000000000e+00, v38;
	v37 =	vmul.f32 v42, v2;
	v38 =	vld [tilespmem:s22+$0xC220]  }
0x413: {  	v46 =	vmul.f32 v11, v8;
	v42 =	vsub.f32 $1.000000000e+00, v44;
	v41 =	vmul.f32 v41, v1;
	v44 =	vld [tilespmem:s22+$0xC2A0]  }
0x414: {  	v8 =	vmul.f32 v36, v39;
	v11 =	vsub.f32 $1.000000000e+00, v37;
	v36 =	vmul.f32 v40, v2;
	v37 =	vld [tilespmem:s22+$0xC230]  }
0x415: {  	v39 =	vsub.f32 $1.000000000e+00, v41;
	v40 =	vmul.f32 v43, v1;
	v41 =	vld [tilespmem:s22+$0xC2B0];
	v43 =	vmul.f32 v13, v9  }
0x416: {  	v9 =	vmul.f32 v11, v42;
	v11 =	vsub.f32 $1.000000000e+00, v36;
	v13 =	vmul.f32 v45, v2;
	v36 =	vld [tilespmem:s22+$0xC240]  }
0x417: {  	v45 =	vmul.f32 v20, v10;
	v40 =	vsub.f32 $1.000000000e+00, v40;
	v38 =	vmul.f32 v38, v1;
	v42 =	vld [tilespmem:s22+$0xC2C0]  }
0x418: {  	v10 =	vmul.f32 v11, v39;
	v11 =	vsub.f32 $1.000000000e+00, v13;
	v13 =	vmul.f32 v44, v2;
	v20 =	vld [tilespmem:s22+$0xC250]  }
0x419: {  	v44 =	vmul.f32 v22, v12;
	v38 =	vsub.f32 $1.000000000e+00, v38;
	v37 =	vmul.f32 v37, v1;
	v39 =	vld [tilespmem:s22+$0xC2D0]  }
0x41a: {  	v11 =	vmul.f32 v11, v40;
	v12 =	vsub.f32 $1.000000000e+00, v13;
	v13 =	vmul.f32 v41, v2;
	v22 =	vld [tilespmem:s22+$0xC260]  }
0x41b: {  	v41 =	vmul.f32 v23, v19;
	v37 =	vsub.f32 $1.000000000e+00, v37;
	v36 =	vmul.f32 v36, v1;
	v40 =	vld [tilespmem:s22+$0xC2E0]  }
0x41c: {  	v23 =	vld [tilespmem:s12+$0xFFFFFE90];
	v12 =	vmul.f32 v12, v38;
	v13 =	vsub.f32 $1.000000000e+00, v13;
	v19 =	vmul.f32 v42, v2  }
0x41d: {  	v25 =	vmul.f32 v25, v21;
	v38 =	vld [tilespmem:s12+$0xFFFFFE20];
	v36 =	vsub.f32 $1.000000000e+00, v36;
	v20 =	vmul.f32 v20, v1  }
0x41e: {  	v21 =	vld [tilespmem:s12+$0xFFFFFEA0];
	v13 =	vmul.f32 v13, v37;
	v19 =	vsub.f32 $1.000000000e+00, v19;
	v37 =	vmul.f32 v39, v2  }
0x41f: {  	v28 =	vmul.f32 v28, v24;
	v39 =	vld [tilespmem:s12+$0xFFFFFE30];
	v20 =	vsub.f32 $1.000000000e+00, v20;
	v22 =	vmul.f32 v22, v1  }
0x420: {  	v24 =	vld [tilespmem:s12+$0xFFFFFEB0];
	v19 =	vmul.f32 v19, v36;
	v37 =	vsub.f32 $1.000000000e+00, v37;
	v40 =	vmul.f32 v40, v2  }
0x421: {  	v26 =	vmul.f32 v30, v26;
	v36 =	vsub.f32 $1.000000000e+00, v23;
	v23 =	vld [tilespmem:s12+$0xFFFFFE40];
	v22 =	vsub.f32 $1.000000000e+00, v22  }
0x422: {  	v30 =	vsub.f32 $1.000000000e+00, v38;
	v38 =	vld [tilespmem:s12+$0xFFFFFEC0];
	v20 =	vmul.f32 v37, v20;
	v37 =	vsub.f32 $1.000000000e+00, v40  }
0x423: {  	v29 =	vmul.f32 v33, v29;
	v27 =	vmul.f32 v31, v27;
	v40 =	vsub.f32 $1.000000000e+00, v21;
	v42 =	vld [tilespmem:s12+$0xFFFFFE50]  }
0x424: {  	v34 =	vmul.f32 v35, v34;
	v31 =	vsub.f32 $1.000000000e+00, v39;
	v33 =	vld [tilespmem:s12+$0xFFFFFED0];
	v21 =	vmul.f32 v37, v22  }
0x425: {  	v6 =	vmax.f32 v6, $0.0e+00;
	v22 =	vmul.f32 v40, v30;
	v24 =	vsub.f32 $1.000000000e+00, v24;
	v30 =	vld [tilespmem:s12+$0xFFFFFE60]  }
0x426: {  	v32 =	vmax.f32 v32, $0.0e+00;
	v39 =	vmax.f32 v46, $0.0e+00;
	v35 =	vsub.f32 $1.000000000e+00, v23;
	v37 =	vld [tilespmem:s12+$0xFFFFFEE0]  }
0x427: {  	v22 =	vsub.f32 $1.000000000e+00, v22;
	v23 =	vmul.f32 v24, v31;
	v24 =	vsub.f32 $1.000000000e+00, v38;
	v31 =	vld [tilespmem:s12+$0xFFFFFE70]  }
0x428: {  	v38 =	vsub.f32 $1.000000000e+00, v42;
	v40 =	vld [tilespmem:s12+$0xFFFFFEF0];
	v42 =	vmax.f32 v43, $0.0e+00;
	v43 =	vmax.f32 v45, $0.0e+00  }
0x429: {  	v23 =	vsub.f32 $1.000000000e+00, v23;
	v24 =	vmul.f32 v24, v35;
	v33 =	vsub.f32 $1.000000000e+00, v33;
	v35 =	vld [tilespmem:s12+$0xFFFFFE80]  }
0x42a: {  	v44 =	vmax.f32 v44, $0.0e+00;
	v41 =	vmax.f32 v41, $0.0e+00;
	v30 =	vsub.f32 $1.000000000e+00, v30;
	v45 =	vld [tilespmem:s12+$0xFFFFFF00]  }
0x42b: {  	v24 =	vsub.f32 $1.000000000e+00, v24;
	v33 =	vmul.f32 v33, v38;
	v37 =	vsub.f32 $1.000000000e+00, v37;
	v38 =	vld [tilespmem:s12+$0xFFFFFF10]  }
0x42c: {  	v47 =	vmax.f32 v25, $0.0e+00;
	v48 =	vmax.f32 v28, $0.0e+00;
	v31 =	vsub.f32 $1.000000000e+00, v31;
	v46 =	vld [tilespmem:s12+$0xFFFFFF90]  }
0x42d: {  	v25 =	vsub.f32 $1.000000000e+00, v33;
	v28 =	vmul.f32 v37, v30;
	v30 =	vsub.f32 $1.000000000e+00, v40;
	v33 =	vld [tilespmem:s12+$0xFFFFFF20]  }
0x42e: {  	v26 =	vmax.f32 v26, $0.0e+00;
	v40 =	vmax.f32 v29, $0.0e+00;
	v35 =	vsub.f32 $1.000000000e+00, v35;
	v37 =	vld [tilespmem:s12+$0xFFFFFFA0]  }
0x42f: {  	v28 =	vsub.f32 $1.000000000e+00, v28;
	v29 =	vmul.f32 v30, v31;
	v30 =	vsub.f32 $1.000000000e+00, v45;
	v31 =	vld [tilespmem:s12+$0xFFFFFF30]  }
0x430: {  	v27 =	vmax.f32 v27, $0.0e+00;
	v49 =	vmax.f32 v34, $0.0e+00;
	v38 =	vsub.f32 $1.000000000e+00, v38;
	v45 =	vld [tilespmem:s12+$0xFFFFFFB0]  }
0x431: {  	v29 =	vsub.f32 $1.000000000e+00, v29;
	v30 =	vmul.f32 v30, v35;
	v34 =	vsub.f32 $1.000000000e+00, v46;
	v35 =	vld [tilespmem:s12+$0xFFFFFF40]  }
0x432: {  	v4 =	vmin.f32 v4, $1.000000000e+00;
	v5 =	vmin.f32 v5, $1.000000000e+00;
	v46 =	vsub.f32 $1.000000000e+00, v33;
	v50 =	vld [tilespmem:s12+$0xFFFFFFC0]  }
0x433: {  	v30 =	vsub.f32 $1.000000000e+00, v30;
	v33 =	vmul.f32 v34, v38;
	v34 =	vsub.f32 $1.000000000e+00, v37;
	v37 =	vld [tilespmem:s12+$0xFFFFFF50];
	[tilespmem:s1+$0x12100] =	vst v4  }
0x434: {  	v4 =	vsub.f32 $1.000000000e+00, v31;
	v31 =	vld [tilespmem:s12+$0xFFFFFFD0];
	[tilespmem:s1+$0x12110] =	vst v5;
	v5 =	vmin.f32 v6, $1.000000000e+00;
	v6 =	vmin.f32 v32, $1.000000000e+00  }
0x435: {  	v33 =	vsub.f32 $1.000000000e+00, v33;
	v32 =	vmul.f32 v34, v46;
	v38 =	vsub.f32 $1.000000000e+00, v45;
	v45 =	vld [tilespmem:s12+$0xFFFFFF60];
	[tilespmem:s1+$0x12120] =	vst v5  }
0x436: {  	v5 =	vsub.f32 $1.000000000e+00, v35;
	v46 =	vld [tilespmem:s12+$0xFFFFFFE0];
	[tilespmem:s1+$0x12130] =	vst v6;
	v6 =	vmin.f32 v39, $1.000000000e+00;
	v35 =	vmin.f32 v42, $1.000000000e+00  }
0x437: {  	v34 =	vsub.f32 $1.000000000e+00, v32;
	v4 =	vmul.f32 v38, v4;
	v32 =	vsub.f32 $1.000000000e+00, v50;
	v38 =	vld [tilespmem:s12+$0xFFFFFF70];
	[tilespmem:s1+$0x12140] =	vst v6  }
0x438: {  	v42 =	vmin.f32 v44, $1.000000000e+00;
	v6 =	vsub.f32 $1.000000000e+00, v37;
	v39 =	vld [tilespmem:s12+$0xFFFFFFF0];
	[tilespmem:s1+$0x12150] =	vst v35;
	v37 =	vmin.f32 v43, $1.000000000e+00  }
0x439: {  	v43 =	vld [tilespmem:s12+$0xFFFFFE10];
	v35 =	vsub.f32 $1.000000000e+00, v4;
	v4 =	vmul.f32 v32, v5;
	v5 =	vsub.f32 $1.000000000e+00, v31;
	[tilespmem:s1+$0x12160] =	vst v37  }
0x43a: {  	v41 =	vmin.f32 v41, $1.000000000e+00;
	v31 =	vld [tilespmem:s22+$0xC100];
	v32 =	vsub.f32 $1.000000000e+00, v45;
	[tilespmem:s1+$0x12170] =	vst v42;
	v42 =	vmin.f32 v47, $1.000000000e+00  }
0x43b: {  	v44 =	vld [tilespmem:s22+$0xC110];
	v37 =	vsub.f32 $1.000000000e+00, v4;
	v4 =	vmul.f32 v5, v6;
	v6 =	vsub.f32 $1.000000000e+00, v46;
	[tilespmem:s1+$0x12300] =	vst v41  }
0x43c: {  	v26 =	vmin.f32 v26, $1.000000000e+00;
	v41 =	vld [tilespmem:s22+$0xC120];
	v38 =	vsub.f32 $1.000000000e+00, v38;
	[tilespmem:s1+$0x12310] =	vst v42;
	v42 =	vmin.f32 v48, $1.000000000e+00  }
0x43d: {  	v45 =	vld [tilespmem:s22+$0xC130];
	v5 =	vsub.f32 $1.000000000e+00, v4;
	v4 =	vmul.f32 v6, v32;
	v6 =	vsub.f32 $1.000000000e+00, v39;
	[tilespmem:s1+$0x12320] =	vst v42  }
0x43e: {  	v27 =	vmin.f32 v27, $1.000000000e+00;
	v32 =	vsub.f32 $1.000000000e+00, v43;
	v39 =	vld [tilespmem:s22+$0xC140];
	[tilespmem:s1+$0x12330] =	vst v26;
	v26 =	vmin.f32 v40, $1.000000000e+00  }
0x43f: {  	v31 =	vmul.f32 v31, v3;
	v40 =	vld [tilespmem:s22+$0xC150];
	v4 =	vsub.f32 $1.000000000e+00, v4;
	v6 =	vmul.f32 v6, v38;
	[tilespmem:s1+$0x12340] =	vst v26  }
0x440: {  	v26 =	vmul.f32 v36, v32;
	v32 =	vmul.f32 v44, v3;
	v36 =	vld [tilespmem:s22+$0xC160];
	[tilespmem:s1+$0x12350] =	vst v27;
	v27 =	vmin.f32 v49, $1.000000000e+00  }
0x441: {  	v31 =	vsub.f32 $1.000000000e+00, v31;
	v38 =	vmul.f32 v41, v3;
	v41 =	vld [tilespmem:s22+$0xC170];
	v6 =	vsub.f32 $1.000000000e+00, v6;
	[tilespmem:s1+$0x12360] =	vst v27;
	s1 =	smov.u32 s22  }
0x442: {  	v27 =	vsub.f32 $1.000000000e+00, v26;
	v26 =	vsub.f32 $1.000000000e+00, v32;
	v32 =	vmul.f32 v45, v3;
	v42 =	vld [tilespmem:s1+$0xC300]  }
0x443: {  	v7 =	vmul.f32 v31, v7;
	v31 =	vsub.f32 $1.000000000e+00, v38;
	v38 =	vmul.f32 v39, v3;
	v39 =	vld [tilespmem:s1+$0xC310]  }
0x444: {  	v43 =	vmul.f32 v26, v14;
	v14 =	vsub.f32 $1.000000000e+00, v32;
	v26 =	vmul.f32 v40, v3;
	v32 =	vld [tilespmem:s1+$0xC320]  }
0x445: {  	v40 =	vmul.f32 v31, v15;
	v15 =	vsub.f32 $1.000000000e+00, v38;
	v31 =	vmul.f32 v36, v3;
	v36 =	vld [tilespmem:s1+$0xC330]  }
0x446: {  	v44 =	vmul.f32 v14, v16;
	v14 =	vsub.f32 $1.000000000e+00, v26;
	v16 =	vmul.f32 v41, v3;
	v26 =	vld [tilespmem:s1+$0xC340]  }
0x447: {  	v41 =	vmul.f32 v15, v17;
	v15 =	vsub.f32 $1.000000000e+00, v31;
	v17 =	vmul.f32 v42, v3;
	v31 =	vld [tilespmem:s1+$0xC350]  }
0x448: {  	v42 =	vmul.f32 v14, v18;
	v14 =	vsub.f32 $1.000000000e+00, v16;
	v16 =	vmul.f32 v39, v3;
	v18 =	vld [tilespmem:s1+$0xC360]  }
0x449: {  	v38 =	vld [tilespmem:s1+$0x10100];
	v45 =	vmul.f32 v15, v8;
	v8 =	vsub.f32 $1.000000000e+00, v17;
	v15 =	vmul.f32 v32, v3  }
0x44a: {  	v32 =	vld [tilespmem:s1+$0xC180];
	v46 =	vmul.f32 v14, v9;
	v9 =	vsub.f32 $1.000000000e+00, v16;
	v14 =	vmul.f32 v36, v3  }
0x44b: {  	v36 =	vld [tilespmem:s1+$0x10110];
	v47 =	vmul.f32 v8, v10;
	v8 =	vsub.f32 $1.000000000e+00, v15;
	v10 =	vmul.f32 v26, v3  }
0x44c: {  	v39 =	vld [tilespmem:s1+$0xC190];
	v48 =	vmul.f32 v9, v11;
	v9 =	vsub.f32 $1.000000000e+00, v14;
	v11 =	vmul.f32 v31, v3  }
0x44d: {  	v49 =	vld [tilespmem:s1+$0x10120];
	v26 =	vmul.f32 v8, v12;
	v8 =	vsub.f32 $1.000000000e+00, v10;
	v10 =	vmul.f32 v18, v3  }
0x44e: {  	v12 =	vsub.f32 $1.000000000e+00, v38;
	v31 =	vld [tilespmem:s1+$0xC1A0];
	v17 =	vmul.f32 v9, v13;
	v9 =	vsub.f32 $1.000000000e+00, v11  }
0x44f: {  	v11 =	vmul.f32 v32, v0;
	v13 =	vld [tilespmem:s1+$0x10130];
	v16 =	vmul.f32 v8, v19;
	v8 =	vsub.f32 $1.000000000e+00, v10  }
0x450: {  	v10 =	vmul.f32 v27, v12;
	v12 =	vsub.f32 $1.000000000e+00, v36;
	v19 =	vld [tilespmem:s1+$0xC1B0];
	v15 =	vmul.f32 v9, v20  }
0x451: {  	v9 =	vsub.f32 $1.000000000e+00, v11;
	v11 =	vmul.f32 v39, v0;
	v20 =	vld [tilespmem:s1+$0x10140];
	v14 =	vmul.f32 v8, v21  }
0x452: {  	v18 =	vadd.f32 v10, v38;
	v8 =	vmul.f32 v22, v12;
	v10 =	vsub.f32 $1.000000000e+00, v49;
	v12 =	vld [tilespmem:s1+$0xC1C0]  }
0x453: {  	v27 =	vmul.f32 v9, v7;
	v7 =	vsub.f32 $1.000000000e+00, v11;
	v9 =	vmul.f32 v31, v0;
	v21 =	vld [tilespmem:s1+$0x10150]  }
0x454: {  	v31 =	vadd.f32 v8, v36;
	v8 =	vmul.f32 v23, v10;
	v10 =	vsub.f32 $1.000000000e+00, v13;
	v11 =	vld [tilespmem:s1+$0xC1D0]  }
0x455: {  	v38 =	vmul.f32 v7, v43;
	v7 =	vsub.f32 $1.000000000e+00, v9;
	v9 =	vmul.f32 v19, v0;
	v19 =	vld [tilespmem:s1+$0x10160]  }
0x456: {  	v36 =	vadd.f32 v8, v49;
	v8 =	vmul.f32 v24, v10;
	v10 =	vsub.f32 $1.000000000e+00, v20;
	v22 =	vld [tilespmem:s1+$0xC1E0]  }
0x457: {  	v40 =	vmul.f32 v7, v40;
	v7 =	vsub.f32 $1.000000000e+00, v9;
	v9 =	vmul.f32 v12, v0;
	v12 =	vld [tilespmem:s1+$0x10170]  }
0x458: {  	v32 =	vadd.f32 v8, v13;
	v8 =	vmul.f32 v25, v10;
	v10 =	vsub.f32 $1.000000000e+00, v21;
	v23 =	vld [tilespmem:s1+$0xC1F0]  }
0x459: {  	v39 =	vmul.f32 v7, v44;
	v7 =	vsub.f32 $1.000000000e+00, v9;
	v9 =	vmul.f32 v11, v0;
	v24 =	vld [tilespmem:s1+$0x10300]  }
0x45a: {  	v8 =	vadd.f32 v8, v20;
	v10 =	vmul.f32 v28, v10;
	v13 =	vsub.f32 $1.000000000e+00, v19;
	v25 =	vld [tilespmem:s1+$0xC380]  }
0x45b: {  	v11 =	vmul.f32 v7, v41;
	v7 =	vsub.f32 $1.000000000e+00, v9;
	v20 =	vmul.f32 v22, v0;
	v28 =	vld [tilespmem:s1+$0x10310]  }
0x45c: {  	v9 =	vadd.f32 v10, v21;
	v10 =	vmul.f32 v29, v13;
	v21 =	vsub.f32 $1.000000000e+00, v12;
	v41 =	vld [tilespmem:s1+$0xC390]  }
0x45d: {  	v13 =	vmul.f32 v7, v42;
	v7 =	vsub.f32 $1.000000000e+00, v20;
	v22 =	vmul.f32 v23, v0;
	v44 =	vld [tilespmem:s1+$0x10320]  }
0x45e: {  	v10 =	vadd.f32 v10, v19;
	v19 =	vmul.f32 v30, v21;
	v21 =	vsub.f32 $1.000000000e+00, v24;
	v42 =	vld [tilespmem:s1+$0xC3A0]  }
0x45f: {  	v20 =	vmul.f32 v7, v45;
	v7 =	vsub.f32 $1.000000000e+00, v22;
	v23 =	vmul.f32 v25, v0;
	v29 =	vld [tilespmem:s1+$0x10330]  }
0x460: {  	v12 =	vadd.f32 v19, v12;
	v19 =	vmul.f32 v33, v21;
	v21 =	vsub.f32 $1.000000000e+00, v28;
	v43 =	vld [tilespmem:s1+$0xC3B0]  }
0x461: {  	v22 =	vmul.f32 v7, v46;
	v7 =	vsub.f32 $1.000000000e+00, v23;
	v25 =	vmul.f32 v41, v0;
	v33 =	vld [tilespmem:s1+$0x10340]  }
.Ltmp2:
0x462: {  	v19 =	vadd.f32 v19, v24;
	v21 =	vmul.f32 v34, v21;
	v24 =	vsub.f32 $1.000000000e+00, v44;
	v30 =	vld [tilespmem:s1+$0xC3C0];
	(pc) =	sbr.rel @p2 .LBB2_7-.Ltmp2, $4  }
0x463: {  	v23 =	vmul.f32 v7, v47;
	v7 =	vsub.f32 $1.000000000e+00, v25;
	v42 =	vmul.f32 v42, v0;
	v34 =	vld [tilespmem:s1+$0x10350]  }
0x464: {  	v21 =	vadd.f32 v21, v28;
	v24 =	vmul.f32 v35, v24;
	v28 =	vsub.f32 $1.000000000e+00, v29;
	v41 =	vld [tilespmem:s1+$0xC3D0]  }
0x465: {  	v25 =	vmul.f32 v7, v48;
	v42 =	vsub.f32 $1.000000000e+00, v42;
	v43 =	vmul.f32 v43, v0;
	v35 =	vld [tilespmem:s1+$0x10360]  }
0x466: {  	s12 =	sadd.s32 $0x200, s12;
	v24 =	vadd.f32 v24, v44;
	v37 =	vmul.f32 v37, v28;
	v44 =	vsub.f32 $1.000000000e+00, v33;
	v7 =	vld [tilespmem:s1+$0xC3E0]  }
0x467: {  	v1 =	vmul.f32 v42, v26;
	v3 =	vmul.f32 v30, v0  }
0x468: {  	v2 =	vsub.f32 $1.000000000e+00, v43;
	v8 =	vmul.f32 v11, v8;
	v9 =	vmul.f32 v13, v9  }
0x469: {  	v10 =	vmul.f32 v20, v10;
	v5 =	vmul.f32 v5, v44  }
0x46a: {  	v26 =	vadd.f32 v37, v29;
	v28 =	vsub.f32 $1.000000000e+00, v34;
	v2 =	vmul.f32 v2, v17  }
0x46b: {  	v3 =	vsub.f32 $1.000000000e+00, v3;
	v17 =	vmul.f32 v41, v0;
	v8 =	vmax.f32 v8, $0.0e+00  }
0x46c: {  	v9 =	vmax.f32 v9, $0.0e+00;
	v10 =	vmax.f32 v10, $0.0e+00;
	v1 =	vmul.f32 v1, v24  }
0x46d: {  	v5 =	vadd.f32 v5, v33;
	v4 =	vmul.f32 v4, v28;
	v28 =	vsub.f32 $1.000000000e+00, v35  }
0x46e: {  	v8 =	vmin.f32 v8, $1.000000000e+00;
	v9 =	vmin.f32 v9, $1.000000000e+00;
	v0 =	vmul.f32 v7, v0  }
0x46f: {  	v3 =	vmul.f32 v3, v16;
	v7 =	vsub.f32 $1.000000000e+00, v17;
	v16 =	vmul.f32 v27, v18;
	[tilespmem:s1+$0x12140] =	vst v8  }
0x470: {  	v17 =	vmul.f32 v38, v31;
	v8 =	vmul.f32 v25, v21;
	[tilespmem:s1+$0x12150] =	vst v9;
	v9 =	vmin.f32 v10, $1.000000000e+00  }
0x471: {  	v2 =	vmul.f32 v2, v26;
	v1 =	vmax.f32 v1, $0.0e+00;
	v6 =	vmul.f32 v6, v28  }
0x472: {  	v4 =	vadd.f32 v4, v34;
	v1 =	vmin.f32 v1, $1.000000000e+00;
	v0 =	vsub.f32 $1.000000000e+00, v0  }
0x473: {  	[tilespmem:s1+$0x12160] =	vst v9;
	v7 =	vmul.f32 v7, v15;
	v15 =	vmul.f32 v40, v36;
	v16 =	vmax.f32 v16, $0.0e+00  }
0x474: {  	v17 =	vmax.f32 v17, $0.0e+00;
	v8 =	vmax.f32 v8, $0.0e+00;
	[tilespmem:s1+$0x12320] =	vst v1;
	v16 =	vmin.f32 v16, $1.000000000e+00  }
0x475: {  	v3 =	vmul.f32 v3, v5;
	v2 =	vmax.f32 v2, $0.0e+00;
	v5 =	vmin.f32 v8, $1.000000000e+00;
	[tilespmem:s1+$0x12100] =	vst v16  }
0x476: {  	v6 =	vadd.f32 v6, v35;
	v2 =	vmin.f32 v2, $1.000000000e+00;
	v0 =	vmul.f32 v0, v14;
	[tilespmem:s1+$0x12310] =	vst v5  }
0x477: {  	v14 =	vmul.f32 v39, v32;
	v11 =	vmax.f32 v15, $0.0e+00;
	v15 =	vmin.f32 v17, $1.000000000e+00;
	[tilespmem:s1+$0x12330] =	vst v2  }
0x478: {  	v4 =	vmul.f32 v7, v4;
	v3 =	vmax.f32 v3, $0.0e+00;
	[tilespmem:s1+$0x12110] =	vst v15;
	v11 =	vmin.f32 v11, $1.000000000e+00  }
0x479: {  	v2 =	vmin.f32 v3, $1.000000000e+00;
	v13 =	vmax.f32 v14, $0.0e+00;
	[tilespmem:s1+$0x12120] =	vst v11;
	v11 =	vmul.f32 v22, v12  }
0x47a: {  	v12 =	vmul.f32 v23, v19;
	v1 =	vmax.f32 v4, $0.0e+00;
	[tilespmem:s1+$0x12340] =	vst v2;
	v13 =	vmin.f32 v13, $1.000000000e+00  }
0x47b: {  	v0 =	vmul.f32 v0, v6;
	v1 =	vmin.f32 v1, $1.000000000e+00;
	[tilespmem:s1+$0x12130] =	vst v13;
	v11 =	vmax.f32 v11, $0.0e+00  }
0x47c: {  	v10 =	vmax.f32 v12, $0.0e+00;
	[tilespmem:s1+$0x12350] =	vst v1;
	v11 =	vmin.f32 v11, $1.000000000e+00  }
0x47d: {  	s3 =	sadd.s32 $0x8000, s3;
	v0 =	vmax.f32 v0, $0.0e+00;
	v9 =	vmin.f32 v10, $1.000000000e+00;
	[tilespmem:s1+$0x12170] =	vst v11  }
0x47e: {  	s3 =	sshrl.u32 s3, $0x3;
	v0 =	vmin.f32 v0, $1.000000000e+00;
	[tilespmem:s1+$0x12300] =	vst v9  }
0x47f: {  	s20 =	simm.s32 $0x12100;
	[tilespmem:s1+$0x12360] =	vst v0;
	s1 =	sadd.s32 s5, s3  }
0x480: {  	[hbm4b:s1+s7] =	stream.linear.scatter [tilespmem:s20], [sflag:$0x7], $0x80, $0x38;
	[tilespmem:$0x14000] =	vst v63  }
0x481: {  	s12 =	simm.s32 $0x12300;
	s21 =	sadd.s32 $0x80, s1  }
0x482: {  	[hbm4b:s21+s7] =	stream.linear.scatter [tilespmem:s12], [sflag:$0x7], $0x80, $0x38;
	[tilespmem:$0x14000] =	vst v63  }
0x483: {  	s24 =	simm.s32 $0x12500;
	s22 =	sadd.s32 $0x100, s1  }
0x484: {  	[hbm4b:s22+s7] =	stream.linear.scatter [tilespmem:s24], [sflag:$0x7], $0x80, $0x38;
	[tilespmem:$0x14000] =	vst v63  }
0x485: {  	s20 =	sadd.s32 $0x180, s1;
	s21 =	simm.s32 $0x12700  }
0x486: {  	[hbm4b:s20+s7] =	stream.linear.scatter [tilespmem:s21], [sflag:$0x7], $0x80, $0x38;
	[tilespmem:$0x14000] =	vst v63  }
0x487: {  	s22 =	sadd.s32 $0x200, s1;
	s24 =	simm.s32 $0x12900  }
0x488: {  	[hbm4b:s22+s7] =	stream.linear.scatter [tilespmem:s24], [sflag:$0x7], $0x80, $0x38;
	[tilespmem:$0x14000] =	vst v63  }
0x489: {  	s20 =	sadd.s32 $0x280, s1;
	s21 =	simm.s32 $0x12B00  }
0x48a: {  	[hbm4b:s20+s7] =	stream.linear.scatter [tilespmem:s21], [sflag:$0x7], $0x80, $0x38;
	[tilespmem:$0x14000] =	vst v63  }
0x48b: {  	s22 =	sadd.s32 $0x300, s1;
	s24 =	simm.s32 $0x12D00  }
0x48c: {  	[hbm4b:s22+s7] =	stream.linear.scatter [tilespmem:s24], [sflag:$0x7], $0x80, $0x38;
	[tilespmem:$0x14000] =	vst v63  }
0x48d: {  	s20 =	sadd.s32 $0x380, s1;
	s21 =	simm.s32 $0x12F00  }
0x48e: {  	[hbm4b:s20+s7] =	stream.linear.scatter [tilespmem:s21], [sflag:$0x7], $0x80, $0x38;
	[tilespmem:$0x14000] =	vst v63  }
0x48f: {  	s22 =	sadd.s32 $0x400, s1;
	s24 =	simm.s32 $0x13100  }
0x490: {  	[hbm4b:s22+s7] =	stream.linear.scatter [tilespmem:s24], [sflag:$0x7], $0x80, $0x38;
	[tilespmem:$0x14000] =	vst v63  }
0x491: {  	s20 =	sadd.s32 $0x480, s1;
	s21 =	simm.s32 $0x13300  }
0x492: {  	[hbm4b:s20+s7] =	stream.linear.scatter [tilespmem:s21], [sflag:$0x7], $0x80, $0x38;
	[tilespmem:$0x14000] =	vst v63  }
0x493: {  	s22 =	sadd.s32 $0x500, s1;
	s24 =	simm.s32 $0x13500  }
0x494: {  	[hbm4b:s22+s7] =	stream.linear.scatter [tilespmem:s24], [sflag:$0x7], $0x80, $0x38;
	[tilespmem:$0x14000] =	vst v63  }
0x495: {  	s20 =	sadd.s32 $0x580, s1;
	s21 =	simm.s32 $0x13700  }
0x496: {  	[hbm4b:s20+s7] =	stream.linear.scatter [tilespmem:s21], [sflag:$0x7], $0x80, $0x38;
	[tilespmem:$0x14000] =	vst v63  }
0x497: {  	s22 =	sadd.s32 $0x600, s1;
	s24 =	simm.s32 $0x13900  }
0x498: {  	[hbm4b:s22+s7] =	stream.linear.scatter [tilespmem:s24], [sflag:$0x7], $0x80, $0x38;
	[tilespmem:$0x14000] =	vst v63  }
0x499: {  	s12 =	sadd.s32 $0x680, s1;
	s20 =	simm.s32 $0x13B00  }
0x49a: {  	[hbm4b:s12+s7] =	stream.linear.scatter [tilespmem:s20], [sflag:$0x7], $0x80, $0x38;
	[tilespmem:$0x14000] =	vst v63  }
0x49b: {  	s21 =	sadd.s32 $0x700, s1;
	s22 =	simm.s32 $0x13D00  }
0x49c: {  	[hbm4b:s21+s7] =	stream.linear.scatter [tilespmem:s22], [sflag:$0x7], $0x80, $0x38;
	[tilespmem:$0x14000] =	vst v63  }
0x49d: {  	s3 =	sadd.s32 @!p0 $0x6, s29;
	s1 =	sadd.s32 $0x780, s1;
	s24 =	simm.s32 $0x13F00  }
0x49e: {  	[hbm4b:s1+s7] =	stream.linear.scatter [tilespmem:s24], [sflag:$0x7], $0x80, $0x38;
	[tilespmem:$0x14000] =	vst v63  }
0x49f: {  	s1 =	sshrl.u32 @!p0 s3, $0x3  }
0x4a0: {  	s20 =	sshll.u32 @!p0 s3, $0xB;
	s12 =	sshll.u32 @!p0 s1, $0xE  }
0x4a1: {  	s21 =	sadd.s32 @!p0 s6, s1;
	s12 =	ssub.s32 @!p0 s20, s12  }
0x4a2: {  	s1 =	sshll.u32 @!p0 s21, $0xF;
	s20 =	sshll.u32 @!p0 s12, $0x1  }
0x4a3: {  	s1 =	sadd.s32 @!p0 s1, s20  }
0x4a4: {  	s1 =	sshrl.u32 @!p0 s1, $0x3  }
0x4a5: {  	s22 =	simm.s32 @!p0 $0x6000;
	s20 =	sadd.s32 @!p0 s0, s1;
	s1 =	simm.s32 @!p0 $0x0  }
0x4a6: {  	[tilespmem:s22], [sflag:$0x3] =	stream.linear.gather @!p0 [hbm4b:s20+s1], $0x1000, $0x38;
	[tilespmem:$0x14000] =	vst v63  }
0x4a7: {  	s20 =	sshll.u32 @!p0 s21, $0x10;
	s22 =	sshll.u32 @!p0 s12, $0x2  }
0x4a8: {  	s20 =	sadd.s32 @!p0 s20, s22  }
0x4a9: {  	s20 =	sshrl.u32 @!p0 s20, $0x3  }
0x4aa: {  	s22 =	simm.s32 @!p0 $0xC000;
	s20 =	sadd.s32 @!p0 s2, s20  }
0x4ab: {  	[tilespmem:s22], [sflag:$0x3] =	stream.linear.gather @!p0 [hbm4b:s20+s1], $0x2000, $0x38;
	[tilespmem:$0x14000] =	vst v63  }
0x4ac: {  	s20 =	sshll.u32 @!p0 s21, $0xE  }
0x4ad: {  	s3 =	sshll.u32 @!p0 s3, $0x4;
	s12 =	sshll.u32 @!p0 s12, $0x3;
	s20 =	sand.u32 @!p0 $0x7FFE0000, s20  }
0x4ae: {  	s3 =	sand.u32 @!p0 $0x380, s3;
	s12 =	sadd.s32 @!p0 s12, s20  }
0x4af: {  	s3 =	sor.u32 @!p0 s3, s12  }
0x4b0: {  	s3 =	sshrl.u32 @!p0 s3, $0x3  }
0x4b1: {  	s12 =	simm.s32 @!p0 $0x10100;
	s3 =	sadd.s32 @!p0 s4, s3  }
0x4b2: {  	[tilespmem:s12], [sflag:$0x3] =	stream.linear.gather @!p0 [hbm4b:s3+s1], $0x80, $0x38;
	[tilespmem:$0x14000] =	vst v63  }
0x4b3: {  	s20 =	simm.s32 @!p0 $0x10300;
	s12 =	sadd.s32 @!p0 $0x80, s3  }
0x4b4: {  	[tilespmem:s20], [sflag:$0x3] =	stream.linear.gather @!p0 [hbm4b:s12+s1], $0x80, $0x38;
	[tilespmem:$0x14000] =	vst v63  }
0x4b5: {  	s12 =	sadd.s32 @!p0 $0x100, s3;
	s20 =	simm.s32 @!p0 $0x10500  }
0x4b6: {  	[tilespmem:s20], [sflag:$0x3] =	stream.linear.gather @!p0 [hbm4b:s12+s1], $0x80, $0x38;
	[tilespmem:$0x14000] =	vst v63  }
0x4b7: {  	s12 =	sadd.s32 @!p0 $0x180, s3;
	s20 =	simm.s32 @!p0 $0x10700  }
0x4b8: {  	[tilespmem:s20], [sflag:$0x3] =	stream.linear.gather @!p0 [hbm4b:s12+s1], $0x80, $0x38;
	[tilespmem:$0x14000] =	vst v63  }
0x4b9: {  	s12 =	sadd.s32 @!p0 $0x200, s3;
	s20 =	simm.s32 @!p0 $0x10900  }
0x4ba: {  	[tilespmem:s20], [sflag:$0x3] =	stream.linear.gather @!p0 [hbm4b:s12+s1], $0x80, $0x38;
	[tilespmem:$0x14000] =	vst v63  }
0x4bb: {  	s12 =	sadd.s32 @!p0 $0x280, s3;
	s20 =	simm.s32 @!p0 $0x10B00  }
0x4bc: {  	[tilespmem:s20], [sflag:$0x3] =	stream.linear.gather @!p0 [hbm4b:s12+s1], $0x80, $0x38;
	[tilespmem:$0x14000] =	vst v63  }
0x4bd: {  	s12 =	sadd.s32 @!p0 $0x300, s3;
	s20 =	simm.s32 @!p0 $0x10D00  }
0x4be: {  	[tilespmem:s20], [sflag:$0x3] =	stream.linear.gather @!p0 [hbm4b:s12+s1], $0x80, $0x38;
	[tilespmem:$0x14000] =	vst v63  }
0x4bf: {  	s12 =	sadd.s32 @!p0 $0x380, s3;
	s20 =	simm.s32 @!p0 $0x10F00  }
0x4c0: {  	[tilespmem:s20], [sflag:$0x3] =	stream.linear.gather @!p0 [hbm4b:s12+s1], $0x80, $0x38;
	[tilespmem:$0x14000] =	vst v63  }
0x4c1: {  	s12 =	sadd.s32 @!p0 $0x400, s3;
	s20 =	simm.s32 @!p0 $0x11100  }
0x4c2: {  	[tilespmem:s20], [sflag:$0x3] =	stream.linear.gather @!p0 [hbm4b:s12+s1], $0x80, $0x38;
	[tilespmem:$0x14000] =	vst v63  }
0x4c3: {  	s12 =	sadd.s32 @!p0 $0x480, s3;
	s20 =	simm.s32 @!p0 $0x11300  }
0x4c4: {  	[tilespmem:s20], [sflag:$0x3] =	stream.linear.gather @!p0 [hbm4b:s12+s1], $0x80, $0x38;
	[tilespmem:$0x14000] =	vst v63  }
0x4c5: {  	s12 =	sadd.s32 @!p0 $0x500, s3;
	s20 =	simm.s32 @!p0 $0x11500  }
0x4c6: {  	[tilespmem:s20], [sflag:$0x3] =	stream.linear.gather @!p0 [hbm4b:s12+s1], $0x80, $0x38;
	[tilespmem:$0x14000] =	vst v63  }
0x4c7: {  	s12 =	sadd.s32 @!p0 $0x580, s3;
	s20 =	simm.s32 @!p0 $0x11700  }
0x4c8: {  	[tilespmem:s20], [sflag:$0x3] =	stream.linear.gather @!p0 [hbm4b:s12+s1], $0x80, $0x38;
	[tilespmem:$0x14000] =	vst v63  }
0x4c9: {  	s12 =	sadd.s32 @!p0 $0x600, s3;
	s20 =	simm.s32 @!p0 $0x11900  }
0x4ca: {  	[tilespmem:s20], [sflag:$0x3] =	stream.linear.gather @!p0 [hbm4b:s12+s1], $0x80, $0x38;
	[tilespmem:$0x14000] =	vst v63  }
0x4cb: {  	s12 =	sadd.s32 @!p0 $0x680, s3;
	s20 =	simm.s32 @!p0 $0x11B00  }
0x4cc: {  	[tilespmem:s20], [sflag:$0x3] =	stream.linear.gather @!p0 [hbm4b:s12+s1], $0x80, $0x38;
	[tilespmem:$0x14000] =	vst v63  }
0x4cd: {  	s12 =	sadd.s32 @!p0 $0x700, s3;
	s20 =	simm.s32 @!p0 $0x11D00  }
0x4ce: {  	[tilespmem:s20], [sflag:$0x3] =	stream.linear.gather @!p0 [hbm4b:s12+s1], $0x80, $0x38;
	[tilespmem:$0x14000] =	vst v63  }
0x4cf: {  	s3 =	sadd.s32 @!p0 $0x780, s3;
	s12 =	simm.s32 @!p0 $0x11F00  }
0x4d0: {  	[tilespmem:s12], [sflag:$0x3] =	stream.linear.gather @!p0 [hbm4b:s3+s1], $0x80, $0x38;
	[tilespmem:$0x14000] =	vst v63  }
0x4d1: {  	_ =	swait.ge @p1 [sflag:s9], $0x800  }
0x4d2: {  	[sflag:s9] =	ssyncset.done @p1 $0x0  }
0x4d3: {  	[sflag:s9] =	ssyncadd.s32 @p1 $0xFFFFF800  }
0x4d4: {  	_ =	swait.ge [sflag:s11], $0x1000  }
0x4d5: {  	[sflag:s11] =	ssyncset.done $0x0  }
0x4d6: {  	[sflag:s11] =	ssyncadd.s32 $0xFFFFF000  }
0x4d7: {  	_ =	swait.ge [sflag:s11], $0x2000  }
0x4d8: {  	[sflag:s11] =	ssyncset.done $0x0  }
0x4d9: {  	[sflag:s11] =	ssyncadd.s32 $0xFFFFE000  }
0x4da: {  	_ =	swait.ge [sflag:s11], $0x800  }
0x4db: {  	[sflag:s11] =	ssyncset.done $0x0  }
0x4dc: {  	[sflag:s11] =	ssyncadd.s32 $0xFFFFF800  }
0x4dd: {  	v1 =	vld [tilespmem:s26+$0x0]  }
0x4de: {  	v2 =	vld [tilespmem:s26+$0x80]  }
0x4df: {  	v3 =	vld [tilespmem:s26+$0x100]  }
0x4e0: {  	s29 =	simm.s32 $0x71F0;
	v0 =	vld [tilespmem:s26+$0x180]  }
0x4e1: {  	v4 =	vld [tilespmem:s29+$0xFFFFFF80]  }
0x4e2: {  	s3 =	simm.s32 $0x0;
	v5 =	vld [tilespmem:s29+$0x0]  }
0x4e3: {  	v6 =	vld [tilespmem:s3+$0xE270]  }
0x4e4: {  	v7 =	vld [tilespmem:s3+$0xE2F0]  }
0x4e5: {  	v8 =	vld [tilespmem:s3+$0xE370]  }
0x4e6: {  	v9 =	vld [tilespmem:s3+$0x103F0]  }
0x4e7: {  	v10 =	vld [tilespmem:s3+$0xE3F0]  }
0x4e8: {  	v11 =	vld [tilespmem:s3+$0xE000]  }
0x4e9: {  	v12 =	vld [tilespmem:s3+$0xE080]  }
0x4ea: {  	v13 =	vld [tilespmem:s3+$0xE010]  }
0x4eb: {  	v14 =	vld [tilespmem:s3+$0xE090]  }
0x4ec: {  	v15 =	vld [tilespmem:s3+$0xE020]  }
0x4ed: {  	v16 =	vld [tilespmem:s3+$0xE0A0]  }
0x4ee: {  	v17 =	vld [tilespmem:s3+$0xE030]  }
0x4ef: {  	v18 =	vld [tilespmem:s3+$0xE0B0]  }
0x4f0: {  	v19 =	vld [tilespmem:s3+$0xE040]  }
0x4f1: {  	v20 =	vld [tilespmem:s3+$0xE0C0]  }
0x4f2: {  	v22 =	vld [tilespmem:s3+$0xE0D0]  }
0x4f3: {  	v26 =	vld [tilespmem:s3+$0xE0F0]  }
0x4f4: {  	v27 =	vld [tilespmem:s3+$0xE200]  }
0x4f5: {  	v28 =	vld [tilespmem:s3+$0xE280]  }
0x4f6: {  	v54 =	vld [tilespmem:s3+$0xE2D0]  }
0x4f7: {  	v62 =	vld [tilespmem:s29+$0xFFFFFE60]  }
0x4f8: {  	v51 =	vld [tilespmem:s29+$0xFFFFFF10]  }
0x4f9: {  	v52 =	vld [tilespmem:s29+$0xFFFFFF90]  }
0x4fa: {  	v21 =	vld [tilespmem:s3+$0xE050];
	v6 =	vmul.f32 v6, v1;
	v7 =	vmul.f32 v7, v2  }
0x4fb: {  	v29 =	vld [tilespmem:s3+$0xE210];
	v4 =	vsub.f32 $1.000000000e+00, v4;
	v8 =	vmul.f32 v8, v3;
	v19 =	vmul.f32 v19, v1  }
0x4fc: {  	v30 =	vld [tilespmem:s3+$0xE220];
	v5 =	vsub.f32 $1.000000000e+00, v5;
	v22 =	vmul.f32 v22, v2;
	v26 =	vmul.f32 v26, v2  }
0x4fd: {  	v31 =	vld [tilespmem:s3+$0xE250];
	v27 =	vmul.f32 v27, v1;
	v33 =	vmul.f32 v54, v2;
	v54 =	vsub.f32 $1.000000000e+00, v62  }
0x4fe: {  	v23 =	vld [tilespmem:s3+$0xE060];
	v28 =	vmul.f32 v28, v2;
	v34 =	vsub.f32 $1.000000000e+00, v51;
	v35 =	vsub.f32 $1.000000000e+00, v52  }
0x4ff: {  	v24 =	vld [tilespmem:s3+$0xE0E0];
	v4 =	vmul.f32 v5, v4;
	v5 =	vsub.f32 $1.000000000e+00, v6;
	v6 =	vsub.f32 $1.000000000e+00, v7  }
0x500: {  	v25 =	vld [tilespmem:s3+$0xE070];
	v29 =	vmul.f32 v29, v1;
	v7 =	vsub.f32 $1.000000000e+00, v9;
	v19 =	vsub.f32 $1.000000000e+00, v19  }
0x501: {  	v55 =	vld [tilespmem:s29+$0xFFFFFEA0];
	v30 =	vmul.f32 v30, v1;
	v22 =	vsub.f32 $1.000000000e+00, v22;
	v26 =	vsub.f32 $1.000000000e+00, v26  }
0x502: {  	v56 =	vld [tilespmem:s29+$0xFFFFFE30];
	v31 =	vmul.f32 v31, v1;
	v27 =	vsub.f32 $1.000000000e+00, v27;
	v28 =	vsub.f32 $1.000000000e+00, v28  }
0x503: {  	v57 =	vld [tilespmem:s29+$0xFFFFFEB0];
	v10 =	vmul.f32 v10, v0;
	v59 =	vsub.f32 $1.000000000e+00, v29;
	v30 =	vsub.f32 $1.000000000e+00, v30  }
0x504: {  	v20 =	vmul.f32 v20, v2;
	v29 =	vld [tilespmem:s29+$0xFFFFFEC0];
	v31 =	vsub.f32 $1.000000000e+00, v31;
	v4 =	vsub.f32 $1.000000000e+00, v4  }
0x505: {  	v58 =	vld [tilespmem:s29+$0xFFFFFE40];
	v5 =	vmul.f32 v6, v5;
	v6 =	vsub.f32 $1.000000000e+00, v8;
	v8 =	vmul.f32 v11, v1  }
0x506: {  	v61 =	vld [tilespmem:s29+$0xFFFFFED0];
	v33 =	vsub.f32 $1.000000000e+00, v33;
	v11 =	vmul.f32 v12, v2;
	v27 =	vmul.f32 v28, v27  }
0x507: {  	v12 =	vld [tilespmem:s3+$0xE290];
	v4 =	vmul.f32 v4, v7;
	v5 =	vmul.f32 v6, v5;
	v6 =	vsub.f32 $1.000000000e+00, v10  }
0x508: {  	v7 =	vsub.f32 $1.000000000e+00, v8;
	v8 =	vmul.f32 v13, v1;
	v10 =	vmul.f32 v14, v2;
	v13 =	vld [tilespmem:s3+$0xE2A0]  }
0x509: {  	v14 =	vmul.f32 v15, v1;
	v15 =	vld [tilespmem:s3+$0xE2B0];
	v29 =	vsub.f32 $1.000000000e+00, v29;
	v4 =	vadd.f32 v4, v9  }
0x50a: {  	v63 =	vld [tilespmem:s29+$0xFFFFFEE0];
	v5 =	vmul.f32 v6, v5;
	v9 =	vsub.f32 $1.000000000e+00, v11;
	v11 =	vsub.f32 $1.000000000e+00, v8  }
0x50b: {  	v48 =	vld [tilespmem:s29+$0xFFFFFE70];
	v8 =	vmul.f32 v16, v2;
	v10 =	vsub.f32 $1.000000000e+00, v10;
	v16 =	vmul.f32 v17, v1  }
0x50c: {  	v49 =	vld [tilespmem:s29+$0xFFFFFEF0];
	v14 =	vsub.f32 $1.000000000e+00, v14;
	v12 =	vmul.f32 v12, v2;
	v4 =	vmul.f32 v5, v4  }
0x50d: {  	v6 =	vld [tilespmem:s3+$0xE230];
	v17 =	vsub.f32 $1.000000000e+00, v8;
	v8 =	vmul.f32 v18, v2;
	v16 =	vsub.f32 $1.000000000e+00, v16  }
0x50e: {  	v52 =	vld [tilespmem:s3+$0xE130];
	v13 =	vmul.f32 v13, v2;
	v60 =	vsub.f32 $1.000000000e+00, v12;
	v15 =	vmul.f32 v15, v2  }
0x50f: {  	v5 =	vld [tilespmem:s3+$0xE240];
	v53 =	vsub.f32 $1.000000000e+00, v8;
	v8 =	vmul.f32 v9, v7;
	v9 =	vmul.f32 v10, v11  }
0x510: {  	v18 =	vld [tilespmem:s3+$0xE2C0];
	v10 =	vmul.f32 v17, v14;
	v17 =	vsub.f32 $1.000000000e+00, v20;
	v20 =	vmul.f32 v23, v1  }
0x511: {  	v12 =	vld [tilespmem:s29+$0xFFFFFE50];
	v4 =	vmax.f32 v4, $0.0e+00;
	v23 =	vmul.f32 v24, v2;
	v24 =	vmul.f32 v25, v1  }
0x512: {  	v14 =	vld [tilespmem:s3+$0xE2E0];
	v7 =	vmin.f32 v4, $1.000000000e+00;
	v4 =	vmul.f32 v21, v1;
	v6 =	vmul.f32 v6, v1  }
0x513: {  	v25 =	vld [tilespmem:s29+$0xFFFFFE20];
	v13 =	vsub.f32 $1.000000000e+00, v13;
	v15 =	vsub.f32 $1.000000000e+00, v15;
	v37 =	vmul.f32 v60, v59  }
0x514: {  	v28 =	vld [tilespmem:s29+$0xFFFFFF40];
	v11 =	vmul.f32 v53, v16;
	v20 =	vsub.f32 $1.000000000e+00, v20;
	v23 =	vsub.f32 $1.000000000e+00, v23  }
0x515: {  	v21 =	vld [tilespmem:s3+$0xE260];
	v24 =	vsub.f32 $1.000000000e+00, v24;
	v17 =	vmul.f32 v17, v19;
	v4 =	vsub.f32 $1.000000000e+00, v4  }
0x516: {  	v60 =	vld [tilespmem:s29+$0xFFFFFF60];
	v5 =	vmul.f32 v5, v1;
	v6 =	vsub.f32 $1.000000000e+00, v6;
	v32 =	vmul.f32 v23, v20  }
0x517: {  	v16 =	vld [tilespmem:s29+$0xFFFFFE90];
	v20 =	vsub.f32 $1.000000000e+00, v56;
	v23 =	vsub.f32 $1.000000000e+00, v57;
	v14 =	vmul.f32 v14, v2  }
0x518: {  	v53 =	vld [tilespmem:s29+$0xFFFFFF20];
	v18 =	vmul.f32 v18, v2;
	v12 =	vsub.f32 $1.000000000e+00, v12;
	v19 =	vsub.f32 $1.000000000e+00, v25  }
0x519: {  	v57 =	vld [tilespmem:s29+$0xFFFFFFC0];
	v45 =	vmul.f32 v22, v4;
	v4 =	vsub.f32 $1.000000000e+00, v14;
	v14 =	vsub.f32 $1.000000000e+00, v55  }
0x51a: {  	v26 =	vmul.f32 v26, v24;
	v24 =	vsub.f32 $1.000000000e+00, v61;
	v56 =	vsub.f32 $1.000000000e+00, v49;
	v61 =	vld [tilespmem:s29+$0xFFFFFFE0]  }
0x51b: {  	v5 =	vsub.f32 $1.000000000e+00, v5;
	v22 =	vld [tilespmem:s29+$0xFFFFFF00];
	v21 =	vmul.f32 v21, v1;
	v14 =	vmul.f32 v14, v19  }
0x51c: {  	v12 =	vmul.f32 v24, v12;
	v24 =	vsub.f32 $1.000000000e+00, v63;
	v63 =	vld [tilespmem:s29+$0xFFFFFF70];
	v19 =	vsub.f32 $1.000000000e+00, v58  }
0x51d: {  	v50 =	vsub.f32 $1.000000000e+00, v21;
	v21 =	vld [tilespmem:s29+$0xFFFFFE80];
	v25 =	vsub.f32 $1.000000000e+00, v14;
	v14 =	vmul.f32 v23, v20  }
0x51e: {  	v18 =	vsub.f32 $1.000000000e+00, v18;
	v49 =	vsub.f32 $1.000000000e+00, v60;
	v19 =	vmul.f32 v29, v19;
	v20 =	vld [tilespmem:s29+$0xFFFFFFA0]  }
0x51f: {  	v15 =	vmul.f32 v15, v6;
	v55 =	vld [tilespmem:s29+$0xFFFFFF30];
	v6 =	vsub.f32 $1.000000000e+00, v53;
	v29 =	vsub.f32 $1.000000000e+00, v14  }
0x520: {  	v23 =	vsub.f32 $1.000000000e+00, v19;
	v14 =	vld [tilespmem:s29+$0xFFFFFFB0];
	v19 =	vsub.f32 $1.000000000e+00, v48  }
0x521: {  	v60 =	vld [tilespmem:s3+$0xE310];
	v18 =	vmul.f32 v18, v5;
	v24 =	vmul.f32 v24, v54;
	v46 =	vsub.f32 $1.000000000e+00, v57  }
0x522: {  	v5 =	vld [tilespmem:s29+$0xFFFFFFF0];
	v22 =	vsub.f32 $1.000000000e+00, v22;
	v21 =	vsub.f32 $1.000000000e+00, v21;
	v19 =	vmul.f32 v56, v19  }
0x523: {  	v30 =	vmul.f32 v13, v30;
	v58 =	vld [tilespmem:s29+$0xFFFFFFD0];
	v13 =	vsub.f32 $1.000000000e+00, v24;
	v59 =	vsub.f32 $1.000000000e+00, v20  }
0x524: {  	v24 =	vld [tilespmem:s29+$0xFFFFFF50];
	v62 =	vsub.f32 $1.000000000e+00, v55;
	v20 =	vsub.f32 $1.000000000e+00, v19;
	v19 =	vmul.f32 v22, v21  }
0x525: {  	v57 =	vld [tilespmem:s3+$0xE170];
	v21 =	vmul.f32 v35, v34;
	v6 =	vmul.f32 v59, v6;
	v14 =	vsub.f32 $1.000000000e+00, v14  }
0x526: {  	v28 =	vsub.f32 $1.000000000e+00, v28;
	v40 =	vmul.f32 v4, v50;
	v50 =	vld [tilespmem:s3+$0xE120];
	v22 =	vsub.f32 $1.000000000e+00, v19  }
0x527: {  	v19 =	vsub.f32 $1.000000000e+00, v21;
	v21 =	vsub.f32 $1.000000000e+00, v6;
	v6 =	vmul.f32 v14, v62;
	v14 =	vld [tilespmem:s29+$0xFFFFFE10]  }
0x528: {  	v16 =	vsub.f32 $1.000000000e+00, v16;
	v51 =	vsub.f32 $1.000000000e+00, v63;
	v55 =	vld [tilespmem:s3+$0xE150]  }
0x529: {  	v31 =	vmul.f32 v33, v31;
	v47 =	vsub.f32 $1.000000000e+00, v24;
	v24 =	vsub.f32 $1.000000000e+00, v6;
	v6 =	vld [tilespmem:s3+$0xE110]  }
0x52a: {  	v28 =	vmul.f32 v46, v28;
	v53 =	vsub.f32 $1.000000000e+00, v5;
	v48 =	vld [tilespmem:s3+$0xE100];
	v4 =	vsub.f32 $1.000000000e+00, v58  }
0x52b: {  	v12 =	vsub.f32 $1.000000000e+00, v12;
	v54 =	vld [tilespmem:s3+$0xE140];
	v58 =	vmul.f32 v52, v3;
	v38 =	vmul.f32 v50, v3  }
0x52c: {  	v4 =	vmul.f32 v4, v47;
	v35 =	vmul.f32 v53, v51;
	v14 =	vsub.f32 $1.000000000e+00, v14  }
0x52d: {  	v56 =	vld [tilespmem:s3+$0xE160];
	v34 =	vsub.f32 $1.000000000e+00, v61;
	v61 =	vmul.f32 v55, v3;
	v47 =	vmul.f32 v57, v3  }
0x52e: {  	v28 =	vsub.f32 $1.000000000e+00, v28;
	v50 =	vld [tilespmem:s3+$0xE350];
	v14 =	vmul.f32 v16, v14;
	v16 =	vmul.f32 v6, v3  }
0x52f: {  	v38 =	vsub.f32 $1.000000000e+00, v38;
	v51 =	vmul.f32 v60, v3;
	v53 =	vld [tilespmem:s3+$0x10180];
	v39 =	vmul.f32 v48, v3  }
0x530: {  	v59 =	vld [tilespmem:s3+$0xE300];
	v33 =	vmul.f32 v34, v49;
	v34 =	vmul.f32 v54, v3;
	v16 =	vsub.f32 $1.000000000e+00, v16  }
0x531: {  	v55 =	vld [tilespmem:s3+$0xE180];
	v5 =	vsub.f32 $1.000000000e+00, v4;
	v10 =	vmul.f32 v38, v10;
	v39 =	vsub.f32 $1.000000000e+00, v39  }
0x532: {  	v62 =	vld [tilespmem:s3+$0xE320];
	v34 =	vsub.f32 $1.000000000e+00, v34;
	v9 =	vmul.f32 v16, v9;
	v16 =	vsub.f32 $1.000000000e+00, v58  }
0x533: {  	v63 =	vld [tilespmem:s3+$0xE330];
	v36 =	vmul.f32 v50, v3;
	v4 =	vsub.f32 $1.000000000e+00, v33;
	v33 =	vmul.f32 v56, v3  }
0x534: {  	v48 =	vld [tilespmem:s3+$0xE340];
	v34 =	vmul.f32 v34, v17;
	v11 =	vmul.f32 v16, v11;
	v16 =	vsub.f32 $1.000000000e+00, v61  }
0x535: {  	v17 =	vsub.f32 $1.000000000e+00, v33;
	v49 =	vmul.f32 v59, v3;
	v59 =	vsub.f32 $1.000000000e+00, v53  }
0x536: {  	v52 =	vld [tilespmem:s3+$0xE360];
	v33 =	vmul.f32 v55, v0;
	v43 =	vmul.f32 v16, v45;
	v16 =	vsub.f32 $1.000000000e+00, v47  }
0x537: {  	v57 =	vld [tilespmem:s3+$0xE190];
	v54 =	vmul.f32 v62, v3;
	v45 =	vmul.f32 v17, v32;
	v17 =	vsub.f32 $1.000000000e+00, v49  }
0x538: {  	v60 =	vld [tilespmem:s3+$0xE1A0];
	v42 =	vmul.f32 v16, v26;
	v16 =	vsub.f32 $1.000000000e+00, v51;
	v26 =	vmul.f32 v63, v3  }
0x539: {  	v56 =	vld [tilespmem:s3+$0x10190];
	v46 =	vmul.f32 v17, v27;
	v17 =	vsub.f32 $1.000000000e+00, v54;
	v27 =	vmul.f32 v48, v3  }
0x53a: {  	v55 =	vld [tilespmem:s3+$0x10390];
	v14 =	vsub.f32 $1.000000000e+00, v14;
	v37 =	vmul.f32 v16, v37;
	v16 =	vsub.f32 $1.000000000e+00, v26  }
0x53b: {  	v58 =	vld [tilespmem:s3+$0x101A0];
	v26 =	vmul.f32 v17, v30;
	v27 =	vsub.f32 $1.000000000e+00, v27;
	v30 =	vmul.f32 v52, v3  }
0x53c: {  	v32 =	vmul.f32 v57, v0;
	v57 =	vld [tilespmem:s3+$0x103A0];
	v17 =	vmul.f32 v16, v15;
	v15 =	vsub.f32 $1.000000000e+00, v36  }
0x53d: {  	v47 =	vld [tilespmem:s3+$0x101B0];
	v16 =	vmul.f32 v27, v18;
	v18 =	vsub.f32 $1.000000000e+00, v30;
	v27 =	vmul.f32 v14, v59  }
0x53e: {  	v8 =	vmul.f32 v39, v8;
	v61 =	vld [tilespmem:s3+$0xE1B0];
	v30 =	vsub.f32 $1.000000000e+00, v56;
	v15 =	vmul.f32 v15, v31  }
0x53f: {  	v62 =	vld [tilespmem:s3+$0x101C0];
	v31 =	vsub.f32 $1.000000000e+00, v33;
	v14 =	vmul.f32 v18, v40;
	v18 =	vadd.f32 v27, v53  }
0x540: {  	v63 =	vld [tilespmem:s3+$0xE1C0];
	v25 =	vmul.f32 v25, v30;
	v30 =	vsub.f32 $1.000000000e+00, v58;
	v40 =	vmul.f32 v60, v0  }
0x541: {  	v48 =	vld [tilespmem:s3+$0x101D0];
	v60 =	vsub.f32 $1.000000000e+00, v57;
	v27 =	vmul.f32 v31, v8;
	v8 =	vsub.f32 $1.000000000e+00, v32  }
0x542: {  	v31 =	vadd.f32 v25, v56;
	v25 =	vmul.f32 v29, v30;
	v29 =	vsub.f32 $1.000000000e+00, v47;
	v30 =	vld [tilespmem:s3+$0xE1D0]  }
0x543: {  	v52 =	vld [tilespmem:s3+$0x101E0];
	v38 =	vmul.f32 v8, v9;
	v8 =	vsub.f32 $1.000000000e+00, v40;
	v9 =	vmul.f32 v61, v0  }
0x544: {  	v36 =	vadd.f32 v25, v58;
	v23 =	vmul.f32 v23, v29;
	v25 =	vsub.f32 $1.000000000e+00, v62;
	v29 =	vld [tilespmem:s3+$0xE1E0]  }
0x545: {  	v53 =	vld [tilespmem:s3+$0x101F0];
	v40 =	vmul.f32 v8, v10;
	v8 =	vsub.f32 $1.000000000e+00, v9;
	v9 =	vmul.f32 v63, v0  }
0x546: {  	v32 =	vadd.f32 v23, v47;
	v10 =	vmul.f32 v12, v25;
	v12 =	vsub.f32 $1.000000000e+00, v48;
	v23 =	vld [tilespmem:s3+$0xE1F0]  }
0x547: {  	v25 =	vmul.f32 v30, v0;
	v30 =	vld [tilespmem:s3+$0x10380];
	v39 =	vmul.f32 v8, v11;
	v9 =	vsub.f32 $1.000000000e+00, v9  }
0x548: {  	v54 =	vld [tilespmem:s3+$0xE380];
	v8 =	vadd.f32 v10, v62;
	v10 =	vmul.f32 v13, v12;
	v12 =	vsub.f32 $1.000000000e+00, v52  }
0x549: {  	v13 =	vsub.f32 $1.000000000e+00, v25;
	v25 =	vmul.f32 v29, v0;
	v11 =	vmul.f32 v9, v34  }
0x54a: {  	v56 =	vld [tilespmem:s3+$0xE390];
	v9 =	vadd.f32 v10, v48;
	v10 =	vmul.f32 v20, v12;
	v12 =	vsub.f32 $1.000000000e+00, v53  }
0x54b: {  	v59 =	vld [tilespmem:s3+$0xE3B0];
	v24 =	vmul.f32 v24, v60;
	v58 =	vsub.f32 $1.000000000e+00, v55;
	v23 =	vmul.f32 v23, v0  }
0x54c: {  	v20 =	vsub.f32 $1.000000000e+00, v25;
	v25 =	vld [tilespmem:s3+$0xE3A0];
	v12 =	vmul.f32 v22, v12;
	v22 =	vsub.f32 $1.000000000e+00, v30  }
0x54d: {  	v6 =	vsub.f32 $1.000000000e+00, v35;
	v33 =	vmul.f32 v54, v0;
	v29 =	vld [tilespmem:s3+$0x103B0];
	v23 =	vsub.f32 $1.000000000e+00, v23  }
0x54e: {  	v24 =	vadd.f32 v24, v57;
	v21 =	vmul.f32 v21, v58;
	v19 =	vmul.f32 v19, v22  }
0x54f: {  	v34 =	vmul.f32 v56, v0;
	v22 =	vmul.f32 v23, v42;
	v23 =	vsub.f32 $1.000000000e+00, v33;
	v33 =	vld [tilespmem:s3+$0x103C0]  }
0x550: {  	v21 =	vadd.f32 v21, v55;
	v13 =	vmul.f32 v13, v43;
	v19 =	vadd.f32 v19, v30;
	v30 =	vld [tilespmem:s3+$0xE3C0]  }
0x551: {  	v43 =	vmul.f32 v59, v0;
	v61 =	vsub.f32 $1.000000000e+00, v34;
	v34 =	vld [tilespmem:s3+$0x103D0];
	v62 =	vmul.f32 v25, v0  }
0x552: {  	v41 =	vld [tilespmem:s3+$0xE3D0];
	v10 =	vadd.f32 v10, v52;
	v20 =	vmul.f32 v20, v45;
	v63 =	vsub.f32 $1.000000000e+00, v29  }
0x553: {  	v35 =	vld [tilespmem:s3+$0x103E0];
	v12 =	vadd.f32 v12, v53;
	v25 =	vmul.f32 v61, v37;
	v42 =	vsub.f32 $1.000000000e+00, v62  }
0x554: {  	s20 =	simm.s32 $0x0;
	s1 =	simm.s32 $0x0;
	s12 =	simm.s32 $0x73F0;
	[tilespmem:s3+$0x123F0] =	vst v7;
	v7 =	vld [tilespmem:s3+$0xE3E0];
	v37 =	vmul.f32 v28, v63;
	v23 =	vmul.f32 v23, v46;
	v44 =	vsub.f32 $1.000000000e+00, v33  }
.LBB2_9:
0x555: {  	v45 =	vld [tilespmem:s12+$0xFFFFFF80];
	v28 =	vmul.f32 v42, v26;
	v42 =	vsub.f32 $1.000000000e+00, v43;
	v43 =	vmul.f32 v30, v0;
	s1 =	sadd.s32 $0x1000, s1  }
0x556: {  	s21 =	sshra.s32 s1, $0x2;
	v46 =	vld [tilespmem:s12+$0x0];
	v26 =	vadd.f32 v37, v29;
	v5 =	vmul.f32 v5, v44;
	v37 =	vsub.f32 $1.000000000e+00, v34  }
0x557: {  	s20 =	sadd.s32 $0x100, s20;
	v44 =	vld [tilespmem:s21+$0xE270];
	v30 =	vmul.f32 v42, v17;
	v17 =	vsub.f32 $1.000000000e+00, v43;
	v41 =	vmul.f32 v41, v0  }
0x558: {  	p0 =	slt.u32 s20, $0x700;
	v42 =	vld [tilespmem:s21+$0xE2F0];
	v29 =	vadd.f32 v5, v33;
	v4 =	vmul.f32 v4, v37;
	v5 =	vsub.f32 $1.000000000e+00, v35  }
0x559: {  	v37 =	vld [tilespmem:s21+$0xE370];
	v33 =	vmul.f32 v17, v16;
	v16 =	vsub.f32 $1.000000000e+00, v41;
	v7 =	vmul.f32 v7, v0  }
0x55a: {  	v18 =	vmul.f32 v27, v18;
	v17 =	vld [tilespmem:s21+$0x103F0];
	v27 =	vadd.f32 v4, v34;
	v4 =	vmul.f32 v6, v5  }
0x55b: {  	v38 =	vmul.f32 v38, v31;
	v5 =	vld [tilespmem:s21+$0xE3F0];
	v31 =	vmul.f32 v16, v15;
	v7 =	vsub.f32 $1.000000000e+00, v7  }
0x55c: {  	v6 =	vmul.f32 v40, v36;
	v16 =	vsub.f32 $1.000000000e+00, v45;
	v15 =	vld [tilespmem:s21+$0xE000];
	v34 =	vadd.f32 v4, v35  }
0x55d: {  	v40 =	vsub.f32 $1.000000000e+00, v46;
	v41 =	vmul.f32 v44, v1;
	v36 =	vld [tilespmem:s21+$0xE080];
	v42 =	vmul.f32 v42, v2  }
0x55e: {  	v4 =	vmax.f32 v18, $0.0e+00;
	v35 =	vmul.f32 v7, v14;
	v43 =	vld [tilespmem:s21+$0xE010];
	v37 =	vmul.f32 v37, v3  }
0x55f: {  	v14 =	vmul.f32 v40, v16;
	v16 =	vsub.f32 $1.000000000e+00, v41;
	v7 =	vld [tilespmem:s21+$0xE090];
	v18 =	vsub.f32 $1.000000000e+00, v42  }
0x560: {  	v32 =	vmul.f32 v39, v32;
	v41 =	vsub.f32 $1.000000000e+00, v17;
	v40 =	vld [tilespmem:s21+$0xE020];
	v42 =	vmul.f32 v5, v0  }
0x561: {  	v14 =	vsub.f32 $1.000000000e+00, v14;
	v39 =	vld [tilespmem:s21+$0xE0A0];
	v16 =	vmul.f32 v18, v16;
	v18 =	vsub.f32 $1.000000000e+00, v37  }
0x562: {  	v5 =	vmax.f32 v38, $0.0e+00;
	v15 =	vmul.f32 v15, v1;
	v36 =	vmul.f32 v36, v2;
	v37 =	vld [tilespmem:s21+$0xE030]  }
0x563: {  	v14 =	vmul.f32 v14, v41;
	v38 =	vld [tilespmem:s21+$0xE0B0];
	v16 =	vmul.f32 v18, v16;
	v18 =	vsub.f32 $1.000000000e+00, v42  }
0x564: {  	v15 =	vsub.f32 $1.000000000e+00, v15;
	v41 =	vmul.f32 v43, v1;
	v7 =	vmul.f32 v7, v2;
	v42 =	vld [tilespmem:s21+$0xE040]  }
0x565: {  	v14 =	vadd.f32 v14, v17;
	v40 =	vmul.f32 v40, v1;
	v43 =	vld [tilespmem:s21+$0xE0C0];
	v16 =	vmul.f32 v18, v16  }
0x566: {  	v17 =	vsub.f32 $1.000000000e+00, v36;
	v18 =	vsub.f32 $1.000000000e+00, v41;
	v36 =	vmul.f32 v39, v2;
	v39 =	vld [tilespmem:s21+$0xE050]  }
0x567: {  	v41 =	vsub.f32 $1.000000000e+00, v7;
	v7 =	vmul.f32 v37, v1;
	v37 =	vld [tilespmem:s21+$0xE0D0];
	v14 =	vmul.f32 v16, v14  }
0x568: {  	v16 =	vsub.f32 $1.000000000e+00, v40;
	v36 =	vsub.f32 $1.000000000e+00, v36;
	v38 =	vmul.f32 v38, v2;
	v40 =	vld [tilespmem:s21+$0xE060]  }
0x569: {  	v44 =	vsub.f32 $1.000000000e+00, v7;
	v42 =	vmul.f32 v42, v1;
	v45 =	vld [tilespmem:s21+$0xE0E0];
	v7 =	vmax.f32 v14, $0.0e+00  }
0x56a: {  	v38 =	vsub.f32 $1.000000000e+00, v38;
	v43 =	vmul.f32 v43, v2;
	v46 =	vld [tilespmem:s21+$0xE070];
	v14 =	vmin.f32 v7, $1.000000000e+00  }
0x56b: {  	v7 =	vmul.f32 v17, v15;
	v17 =	vsub.f32 $1.000000000e+00, v42;
	v39 =	vmul.f32 v39, v1;
	v42 =	vld [tilespmem:s21+$0xE0F0];
	[tilespmem:s21+$0x123F0] =	vst v14  }
0x56c: {  	v14 =	vmul.f32 v41, v18;
	v18 =	vsub.f32 $1.000000000e+00, v43;
	v37 =	vmul.f32 v37, v2;
	v41 =	vld [tilespmem:s21+$0xE200]  }
0x56d: {  	v15 =	vmul.f32 v36, v16;
	v36 =	vsub.f32 $1.000000000e+00, v39;
	v39 =	vmul.f32 v40, v1;
	v40 =	vld [tilespmem:s21+$0xE280]  }
0x56e: {  	v16 =	vmul.f32 v38, v44;
	v37 =	vsub.f32 $1.000000000e+00, v37;
	v38 =	vmul.f32 v45, v2;
	v43 =	vld [tilespmem:s21+$0xE210]  }
0x56f: {  	v17 =	vmul.f32 v18, v17;
	v39 =	vsub.f32 $1.000000000e+00, v39;
	v44 =	vmul.f32 v46, v1;
	v45 =	vld [tilespmem:s21+$0xE290]  }
0x570: {  	v18 =	vmul.f32 v37, v36;
	v36 =	vsub.f32 $1.000000000e+00, v38;
	v37 =	vmul.f32 v42, v2;
	v38 =	vld [tilespmem:s21+$0xE220]  }
0x571: {  	v46 =	vmul.f32 v11, v8;
	v42 =	vsub.f32 $1.000000000e+00, v44;
	v41 =	vmul.f32 v41, v1;
	v44 =	vld [tilespmem:s21+$0xE2A0]  }
0x572: {  	v8 =	vmul.f32 v36, v39;
	v11 =	vsub.f32 $1.000000000e+00, v37;
	v36 =	vmul.f32 v40, v2;
	v37 =	vld [tilespmem:s21+$0xE230]  }
0x573: {  	v39 =	vsub.f32 $1.000000000e+00, v41;
	v40 =	vmul.f32 v43, v1;
	v41 =	vld [tilespmem:s21+$0xE2B0];
	v43 =	vmul.f32 v13, v9  }
0x574: {  	v9 =	vmul.f32 v11, v42;
	v11 =	vsub.f32 $1.000000000e+00, v36;
	v13 =	vmul.f32 v45, v2;
	v36 =	vld [tilespmem:s21+$0xE240]  }
0x575: {  	v45 =	vmul.f32 v20, v10;
	v40 =	vsub.f32 $1.000000000e+00, v40;
	v38 =	vmul.f32 v38, v1;
	v42 =	vld [tilespmem:s21+$0xE2C0]  }
0x576: {  	v10 =	vmul.f32 v11, v39;
	v11 =	vsub.f32 $1.000000000e+00, v13;
	v13 =	vmul.f32 v44, v2;
	v20 =	vld [tilespmem:s21+$0xE250]  }
0x577: {  	v44 =	vmul.f32 v22, v12;
	v38 =	vsub.f32 $1.000000000e+00, v38;
	v37 =	vmul.f32 v37, v1;
	v39 =	vld [tilespmem:s21+$0xE2D0]  }
0x578: {  	v11 =	vmul.f32 v11, v40;
	v12 =	vsub.f32 $1.000000000e+00, v13;
	v13 =	vmul.f32 v41, v2;
	v22 =	vld [tilespmem:s21+$0xE260]  }
0x579: {  	v41 =	vmul.f32 v23, v19;
	v37 =	vsub.f32 $1.000000000e+00, v37;
	v36 =	vmul.f32 v36, v1;
	v40 =	vld [tilespmem:s21+$0xE2E0]  }
0x57a: {  	v23 =	vld [tilespmem:s12+$0xFFFFFE90];
	v12 =	vmul.f32 v12, v38;
	v13 =	vsub.f32 $1.000000000e+00, v13;
	v19 =	vmul.f32 v42, v2  }
0x57b: {  	v25 =	vmul.f32 v25, v21;
	v38 =	vld [tilespmem:s12+$0xFFFFFE20];
	v36 =	vsub.f32 $1.000000000e+00, v36;
	v20 =	vmul.f32 v20, v1  }
0x57c: {  	v21 =	vld [tilespmem:s12+$0xFFFFFEA0];
	v13 =	vmul.f32 v13, v37;
	v19 =	vsub.f32 $1.000000000e+00, v19;
	v37 =	vmul.f32 v39, v2  }
0x57d: {  	v28 =	vmul.f32 v28, v24;
	v39 =	vld [tilespmem:s12+$0xFFFFFE30];
	v20 =	vsub.f32 $1.000000000e+00, v20;
	v22 =	vmul.f32 v22, v1  }
0x57e: {  	v24 =	vld [tilespmem:s12+$0xFFFFFEB0];
	v19 =	vmul.f32 v19, v36;
	v37 =	vsub.f32 $1.000000000e+00, v37;
	v40 =	vmul.f32 v40, v2  }
0x57f: {  	v26 =	vmul.f32 v30, v26;
	v36 =	vsub.f32 $1.000000000e+00, v23;
	v23 =	vld [tilespmem:s12+$0xFFFFFE40];
	v22 =	vsub.f32 $1.000000000e+00, v22  }
0x580: {  	v30 =	vsub.f32 $1.000000000e+00, v38;
	v38 =	vld [tilespmem:s12+$0xFFFFFEC0];
	v20 =	vmul.f32 v37, v20;
	v37 =	vsub.f32 $1.000000000e+00, v40  }
0x581: {  	v29 =	vmul.f32 v33, v29;
	v27 =	vmul.f32 v31, v27;
	v40 =	vsub.f32 $1.000000000e+00, v21;
	v42 =	vld [tilespmem:s12+$0xFFFFFE50]  }
0x582: {  	v34 =	vmul.f32 v35, v34;
	v31 =	vsub.f32 $1.000000000e+00, v39;
	v33 =	vld [tilespmem:s12+$0xFFFFFED0];
	v21 =	vmul.f32 v37, v22  }
0x583: {  	v6 =	vmax.f32 v6, $0.0e+00;
	v22 =	vmul.f32 v40, v30;
	v24 =	vsub.f32 $1.000000000e+00, v24;
	v30 =	vld [tilespmem:s12+$0xFFFFFE60]  }
0x584: {  	v32 =	vmax.f32 v32, $0.0e+00;
	v39 =	vmax.f32 v46, $0.0e+00;
	v35 =	vsub.f32 $1.000000000e+00, v23;
	v37 =	vld [tilespmem:s12+$0xFFFFFEE0]  }
0x585: {  	v22 =	vsub.f32 $1.000000000e+00, v22;
	v23 =	vmul.f32 v24, v31;
	v24 =	vsub.f32 $1.000000000e+00, v38;
	v31 =	vld [tilespmem:s12+$0xFFFFFE70]  }
0x586: {  	v38 =	vsub.f32 $1.000000000e+00, v42;
	v40 =	vld [tilespmem:s12+$0xFFFFFEF0];
	v42 =	vmax.f32 v43, $0.0e+00;
	v43 =	vmax.f32 v45, $0.0e+00  }
0x587: {  	v23 =	vsub.f32 $1.000000000e+00, v23;
	v24 =	vmul.f32 v24, v35;
	v33 =	vsub.f32 $1.000000000e+00, v33;
	v35 =	vld [tilespmem:s12+$0xFFFFFE80]  }
0x588: {  	v44 =	vmax.f32 v44, $0.0e+00;
	v41 =	vmax.f32 v41, $0.0e+00;
	v30 =	vsub.f32 $1.000000000e+00, v30;
	v45 =	vld [tilespmem:s12+$0xFFFFFF00]  }
0x589: {  	v24 =	vsub.f32 $1.000000000e+00, v24;
	v33 =	vmul.f32 v33, v38;
	v37 =	vsub.f32 $1.000000000e+00, v37;
	v38 =	vld [tilespmem:s12+$0xFFFFFF10]  }
0x58a: {  	v47 =	vmax.f32 v25, $0.0e+00;
	v48 =	vmax.f32 v28, $0.0e+00;
	v31 =	vsub.f32 $1.000000000e+00, v31;
	v46 =	vld [tilespmem:s12+$0xFFFFFF90]  }
0x58b: {  	v25 =	vsub.f32 $1.000000000e+00, v33;
	v28 =	vmul.f32 v37, v30;
	v30 =	vsub.f32 $1.000000000e+00, v40;
	v33 =	vld [tilespmem:s12+$0xFFFFFF20]  }
0x58c: {  	v26 =	vmax.f32 v26, $0.0e+00;
	v40 =	vmax.f32 v29, $0.0e+00;
	v35 =	vsub.f32 $1.000000000e+00, v35;
	v37 =	vld [tilespmem:s12+$0xFFFFFFA0]  }
0x58d: {  	v28 =	vsub.f32 $1.000000000e+00, v28;
	v29 =	vmul.f32 v30, v31;
	v30 =	vsub.f32 $1.000000000e+00, v45;
	v31 =	vld [tilespmem:s12+$0xFFFFFF30]  }
0x58e: {  	v27 =	vmax.f32 v27, $0.0e+00;
	v49 =	vmax.f32 v34, $0.0e+00;
	v38 =	vsub.f32 $1.000000000e+00, v38;
	v45 =	vld [tilespmem:s12+$0xFFFFFFB0]  }
0x58f: {  	v29 =	vsub.f32 $1.000000000e+00, v29;
	v30 =	vmul.f32 v30, v35;
	v34 =	vsub.f32 $1.000000000e+00, v46;
	v35 =	vld [tilespmem:s12+$0xFFFFFF40]  }
0x590: {  	v4 =	vmin.f32 v4, $1.000000000e+00;
	v5 =	vmin.f32 v5, $1.000000000e+00;
	v46 =	vsub.f32 $1.000000000e+00, v33;
	v50 =	vld [tilespmem:s12+$0xFFFFFFC0]  }
0x591: {  	v30 =	vsub.f32 $1.000000000e+00, v30;
	v33 =	vmul.f32 v34, v38;
	v34 =	vsub.f32 $1.000000000e+00, v37;
	v37 =	vld [tilespmem:s12+$0xFFFFFF50];
	[tilespmem:s3+$0x12180] =	vst v4  }
0x592: {  	v4 =	vsub.f32 $1.000000000e+00, v31;
	v31 =	vld [tilespmem:s12+$0xFFFFFFD0];
	[tilespmem:s3+$0x12190] =	vst v5;
	v5 =	vmin.f32 v6, $1.000000000e+00;
	v6 =	vmin.f32 v32, $1.000000000e+00  }
0x593: {  	v33 =	vsub.f32 $1.000000000e+00, v33;
	v32 =	vmul.f32 v34, v46;
	v38 =	vsub.f32 $1.000000000e+00, v45;
	v45 =	vld [tilespmem:s12+$0xFFFFFF60];
	[tilespmem:s3+$0x121A0] =	vst v5  }
0x594: {  	v5 =	vsub.f32 $1.000000000e+00, v35;
	v46 =	vld [tilespmem:s12+$0xFFFFFFE0];
	[tilespmem:s3+$0x121B0] =	vst v6;
	v6 =	vmin.f32 v39, $1.000000000e+00;
	v35 =	vmin.f32 v42, $1.000000000e+00  }
0x595: {  	v34 =	vsub.f32 $1.000000000e+00, v32;
	v4 =	vmul.f32 v38, v4;
	v32 =	vsub.f32 $1.000000000e+00, v50;
	v38 =	vld [tilespmem:s12+$0xFFFFFF70];
	[tilespmem:s3+$0x121C0] =	vst v6  }
0x596: {  	v42 =	vmin.f32 v44, $1.000000000e+00;
	v6 =	vsub.f32 $1.000000000e+00, v37;
	v39 =	vld [tilespmem:s12+$0xFFFFFFF0];
	[tilespmem:s3+$0x121D0] =	vst v35;
	v37 =	vmin.f32 v43, $1.000000000e+00  }
0x597: {  	v43 =	vld [tilespmem:s12+$0xFFFFFE10];
	v35 =	vsub.f32 $1.000000000e+00, v4;
	v4 =	vmul.f32 v32, v5;
	v5 =	vsub.f32 $1.000000000e+00, v31;
	[tilespmem:s3+$0x121E0] =	vst v37  }
0x598: {  	v41 =	vmin.f32 v41, $1.000000000e+00;
	v31 =	vld [tilespmem:s21+$0xE100];
	v32 =	vsub.f32 $1.000000000e+00, v45;
	[tilespmem:s3+$0x121F0] =	vst v42;
	v42 =	vmin.f32 v47, $1.000000000e+00  }
0x599: {  	v44 =	vld [tilespmem:s21+$0xE110];
	v37 =	vsub.f32 $1.000000000e+00, v4;
	v4 =	vmul.f32 v5, v6;
	v6 =	vsub.f32 $1.000000000e+00, v46;
	[tilespmem:s3+$0x12380] =	vst v41  }
0x59a: {  	v26 =	vmin.f32 v26, $1.000000000e+00;
	v41 =	vld [tilespmem:s21+$0xE120];
	v38 =	vsub.f32 $1.000000000e+00, v38;
	[tilespmem:s3+$0x12390] =	vst v42;
	v42 =	vmin.f32 v48, $1.000000000e+00  }
0x59b: {  	v45 =	vld [tilespmem:s21+$0xE130];
	v5 =	vsub.f32 $1.000000000e+00, v4;
	v4 =	vmul.f32 v6, v32;
	v6 =	vsub.f32 $1.000000000e+00, v39;
	[tilespmem:s3+$0x123A0] =	vst v42  }
0x59c: {  	v27 =	vmin.f32 v27, $1.000000000e+00;
	v32 =	vsub.f32 $1.000000000e+00, v43;
	v39 =	vld [tilespmem:s21+$0xE140];
	[tilespmem:s3+$0x123B0] =	vst v26;
	v26 =	vmin.f32 v40, $1.000000000e+00  }
0x59d: {  	v31 =	vmul.f32 v31, v3;
	v40 =	vld [tilespmem:s21+$0xE150];
	v4 =	vsub.f32 $1.000000000e+00, v4;
	v6 =	vmul.f32 v6, v38;
	[tilespmem:s3+$0x123C0] =	vst v26  }
0x59e: {  	v26 =	vmul.f32 v36, v32;
	v32 =	vmul.f32 v44, v3;
	v36 =	vld [tilespmem:s21+$0xE160];
	[tilespmem:s3+$0x123D0] =	vst v27;
	v27 =	vmin.f32 v49, $1.000000000e+00  }
0x59f: {  	v31 =	vsub.f32 $1.000000000e+00, v31;
	v38 =	vmul.f32 v41, v3;
	v41 =	vld [tilespmem:s21+$0xE170];
	v6 =	vsub.f32 $1.000000000e+00, v6;
	[tilespmem:s3+$0x123E0] =	vst v27;
	s3 =	smov.u32 s21  }
0x5a0: {  	v27 =	vsub.f32 $1.000000000e+00, v26;
	v26 =	vsub.f32 $1.000000000e+00, v32;
	v32 =	vmul.f32 v45, v3;
	v42 =	vld [tilespmem:s3+$0xE300]  }
0x5a1: {  	v7 =	vmul.f32 v31, v7;
	v31 =	vsub.f32 $1.000000000e+00, v38;
	v38 =	vmul.f32 v39, v3;
	v39 =	vld [tilespmem:s3+$0xE310]  }
0x5a2: {  	v43 =	vmul.f32 v26, v14;
	v14 =	vsub.f32 $1.000000000e+00, v32;
	v26 =	vmul.f32 v40, v3;
	v32 =	vld [tilespmem:s3+$0xE320]  }
0x5a3: {  	v40 =	vmul.f32 v31, v15;
	v15 =	vsub.f32 $1.000000000e+00, v38;
	v31 =	vmul.f32 v36, v3;
	v36 =	vld [tilespmem:s3+$0xE330]  }
0x5a4: {  	v44 =	vmul.f32 v14, v16;
	v14 =	vsub.f32 $1.000000000e+00, v26;
	v16 =	vmul.f32 v41, v3;
	v26 =	vld [tilespmem:s3+$0xE340]  }
0x5a5: {  	v41 =	vmul.f32 v15, v17;
	v15 =	vsub.f32 $1.000000000e+00, v31;
	v17 =	vmul.f32 v42, v3;
	v31 =	vld [tilespmem:s3+$0xE350]  }
0x5a6: {  	v42 =	vmul.f32 v14, v18;
	v14 =	vsub.f32 $1.000000000e+00, v16;
	v16 =	vmul.f32 v39, v3;
	v18 =	vld [tilespmem:s3+$0xE360]  }
0x5a7: {  	v38 =	vld [tilespmem:s3+$0x10180];
	v45 =	vmul.f32 v15, v8;
	v8 =	vsub.f32 $1.000000000e+00, v17;
	v15 =	vmul.f32 v32, v3  }
0x5a8: {  	v32 =	vld [tilespmem:s3+$0xE180];
	v46 =	vmul.f32 v14, v9;
	v9 =	vsub.f32 $1.000000000e+00, v16;
	v14 =	vmul.f32 v36, v3  }
0x5a9: {  	v36 =	vld [tilespmem:s3+$0x10190];
	v47 =	vmul.f32 v8, v10;
	v8 =	vsub.f32 $1.000000000e+00, v15;
	v10 =	vmul.f32 v26, v3  }
0x5aa: {  	v39 =	vld [tilespmem:s3+$0xE190];
	v48 =	vmul.f32 v9, v11;
	v9 =	vsub.f32 $1.000000000e+00, v14;
	v11 =	vmul.f32 v31, v3  }
0x5ab: {  	v49 =	vld [tilespmem:s3+$0x101A0];
	v26 =	vmul.f32 v8, v12;
	v8 =	vsub.f32 $1.000000000e+00, v10;
	v10 =	vmul.f32 v18, v3  }
0x5ac: {  	v12 =	vsub.f32 $1.000000000e+00, v38;
	v31 =	vld [tilespmem:s3+$0xE1A0];
	v17 =	vmul.f32 v9, v13;
	v9 =	vsub.f32 $1.000000000e+00, v11  }
0x5ad: {  	v11 =	vmul.f32 v32, v0;
	v13 =	vld [tilespmem:s3+$0x101B0];
	v16 =	vmul.f32 v8, v19;
	v8 =	vsub.f32 $1.000000000e+00, v10  }
0x5ae: {  	v10 =	vmul.f32 v27, v12;
	v12 =	vsub.f32 $1.000000000e+00, v36;
	v19 =	vld [tilespmem:s3+$0xE1B0];
	v15 =	vmul.f32 v9, v20  }
0x5af: {  	v9 =	vsub.f32 $1.000000000e+00, v11;
	v11 =	vmul.f32 v39, v0;
	v20 =	vld [tilespmem:s3+$0x101C0];
	v14 =	vmul.f32 v8, v21  }
0x5b0: {  	v18 =	vadd.f32 v10, v38;
	v8 =	vmul.f32 v22, v12;
	v10 =	vsub.f32 $1.000000000e+00, v49;
	v12 =	vld [tilespmem:s3+$0xE1C0]  }
0x5b1: {  	v27 =	vmul.f32 v9, v7;
	v7 =	vsub.f32 $1.000000000e+00, v11;
	v9 =	vmul.f32 v31, v0;
	v21 =	vld [tilespmem:s3+$0x101D0]  }
0x5b2: {  	v31 =	vadd.f32 v8, v36;
	v8 =	vmul.f32 v23, v10;
	v10 =	vsub.f32 $1.000000000e+00, v13;
	v11 =	vld [tilespmem:s3+$0xE1D0]  }
0x5b3: {  	v38 =	vmul.f32 v7, v43;
	v7 =	vsub.f32 $1.000000000e+00, v9;
	v9 =	vmul.f32 v19, v0;
	v19 =	vld [tilespmem:s3+$0x101E0]  }
0x5b4: {  	v36 =	vadd.f32 v8, v49;
	v8 =	vmul.f32 v24, v10;
	v10 =	vsub.f32 $1.000000000e+00, v20;
	v22 =	vld [tilespmem:s3+$0xE1E0]  }
0x5b5: {  	v40 =	vmul.f32 v7, v40;
	v7 =	vsub.f32 $1.000000000e+00, v9;
	v9 =	vmul.f32 v12, v0;
	v12 =	vld [tilespmem:s3+$0x101F0]  }
0x5b6: {  	v32 =	vadd.f32 v8, v13;
	v8 =	vmul.f32 v25, v10;
	v10 =	vsub.f32 $1.000000000e+00, v21;
	v23 =	vld [tilespmem:s3+$0xE1F0]  }
0x5b7: {  	v39 =	vmul.f32 v7, v44;
	v7 =	vsub.f32 $1.000000000e+00, v9;
	v9 =	vmul.f32 v11, v0;
	v24 =	vld [tilespmem:s3+$0x10380]  }
0x5b8: {  	v8 =	vadd.f32 v8, v20;
	v10 =	vmul.f32 v28, v10;
	v13 =	vsub.f32 $1.000000000e+00, v19;
	v25 =	vld [tilespmem:s3+$0xE380]  }
0x5b9: {  	v11 =	vmul.f32 v7, v41;
	v7 =	vsub.f32 $1.000000000e+00, v9;
	v20 =	vmul.f32 v22, v0;
	v28 =	vld [tilespmem:s3+$0x10390]  }
0x5ba: {  	v9 =	vadd.f32 v10, v21;
	v10 =	vmul.f32 v29, v13;
	v21 =	vsub.f32 $1.000000000e+00, v12;
	v41 =	vld [tilespmem:s3+$0xE390]  }
0x5bb: {  	v13 =	vmul.f32 v7, v42;
	v7 =	vsub.f32 $1.000000000e+00, v20;
	v22 =	vmul.f32 v23, v0;
	v44 =	vld [tilespmem:s3+$0x103A0]  }
0x5bc: {  	v10 =	vadd.f32 v10, v19;
	v19 =	vmul.f32 v30, v21;
	v21 =	vsub.f32 $1.000000000e+00, v24;
	v42 =	vld [tilespmem:s3+$0xE3A0]  }
0x5bd: {  	v20 =	vmul.f32 v7, v45;
	v7 =	vsub.f32 $1.000000000e+00, v22;
	v23 =	vmul.f32 v25, v0;
	v29 =	vld [tilespmem:s3+$0x103B0]  }
0x5be: {  	v12 =	vadd.f32 v19, v12;
	v19 =	vmul.f32 v33, v21;
	v21 =	vsub.f32 $1.000000000e+00, v28;
	v43 =	vld [tilespmem:s3+$0xE3B0]  }
0x5bf: {  	v22 =	vmul.f32 v7, v46;
	v7 =	vsub.f32 $1.000000000e+00, v23;
	v25 =	vmul.f32 v41, v0;
	v33 =	vld [tilespmem:s3+$0x103C0]  }
.Ltmp3:
0x5c0: {  	v19 =	vadd.f32 v19, v24;
	v21 =	vmul.f32 v34, v21;
	v24 =	vsub.f32 $1.000000000e+00, v44;
	v30 =	vld [tilespmem:s3+$0xE3C0];
	(pc) =	sbr.rel @p0 .LBB2_9-.Ltmp3, $4  }
0x5c1: {  	v23 =	vmul.f32 v7, v47;
	v7 =	vsub.f32 $1.000000000e+00, v25;
	v42 =	vmul.f32 v42, v0;
	v34 =	vld [tilespmem:s3+$0x103D0]  }
0x5c2: {  	v21 =	vadd.f32 v21, v28;
	v24 =	vmul.f32 v35, v24;
	v28 =	vsub.f32 $1.000000000e+00, v29;
	v41 =	vld [tilespmem:s3+$0xE3D0]  }
0x5c3: {  	v25 =	vmul.f32 v7, v48;
	v42 =	vsub.f32 $1.000000000e+00, v42;
	v43 =	vmul.f32 v43, v0;
	v35 =	vld [tilespmem:s3+$0x103E0]  }
0x5c4: {  	s12 =	sadd.s32 $0x200, s12;
	v24 =	vadd.f32 v24, v44;
	v37 =	vmul.f32 v37, v28;
	v44 =	vsub.f32 $1.000000000e+00, v33;
	v7 =	vld [tilespmem:s3+$0xE3E0]  }
0x5c5: {  	v1 =	vmul.f32 v42, v26;
	v3 =	vmul.f32 v30, v0  }
0x5c6: {  	v48 =	vmul.f32 v27, v18;
	v49 =	vmul.f32 v38, v31  }
0x5c7: {  	v50 =	vmul.f32 v40, v36;
	v51 =	vmul.f32 v39, v32  }
0x5c8: {  	v8 =	vmul.f32 v11, v8;
	v9 =	vmul.f32 v13, v9  }
0x5c9: {  	v10 =	vmul.f32 v20, v10;
	v55 =	vmul.f32 v22, v12  }
0x5ca: {  	v2 =	vsub.f32 $1.000000000e+00, v43;
	v56 =	vmul.f32 v23, v19;
	v57 =	vmul.f32 v25, v21  }
0x5cb: {  	v5 =	vmul.f32 v5, v44;
	v43 =	vadd.f32 v37, v29;
	v28 =	vsub.f32 $1.000000000e+00, v34  }
0x5cc: {  	v2 =	vmul.f32 v2, v17;
	v3 =	vsub.f32 $1.000000000e+00, v3;
	v44 =	vmul.f32 v41, v0  }
0x5cd: {  	v17 =	vmax.f32 v49, $0.0e+00;
	v52 =	vmax.f32 v50, $0.0e+00;
	v54 =	vmax.f32 v51, $0.0e+00  }
0x5ce: {  	v8 =	vmax.f32 v8, $0.0e+00;
	v9 =	vmax.f32 v9, $0.0e+00;
	v10 =	vmax.f32 v10, $0.0e+00  }
0x5cf: {  	v1 =	vmul.f32 v1, v24;
	v59 =	vmax.f32 v56, $0.0e+00;
	v53 =	vmin.f32 v17, $1.000000000e+00  }
0x5d0: {  	v5 =	vadd.f32 v5, v33;
	v4 =	vmul.f32 v4, v28;
	v11 =	vmin.f32 v52, $1.000000000e+00;
	[tilespmem:s3+$0x12190] =	vst v53  }
0x5d1: {  	v45 =	vsub.f32 $1.000000000e+00, v35;
	v13 =	vmin.f32 v54, $1.000000000e+00;
	v8 =	vmin.f32 v8, $1.000000000e+00;
	[tilespmem:s3+$0x121A0] =	vst v11  }
0x5d2: {  	v9 =	vmin.f32 v9, $1.000000000e+00;
	v58 =	vmin.f32 v10, $1.000000000e+00;
	v60 =	vmin.f32 v59, $1.000000000e+00;
	[tilespmem:s3+$0x121B0] =	vst v13  }
0x5d3: {  	v46 =	vmul.f32 v7, v0;
	v3 =	vmul.f32 v3, v16;
	v47 =	vsub.f32 $1.000000000e+00, v44;
	[tilespmem:s3+$0x121C0] =	vst v8  }
0x5d4: {  	v16 =	vmax.f32 v48, $0.0e+00;
	v11 =	vmax.f32 v55, $0.0e+00;
	[tilespmem:s3+$0x121D0] =	vst v9;
	v2 =	vmul.f32 v2, v43  }
0x5d5: {  	[tilespmem:s3+$0x121E0] =	vst v58;
	v8 =	vmax.f32 v57, $0.0e+00;
	v1 =	vmax.f32 v1, $0.0e+00;
	v6 =	vmul.f32 v6, v45  }
0x5d6: {  	[tilespmem:s3+$0x12380] =	vst v60;
	v4 =	vadd.f32 v4, v34;
	v16 =	vmin.f32 v16, $1.000000000e+00;
	v0 =	vsub.f32 $1.000000000e+00, v46  }
0x5d7: {  	v11 =	vmin.f32 v11, $1.000000000e+00;
	v61 =	vmin.f32 v8, $1.000000000e+00;
	v7 =	vmul.f32 v47, v15;
	[tilespmem:s3+$0x12180] =	vst v16  }
0x5d8: {  	[tilespmem:s3+$0x121F0] =	vst v11;
	v3 =	vmul.f32 v3, v5;
	v6 =	vadd.f32 v6, v35;
	v0 =	vmul.f32 v0, v14  }
0x5d9: {  	s1 =	sshll.u32 s19, $0xE;
	v1 =	vmin.f32 v1, $1.000000000e+00;
	v2 =	vmax.f32 v2, $0.0e+00;
	[tilespmem:s3+$0x12390] =	vst v61;
	v4 =	vmul.f32 v7, v4  }
0x5da: {  	s1 =	sadd.s32 s30, s1;
	[tilespmem:s3+$0x123A0] =	vst v1;
	v2 =	vmin.f32 v2, $1.000000000e+00;
	v3 =	vmax.f32 v3, $0.0e+00;
	v0 =	vmul.f32 v0, v6  }
0x5db: {  	s1 =	sor.u32 s17, s1;
	[tilespmem:s3+$0x123B0] =	vst v2;
	v63 =	vmin.f32 v3, $1.000000000e+00;
	v62 =	vmax.f32 v4, $0.0e+00  }
0x5dc: {  	s1 =	sadd.s32 s14, s1;
	[tilespmem:s3+$0x123C0] =	vst v63;
	v1 =	vmin.f32 v62, $1.000000000e+00;
	v0 =	vmax.f32 v0, $0.0e+00  }
0x5dd: {  	s1 =	sshrl.u32 s1, $0x3;
	[tilespmem:s3+$0x123D0] =	vst v1;
	v0 =	vmin.f32 v0, $1.000000000e+00  }
0x5de: {  	s24 =	simm.s32 $0x12180;
	s1 =	sadd.s32 s5, s1;
	[tilespmem:s3+$0x123E0] =	vst v0  }
0x5df: {  	[hbm4b:s1+s7] =	stream.linear.scatter [tilespmem:s24], [sflag:$0x8], $0x80, $0x38;
	[tilespmem:$0x14000] =	vst v63  }
0x5e0: {  	s12 =	simm.s32 $0x12380;
	s26 =	sadd.s32 $0x80, s1  }
0x5e1: {  	[hbm4b:s26+s7] =	stream.linear.scatter [tilespmem:s12], [sflag:$0x8], $0x80, $0x38;
	[tilespmem:$0x14000] =	vst v63  }
0x5e2: {  	s30 =	simm.s32 $0x12580;
	s29 =	sadd.s32 $0x100, s1  }
0x5e3: {  	[hbm4b:s29+s7] =	stream.linear.scatter [tilespmem:s30], [sflag:$0x8], $0x80, $0x38;
	[tilespmem:$0x14000] =	vst v63  }
0x5e4: {  	s17 =	simm.s32 $0x12780;
	s14 =	sadd.s32 $0x180, s1  }
0x5e5: {  	[hbm4b:s14+s7] =	stream.linear.scatter [tilespmem:s17], [sflag:$0x8], $0x80, $0x38;
	[tilespmem:$0x14000] =	vst v63  }
0x5e6: {  	s20 =	simm.s32 $0x12980;
	s19 =	sadd.s32 $0x200, s1  }
0x5e7: {  	[hbm4b:s19+s7] =	stream.linear.scatter [tilespmem:s20], [sflag:$0x8], $0x80, $0x38;
	[tilespmem:$0x14000] =	vst v63  }
0x5e8: {  	s22 =	simm.s32 $0x12B80;
	s21 =	sadd.s32 $0x280, s1  }
0x5e9: {  	[hbm4b:s21+s7] =	stream.linear.scatter [tilespmem:s22], [sflag:$0x8], $0x80, $0x38;
	[tilespmem:$0x14000] =	vst v63  }
0x5ea: {  	s24 =	sadd.s32 $0x300, s1;
	s26 =	simm.s32 $0x12D80  }
0x5eb: {  	[hbm4b:s24+s7] =	stream.linear.scatter [tilespmem:s26], [sflag:$0x8], $0x80, $0x38;
	[tilespmem:$0x14000] =	vst v63  }
0x5ec: {  	s29 =	sadd.s32 $0x380, s1;
	s30 =	simm.s32 $0x12F80  }
0x5ed: {  	[hbm4b:s29+s7] =	stream.linear.scatter [tilespmem:s30], [sflag:$0x8], $0x80, $0x38;
	[tilespmem:$0x14000] =	vst v63  }
0x5ee: {  	s12 =	sadd.s32 $0x400, s1;
	s14 =	simm.s32 $0x13180  }
0x5ef: {  	[hbm4b:s12+s7] =	stream.linear.scatter [tilespmem:s14], [sflag:$0x8], $0x80, $0x38;
	[tilespmem:$0x14000] =	vst v63  }
0x5f0: {  	s17 =	sadd.s32 $0x480, s1;
	s19 =	simm.s32 $0x13380  }
0x5f1: {  	[hbm4b:s17+s7] =	stream.linear.scatter [tilespmem:s19], [sflag:$0x8], $0x80, $0x38;
	[tilespmem:$0x14000] =	vst v63  }
0x5f2: {  	s20 =	sadd.s32 $0x500, s1;
	s21 =	simm.s32 $0x13580  }
0x5f3: {  	[hbm4b:s20+s7] =	stream.linear.scatter [tilespmem:s21], [sflag:$0x8], $0x80, $0x38;
	[tilespmem:$0x14000] =	vst v63  }
0x5f4: {  	s22 =	sadd.s32 $0x580, s1;
	s24 =	simm.s32 $0x13780  }
0x5f5: {  	[hbm4b:s22+s7] =	stream.linear.scatter [tilespmem:s24], [sflag:$0x8], $0x80, $0x38;
	[tilespmem:$0x14000] =	vst v63  }
0x5f6: {  	s10 =	sadd.s32 $0x1, s10;
	s26 =	sadd.s32 $0x600, s1  }
0x5f7: {  	[hbm4b:s26+s7] =	stream.linear.scatter [tilespmem:s13], [sflag:$0x8], $0x80, $0x38;
	[tilespmem:$0x14000] =	vst v63  }
0x5f8: {  	p0 =	sne.s32 s10, $0x40;
	s29 =	sadd.s32 $0x680, s1  }
0x5f9: {  	[hbm4b:s29+s7] =	stream.linear.scatter [tilespmem:s15], [sflag:$0x8], $0x80, $0x38;
	[tilespmem:$0x14000] =	vst v63  }
.Ltmp4:
0x5fa: {  	_ = 	snop;
	(pc) =	sbr.rel @p0 .LBB2_2-.Ltmp4, $4  }
0x5fb: {  	s30 =	sadd.s32 $0x700, s1  }
0x5fc: {  	[hbm4b:s30+s7] =	stream.linear.scatter [tilespmem:s16], [sflag:$0x8], $0x80, $0x38;
	[tilespmem:$0x14000] =	vst v63  }
0x5fd: {  	s1 =	sadd.s32 $0x780, s1  }
0x5fe: {  	[hbm4b:s1+s7] =	stream.linear.scatter [tilespmem:s18], [sflag:$0x8], $0x80, $0x38;
	[tilespmem:$0x14000] =	vst v63  }
0x5ff: {  	s1 =	simm.s32 $0x5  }
0x600: {  	_ =	swait.ge [sflag:s1], $0x800  }
0x601: {  	[sflag:s1] =	ssyncset.done $0x0  }
0x602: {  	[sflag:s1] =	ssyncadd.s32 $0xFFFFF800  }
0x603: {  	_ =	swait.ge [sflag:s23], $0x800  }
0x604: {  	[sflag:s23] =	ssyncset.done $0x0  }
0x605: {  	[sflag:s23] =	ssyncadd.s32 $0xFFFFF800  }
0x606: {  	_ =	swait.ge [sflag:s25], $0x800  }
0x607: {  	[sflag:s25] =	ssyncset.done $0x0  }
0x608: {  	[sflag:s25] =	ssyncadd.s32 $0xFFFFF800  }
0x609: {  	_ =	swait.ge [sflag:s9], $0x800  }
0x60a: {  	s3 =	rddreg [dreg:$0x14]  }
0x60b: {  	s30 =	rddreg [dreg:$0x10];
	s3 =	sadd.s32 $0x1, s3  }
0x60c: {  	p0 =	sne.s32 s3, s30  }
.Ltmp5:
0x60d: {  	_ = 	snop;
	(pc) =	sbr.rel @p0 .LBB2_1-.Ltmp5, $3  }
0x60e: {  	_ =	sdelay $0x1  }
0x60f: {  	[sflag:s9] =	ssyncset.done $0x0  }
0x610: {  	[sflag:s9] =	ssyncadd.s32 $0xFFFFF800  }
0x611: {  	_ =	sfence.sel $0x180000  }
0x612: {  	[bflag:$0x0] =	sbarrier.arrive $0xFFFF  }
0x613: {  	_ =	strace $0x90000047  }
0x614: {  	s0 =	stileid.u32;
	[bflag:$0x2] =	sbarrier.arrive $0xFFFF  }
0x615: {  	p0 =	sne.s32 s0, $0x0;
	s0 =	rddreg [dreg:$0x5]  }
0x616: {  	s0 =	sadd.s32 @!p0 $0x100000, s0  }
0x617: {  	[sflag:s0] =	ssyncadd.tile.s32 @!p0 $0x1;
	_ =	shalt  }
.Lfunc_end2:
_tile_overlayer_lowered:
.L_overlay_start_2:
0x618: {  	(tag) =	ssettag $0x2  }
0x619: {  	s0 =	rddreg [dreg:$0x0];
	s2 =	stileid.u32  }
0x61a: {  	s1 =	rddreg [dreg:$0x1];
	p0 =	sne.s32 s2, $0x0  }
0x61b: {  	s3 =	rddreg [dreg:$0x2];
	[bflag:$0x3] =	sbarrier.arrive $0xFFFF;
	s2 =	simm.s32 @!p0 $0x1C09  }
0x61c: {  	[timem:s3], [sflag:s2] =	dma.local @!p0 [hbm:s0], s1  }
0x61d: {  	s0 =	simm.s32 @!p0 $0x9  }
0x61e: {  	_ =	swait.ge @!p0 [sflag:s0], s1  }
0x61f: {  	s1 =	ssub.s32 @!p0 $0x0, s1;
	[sflag:s0] =	ssyncset.done @!p0 $0x0  }
0x620: {  	[sflag:s0] =	ssyncadd.s32 @!p0 s1  }
0x621: {  	[bflag:$0x3] =	sbarrier.arrive $0xFFFF  }
0x622: {  	_ =	shalt  }

</sc_bundles>
